<compile_context>
chip_gen: v7x
topology: tpu7x:2x2x1
jax: 0.10.2.dev20260603
libtpu: 0.0.44.dev20260713+nightly
codegen_flags: <defaults>
</compile_context>

<pallas_src>
import functools

import jax
import jax.numpy as jnp
from jax import lax
from jax.experimental import pallas as pl
from jax.experimental.pallas import tpu as pltpu
from jax.experimental.pallas import tpu_sc as plsc

B = 2
N = 100000
E = 1600000
D_IN = 48
D_H = 48
D_L0 = 96
D_OUT = 24
DF = 96

NC = 2
NS = 16
NPH = 100352
ER = 12544
EPAD = ER * 128 - E
CH = 12544
NCHUNK = 8
AGGR = NCHUNK * CH
CH2 = CH + 64
EGRP = 8
NRNG = 4
DEG_SH = NPH // NRNG
ROWS_EG = ER // EGRP
BRD = 112
EROWS_MSG = ER // NS
BR = 16
QCAP = 256
NBLK = 98
BN = 1024

_mesh = plsc.VectorSubcoreMesh(core_axis_name="c", subcore_axis_name="s")
_sc_params = pltpu.CompilerParams(
    needs_layout_passes=False, use_tc_tiling_on_sc=False)


def _deg_body(srcp, dstp, out_hbm, sba, sbb, dba, dbb, tab_o, tab_i,
              sta, stb):
    c = lax.axis_index("c")
    s = lax.axis_index("s")
    t = c * NS + s
    eg = lax.rem(t, EGRP)
    nbase = (t // EGRP) * DEG_SH
    zv = jnp.zeros((16,), jnp.float32)
    ones_v = jnp.full((16,), 1.0, jnp.float32)
    sbufs = (sba, sbb)
    dbufs = (dba, dbb)
    sems = (sta, stb)
    nblocks = ROWS_EG // BRD

    def zloop(k, _):
        tab_o[pl.ds(k * 16, 16)] = zv
        tab_i[pl.ds(k * 16, 16)] = zv
        return _

    lax.fori_loop(0, DEG_SH // 16, zloop, None)

    def fire(b, p):
        row0 = eg * ROWS_EG + b * BRD
        pltpu.async_copy(srcp.at[pl.ds(row0, BRD)], sbufs[p], sems[p])
        pltpu.async_copy(dstp.at[pl.ds(row0, BRD)], dbufs[p], sems[p])

    def block_slot(p, b):
        row0 = eg * ROWS_EG + b * BRD
        pltpu.make_async_copy(srcp.at[pl.ds(row0, BRD)], sbufs[p],
                              sems[p]).wait()
        pltpu.make_async_copy(dstp.at[pl.ds(row0, BRD)], dbufs[p],
                              sems[p]).wait()

        @pl.when(b + 1 < nblocks)
        def _():
            fire(b + 1, 1 - p)

        sbuf = sbufs[p]
        dbuf = dbufs[p]

        def row(j, _):
            def grp(g, _):
                sv = sbuf[j, pl.ds(g * 16, 16)]
                lo = sv - nbase
                mo = (lo >= 0) & (lo < DEG_SH)
                plsc.addupdate_scatter(tab_o, [lo], ones_v, mask=mo)
                dv = dbuf[j, pl.ds(g * 16, 16)]
                li = dv - nbase
                mi = (li >= 0) & (li < DEG_SH)
                plsc.addupdate_scatter(tab_i, [li], ones_v, mask=mi)
                return _

            return lax.fori_loop(0, 8, grp, None)

        return lax.fori_loop(0, BRD, row, None)

    fire(0, 0)

    def bloop(b, _):
        lax.cond(lax.rem(b, 2) == 0,
                 lambda x: block_slot(0, x),
                 lambda x: block_slot(1, x), b)
        return _

    lax.fori_loop(0, nblocks, bloop, None)
    pltpu.sync_copy(tab_o, out_hbm.at[eg, 0, pl.ds(nbase, DEG_SH)])
    pltpu.sync_copy(tab_i, out_hbm.at[eg, 1, pl.ds(nbase, DEG_SH)])


def _msg_body(srcp, dstp, h_hbm, agg_hbm,
              sb0, sb1, db0, db1, qs, qd, sia, sib, sic, dia, dib, dic,
              ra, rb, rc, zb, agg_sp,
              gsa, gsb, gsc, ssa, ssb, ssc, st0, st1):
    c = lax.axis_index("c")
    s = lax.axis_index("s")
    zv = jnp.zeros((16,), jnp.float32)

    def zb_init(i, _):
        zb[i // 6, pl.ds(lax.rem(i, 6) * 16, 16)] = zv
        return _

    lax.fori_loop(0, 64 * 6, zb_init, None)

    sibufs = (sia, sib, sic)
    dibufs = (dia, dib, dic)
    rows = (ra, rb, rc)
    gsems = (gsa, gsb, gsc)
    ssems = (ssa, ssb, ssc)
    sbufs = (sb0, sb1)
    dbufs = (db0, db1)
    stsems = (st0, st1)

    def flush_slot(p, fl, cnt):
        o = (p + 2) % 3

        @pl.when(fl >= 1)
        def _():
            pltpu.make_async_copy(h_hbm.at[sibufs[o]], rows[o],
                                  gsems[o]).wait()
            pltpu.async_copy(rows[o], agg_sp.at[dibufs[o]], ssems[o],
                             add=True)

        @pl.when(fl >= 3)
        def _():
            pltpu.make_async_copy(rows[p], agg_sp.at[dibufs[p]],
                                  ssems[p]).wait()

        for i in range(8):
            sibufs[p][pl.ds(i * 16, 16)] = qs[pl.ds(i * 16, 16)]
            dibufs[p][pl.ds(i * 16, 16)] = qd[pl.ds(i * 16, 16)]
        pltpu.async_copy(h_hbm.at[sibufs[p]], rows[p], gsems[p])
        for i in range(8):
            qs[pl.ds(i * 16, 16)] = qs[pl.ds(128 + i * 16, 16)]
            qd[pl.ds(i * 16, 16)] = qd[pl.ds(128 + i * 16, 16)]
        return cnt - 128, fl + 1

    def do_flush(state):
        cnt, fl = state
        r = lax.rem(fl, 3)
        return lax.cond(
            r == 0,
            lambda a, b: flush_slot(0, a, b),
            lambda a, b: lax.cond(a % 3 == 1,
                                  lambda x, y: flush_slot(1, x, y),
                                  lambda x, y: flush_slot(2, x, y), a, b),
            fl, cnt)

    def chunk_body(c7, _):
        @pl.when(lax.rem(c7, 2) == c)
        def _run():
            base = c7 * CH
            z0 = s * (CH // NS)
            for k in range(12):
                pltpu.sync_copy(zb, agg_sp.at[pl.ds(z0 + k * 64, 64)])
            pltpu.sync_copy(zb.at[pl.ds(0, 16)],
                            agg_sp.at[pl.ds(z0 + 768, 16)])
            plsc.subcore_barrier()

            nstages = EROWS_MSG // BR

            def fire_stage(bk, p):
                row0 = s * EROWS_MSG + bk * BR
                pltpu.async_copy(srcp.at[pl.ds(row0, BR)], sbufs[p],
                                 stsems[p])
                pltpu.async_copy(dstp.at[pl.ds(row0, BR)], dbufs[p],
                                 stsems[p])

            def stage_slot(sp, bk, state):
                row0 = s * EROWS_MSG + bk * BR
                pltpu.make_async_copy(srcp.at[pl.ds(row0, BR)], sbufs[sp],
                                      stsems[sp]).wait()
                pltpu.make_async_copy(dstp.at[pl.ds(row0, BR)], dbufs[sp],
                                      stsems[sp]).wait()

                @pl.when(bk + 1 < nstages)
                def _():
                    fire_stage(bk + 1, 1 - sp)

                sbuf = sbufs[sp]
                dbuf = dbufs[sp]

                def row(j, state):
                    def grp(g, cnt):
                        sv = sbuf[j, pl.ds(g * 16, 16)]
                        dv = dbuf[j, pl.ds(g * 16, 16)]
                        m = (dv >= base) & (dv < base + CH)
                        dl = dv - base
                        plsc.store_compressed(qs.at[pl.ds(cnt, 16)], sv,
                                              mask=m)
                        plsc.store_compressed(qd.at[pl.ds(cnt, 16)], dl,
                                              mask=m)
                        return cnt + plsc.all_reduce_population_count(m)[0]

                    cnt, fl = state
                    cnt = lax.fori_loop(0, 8, grp, cnt)
                    return lax.cond(cnt >= 128, do_flush,
                                    lambda x: x, (cnt, fl))

                return lax.fori_loop(0, BR, row, state)

            def stage(bk, state):
                return lax.cond(lax.rem(bk, 2) == 0,
                                lambda b, st: stage_slot(0, b, st),
                                lambda b, st: stage_slot(1, b, st),
                                bk, state)

            fire_stage(0, 0)
            state = lax.fori_loop(0, EROWS_MSG // BR, stage,
                                  (jnp.int32(0), jnp.int32(0)))
            cnt, fl = state
            pad_s = jnp.zeros((16,), jnp.int32)
            pad_d = jnp.full((16,), CH, jnp.int32)
            for i in range(8):
                qs[pl.ds(cnt + i * 16, 16)] = pad_s
                qd[pl.ds(cnt + i * 16, 16)] = pad_d
            _, fl = do_flush((cnt, fl))

            def drain_last(p):
                pltpu.make_async_copy(h_hbm.at[sibufs[p]], rows[p],
                                      gsems[p]).wait()
                pltpu.async_copy(rows[p], agg_sp.at[dibufs[p]], ssems[p],
                                 add=True)
                pltpu.make_async_copy(rows[p], agg_sp.at[dibufs[p]],
                                      ssems[p]).wait()

            def drain_prev(p):
                pltpu.make_async_copy(rows[p], agg_sp.at[dibufs[p]],
                                      ssems[p]).wait()

            def pick(r, fn):
                lax.cond(r == 0, lambda: fn(0),
                         lambda: lax.cond(r == 1, lambda: fn(1),
                                          lambda: fn(2)))

            pick(lax.rem(fl + 2, 3), drain_last)

            @pl.when(fl >= 2)
            def _():
                pick(lax.rem(fl + 1, 3), drain_prev)

            @pl.when(fl >= 3)
            def _():
                pick(lax.rem(fl, 3), drain_prev)

            plsc.subcore_barrier()
            for k in range(6):
                r = z0 + k * 128
                pltpu.sync_copy(agg_sp.at[pl.ds(r, 128)],
                                agg_hbm.at[pl.ds(base + r, 128)])
            pltpu.sync_copy(agg_sp.at[pl.ds(z0 + 768, 16)],
                            agg_hbm.at[pl.ds(base + z0 + 768, 16)])
            plsc.subcore_barrier()

        return _

    lax.fori_loop(0, NCHUNK, chunk_body, None)


_deg_call = functools.partial(
    pl.kernel, _deg_body,
    out_type=jax.ShapeDtypeStruct((EGRP, 2, NPH), jnp.float32),
    mesh=_mesh,
    compiler_params=_sc_params,
    scratch_types=[
        pltpu.VMEM((BRD, 128), jnp.int32),
        pltpu.VMEM((BRD, 128), jnp.int32),
        pltpu.VMEM((BRD, 128), jnp.int32),
        pltpu.VMEM((BRD, 128), jnp.int32),
        pltpu.VMEM((DEG_SH,), jnp.float32),
        pltpu.VMEM((DEG_SH,), jnp.float32),
        pltpu.SemaphoreType.DMA,
        pltpu.SemaphoreType.DMA,
    ],
)()

_msg_call = functools.partial(
    pl.kernel, _msg_body,
    out_type=jax.ShapeDtypeStruct((AGGR, DF), jnp.float32),
    mesh=_mesh,
    compiler_params=_sc_params,
    scratch_types=[
        pltpu.VMEM((BR, 128), jnp.int32),
        pltpu.VMEM((BR, 128), jnp.int32),
        pltpu.VMEM((BR, 128), jnp.int32),
        pltpu.VMEM((BR, 128), jnp.int32),
        pltpu.VMEM((QCAP,), jnp.int32),
        pltpu.VMEM((QCAP,), jnp.int32),
        pltpu.VMEM((128,), jnp.int32),
        pltpu.VMEM((128,), jnp.int32),
        pltpu.VMEM((128,), jnp.int32),
        pltpu.VMEM((128,), jnp.int32),
        pltpu.VMEM((128,), jnp.int32),
        pltpu.VMEM((128,), jnp.int32),
        pltpu.VMEM((128, DF), jnp.float32),
        pltpu.VMEM((128, DF), jnp.float32),
        pltpu.VMEM((128, DF), jnp.float32),
        pltpu.VMEM((64, DF), jnp.float32),
        pltpu.VMEM_SHARED((CH2, DF), jnp.float32),
        pltpu.SemaphoreType.DMA,
        pltpu.SemaphoreType.DMA,
        pltpu.SemaphoreType.DMA,
        pltpu.SemaphoreType.DMA,
        pltpu.SemaphoreType.DMA,
        pltpu.SemaphoreType.DMA,
        pltpu.SemaphoreType.DMA,
        pltpu.SemaphoreType.DMA,
    ],
)()


def _prep_body(feat_ref, *refs):
    deg_refs = refs[:2 * EGRP]
    h_ref, nd_ref = refs[2 * EGRP:]
    x0 = feat_ref[0]
    x1 = feat_ref[1]
    do = deg_refs[0][...]
    di = deg_refs[EGRP][...]
    for e in range(1, EGRP):
        do = do + deg_refs[e][...]
        di = di + deg_refs[EGRP + e][...]
    ns = jnp.where(do > 0, lax.rsqrt(jnp.maximum(do, 1.0)), 0.0)
    nd = jnp.where(di > 0, lax.rsqrt(jnp.maximum(di, 1.0)), 0.0)
    h_ref[:, 0:D_IN] = x0 * ns[:, None]
    h_ref[:, D_IN:DF] = x1 * ns[:, None]
    nd_ref[...] = nd


def _read_body(agg_ref, nd_ref, wc, bc, w0, b0, w1, b1, w2, b2, out_ref):
    nd = nd_ref[...][:, None]

    def mlp(a):
        y = jnp.maximum(jnp.dot(a, wc[...], preferred_element_type=jnp.float32) + bc[...], 0.0)
        y = jnp.maximum(jnp.dot(y, w0[...], preferred_element_type=jnp.float32) + b0[...], 0.0)
        y = jnp.maximum(jnp.dot(y, w1[...], preferred_element_type=jnp.float32) + b1[...], 0.0)
        return jnp.dot(y, w2[...], preferred_element_type=jnp.float32) + b2[...]

    out_ref[0] = mlp(agg_ref[:, 0:D_IN] * nd)
    out_ref[1] = mlp(agg_ref[:, D_IN:DF] * nd)


def _full(shape):
    return pl.BlockSpec(shape, lambda i: tuple(0 for _ in shape))


_prep_call = pl.pallas_call(
    _prep_body,
    grid=(NBLK,),
    in_specs=[pl.BlockSpec((B, BN, D_IN), lambda i: (0, i, 0))]
    + [pl.BlockSpec((BN,), lambda i: (i,)) for _ in range(2 * EGRP)],
    out_specs=[
        pl.BlockSpec((BN, DF), lambda i: (i, 0)),
        pl.BlockSpec((BN,), lambda i: (i,)),
    ],
    out_shape=[
        jax.ShapeDtypeStruct((NPH, DF), jnp.float32),
        jax.ShapeDtypeStruct((NPH,), jnp.float32),
    ],
)

_read_call = pl.pallas_call(
    _read_body,
    grid=(NBLK,),
    in_specs=[
        pl.BlockSpec((BN, DF), lambda i: (i, 0)),
        pl.BlockSpec((BN,), lambda i: (i,)),
        _full((D_IN, D_H)),
        _full((D_H,)),
        _full((D_H, D_L0)),
        _full((D_L0,)),
        _full((D_L0, D_H)),
        _full((D_H,)),
        _full((D_H, D_OUT)),
        _full((D_OUT,)),
    ],
    out_specs=pl.BlockSpec((B, BN, D_OUT), lambda i: (0, i, 0)),
    out_shape=jax.ShapeDtypeStruct((B, N, D_OUT), jnp.float32),
)


def kernel(feat, edge_index, W_conv, b_conv, W0, b0, W1, b1, W2, b2):
    src = edge_index[0]
    dst = edge_index[1]
    pad = N + 1 + (jnp.arange(EPAD, dtype=jnp.int32) % 300)
    srcp = jnp.concatenate([src, pad]).reshape(ER, 128)
    dstp = jnp.concatenate([dst, pad]).reshape(ER, 128)
    xf = feat.reshape(B, N, D_IN)
    featp = jnp.pad(xf, ((0, 0), (0, NPH - N), (0, 0)))

    degs = _deg_call(srcp, dstp)
    deg_parts = ([degs[e, 0] for e in range(EGRP)]
                 + [degs[e, 1] for e in range(EGRP)])
    h, nd = _prep_call(featp, *deg_parts)
    agg = _msg_call(srcp, dstp, h)
    out = _read_call(agg, nd, W_conv, b_conv, W0, b0, W1, b1, W2, b2)
    return out.reshape(B, N, 6, 4)

# --- scband reference (transcript-rebuilt; emitter-appended) ---
"""Pipeline reference for scband-wind-ffmodel-33715493274124 (READ-ONLY COPY).

The authoritative reference and input builder live on the scoring server;
editing this copy changes nothing except your own understanding.
"""

import jax, jax.numpy as jnp
import numpy as np

B = 2
N = 100000
E = 1600000
FEAT = 4
IWIN = 12
OWIN = 6
HWIN = 12
OUT_HIDDEN = 8
D_IN = IWIN * FEAT      # 48
D_H = HWIN * FEAT       # 48
D_L0 = HWIN * OUT_HIDDEN  # 96
D_OUT = OWIN * FEAT     # 24


def setup_inputs(seed: int = 0) -> dict:
    key = jax.random.key(seed)
    ks = jax.random.split(key, 12)
    feat = jax.random.normal(ks[0], (B, N, IWIN, FEAT), dtype=jnp.float32)
    edge_index = jax.random.randint(ks[1], (2, E), 0, N, dtype=jnp.int32)
    s = 0.05
    W_conv = jax.random.normal(ks[2], (D_IN, D_H), dtype=jnp.float32) * s
    b_conv = jnp.zeros((D_H,), dtype=jnp.float32)
    W0 = jax.random.normal(ks[3], (D_H, D_L0), dtype=jnp.float32) * s
    b0 = jnp.zeros((D_L0,), dtype=jnp.float32)
    W1 = jax.random.normal(ks[4], (D_L0, D_H), dtype=jnp.float32) * s
    b1 = jnp.zeros((D_H,), dtype=jnp.float32)
    W2 = jax.random.normal(ks[5], (D_H, D_OUT), dtype=jnp.float32) * s
    b2 = jnp.zeros((D_OUT,), dtype=jnp.float32)
    return {"feat": feat, "edge_index": edge_index, "W_conv": W_conv, "b_conv": b_conv,
            "W0": W0, "b0": b0, "W1": W1, "b1": b1, "W2": W2, "b2": b2}


def _graph_conv(x, edge_index, W, b):
    # DGL GraphConv with norm='both': x_src * deg_out^-1/2 -> sum over edges -> * deg_in^-1/2 -> @ W + b
    n = x.shape[1]
    src = edge_index[0]
    dst = edge_index[1]
    ones = jnp.ones((src.shape[0],), dtype=jnp.float32)
    deg_out = jax.ops.segment_sum(ones, src, num_segments=n)
    deg_in = jax.ops.segment_sum(ones, dst, num_segments=n)
    norm_src = jnp.where(deg_out > 0, jnp.power(jnp.maximum(deg_out, 1.0), -0.5), 0.0)
    norm_dst = jnp.where(deg_in > 0, jnp.power(jnp.maximum(deg_in, 1.0), -0.5), 0.0)
    h = x * norm_src[None, :, None]
    msgs = jnp.take(h, src, axis=1)            # (B, E, D) gather
    msgs = jnp.swapaxes(msgs, 0, 1)            # (E, B, D)
    agg = jax.ops.segment_sum(msgs, dst, num_segments=n)  # (N, B, D) scatter-add
    agg = jnp.swapaxes(agg, 0, 1)              # (B, N, D)
    agg = agg * norm_dst[None, :, None]
    return agg @ W + b


def reference(feat, edge_index, W_conv, b_conv, W0, b0, W1, b1, W2, b2):
    Bs, Ns, Is, Fs = feat.shape
    x = feat.reshape(Bs, Ns, Is * Fs)
    x = _graph_conv(x, edge_index, W_conv, b_conv)
    x = jax.nn.relu(x)
    x = jax.nn.relu(x @ W0 + b0)
    x = jax.nn.relu(x @ W1 + b1)
    x = x @ W2 + b2
    return x.reshape(Bs, Ns, OWIN, Fs)

if __name__ == "__main__":
    import jax
    _d = setup_inputs()
    print(jax.jit(kernel)(*tuple(_d.values())))

</pallas_src>

<mosaic_0001>
#map = affine_map<(d0, d1) -> (0, 0)>
module attributes {stable_mosaic.version = 14 : i64} {
  func.func @_msg_body(%arg0: i32, %arg1: i32, %arg2: memref<12544x128xi32, #tpu.memory_space<hbm>>, %arg3: memref<12544x128xi32, #tpu.memory_space<hbm>>, %arg4: memref<100352x96xf32, #tpu.memory_space<hbm>>, %arg5: memref<100352x96xf32, #tpu.memory_space<hbm>>, %arg6: memref<16x128xi32, #tpu.memory_space<vmem>>, %arg7: memref<16x128xi32, #tpu.memory_space<vmem>>, %arg8: memref<16x128xi32, #tpu.memory_space<vmem>>, %arg9: memref<16x128xi32, #tpu.memory_space<vmem>>, %arg10: memref<256xi32, #tpu.memory_space<vmem>>, %arg11: memref<256xi32, #tpu.memory_space<vmem>>, %arg12: memref<128xi32, #tpu.memory_space<vmem>>, %arg13: memref<128xi32, #tpu.memory_space<vmem>>, %arg14: memref<128xi32, #tpu.memory_space<vmem>>, %arg15: memref<128xi32, #tpu.memory_space<vmem>>, %arg16: memref<128xi32, #tpu.memory_space<vmem>>, %arg17: memref<128xi32, #tpu.memory_space<vmem>>, %arg18: memref<128x96xf32, #tpu.memory_space<vmem>>, %arg19: memref<128x96xf32, #tpu.memory_space<vmem>>, %arg20: memref<128x96xf32, #tpu.memory_space<vmem>>, %arg21: memref<64x96xf32, #tpu.memory_space<vmem>>, %arg22: memref<12608x96xf32, #tpu.memory_space<vmem_shared>>, %arg23: memref<!tpu.dma_semaphore, #tpu.memory_space<semaphore_mem>>, %arg24: memref<!tpu.dma_semaphore, #tpu.memory_space<semaphore_mem>>, %arg25: memref<!tpu.dma_semaphore, #tpu.memory_space<semaphore_mem>>, %arg26: memref<!tpu.dma_semaphore, #tpu.memory_space<semaphore_mem>>, %arg27: memref<!tpu.dma_semaphore, #tpu.memory_space<semaphore_mem>>, %arg28: memref<!tpu.dma_semaphore, #tpu.memory_space<semaphore_mem>>, %arg29: memref<!tpu.dma_semaphore, #tpu.memory_space<semaphore_mem>>, %arg30: memref<!tpu.dma_semaphore, #tpu.memory_space<semaphore_mem>>) attributes {dimension_semantics = [#tpu.dimension_semantics<core_parallel>, #tpu.dimension_semantics<subcore_parallel>], iteration_bounds = array<i64: 2, 16>, scalar_prefetch = 0 : i64, scratch_operands = 25 : i64, tpu.core_type = #tpu.core_type<sc_vector_subcore>, window_params = [{transform_indices = #map}, {transform_indices = #map}, {transform_indices = #map}, {transform_indices = #map}]} {
    %broadcast_in_dim3A = arith.constant 0.000000e+00 : f32
    %broadcast_in_dim3A_0 = vector.broadcast %broadcast_in_dim3A : f32 to vector<16xf32>
    %scan3A = arith.constant 0 : i32
    %scan3A_1 = arith.constant 384 : i32
    %scan3A_2 = arith.addi %scan3A, %scan3A_1 : i32
    %scan3A_3 = arith.constant 1 : i32
    scf.for %scan3A_10 = %scan3A to %scan3A_2 step %scan3A_3  : i32 {
      %jit3A = arith.constant 6 : i32
      %div3A = arith.divsi %scan3A_10, %jit3A : i32
      %sign3A = arith.constant 0 : i32
      %sign3A_11 = arith.cmpi sgt, %scan3A_10, %sign3A : i32
      %sign3A_12 = arith.extui %sign3A_11 : i1 to i32
      %sign3A_13 = arith.constant 0 : i32
      %sign3A_14 = arith.cmpi slt, %scan3A_10, %sign3A_13 : i32
      %sign3A_15 = arith.extui %sign3A_14 : i1 to i32
      %sign3A_16 = arith.subi %sign3A_12, %sign3A_15 : i32
      %sign3A_17 = arith.constant 0 : i32
      %sign3A_18 = arith.cmpi sgt, %jit3A, %sign3A_17 : i32
      %sign3A_19 = arith.extui %sign3A_18 : i1 to i32
      %sign3A_20 = arith.constant 0 : i32
      %sign3A_21 = arith.cmpi slt, %jit3A, %sign3A_20 : i32
      %sign3A_22 = arith.extui %sign3A_21 : i1 to i32
      %sign3A_23 = arith.subi %sign3A_19, %sign3A_22 : i32
      %ne3A = arith.cmpi ne, %sign3A_16, %sign3A_23 : i32
      %rem3A = arith.remsi %scan3A_10, %jit3A : i32
      %ne3A_24 = arith.constant 0 : i32
      %ne3A_25 = arith.cmpi ne, %rem3A, %ne3A_24 : i32
      %and3A = arith.andi %ne3A, %ne3A_25 : i1
      %sub3A = arith.constant 1 : i32
      %sub3A_26 = arith.subi %div3A, %sub3A : i32
      %select_n3A = arith.select %and3A, %sub3A_26, %div3A : i32
      %rem3A_27 = arith.constant 6 : i32
      %rem3A_28 = arith.remsi %scan3A_10, %rem3A_27 : i32
      %mul3A = arith.constant 16 : i32
      %mul3A_29 = arith.muli %rem3A_28, %mul3A : i32
      %swap3A = arith.index_cast %select_n3A : i32 to index
      %swap3A_30 = arith.index_cast %mul3A_29 : i32 to index
      %swap3A_31 = tpu.vector_load %arg21[%swap3A, %swap3A_30] {strides = array<i32>} : memref<64x96xf32, #tpu.memory_space<vmem>>, vector<16xf32>,
      tpu.vector_store %arg21[%swap3A, %swap3A_30], %broadcast_in_dim3A_0 {strides = array<i32>} : memref<64x96xf32, #tpu.memory_space<vmem>>, vector<16xf32>,
    }
    %scan3A_4 = arith.constant 384 : i32
    %scan3A_5 = arith.constant 0 : i32
    %scan3A_6 = arith.constant 8 : i32
    %scan3A_7 = arith.addi %scan3A_5, %scan3A_6 : i32
    %scan3A_8 = arith.constant 1 : i32
    scf.for %scan3A_10 = %scan3A_5 to %scan3A_7 step %scan3A_8  : i32 {
      %rem3A = arith.constant 2 : i32
      %rem3A_11 = arith.remsi %scan3A_10, %rem3A : i32
      %eq3A = arith.cmpi eq, %rem3A_11, %arg0 : i32
      %convert_element_type3A = arith.extui %eq3A : i1 to i32
      %cond3A = arith.constant 0 : i32
      %cond3A_12 = arith.cmpi ne, %convert_element_type3A, %cond3A : i32
      scf.if %cond3A_12 {
        %mul3A = arith.constant 12544 : i32
        %mul3A_13 = arith.muli %scan3A_10, %mul3A : i32
        %mul3A_14 = arith.constant 784 : i32
        %mul3A_15 = arith.muli %arg1, %mul3A_14 : i32
        %add3A = arith.constant 0 : i32
        %add3A_16 = arith.addi %mul3A_15, %add3A : i32
        "tpu.region"() ({
          %run_scoped3A = tpu.sem_alloc : memref<!tpu.dma_semaphore, #tpu.memory_space<semaphore_mem>>
          %dma_start3A_178 = arith.constant 0 : i32
          %dma_start3A_179 = tpu.memref_slice %arg22[%add3A_16, %dma_start3A_178] : memref<12608x96xf32, #tpu.memory_space<vmem_shared>> -> memref<64x96xf32, #tpu.memory_space<vmem_shared>>
          %dma_start3A_180 = arith.constant 0 : i32
          %dma_start3A_181 = tpu.memref_slice %arg22[%add3A_16, %dma_start3A_180] : memref<12608x96xf32, #tpu.memory_space<vmem_shared>> -> memref<64x96xf32, #tpu.memory_space<vmem_shared>>
          tpu.enqueue_dma source(%arg21 : memref<64x96xf32, #tpu.memory_space<vmem>>) target(%dma_start3A_181 : memref<64x96xf32, #tpu.memory_space<vmem_shared>>) target_semaphore(%run_scoped3A : memref<!tpu.dma_semaphore, #tpu.memory_space<semaphore_mem>>)
          %dma_wait3A = arith.constant 0 : i32
          %dma_wait3A_182 = tpu.memref_slice %arg22[%add3A_16, %dma_wait3A] : memref<12608x96xf32, #tpu.memory_space<vmem_shared>> -> memref<64x96xf32, #tpu.memory_space<vmem_shared>>
          %dma_wait3A_183 = arith.constant 0 : i32
          %dma_wait3A_184 = tpu.memref_slice %arg22[%add3A_16, %dma_wait3A_183] : memref<12608x96xf32, #tpu.memory_space<vmem_shared>> -> memref<64x96xf32, #tpu.memory_space<vmem_shared>>
          tpu.wait_dma2 semaphore(%run_scoped3A : memref<!tpu.dma_semaphore, #tpu.memory_space<semaphore_mem>>) src(%arg21 : memref<64x96xf32, #tpu.memory_space<vmem>>) dst(%dma_wait3A_184 : memref<64x96xf32, #tpu.memory_space<vmem_shared>>)
          tpu.yield
        }) : () -> ()
        %add3A_17 = arith.constant 64 : i32
        %add3A_18 = arith.addi %mul3A_15, %add3A_17 : i32
        "tpu.region"() ({
          %run_scoped3A = tpu.sem_alloc : memref<!tpu.dma_semaphore, #tpu.memory_space<semaphore_mem>>
          %dma_start3A_178 = arith.constant 0 : i32
          %dma_start3A_179 = tpu.memref_slice %arg22[%add3A_18, %dma_start3A_178] : memref<12608x96xf32, #tpu.memory_space<vmem_shared>> -> memref<64x96xf32, #tpu.memory_space<vmem_shared>>
          %dma_start3A_180 = arith.constant 0 : i32
          %dma_start3A_181 = tpu.memref_slice %arg22[%add3A_18, %dma_start3A_180] : memref<12608x96xf32, #tpu.memory_space<vmem_shared>> -> memref<64x96xf32, #tpu.memory_space<vmem_shared>>
          tpu.enqueue_dma source(%arg21 : memref<64x96xf32, #tpu.memory_space<vmem>>) target(%dma_start3A_181 : memref<64x96xf32, #tpu.memory_space<vmem_shared>>) target_semaphore(%run_scoped3A : memref<!tpu.dma_semaphore, #tpu.memory_space<semaphore_mem>>)
          %dma_wait3A = arith.constant 0 : i32
          %dma_wait3A_182 = tpu.memref_slice %arg22[%add3A_18, %dma_wait3A] : memref<12608x96xf32, #tpu.memory_space<vmem_shared>> -> memref<64x96xf32, #tpu.memory_space<vmem_shared>>
          %dma_wait3A_183 = arith.constant 0 : i32
          %dma_wait3A_184 = tpu.memref_slice %arg22[%add3A_18, %dma_wait3A_183] : memref<12608x96xf32, #tpu.memory_space<vmem_shared>> -> memref<64x96xf32, #tpu.memory_space<vmem_shared>>
          tpu.wait_dma2 semaphore(%run_scoped3A : memref<!tpu.dma_semaphore, #tpu.memory_space<semaphore_mem>>) src(%arg21 : memref<64x96xf32, #tpu.memory_space<vmem>>) dst(%dma_wait3A_184 : memref<64x96xf32, #tpu.memory_space<vmem_shared>>)
          tpu.yield
        }) : () -> ()
        %add3A_19 = arith.constant 128 : i32
        %add3A_20 = arith.addi %mul3A_15, %add3A_19 : i32
        "tpu.region"() ({
          %run_scoped3A = tpu.sem_alloc : memref<!tpu.dma_semaphore, #tpu.memory_space<semaphore_mem>>
          %dma_start3A_178 = arith.constant 0 : i32
          %dma_start3A_179 = tpu.memref_slice %arg22[%add3A_20, %dma_start3A_178] : memref<12608x96xf32, #tpu.memory_space<vmem_shared>> -> memref<64x96xf32, #tpu.memory_space<vmem_shared>>
          %dma_start3A_180 = arith.constant 0 : i32
          %dma_start3A_181 = tpu.memref_slice %arg22[%add3A_20, %dma_start3A_180] : memref<12608x96xf32, #tpu.memory_space<vmem_shared>> -> memref<64x96xf32, #tpu.memory_space<vmem_shared>>
          tpu.enqueue_dma source(%arg21 : memref<64x96xf32, #tpu.memory_space<vmem>>) target(%dma_start3A_181 : memref<64x96xf32, #tpu.memory_space<vmem_shared>>) target_semaphore(%run_scoped3A : memref<!tpu.dma_semaphore, #tpu.memory_space<semaphore_mem>>)
          %dma_wait3A = arith.constant 0 : i32
          %dma_wait3A_182 = tpu.memref_slice %arg22[%add3A_20, %dma_wait3A] : memref<12608x96xf32, #tpu.memory_space<vmem_shared>> -> memref<64x96xf32, #tpu.memory_space<vmem_shared>>
          %dma_wait3A_183 = arith.constant 0 : i32
          %dma_wait3A_184 = tpu.memref_slice %arg22[%add3A_20, %dma_wait3A_183] : memref<12608x96xf32, #tpu.memory_space<vmem_shared>> -> memref<64x96xf32, #tpu.memory_space<vmem_shared>>
          tpu.wait_dma2 semaphore(%run_scoped3A : memref<!tpu.dma_semaphore, #tpu.memory_space<semaphore_mem>>) src(%arg21 : memref<64x96xf32, #tpu.memory_space<vmem>>) dst(%dma_wait3A_184 : memref<64x96xf32, #tpu.memory_space<vmem_shared>>)
          tpu.yield
        }) : () -> ()
        %add3A_21 = arith.constant 192 : i32
        %add3A_22 = arith.addi %mul3A_15, %add3A_21 : i32
        "tpu.region"() ({
          %run_scoped3A = tpu.sem_alloc : memref<!tpu.dma_semaphore, #tpu.memory_space<semaphore_mem>>
          %dma_start3A_178 = arith.constant 0 : i32
          %dma_start3A_179 = tpu.memref_slice %arg22[%add3A_22, %dma_start3A_178] : memref<12608x96xf32, #tpu.memory_space<vmem_shared>> -> memref<64x96xf32, #tpu.memory_space<vmem_shared>>
          %dma_start3A_180 = arith.constant 0 : i32
          %dma_start3A_181 = tpu.memref_slice %arg22[%add3A_22, %dma_start3A_180] : memref<12608x96xf32, #tpu.memory_space<vmem_shared>> -> memref<64x96xf32, #tpu.memory_space<vmem_shared>>
          tpu.enqueue_dma source(%arg21 : memref<64x96xf32, #tpu.memory_space<vmem>>) target(%dma_start3A_181 : memref<64x96xf32, #tpu.memory_space<vmem_shared>>) target_semaphore(%run_scoped3A : memref<!tpu.dma_semaphore, #tpu.memory_space<semaphore_mem>>)
          %dma_wait3A = arith.constant 0 : i32
          %dma_wait3A_182 = tpu.memref_slice %arg22[%add3A_22, %dma_wait3A] : memref<12608x96xf32, #tpu.memory_space<vmem_shared>> -> memref<64x96xf32, #tpu.memory_space<vmem_shared>>
          %dma_wait3A_183 = arith.constant 0 : i32
          %dma_wait3A_184 = tpu.memref_slice %arg22[%add3A_22, %dma_wait3A_183] : memref<12608x96xf32, #tpu.memory_space<vmem_shared>> -> memref<64x96xf32, #tpu.memory_space<vmem_shared>>
          tpu.wait_dma2 semaphore(%run_scoped3A : memref<!tpu.dma_semaphore, #tpu.memory_space<semaphore_mem>>) src(%arg21 : memref<64x96xf32, #tpu.memory_space<vmem>>) dst(%dma_wait3A_184 : memref<64x96xf32, #tpu.memory_space<vmem_shared>>)
          tpu.yield
        }) : () -> ()
        %add3A_23 = arith.constant 256 : i32
        %add3A_24 = arith.addi %mul3A_15, %add3A_23 : i32
        "tpu.region"() ({
          %run_scoped3A = tpu.sem_alloc : memref<!tpu.dma_semaphore, #tpu.memory_space<semaphore_mem>>
          %dma_start3A_178 = arith.constant 0 : i32
          %dma_start3A_179 = tpu.memref_slice %arg22[%add3A_24, %dma_start3A_178] : memref<12608x96xf32, #tpu.memory_space<vmem_shared>> -> memref<64x96xf32, #tpu.memory_space<vmem_shared>>
          %dma_start3A_180 = arith.constant 0 : i32
          %dma_start3A_181 = tpu.memref_slice %arg22[%add3A_24, %dma_start3A_180] : memref<12608x96xf32, #tpu.memory_space<vmem_shared>> -> memref<64x96xf32, #tpu.memory_space<vmem_shared>>
          tpu.enqueue_dma source(%arg21 : memref<64x96xf32, #tpu.memory_space<vmem>>) target(%dma_start3A_181 : memref<64x96xf32, #tpu.memory_space<vmem_shared>>) target_semaphore(%run_scoped3A : memref<!tpu.dma_semaphore, #tpu.memory_space<semaphore_mem>>)
          %dma_wait3A = arith.constant 0 : i32
          %dma_wait3A_182 = tpu.memref_slice %arg22[%add3A_24, %dma_wait3A] : memref<12608x96xf32, #tpu.memory_space<vmem_shared>> -> memref<64x96xf32, #tpu.memory_space<vmem_shared>>
          %dma_wait3A_183 = arith.constant 0 : i32
          %dma_wait3A_184 = tpu.memref_slice %arg22[%add3A_24, %dma_wait3A_183] : memref<12608x96xf32, #tpu.memory_space<vmem_shared>> -> memref<64x96xf32, #tpu.memory_space<vmem_shared>>
          tpu.wait_dma2 semaphore(%run_scoped3A : memref<!tpu.dma_semaphore, #tpu.memory_space<semaphore_mem>>) src(%arg21 : memref<64x96xf32, #tpu.memory_space<vmem>>) dst(%dma_wait3A_184 : memref<64x96xf32, #tpu.memory_space<vmem_shared>>)
          tpu.yield
        }) : () -> ()
        %add3A_25 = arith.constant 320 : i32
        %add3A_26 = arith.addi %mul3A_15, %add3A_25 : i32
        "tpu.region"() ({
          %run_scoped3A = tpu.sem_alloc : memref<!tpu.dma_semaphore, #tpu.memory_space<semaphore_mem>>
          %dma_start3A_178 = arith.constant 0 : i32
          %dma_start3A_179 = tpu.memref_slice %arg22[%add3A_26, %dma_start3A_178] : memref<12608x96xf32, #tpu.memory_space<vmem_shared>> -> memref<64x96xf32, #tpu.memory_space<vmem_shared>>
          %dma_start3A_180 = arith.constant 0 : i32
          %dma_start3A_181 = tpu.memref_slice %arg22[%add3A_26, %dma_start3A_180] : memref<12608x96xf32, #tpu.memory_space<vmem_shared>> -> memref<64x96xf32, #tpu.memory_space<vmem_shared>>
          tpu.enqueue_dma source(%arg21 : memref<64x96xf32, #tpu.memory_space<vmem>>) target(%dma_start3A_181 : memref<64x96xf32, #tpu.memory_space<vmem_shared>>) target_semaphore(%run_scoped3A : memref<!tpu.dma_semaphore, #tpu.memory_space<semaphore_mem>>)
          %dma_wait3A = arith.constant 0 : i32
          %dma_wait3A_182 = tpu.memref_slice %arg22[%add3A_26, %dma_wait3A] : memref<12608x96xf32, #tpu.memory_space<vmem_shared>> -> memref<64x96xf32, #tpu.memory_space<vmem_shared>>
          %dma_wait3A_183 = arith.constant 0 : i32
          %dma_wait3A_184 = tpu.memref_slice %arg22[%add3A_26, %dma_wait3A_183] : memref<12608x96xf32, #tpu.memory_space<vmem_shared>> -> memref<64x96xf32, #tpu.memory_space<vmem_shared>>
          tpu.wait_dma2 semaphore(%run_scoped3A : memref<!tpu.dma_semaphore, #tpu.memory_space<semaphore_mem>>) src(%arg21 : memref<64x96xf32, #tpu.memory_space<vmem>>) dst(%dma_wait3A_184 : memref<64x96xf32, #tpu.memory_space<vmem_shared>>)
          tpu.yield
        }) : () -> ()
        %add3A_27 = arith.constant 384 : i32
        %add3A_28 = arith.addi %mul3A_15, %add3A_27 : i32
        "tpu.region"() ({
          %run_scoped3A = tpu.sem_alloc : memref<!tpu.dma_semaphore, #tpu.memory_space<semaphore_mem>>
          %dma_start3A_178 = arith.constant 0 : i32
          %dma_start3A_179 = tpu.memref_slice %arg22[%add3A_28, %dma_start3A_178] : memref<12608x96xf32, #tpu.memory_space<vmem_shared>> -> memref<64x96xf32, #tpu.memory_space<vmem_shared>>
          %dma_start3A_180 = arith.constant 0 : i32
          %dma_start3A_181 = tpu.memref_slice %arg22[%add3A_28, %dma_start3A_180] : memref<12608x96xf32, #tpu.memory_space<vmem_shared>> -> memref<64x96xf32, #tpu.memory_space<vmem_shared>>
          tpu.enqueue_dma source(%arg21 : memref<64x96xf32, #tpu.memory_space<vmem>>) target(%dma_start3A_181 : memref<64x96xf32, #tpu.memory_space<vmem_shared>>) target_semaphore(%run_scoped3A : memref<!tpu.dma_semaphore, #tpu.memory_space<semaphore_mem>>)
          %dma_wait3A = arith.constant 0 : i32
          %dma_wait3A_182 = tpu.memref_slice %arg22[%add3A_28, %dma_wait3A] : memref<12608x96xf32, #tpu.memory_space<vmem_shared>> -> memref<64x96xf32, #tpu.memory_space<vmem_shared>>
          %dma_wait3A_183 = arith.constant 0 : i32
          %dma_wait3A_184 = tpu.memref_slice %arg22[%add3A_28, %dma_wait3A_183] : memref<12608x96xf32, #tpu.memory_space<vmem_shared>> -> memref<64x96xf32, #tpu.memory_space<vmem_shared>>
          tpu.wait_dma2 semaphore(%run_scoped3A : memref<!tpu.dma_semaphore, #tpu.memory_space<semaphore_mem>>) src(%arg21 : memref<64x96xf32, #tpu.memory_space<vmem>>) dst(%dma_wait3A_184 : memref<64x96xf32, #tpu.memory_space<vmem_shared>>)
          tpu.yield
        }) : () -> ()
        %add3A_29 = arith.constant 448 : i32
        %add3A_30 = arith.addi %mul3A_15, %add3A_29 : i32
        "tpu.region"() ({
          %run_scoped3A = tpu.sem_alloc : memref<!tpu.dma_semaphore, #tpu.memory_space<semaphore_mem>>
          %dma_start3A_178 = arith.constant 0 : i32
          %dma_start3A_179 = tpu.memref_slice %arg22[%add3A_30, %dma_start3A_178] : memref<12608x96xf32, #tpu.memory_space<vmem_shared>> -> memref<64x96xf32, #tpu.memory_space<vmem_shared>>
          %dma_start3A_180 = arith.constant 0 : i32
          %dma_start3A_181 = tpu.memref_slice %arg22[%add3A_30, %dma_start3A_180] : memref<12608x96xf32, #tpu.memory_space<vmem_shared>> -> memref<64x96xf32, #tpu.memory_space<vmem_shared>>
          tpu.enqueue_dma source(%arg21 : memref<64x96xf32, #tpu.memory_space<vmem>>) target(%dma_start3A_181 : memref<64x96xf32, #tpu.memory_space<vmem_shared>>) target_semaphore(%run_scoped3A : memref<!tpu.dma_semaphore, #tpu.memory_space<semaphore_mem>>)
          %dma_wait3A = arith.constant 0 : i32
          %dma_wait3A_182 = tpu.memref_slice %arg22[%add3A_30, %dma_wait3A] : memref<12608x96xf32, #tpu.memory_space<vmem_shared>> -> memref<64x96xf32, #tpu.memory_space<vmem_shared>>
          %dma_wait3A_183 = arith.constant 0 : i32
          %dma_wait3A_184 = tpu.memref_slice %arg22[%add3A_30, %dma_wait3A_183] : memref<12608x96xf32, #tpu.memory_space<vmem_shared>> -> memref<64x96xf32, #tpu.memory_space<vmem_shared>>
          tpu.wait_dma2 semaphore(%run_scoped3A : memref<!tpu.dma_semaphore, #tpu.memory_space<semaphore_mem>>) src(%arg21 : memref<64x96xf32, #tpu.memory_space<vmem>>) dst(%dma_wait3A_184 : memref<64x96xf32, #tpu.memory_space<vmem_shared>>)
          tpu.yield
        }) : () -> ()
        %add3A_31 = arith.constant 512 : i32
        %add3A_32 = arith.addi %mul3A_15, %add3A_31 : i32
        "tpu.region"() ({
          %run_scoped3A = tpu.sem_alloc : memref<!tpu.dma_semaphore, #tpu.memory_space<semaphore_mem>>
          %dma_start3A_178 = arith.constant 0 : i32
          %dma_start3A_179 = tpu.memref_slice %arg22[%add3A_32, %dma_start3A_178] : memref<12608x96xf32, #tpu.memory_space<vmem_shared>> -> memref<64x96xf32, #tpu.memory_space<vmem_shared>>
          %dma_start3A_180 = arith.constant 0 : i32
          %dma_start3A_181 = tpu.memref_slice %arg22[%add3A_32, %dma_start3A_180] : memref<12608x96xf32, #tpu.memory_space<vmem_shared>> -> memref<64x96xf32, #tpu.memory_space<vmem_shared>>
          tpu.enqueue_dma source(%arg21 : memref<64x96xf32, #tpu.memory_space<vmem>>) target(%dma_start3A_181 : memref<64x96xf32, #tpu.memory_space<vmem_shared>>) target_semaphore(%run_scoped3A : memref<!tpu.dma_semaphore, #tpu.memory_space<semaphore_mem>>)
          %dma_wait3A = arith.constant 0 : i32
          %dma_wait3A_182 = tpu.memref_slice %arg22[%add3A_32, %dma_wait3A] : memref<12608x96xf32, #tpu.memory_space<vmem_shared>> -> memref<64x96xf32, #tpu.memory_space<vmem_shared>>
          %dma_wait3A_183 = arith.constant 0 : i32
          %dma_wait3A_184 = tpu.memref_slice %arg22[%add3A_32, %dma_wait3A_183] : memref<12608x96xf32, #tpu.memory_space<vmem_shared>> -> memref<64x96xf32, #tpu.memory_space<vmem_shared>>
          tpu.wait_dma2 semaphore(%run_scoped3A : memref<!tpu.dma_semaphore, #tpu.memory_space<semaphore_mem>>) src(%arg21 : memref<64x96xf32, #tpu.memory_space<vmem>>) dst(%dma_wait3A_184 : memref<64x96xf32, #tpu.memory_space<vmem_shared>>)
          tpu.yield
        }) : () -> ()
        %add3A_33 = arith.constant 576 : i32
        %add3A_34 = arith.addi %mul3A_15, %add3A_33 : i32
        "tpu.region"() ({
          %run_scoped3A = tpu.sem_alloc : memref<!tpu.dma_semaphore, #tpu.memory_space<semaphore_mem>>
          %dma_start3A_178 = arith.constant 0 : i32
          %dma_start3A_179 = tpu.memref_slice %arg22[%add3A_34, %dma_start3A_178] : memref<12608x96xf32, #tpu.memory_space<vmem_shared>> -> memref<64x96xf32, #tpu.memory_space<vmem_shared>>
          %dma_start3A_180 = arith.constant 0 : i32
          %dma_start3A_181 = tpu.memref_slice %arg22[%add3A_34, %dma_start3A_180] : memref<12608x96xf32, #tpu.memory_space<vmem_shared>> -> memref<64x96xf32, #tpu.memory_space<vmem_shared>>
          tpu.enqueue_dma source(%arg21 : memref<64x96xf32, #tpu.memory_space<vmem>>) target(%dma_start3A_181 : memref<64x96xf32, #tpu.memory_space<vmem_shared>>) target_semaphore(%run_scoped3A : memref<!tpu.dma_semaphore, #tpu.memory_space<semaphore_mem>>)
          %dma_wait3A = arith.constant 0 : i32
          %dma_wait3A_182 = tpu.memref_slice %arg22[%add3A_34, %dma_wait3A] : memref<12608x96xf32, #tpu.memory_space<vmem_shared>> -> memref<64x96xf32, #tpu.memory_space<vmem_shared>>
          %dma_wait3A_183 = arith.constant 0 : i32
          %dma_wait3A_184 = tpu.memref_slice %arg22[%add3A_34, %dma_wait3A_183] : memref<12608x96xf32, #tpu.memory_space<vmem_shared>> -> memref<64x96xf32, #tpu.memory_space<vmem_shared>>
          tpu.wait_dma2 semaphore(%run_scoped3A : memref<!tpu.dma_semaphore, #tpu.memory_space<semaphore_mem>>) src(%arg21 : memref<64x96xf32, #tpu.memory_space<vmem>>) dst(%dma_wait3A_184 : memref<64x96xf32, #tpu.memory_space<vmem_shared>>)
          tpu.yield
        }) : () -> ()
        %add3A_35 = arith.constant 640 : i32
        %add3A_36 = arith.addi %mul3A_15, %add3A_35 : i32
        "tpu.region"() ({
          %run_scoped3A = tpu.sem_alloc : memref<!tpu.dma_semaphore, #tpu.memory_space<semaphore_mem>>
          %dma_start3A_178 = arith.constant 0 : i32
          %dma_start3A_179 = tpu.memref_slice %arg22[%add3A_36, %dma_start3A_178] : memref<12608x96xf32, #tpu.memory_space<vmem_shared>> -> memref<64x96xf32, #tpu.memory_space<vmem_shared>>
          %dma_start3A_180 = arith.constant 0 : i32
          %dma_start3A_181 = tpu.memref_slice %arg22[%add3A_36, %dma_start3A_180] : memref<12608x96xf32, #tpu.memory_space<vmem_shared>> -> memref<64x96xf32, #tpu.memory_space<vmem_shared>>
          tpu.enqueue_dma source(%arg21 : memref<64x96xf32, #tpu.memory_space<vmem>>) target(%dma_start3A_181 : memref<64x96xf32, #tpu.memory_space<vmem_shared>>) target_semaphore(%run_scoped3A : memref<!tpu.dma_semaphore, #tpu.memory_space<semaphore_mem>>)
          %dma_wait3A = arith.constant 0 : i32
          %dma_wait3A_182 = tpu.memref_slice %arg22[%add3A_36, %dma_wait3A] : memref<12608x96xf32, #tpu.memory_space<vmem_shared>> -> memref<64x96xf32, #tpu.memory_space<vmem_shared>>
          %dma_wait3A_183 = arith.constant 0 : i32
          %dma_wait3A_184 = tpu.memref_slice %arg22[%add3A_36, %dma_wait3A_183] : memref<12608x96xf32, #tpu.memory_space<vmem_shared>> -> memref<64x96xf32, #tpu.memory_space<vmem_shared>>
          tpu.wait_dma2 semaphore(%run_scoped3A : memref<!tpu.dma_semaphore, #tpu.memory_space<semaphore_mem>>) src(%arg21 : memref<64x96xf32, #tpu.memory_space<vmem>>) dst(%dma_wait3A_184 : memref<64x96xf32, #tpu.memory_space<vmem_shared>>)
          tpu.yield
        }) : () -> ()
        %add3A_37 = arith.constant 704 : i32
        %add3A_38 = arith.addi %mul3A_15, %add3A_37 : i32
        "tpu.region"() ({
          %run_scoped3A = tpu.sem_alloc : memref<!tpu.dma_semaphore, #tpu.memory_space<semaphore_mem>>
          %dma_start3A_178 = arith.constant 0 : i32
          %dma_start3A_179 = tpu.memref_slice %arg22[%add3A_38, %dma_start3A_178] : memref<12608x96xf32, #tpu.memory_space<vmem_shared>> -> memref<64x96xf32, #tpu.memory_space<vmem_shared>>
          %dma_start3A_180 = arith.constant 0 : i32
          %dma_start3A_181 = tpu.memref_slice %arg22[%add3A_38, %dma_start3A_180] : memref<12608x96xf32, #tpu.memory_space<vmem_shared>> -> memref<64x96xf32, #tpu.memory_space<vmem_shared>>
          tpu.enqueue_dma source(%arg21 : memref<64x96xf32, #tpu.memory_space<vmem>>) target(%dma_start3A_181 : memref<64x96xf32, #tpu.memory_space<vmem_shared>>) target_semaphore(%run_scoped3A : memref<!tpu.dma_semaphore, #tpu.memory_space<semaphore_mem>>)
          %dma_wait3A = arith.constant 0 : i32
          %dma_wait3A_182 = tpu.memref_slice %arg22[%add3A_38, %dma_wait3A] : memref<12608x96xf32, #tpu.memory_space<vmem_shared>> -> memref<64x96xf32, #tpu.memory_space<vmem_shared>>
          %dma_wait3A_183 = arith.constant 0 : i32
          %dma_wait3A_184 = tpu.memref_slice %arg22[%add3A_38, %dma_wait3A_183] : memref<12608x96xf32, #tpu.memory_space<vmem_shared>> -> memref<64x96xf32, #tpu.memory_space<vmem_shared>>
          tpu.wait_dma2 semaphore(%run_scoped3A : memref<!tpu.dma_semaphore, #tpu.memory_space<semaphore_mem>>) src(%arg21 : memref<64x96xf32, #tpu.memory_space<vmem>>) dst(%dma_wait3A_184 : memref<64x96xf32, #tpu.memory_space<vmem_shared>>)
          tpu.yield
        }) : () -> ()
        %add3A_39 = arith.constant 768 : i32
        %add3A_40 = arith.addi %mul3A_15, %add3A_39 : i32
        "tpu.region"() ({
          %run_scoped3A = tpu.sem_alloc : memref<!tpu.dma_semaphore, #tpu.memory_space<semaphore_mem>>
          %dma_start3A_178 = arith.constant 0 : i32
          %dma_start3A_179 = arith.constant 0 : i32
          %dma_start3A_180 = tpu.memref_slice %arg21[%dma_start3A_178, %dma_start3A_179] : memref<64x96xf32, #tpu.memory_space<vmem>> -> memref<16x96xf32, #tpu.memory_space<vmem>>
          %dma_start3A_181 = arith.constant 0 : i32
          %dma_start3A_182 = tpu.memref_slice %arg22[%add3A_40, %dma_start3A_181] : memref<12608x96xf32, #tpu.memory_space<vmem_shared>> -> memref<16x96xf32, #tpu.memory_space<vmem_shared>>
          %dma_start3A_183 = arith.constant 0 : i32
          %dma_start3A_184 = tpu.memref_slice %arg22[%add3A_40, %dma_start3A_183] : memref<12608x96xf32, #tpu.memory_space<vmem_shared>> -> memref<16x96xf32, #tpu.memory_space<vmem_shared>>
          %dma_start3A_185 = arith.constant 0 : i32
          %dma_start3A_186 = arith.constant 0 : i32
          %dma_start3A_187 = tpu.memref_slice %arg21[%dma_start3A_185, %dma_start3A_186] : memref<64x96xf32, #tpu.memory_space<vmem>> -> memref<16x96xf32, #tpu.memory_space<vmem>>
          tpu.enqueue_dma source(%dma_start3A_187 : memref<16x96xf32, #tpu.memory_space<vmem>>) target(%dma_start3A_184 : memref<16x96xf32, #tpu.memory_space<vmem_shared>>) target_semaphore(%run_scoped3A : memref<!tpu.dma_semaphore, #tpu.memory_space<semaphore_mem>>)
          %dma_wait3A = arith.constant 0 : i32
          %dma_wait3A_188 = arith.constant 0 : i32
          %dma_wait3A_189 = tpu.memref_slice %arg21[%dma_wait3A, %dma_wait3A_188] : memref<64x96xf32, #tpu.memory_space<vmem>> -> memref<16x96xf32, #tpu.memory_space<vmem>>
          %dma_wait3A_190 = arith.constant 0 : i32
          %dma_wait3A_191 = tpu.memref_slice %arg22[%add3A_40, %dma_wait3A_190] : memref<12608x96xf32, #tpu.memory_space<vmem_shared>> -> memref<16x96xf32, #tpu.memory_space<vmem_shared>>
          %dma_wait3A_192 = arith.constant 0 : i32
          %dma_wait3A_193 = tpu.memref_slice %arg22[%add3A_40, %dma_wait3A_192] : memref<12608x96xf32, #tpu.memory_space<vmem_shared>> -> memref<16x96xf32, #tpu.memory_space<vmem_shared>>
          %dma_wait3A_194 = arith.constant 0 : i32
          %dma_wait3A_195 = arith.constant 0 : i32
          %dma_wait3A_196 = tpu.memref_slice %arg21[%dma_wait3A_194, %dma_wait3A_195] : memref<64x96xf32, #tpu.memory_space<vmem>> -> memref<16x96xf32, #tpu.memory_space<vmem>>
          tpu.wait_dma2 semaphore(%run_scoped3A : memref<!tpu.dma_semaphore, #tpu.memory_space<semaphore_mem>>) src(%dma_wait3A_196 : memref<16x96xf32, #tpu.memory_space<vmem>>) dst(%dma_wait3A_193 : memref<16x96xf32, #tpu.memory_space<vmem_shared>>)
          tpu.yield
        }) : () -> ()
        %barrier3A = arith.constant 0 : index
        tpu.barrier barrier_id(%barrier3A)
        %mul3A_41 = arith.constant 784 : i32
        %mul3A_42 = arith.muli %arg1, %mul3A_41 : i32
        %add3A_43 = arith.constant 0 : i32
        %add3A_44 = arith.addi %mul3A_42, %add3A_43 : i32
        %dma_start3A = arith.constant 0 : i32
        %dma_start3A_45 = tpu.memref_slice %arg2[%add3A_44, %dma_start3A] : memref<12544x128xi32, #tpu.memory_space<hbm>> -> memref<16x128xi32, #tpu.memory_space<hbm>>
        %dma_start3A_46 = arith.constant 0 : i32
        %dma_start3A_47 = tpu.memref_slice %arg2[%add3A_44, %dma_start3A_46] : memref<12544x128xi32, #tpu.memory_space<hbm>> -> memref<16x128xi32, #tpu.memory_space<hbm>>
        tpu.enqueue_dma source(%dma_start3A_47 : memref<16x128xi32, #tpu.memory_space<hbm>>) target(%arg6 : memref<16x128xi32, #tpu.memory_space<vmem>>) target_semaphore(%arg29 : memref<!tpu.dma_semaphore, #tpu.memory_space<semaphore_mem>>)
        %dma_start3A_48 = arith.constant 0 : i32
        %dma_start3A_49 = tpu.memref_slice %arg3[%add3A_44, %dma_start3A_48] : memref<12544x128xi32, #tpu.memory_space<hbm>> -> memref<16x128xi32, #tpu.memory_space<hbm>>
        %dma_start3A_50 = arith.constant 0 : i32
        %dma_start3A_51 = tpu.memref_slice %arg3[%add3A_44, %dma_start3A_50] : memref<12544x128xi32, #tpu.memory_space<hbm>> -> memref<16x128xi32, #tpu.memory_space<hbm>>
        tpu.enqueue_dma source(%dma_start3A_51 : memref<16x128xi32, #tpu.memory_space<hbm>>) target(%arg8 : memref<16x128xi32, #tpu.memory_space<vmem>>) target_semaphore(%arg29 : memref<!tpu.dma_semaphore, #tpu.memory_space<semaphore_mem>>)
        %scan3A_52 = arith.constant 0 : i32
        %scan3A_53 = arith.constant 0 : i32
        %scan3A_54 = arith.constant 0 : i32
        %scan3A_55 = arith.constant 49 : i32
        %scan3A_56 = arith.addi %scan3A_54, %scan3A_55 : i32
        %scan3A_57 = arith.constant 1 : i32
        %scan3A_58:2 = scf.for %scan3A_178 = %scan3A_54 to %scan3A_56 step %scan3A_57 iter_args(%scan3A_179 = %scan3A_52, %scan3A_180 = %scan3A_53) -> (i32, i32)  : i32 {
          %rem3A_181 = arith.constant 2 : i32
          %rem3A_182 = arith.remsi %scan3A_178, %rem3A_181 : i32
          %eq3A_183 = arith.constant 0 : i32
          %eq3A_184 = arith.cmpi eq, %rem3A_182, %eq3A_183 : i32
          %convert_element_type3A_185 = arith.extui %eq3A_184 : i1 to i32
          %cond3A_186 = arith.constant 0 : i32
          %cond3A_187 = arith.cmpi ne, %convert_element_type3A_185, %cond3A_186 : i32
          %cond3A_188:2 = scf.if %cond3A_187 -> (i32, i32) {
            %mul3A_189 = arith.constant 784 : i32
            %mul3A_190 = arith.muli %arg1, %mul3A_189 : i32
            %mul3A_191 = arith.constant 16 : i32
            %mul3A_192 = arith.muli %scan3A_178, %mul3A_191 : i32
            %add3A_193 = arith.addi %mul3A_190, %mul3A_192 : i32
            %dma_wait3A = arith.constant 0 : i32
            %dma_wait3A_194 = tpu.memref_slice %arg2[%add3A_193, %dma_wait3A] : memref<12544x128xi32, #tpu.memory_space<hbm>> -> memref<16x128xi32, #tpu.memory_space<hbm>>
            %dma_wait3A_195 = arith.constant 0 : i32
            %dma_wait3A_196 = tpu.memref_slice %arg2[%add3A_193, %dma_wait3A_195] : memref<12544x128xi32, #tpu.memory_space<hbm>> -> memref<16x128xi32, #tpu.memory_space<hbm>>
            tpu.wait_dma2 semaphore(%arg29 : memref<!tpu.dma_semaphore, #tpu.memory_space<semaphore_mem>>) src(%dma_wait3A_196 : memref<16x128xi32, #tpu.memory_space<hbm>>) dst(%arg6 : memref<16x128xi32, #tpu.memory_space<vmem>>)
            %dma_wait3A_197 = arith.constant 0 : i32
            %dma_wait3A_198 = tpu.memref_slice %arg3[%add3A_193, %dma_wait3A_197] : memref<12544x128xi32, #tpu.memory_space<hbm>> -> memref<16x128xi32, #tpu.memory_space<hbm>>
            %dma_wait3A_199 = arith.constant 0 : i32
            %dma_wait3A_200 = tpu.memref_slice %arg3[%add3A_193, %dma_wait3A_199] : memref<12544x128xi32, #tpu.memory_space<hbm>> -> memref<16x128xi32, #tpu.memory_space<hbm>>
            tpu.wait_dma2 semaphore(%arg29 : memref<!tpu.dma_semaphore, #tpu.memory_space<semaphore_mem>>) src(%dma_wait3A_200 : memref<16x128xi32, #tpu.memory_space<hbm>>) dst(%arg8 : memref<16x128xi32, #tpu.memory_space<vmem>>)
            %add3A_201 = arith.constant 1 : i32
            %add3A_202 = arith.addi %scan3A_178, %add3A_201 : i32
            %lt3A = arith.constant 49 : i32
            %lt3A_203 = arith.cmpi slt, %add3A_202, %lt3A : i32
            %convert_element_type3A_204 = arith.extui %lt3A_203 : i1 to i32
            %cond3A_205 = arith.constant 0 : i32
            %cond3A_206 = arith.cmpi ne, %convert_element_type3A_204, %cond3A_205 : i32
            scf.if %cond3A_206 {
              %add3A_213 = arith.constant 1 : i32
              %add3A_214 = arith.addi %scan3A_178, %add3A_213 : i32
              %mul3A_215 = arith.constant 784 : i32
              %mul3A_216 = arith.muli %arg1, %mul3A_215 : i32
              %mul3A_217 = arith.constant 16 : i32
              %mul3A_218 = arith.muli %add3A_214, %mul3A_217 : i32
              %add3A_219 = arith.addi %mul3A_216, %mul3A_218 : i32
              %dma_start3A_220 = arith.constant 0 : i32
              %dma_start3A_221 = tpu.memref_slice %arg2[%add3A_219, %dma_start3A_220] : memref<12544x128xi32, #tpu.memory_space<hbm>> -> memref<16x128xi32, #tpu.memory_space<hbm>>
              %dma_start3A_222 = arith.constant 0 : i32
              %dma_start3A_223 = tpu.memref_slice %arg2[%add3A_219, %dma_start3A_222] : memref<12544x128xi32, #tpu.memory_space<hbm>> -> memref<16x128xi32, #tpu.memory_space<hbm>>
              tpu.enqueue_dma source(%dma_start3A_223 : memref<16x128xi32, #tpu.memory_space<hbm>>) target(%arg7 : memref<16x128xi32, #tpu.memory_space<vmem>>) target_semaphore(%arg30 : memref<!tpu.dma_semaphore, #tpu.memory_space<semaphore_mem>>)
              %dma_start3A_224 = arith.constant 0 : i32
              %dma_start3A_225 = tpu.memref_slice %arg3[%add3A_219, %dma_start3A_224] : memref<12544x128xi32, #tpu.memory_space<hbm>> -> memref<16x128xi32, #tpu.memory_space<hbm>>
              %dma_start3A_226 = arith.constant 0 : i32
              %dma_start3A_227 = tpu.memref_slice %arg3[%add3A_219, %dma_start3A_226] : memref<12544x128xi32, #tpu.memory_space<hbm>> -> memref<16x128xi32, #tpu.memory_space<hbm>>
              tpu.enqueue_dma source(%dma_start3A_227 : memref<16x128xi32, #tpu.memory_space<hbm>>) target(%arg9 : memref<16x128xi32, #tpu.memory_space<vmem>>) target_semaphore(%arg30 : memref<!tpu.dma_semaphore, #tpu.memory_space<semaphore_mem>>)
            } else {
            }
            %scan3A_207 = arith.constant 0 : i32
            %scan3A_208 = arith.constant 16 : i32
            %scan3A_209 = arith.addi %scan3A_207, %scan3A_208 : i32
            %scan3A_210 = arith.constant 1 : i32
            %scan3A_211:2 = scf.for %scan3A_213 = %scan3A_207 to %scan3A_209 step %scan3A_210 iter_args(%scan3A_214 = %scan3A_179, %scan3A_215 = %scan3A_180) -> (i32, i32)  : i32 {
              %scan3A_216 = arith.constant 0 : i32
              %scan3A_217 = arith.constant 8 : i32
              %scan3A_218 = arith.addi %scan3A_216, %scan3A_217 : i32
              %scan3A_219 = arith.constant 1 : i32
              %scan3A_220 = scf.for %scan3A_228 = %scan3A_216 to %scan3A_218 step %scan3A_219 iter_args(%scan3A_229 = %scan3A_214) -> (i32)  : i32 {
                %mul3A_230 = arith.constant 16 : i32
                %mul3A_231 = arith.muli %scan3A_228, %mul3A_230 : i32
                %get3A = arith.index_cast %scan3A_213 : i32 to index
                %get3A_232 = arith.index_cast %mul3A_231 : i32 to index
                %get3A_233 = tpu.vector_load %arg6[%get3A, %get3A_232] {strides = array<i32>} : memref<16x128xi32, #tpu.memory_space<vmem>>, vector<16xi32>,
                %mul3A_234 = arith.constant 16 : i32
                %mul3A_235 = arith.muli %scan3A_228, %mul3A_234 : i32
                %get3A_236 = arith.index_cast %scan3A_213 : i32 to index
                %get3A_237 = arith.index_cast %mul3A_235 : i32 to index
                %get3A_238 = tpu.vector_load %arg8[%get3A_236, %get3A_237] {strides = array<i32>} : memref<16x128xi32, #tpu.memory_space<vmem>>, vector<16xi32>,
                %ge3A_239 = vector.broadcast %mul3A_13 : i32 to vector<16xi32>
                %ge3A_240 = arith.cmpi sge, %get3A_238, %ge3A_239 : vector<16xi32>
                %add3A_241 = arith.constant 12544 : i32
                %add3A_242 = arith.addi %mul3A_13, %add3A_241 : i32
                %lt3A_243 = vector.broadcast %add3A_242 : i32 to vector<16xi32>
                %lt3A_244 = arith.cmpi slt, %get3A_238, %lt3A_243 : vector<16xi32>
                %and3A = arith.andi %ge3A_240, %lt3A_244 : vector<16xi1>
                %sub3A = vector.broadcast %mul3A_13 : i32 to vector<16xi32>
                %sub3A_245 = arith.subi %get3A_238, %sub3A : vector<16xi32>
                %swap3A_246 = arith.index_cast %scan3A_229 : i32 to index
                %swap3A_247 = tpu.vector_load %arg10[%swap3A_246] masked %and3A {strides = array<i32>} : memref<256xi32, #tpu.memory_space<vmem>>, vector<16xi32>, vector<16xi1>
                tpu.vector_store %arg10[%swap3A_246], %get3A_233 masked %and3A {strides = array<i32>} : memref<256xi32, #tpu.memory_space<vmem>>, vector<16xi32>, vector<16xi1>
                %swap3A_248 = arith.index_cast %scan3A_229 : i32 to index
                %swap3A_249 = tpu.vector_load %arg11[%swap3A_248] masked %and3A {strides = array<i32>} : memref<256xi32, #tpu.memory_space<vmem>>, vector<16xi32>, vector<16xi1>
                tpu.vector_store %arg11[%swap3A_248], %sub3A_245 masked %and3A {strides = array<i32>} : memref<256xi32, #tpu.memory_space<vmem>>, vector<16xi32>, vector<16xi1>
                %all_reduce_population_count3A = tpu.all_reduce %and3A {dim = 0 : i64, kind = #tpu.reduction_kind<sum>} : vector<16xi1> -> vector<16xi32>
                %slice3A = vector.extract_strided_slice %all_reduce_population_count3A {offsets = [0], sizes = [1], strides = [1]} : vector<16xi32> to vector<1xi32>
                %squeeze3A = vector.extract %slice3A[0] : i32 from vector<1xi32>
                %add3A_250 = arith.addi %scan3A_229, %squeeze3A : i32
                scf.yield %add3A_250 : i32
              }
              %scan3A_221 = arith.constant 8 : i32
              %ge3A_222 = arith.constant 128 : i32
              %ge3A_223 = arith.cmpi sge, %scan3A_220, %ge3A_222 : i32
              %convert_element_type3A_224 = arith.extui %ge3A_223 : i1 to i32
              %cond3A_225 = arith.constant 0 : i32
              %cond3A_226 = arith.cmpi ne, %convert_element_type3A_224, %cond3A_225 : i32
              %cond3A_227:2 = scf.if %cond3A_226 -> (i32, i32) {
                %rem3A_228 = arith.constant 3 : i32
                %rem3A_229 = arith.remsi %scan3A_215, %rem3A_228 : i32
                %eq3A_230 = arith.constant 0 : i32
                %eq3A_231 = arith.cmpi eq, %rem3A_229, %eq3A_230 : i32
                %convert_element_type3A_232 = arith.extui %eq3A_231 : i1 to i32
                %cond3A_233 = arith.constant 0 : i32
                %cond3A_234 = arith.cmpi ne, %convert_element_type3A_232, %cond3A_233 : i32
                %cond3A_235:2 = scf.if %cond3A_234 -> (i32, i32) {
                  %ge3A_236 = arith.constant 1 : i32
                  %ge3A_237 = arith.cmpi sge, %scan3A_215, %ge3A_236 : i32
                  %convert_element_type3A_238 = arith.extui %ge3A_237 : i1 to i32
                  %cond3A_239 = arith.constant 0 : i32
                  %cond3A_240 = arith.cmpi ne, %convert_element_type3A_238, %cond3A_239 : i32
                  scf.if %cond3A_240 {
                    %dma_wait3A_379 = arith.constant 0 : i32
                    %dma_wait3A_380 = arith.constant 0 : i32
                    %dma_wait3A_381 = tpu.memref_slice %arg4[%dma_wait3A_379, %dma_wait3A_380] : memref<100352x96xf32, #tpu.memory_space<hbm>> -> memref<100352x96xf32, #tpu.memory_space<hbm>>
                    tpu.wait_indirect_dma semaphore(%arg25 : memref<!tpu.dma_semaphore, #tpu.memory_space<semaphore_mem>>) src(%dma_wait3A_381 : memref<100352x96xf32, #tpu.memory_space<hbm>>) dst(%arg20 : memref<128x96xf32, #tpu.memory_space<vmem>>)
                    %dma_start3A_382 = arith.constant 0 : i32
                    %dma_start3A_383 = arith.constant 0 : i32
                    %dma_start3A_384 = tpu.memref_slice %arg22[%dma_start3A_382, %dma_start3A_383] : memref<12608x96xf32, #tpu.memory_space<vmem_shared>> -> memref<12608x96xf32, #tpu.memory_space<vmem_shared>>
                    tpu.enqueue_indirect_dma source(%arg20 : memref<128x96xf32, #tpu.memory_space<vmem>>) target(%dma_start3A_384 : memref<12608x96xf32, #tpu.memory_space<vmem_shared>>) offsets(%arg17 : memref<128xi32, #tpu.memory_space<vmem>>) semaphore(%arg28 : memref<!tpu.dma_semaphore, #tpu.memory_space<semaphore_mem>>) {add = true}
                  } else {
                  }
                  %ge3A_241 = arith.constant 3 : i32
                  %ge3A_242 = arith.cmpi sge, %scan3A_215, %ge3A_241 : i32
                  %convert_element_type3A_243 = arith.extui %ge3A_242 : i1 to i32
                  %cond3A_244 = arith.constant 0 : i32
                  %cond3A_245 = arith.cmpi ne, %convert_element_type3A_243, %cond3A_244 : i32
                  scf.if %cond3A_245 {
                    %dma_wait3A_379 = arith.constant 0 : i32
                    %dma_wait3A_380 = arith.constant 0 : i32
                    %dma_wait3A_381 = tpu.memref_slice %arg22[%dma_wait3A_379, %dma_wait3A_380] : memref<12608x96xf32, #tpu.memory_space<vmem_shared>> -> memref<12608x96xf32, #tpu.memory_space<vmem_shared>>
                    tpu.wait_indirect_dma semaphore(%arg26 : memref<!tpu.dma_semaphore, #tpu.memory_space<semaphore_mem>>) src(%arg18 : memref<128x96xf32, #tpu.memory_space<vmem>>) dst(%dma_wait3A_381 : memref<12608x96xf32, #tpu.memory_space<vmem_shared>>)
                  } else {
                  }
                  %get3A = arith.constant 0 : index
                  %get3A_246 = tpu.vector_load %arg10[%get3A] {strides = array<i32>} : memref<256xi32, #tpu.memory_space<vmem>>, vector<16xi32>,
                  %swap3A_247 = arith.constant 0 : index
                  %swap3A_248 = tpu.vector_load %arg12[%swap3A_247] {strides = array<i32>} : memref<128xi32, #tpu.memory_space<vmem>>, vector<16xi32>,
                  tpu.vector_store %arg12[%swap3A_247], %get3A_246 {strides = array<i32>} : memref<128xi32, #tpu.memory_space<vmem>>, vector<16xi32>,
                  %get3A_249 = arith.constant 0 : index
                  %get3A_250 = tpu.vector_load %arg11[%get3A_249] {strides = array<i32>} : memref<256xi32, #tpu.memory_space<vmem>>, vector<16xi32>,
                  %swap3A_251 = arith.constant 0 : index
                  %swap3A_252 = tpu.vector_load %arg15[%swap3A_251] {strides = array<i32>} : memref<128xi32, #tpu.memory_space<vmem>>, vector<16xi32>,
                  tpu.vector_store %arg15[%swap3A_251], %get3A_250 {strides = array<i32>} : memref<128xi32, #tpu.memory_space<vmem>>, vector<16xi32>,
                  %get3A_253 = arith.constant 16 : index
                  %get3A_254 = tpu.vector_load %arg10[%get3A_253] {strides = array<i32>} : memref<256xi32, #tpu.memory_space<vmem>>, vector<16xi32>,
                  %swap3A_255 = arith.constant 16 : index
                  %swap3A_256 = tpu.vector_load %arg12[%swap3A_255] {strides = array<i32>} : memref<128xi32, #tpu.memory_space<vmem>>, vector<16xi32>,
                  tpu.vector_store %arg12[%swap3A_255], %get3A_254 {strides = array<i32>} : memref<128xi32, #tpu.memory_space<vmem>>, vector<16xi32>,
                  %get3A_257 = arith.constant 16 : index
                  %get3A_258 = tpu.vector_load %arg11[%get3A_257] {strides = array<i32>} : memref<256xi32, #tpu.memory_space<vmem>>, vector<16xi32>,
                  %swap3A_259 = arith.constant 16 : index
                  %swap3A_260 = tpu.vector_load %arg15[%swap3A_259] {strides = array<i32>} : memref<128xi32, #tpu.memory_space<vmem>>, vector<16xi32>,
                  tpu.vector_store %arg15[%swap3A_259], %get3A_258 {strides = array<i32>} : memref<128xi32, #tpu.memory_space<vmem>>, vector<16xi32>,
                  %get3A_261 = arith.constant 32 : index
                  %get3A_262 = tpu.vector_load %arg10[%get3A_261] {strides = array<i32>} : memref<256xi32, #tpu.memory_space<vmem>>, vector<16xi32>,
                  %swap3A_263 = arith.constant 32 : index
                  %swap3A_264 = tpu.vector_load %arg12[%swap3A_263] {strides = array<i32>} : memref<128xi32, #tpu.memory_space<vmem>>, vector<16xi32>,
                  tpu.vector_store %arg12[%swap3A_263], %get3A_262 {strides = array<i32>} : memref<128xi32, #tpu.memory_space<vmem>>, vector<16xi32>,
                  %get3A_265 = arith.constant 32 : index
                  %get3A_266 = tpu.vector_load %arg11[%get3A_265] {strides = array<i32>} : memref<256xi32, #tpu.memory_space<vmem>>, vector<16xi32>,
                  %swap3A_267 = arith.constant 32 : index
                  %swap3A_268 = tpu.vector_load %arg15[%swap3A_267] {strides = array<i32>} : memref<128xi32, #tpu.memory_space<vmem>>, vector<16xi32>,
                  tpu.vector_store %arg15[%swap3A_267], %get3A_266 {strides = array<i32>} : memref<128xi32, #tpu.memory_space<vmem>>, vector<16xi32>,
                  %get3A_269 = arith.constant 48 : index
                  %get3A_270 = tpu.vector_load %arg10[%get3A_269] {strides = array<i32>} : memref<256xi32, #tpu.memory_space<vmem>>, vector<16xi32>,
                  %swap3A_271 = arith.constant 48 : index
                  %swap3A_272 = tpu.vector_load %arg12[%swap3A_271] {strides = array<i32>} : memref<128xi32, #tpu.memory_space<vmem>>, vector<16xi32>,
                  tpu.vector_store %arg12[%swap3A_271], %get3A_270 {strides = array<i32>} : memref<128xi32, #tpu.memory_space<vmem>>, vector<16xi32>,
                  %get3A_273 = arith.constant 48 : index
                  %get3A_274 = tpu.vector_load %arg11[%get3A_273] {strides = array<i32>} : memref<256xi32, #tpu.memory_space<vmem>>, vector<16xi32>,
                  %swap3A_275 = arith.constant 48 : index
                  %swap3A_276 = tpu.vector_load %arg15[%swap3A_275] {strides = array<i32>} : memref<128xi32, #tpu.memory_space<vmem>>, vector<16xi32>,
                  tpu.vector_store %arg15[%swap3A_275], %get3A_274 {strides = array<i32>} : memref<128xi32, #tpu.memory_space<vmem>>, vector<16xi32>,
                  %get3A_277 = arith.constant 64 : index
                  %get3A_278 = tpu.vector_load %arg10[%get3A_277] {strides = array<i32>} : memref<256xi32, #tpu.memory_space<vmem>>, vector<16xi32>,
                  %swap3A_279 = arith.constant 64 : index
                  %swap3A_280 = tpu.vector_load %arg12[%swap3A_279] {strides = array<i32>} : memref<128xi32, #tpu.memory_space<vmem>>, vector<16xi32>,
                  tpu.vector_store %arg12[%swap3A_279], %get3A_278 {strides = array<i32>} : memref<128xi32, #tpu.memory_space<vmem>>, vector<16xi32>,
                  %get3A_281 = arith.constant 64 : index
                  %get3A_282 = tpu.vector_load %arg11[%get3A_281] {strides = array<i32>} : memref<256xi32, #tpu.memory_space<vmem>>, vector<16xi32>,
                  %swap3A_283 = arith.constant 64 : index
                  %swap3A_284 = tpu.vector_load %arg15[%swap3A_283] {strides = array<i32>} : memref<128xi32, #tpu.memory_space<vmem>>, vector<16xi32>,
                  tpu.vector_store %arg15[%swap3A_283], %get3A_282 {strides = array<i32>} : memref<128xi32, #tpu.memory_space<vmem>>, vector<16xi32>,
                  %get3A_285 = arith.constant 80 : index
                  %get3A_286 = tpu.vector_load %arg10[%get3A_285] {strides = array<i32>} : memref<256xi32, #tpu.memory_space<vmem>>, vector<16xi32>,
                  %swap3A_287 = arith.constant 80 : index
                  %swap3A_288 = tpu.vector_load %arg12[%swap3A_287] {strides = array<i32>} : memref<128xi32, #tpu.memory_space<vmem>>, vector<16xi32>,
                  tpu.vector_store %arg12[%swap3A_287], %get3A_286 {strides = array<i32>} : memref<128xi32, #tpu.memory_space<vmem>>, vector<16xi32>,
                  %get3A_289 = arith.constant 80 : index
                  %get3A_290 = tpu.vector_load %arg11[%get3A_289] {strides = array<i32>} : memref<256xi32, #tpu.memory_space<vmem>>, vector<16xi32>,
                  %swap3A_291 = arith.constant 80 : index
                  %swap3A_292 = tpu.vector_load %arg15[%swap3A_291] {strides = array<i32>} : memref<128xi32, #tpu.memory_space<vmem>>, vector<16xi32>,
                  tpu.vector_store %arg15[%swap3A_291], %get3A_290 {strides = array<i32>} : memref<128xi32, #tpu.memory_space<vmem>>, vector<16xi32>,
                  %get3A_293 = arith.constant 96 : index
                  %get3A_294 = tpu.vector_load %arg10[%get3A_293] {strides = array<i32>} : memref<256xi32, #tpu.memory_space<vmem>>, vector<16xi32>,
                  %swap3A_295 = arith.constant 96 : index
                  %swap3A_296 = tpu.vector_load %arg12[%swap3A_295] {strides = array<i32>} : memref<128xi32, #tpu.memory_space<vmem>>, vector<16xi32>,
                  tpu.vector_store %arg12[%swap3A_295], %get3A_294 {strides = array<i32>} : memref<128xi32, #tpu.memory_space<vmem>>, vector<16xi32>,
                  %get3A_297 = arith.constant 96 : index
                  %get3A_298 = tpu.vector_load %arg11[%get3A_297] {strides = array<i32>} : memref<256xi32, #tpu.memory_space<vmem>>, vector<16xi32>,
                  %swap3A_299 = arith.constant 96 : index
                  %swap3A_300 = tpu.vector_load %arg15[%swap3A_299] {strides = array<i32>} : memref<128xi32, #tpu.memory_space<vmem>>, vector<16xi32>,
                  tpu.vector_store %arg15[%swap3A_299], %get3A_298 {strides = array<i32>} : memref<128xi32, #tpu.memory_space<vmem>>, vector<16xi32>,
                  %get3A_301 = arith.constant 112 : index
                  %get3A_302 = tpu.vector_load %arg10[%get3A_301] {strides = array<i32>} : memref<256xi32, #tpu.memory_space<vmem>>, vector<16xi32>,
                  %swap3A_303 = arith.constant 112 : index
                  %swap3A_304 = tpu.vector_load %arg12[%swap3A_303] {strides = array<i32>} : memref<128xi32, #tpu.memory_space<vmem>>, vector<16xi32>,
                  tpu.vector_store %arg12[%swap3A_303], %get3A_302 {strides = array<i32>} : memref<128xi32, #tpu.memory_space<vmem>>, vector<16xi32>,
                  %get3A_305 = arith.constant 112 : index
                  %get3A_306 = tpu.vector_load %arg11[%get3A_305] {strides = array<i32>} : memref<256xi32, #tpu.memory_space<vmem>>, vector<16xi32>,
                  %swap3A_307 = arith.constant 112 : index
                  %swap3A_308 = tpu.vector_load %arg15[%swap3A_307] {strides = array<i32>} : memref<128xi32, #tpu.memory_space<vmem>>, vector<16xi32>,
                  tpu.vector_store %arg15[%swap3A_307], %get3A_306 {strides = array<i32>} : memref<128xi32, #tpu.memory_space<vmem>>, vector<16xi32>,
                  %dma_start3A_309 = arith.constant 0 : i32
                  %dma_start3A_310 = arith.constant 0 : i32
                  %dma_start3A_311 = tpu.memref_slice %arg4[%dma_start3A_309, %dma_start3A_310] : memref<100352x96xf32, #tpu.memory_space<hbm>> -> memref<100352x96xf32, #tpu.memory_space<hbm>>
                  tpu.enqueue_indirect_dma source(%dma_start3A_311 : memref<100352x96xf32, #tpu.memory_space<hbm>>) target(%arg18 : memref<128x96xf32, #tpu.memory_space<vmem>>) offsets(%arg12 : memref<128xi32, #tpu.memory_space<vmem>>) semaphore(%arg23 : memref<!tpu.dma_semaphore, #tpu.memory_space<semaphore_mem>>)
                  %get3A_312 = arith.constant 128 : index
                  %get3A_313 = tpu.vector_load %arg10[%get3A_312] {strides = array<i32>} : memref<256xi32, #tpu.memory_space<vmem>>, vector<16xi32>,
                  %swap3A_314 = arith.constant 0 : index
                  %swap3A_315 = tpu.vector_load %arg10[%swap3A_314] {strides = array<i32>} : memref<256xi32, #tpu.memory_space<vmem>>, vector<16xi32>,
                  tpu.vector_store %arg10[%swap3A_314], %get3A_313 {strides = array<i32>} : memref<256xi32, #tpu.memory_space<vmem>>, vector<16xi32>,
                  %get3A_316 = arith.constant 128 : index
                  %get3A_317 = tpu.vector_load %arg11[%get3A_316] {strides = array<i32>} : memref<256xi32, #tpu.memory_space<vmem>>, vector<16xi32>,
                  %swap3A_318 = arith.constant 0 : index
                  %swap3A_319 = tpu.vector_load %arg11[%swap3A_318] {strides = array<i32>} : memref<256xi32, #tpu.memory_space<vmem>>, vector<16xi32>,
                  tpu.vector_store %arg11[%swap3A_318], %get3A_317 {strides = array<i32>} : memref<256xi32, #tpu.memory_space<vmem>>, vector<16xi32>,
                  %get3A_320 = arith.constant 144 : index
                  %get3A_321 = tpu.vector_load %arg10[%get3A_320] {strides = array<i32>} : memref<256xi32, #tpu.memory_space<vmem>>, vector<16xi32>,
                  %swap3A_322 = arith.constant 16 : index
                  %swap3A_323 = tpu.vector_load %arg10[%swap3A_322] {strides = array<i32>} : memref<256xi32, #tpu.memory_space<vmem>>, vector<16xi32>,
                  tpu.vector_store %arg10[%swap3A_322], %get3A_321 {strides = array<i32>} : memref<256xi32, #tpu.memory_space<vmem>>, vector<16xi32>,
                  %get3A_324 = arith.constant 144 : index
                  %get3A_325 = tpu.vector_load %arg11[%get3A_324] {strides = array<i32>} : memref<256xi32, #tpu.memory_space<vmem>>, vector<16xi32>,
                  %swap3A_326 = arith.constant 16 : index
                  %swap3A_327 = tpu.vector_load %arg11[%swap3A_326] {strides = array<i32>} : memref<256xi32, #tpu.memory_space<vmem>>, vector<16xi32>,
                  tpu.vector_store %arg11[%swap3A_326], %get3A_325 {strides = array<i32>} : memref<256xi32, #tpu.memory_space<vmem>>, vector<16xi32>,
                  %get3A_328 = arith.constant 160 : index
                  %get3A_329 = tpu.vector_load %arg10[%get3A_328] {strides = array<i32>} : memref<256xi32, #tpu.memory_space<vmem>>, vector<16xi32>,
                  %swap3A_330 = arith.constant 32 : index
                  %swap3A_331 = tpu.vector_load %arg10[%swap3A_330] {strides = array<i32>} : memref<256xi32, #tpu.memory_space<vmem>>, vector<16xi32>,
                  tpu.vector_store %arg10[%swap3A_330], %get3A_329 {strides = array<i32>} : memref<256xi32, #tpu.memory_space<vmem>>, vector<16xi32>,
                  %get3A_332 = arith.constant 160 : index
                  %get3A_333 = tpu.vector_load %arg11[%get3A_332] {strides = array<i32>} : memref<256xi32, #tpu.memory_space<vmem>>, vector<16xi32>,
                  %swap3A_334 = arith.constant 32 : index
                  %swap3A_335 = tpu.vector_load %arg11[%swap3A_334] {strides = array<i32>} : memref<256xi32, #tpu.memory_space<vmem>>, vector<16xi32>,
                  tpu.vector_store %arg11[%swap3A_334], %get3A_333 {strides = array<i32>} : memref<256xi32, #tpu.memory_space<vmem>>, vector<16xi32>,
                  %get3A_336 = arith.constant 176 : index
                  %get3A_337 = tpu.vector_load %arg10[%get3A_336] {strides = array<i32>} : memref<256xi32, #tpu.memory_space<vmem>>, vector<16xi32>,
                  %swap3A_338 = arith.constant 48 : index
                  %swap3A_339 = tpu.vector_load %arg10[%swap3A_338] {strides = array<i32>} : memref<256xi32, #tpu.memory_space<vmem>>, vector<16xi32>,
                  tpu.vector_store %arg10[%swap3A_338], %get3A_337 {strides = array<i32>} : memref<256xi32, #tpu.memory_space<vmem>>, vector<16xi32>,
                  %get3A_340 = arith.constant 176 : index
                  %get3A_341 = tpu.vector_load %arg11[%get3A_340] {strides = array<i32>} : memref<256xi32, #tpu.memory_space<vmem>>, vector<16xi32>,
                  %swap3A_342 = arith.constant 48 : index
                  %swap3A_343 = tpu.vector_load %arg11[%swap3A_342] {strides = array<i32>} : memref<256xi32, #tpu.memory_space<vmem>>, vector<16xi32>,
                  tpu.vector_store %arg11[%swap3A_342], %get3A_341 {strides = array<i32>} : memref<256xi32, #tpu.memory_space<vmem>>, vector<16xi32>,
                  %get3A_344 = arith.constant 192 : index
                  %get3A_345 = tpu.vector_load %arg10[%get3A_344] {strides = array<i32>} : memref<256xi32, #tpu.memory_space<vmem>>, vector<16xi32>,
                  %swap3A_346 = arith.constant 64 : index
                  %swap3A_347 = tpu.vector_load %arg10[%swap3A_346] {strides = array<i32>} : memref<256xi32, #tpu.memory_space<vmem>>, vector<16xi32>,
                  tpu.vector_store %arg10[%swap3A_346], %get3A_345 {strides = array<i32>} : memref<256xi32, #tpu.memory_space<vmem>>, vector<16xi32>,
                  %get3A_348 = arith.constant 192 : index
                  %get3A_349 = tpu.vector_load %arg11[%get3A_348] {strides = array<i32>} : memref<256xi32, #tpu.memory_space<vmem>>, vector<16xi32>,
                  %swap3A_350 = arith.constant 64 : index
                  %swap3A_351 = tpu.vector_load %arg11[%swap3A_350] {strides = array<i32>} : memref<256xi32, #tpu.memory_space<vmem>>, vector<16xi32>,
                  tpu.vector_store %arg11[%swap3A_350], %get3A_349 {strides = array<i32>} : memref<256xi32, #tpu.memory_space<vmem>>, vector<16xi32>,
                  %get3A_352 = arith.constant 208 : index
                  %get3A_353 = tpu.vector_load %arg10[%get3A_352] {strides = array<i32>} : memref<256xi32, #tpu.memory_space<vmem>>, vector<16xi32>,
                  %swap3A_354 = arith.constant 80 : index
                  %swap3A_355 = tpu.vector_load %arg10[%swap3A_354] {strides = array<i32>} : memref<256xi32, #tpu.memory_space<vmem>>, vector<16xi32>,
                  tpu.vector_store %arg10[%swap3A_354], %get3A_353 {strides = array<i32>} : memref<256xi32, #tpu.memory_space<vmem>>, vector<16xi32>,
                  %get3A_356 = arith.constant 208 : index
                  %get3A_357 = tpu.vector_load %arg11[%get3A_356] {strides = array<i32>} : memref<256xi32, #tpu.memory_space<vmem>>, vector<16xi32>,
                  %swap3A_358 = arith.constant 80 : index
                  %swap3A_359 = tpu.vector_load %arg11[%swap3A_358] {strides = array<i32>} : memref<256xi32, #tpu.memory_space<vmem>>, vector<16xi32>,
                  tpu.vector_store %arg11[%swap3A_358], %get3A_357 {strides = array<i32>} : memref<256xi32, #tpu.memory_space<vmem>>, vector<16xi32>,
                  %get3A_360 = arith.constant 224 : index
                  %get3A_361 = tpu.vector_load %arg10[%get3A_360] {strides = array<i32>} : memref<256xi32, #tpu.memory_space<vmem>>, vector<16xi32>,
                  %swap3A_362 = arith.constant 96 : index
                  %swap3A_363 = tpu.vector_load %arg10[%swap3A_362] {strides = array<i32>} : memref<256xi32, #tpu.memory_space<vmem>>, vector<16xi32>,
                  tpu.vector_store %arg10[%swap3A_362], %get3A_361 {strides = array<i32>} : memref<256xi32, #tpu.memory_space<vmem>>, vector<16xi32>,
                  %get3A_364 = arith.constant 224 : index
                  %get3A_365 = tpu.vector_load %arg11[%get3A_364] {strides = array<i32>} : memref<256xi32, #tpu.memory_space<vmem>>, vector<16xi32>,
                  %swap3A_366 = arith.constant 96 : index
                  %swap3A_367 = tpu.vector_load %arg11[%swap3A_366] {strides = array<i32>} : memref<256xi32, #tpu.memory_space<vmem>>, vector<16xi32>,
                  tpu.vector_store %arg11[%swap3A_366], %get3A_365 {strides = array<i32>} : memref<256xi32, #tpu.memory_space<vmem>>, vector<16xi32>,
                  %get3A_368 = arith.constant 240 : index
                  %get3A_369 = tpu.vector_load %arg10[%get3A_368] {strides = array<i32>} : memref<256xi32, #tpu.memory_space<vmem>>, vector<16xi32>,
                  %swap3A_370 = arith.constant 112 : index
                  %swap3A_371 = tpu.vector_load %arg10[%swap3A_370] {strides = array<i32>} : memref<256xi32, #tpu.memory_space<vmem>>, vector<16xi32>,
                  tpu.vector_store %arg10[%swap3A_370], %get3A_369 {strides = array<i32>} : memref<256xi32, #tpu.memory_space<vmem>>, vector<16xi32>,
                  %get3A_372 = arith.constant 240 : index
                  %get3A_373 = tpu.vector_load %arg11[%get3A_372] {strides = array<i32>} : memref<256xi32, #tpu.memory_space<vmem>>, vector<16xi32>,
                  %swap3A_374 = arith.constant 112 : index
                  %swap3A_375 = tpu.vector_load %arg11[%swap3A_374] {strides = array<i32>} : memref<256xi32, #tpu.memory_space<vmem>>, vector<16xi32>,
                  tpu.vector_store %arg11[%swap3A_374], %get3A_373 {strides = array<i32>} : memref<256xi32, #tpu.memory_space<vmem>>, vector<16xi32>,
                  %sub3A = arith.constant 128 : i32
                  %sub3A_376 = arith.subi %scan3A_220, %sub3A : i32
                  %add3A_377 = arith.constant 1 : i32
                  %add3A_378 = arith.addi %scan3A_215, %add3A_377 : i32
                  scf.yield %sub3A_376, %add3A_378 : i32, i32
                } else {
                  %jit3A = arith.constant 3 : i32
                  %eq3A_236 = arith.constant 0 : i32
                  %eq3A_237 = arith.cmpi eq, %jit3A, %eq3A_236 : i32
                  %jit3A_238 = arith.constant 1 : i32
                  %select_n3A = arith.select %eq3A_237, %jit3A_238, %jit3A : i32
                  %rem3A_239 = arith.remsi %scan3A_215, %select_n3A : i32
                  %ne3A = arith.constant 0 : i32
                  %ne3A_240 = arith.cmpi ne, %rem3A_239, %ne3A : i32
                  %lt3A_241 = arith.constant 0 : i32
                  %lt3A_242 = arith.cmpi slt, %rem3A_239, %lt3A_241 : i32
                  %lt3A_243 = arith.constant 0 : i32
                  %lt3A_244 = arith.cmpi slt, %select_n3A, %lt3A_243 : i32
                  %ne3A_245 = arith.xori %lt3A_242, %lt3A_244 : i1
                  %and3A = arith.andi %ne3A_245, %ne3A_240 : i1
                  %add3A_246 = arith.addi %rem3A_239, %select_n3A : i32
                  %select_n3A_247 = arith.select %and3A, %add3A_246, %rem3A_239 : i32
                  %eq3A_248 = arith.constant 1 : i32
                  %eq3A_249 = arith.cmpi eq, %select_n3A_247, %eq3A_248 : i32
                  %convert_element_type3A_250 = arith.extui %eq3A_249 : i1 to i32
                  %cond3A_251 = arith.constant 0 : i32
                  %cond3A_252 = arith.cmpi ne, %convert_element_type3A_250, %cond3A_251 : i32
                  %cond3A_253:2 = scf.if %cond3A_252 -> (i32, i32) {
                    %ge3A_254 = arith.constant 1 : i32
                    %ge3A_255 = arith.cmpi sge, %scan3A_215, %ge3A_254 : i32
                    %convert_element_type3A_256 = arith.extui %ge3A_255 : i1 to i32
                    %cond3A_257 = arith.constant 0 : i32
                    %cond3A_258 = arith.cmpi ne, %convert_element_type3A_256, %cond3A_257 : i32
                    scf.if %cond3A_258 {
                      %dma_wait3A_397 = arith.constant 0 : i32
                      %dma_wait3A_398 = arith.constant 0 : i32
                      %dma_wait3A_399 = tpu.memref_slice %arg4[%dma_wait3A_397, %dma_wait3A_398] : memref<100352x96xf32, #tpu.memory_space<hbm>> -> memref<100352x96xf32, #tpu.memory_space<hbm>>
                      tpu.wait_indirect_dma semaphore(%arg23 : memref<!tpu.dma_semaphore, #tpu.memory_space<semaphore_mem>>) src(%dma_wait3A_399 : memref<100352x96xf32, #tpu.memory_space<hbm>>) dst(%arg18 : memref<128x96xf32, #tpu.memory_space<vmem>>)
                      %dma_start3A_400 = arith.constant 0 : i32
                      %dma_start3A_401 = arith.constant 0 : i32
                      %dma_start3A_402 = tpu.memref_slice %arg22[%dma_start3A_400, %dma_start3A_401] : memref<12608x96xf32, #tpu.memory_space<vmem_shared>> -> memref<12608x96xf32, #tpu.memory_space<vmem_shared>>
                      tpu.enqueue_indirect_dma source(%arg18 : memref<128x96xf32, #tpu.memory_space<vmem>>) target(%dma_start3A_402 : memref<12608x96xf32, #tpu.memory_space<vmem_shared>>) offsets(%arg15 : memref<128xi32, #tpu.memory_space<vmem>>) semaphore(%arg26 : memref<!tpu.dma_semaphore, #tpu.memory_space<semaphore_mem>>) {add = true}
                    } else {
                    }
                    %ge3A_259 = arith.constant 3 : i32
                    %ge3A_260 = arith.cmpi sge, %scan3A_215, %ge3A_259 : i32
                    %convert_element_type3A_261 = arith.extui %ge3A_260 : i1 to i32
                    %cond3A_262 = arith.constant 0 : i32
                    %cond3A_263 = arith.cmpi ne, %convert_element_type3A_261, %cond3A_262 : i32
                    scf.if %cond3A_263 {
                      %dma_wait3A_397 = arith.constant 0 : i32
                      %dma_wait3A_398 = arith.constant 0 : i32
                      %dma_wait3A_399 = tpu.memref_slice %arg22[%dma_wait3A_397, %dma_wait3A_398] : memref<12608x96xf32, #tpu.memory_space<vmem_shared>> -> memref<12608x96xf32, #tpu.memory_space<vmem_shared>>
                      tpu.wait_indirect_dma semaphore(%arg27 : memref<!tpu.dma_semaphore, #tpu.memory_space<semaphore_mem>>) src(%arg19 : memref<128x96xf32, #tpu.memory_space<vmem>>) dst(%dma_wait3A_399 : memref<12608x96xf32, #tpu.memory_space<vmem_shared>>)
                    } else {
                    }
                    %get3A = arith.constant 0 : index
                    %get3A_264 = tpu.vector_load %arg10[%get3A] {strides = array<i32>} : memref<256xi32, #tpu.memory_space<vmem>>, vector<16xi32>,
                    %swap3A_265 = arith.constant 0 : index
                    %swap3A_266 = tpu.vector_load %arg13[%swap3A_265] {strides = array<i32>} : memref<128xi32, #tpu.memory_space<vmem>>, vector<16xi32>,
                    tpu.vector_store %arg13[%swap3A_265], %get3A_264 {strides = array<i32>} : memref<128xi32, #tpu.memory_space<vmem>>, vector<16xi32>,
                    %get3A_267 = arith.constant 0 : index
                    %get3A_268 = tpu.vector_load %arg11[%get3A_267] {strides = array<i32>} : memref<256xi32, #tpu.memory_space<vmem>>, vector<16xi32>,
                    %swap3A_269 = arith.constant 0 : index
                    %swap3A_270 = tpu.vector_load %arg16[%swap3A_269] {strides = array<i32>} : memref<128xi32, #tpu.memory_space<vmem>>, vector<16xi32>,
                    tpu.vector_store %arg16[%swap3A_269], %get3A_268 {strides = array<i32>} : memref<128xi32, #tpu.memory_space<vmem>>, vector<16xi32>,
                    %get3A_271 = arith.constant 16 : index
                    %get3A_272 = tpu.vector_load %arg10[%get3A_271] {strides = array<i32>} : memref<256xi32, #tpu.memory_space<vmem>>, vector<16xi32>,
                    %swap3A_273 = arith.constant 16 : index
                    %swap3A_274 = tpu.vector_load %arg13[%swap3A_273] {strides = array<i32>} : memref<128xi32, #tpu.memory_space<vmem>>, vector<16xi32>,
                    tpu.vector_store %arg13[%swap3A_273], %get3A_272 {strides = array<i32>} : memref<128xi32, #tpu.memory_space<vmem>>, vector<16xi32>,
                    %get3A_275 = arith.constant 16 : index
                    %get3A_276 = tpu.vector_load %arg11[%get3A_275] {strides = array<i32>} : memref<256xi32, #tpu.memory_space<vmem>>, vector<16xi32>,
                    %swap3A_277 = arith.constant 16 : index
                    %swap3A_278 = tpu.vector_load %arg16[%swap3A_277] {strides = array<i32>} : memref<128xi32, #tpu.memory_space<vmem>>, vector<16xi32>,
                    tpu.vector_store %arg16[%swap3A_277], %get3A_276 {strides = array<i32>} : memref<128xi32, #tpu.memory_space<vmem>>, vector<16xi32>,
                    %get3A_279 = arith.constant 32 : index
                    %get3A_280 = tpu.vector_load %arg10[%get3A_279] {strides = array<i32>} : memref<256xi32, #tpu.memory_space<vmem>>, vector<16xi32>,
                    %swap3A_281 = arith.constant 32 : index
                    %swap3A_282 = tpu.vector_load %arg13[%swap3A_281] {strides = array<i32>} : memref<128xi32, #tpu.memory_space<vmem>>, vector<16xi32>,
                    tpu.vector_store %arg13[%swap3A_281], %get3A_280 {strides = array<i32>} : memref<128xi32, #tpu.memory_space<vmem>>, vector<16xi32>,
                    %get3A_283 = arith.constant 32 : index
                    %get3A_284 = tpu.vector_load %arg11[%get3A_283] {strides = array<i32>} : memref<256xi32, #tpu.memory_space<vmem>>, vector<16xi32>,
                    %swap3A_285 = arith.constant 32 : index
                    %swap3A_286 = tpu.vector_load %arg16[%swap3A_285] {strides = array<i32>} : memref<128xi32, #tpu.memory_space<vmem>>, vector<16xi32>,
                    tpu.vector_store %arg16[%swap3A_285], %get3A_284 {strides = array<i32>} : memref<128xi32, #tpu.memory_space<vmem>>, vector<16xi32>,
                    %get3A_287 = arith.constant 48 : index
                    %get3A_288 = tpu.vector_load %arg10[%get3A_287] {strides = array<i32>} : memref<256xi32, #tpu.memory_space<vmem>>, vector<16xi32>,
                    %swap3A_289 = arith.constant 48 : index
                    %swap3A_290 = tpu.vector_load %arg13[%swap3A_289] {strides = array<i32>} : memref<128xi32, #tpu.memory_space<vmem>>, vector<16xi32>,
                    tpu.vector_store %arg13[%swap3A_289], %get3A_288 {strides = array<i32>} : memref<128xi32, #tpu.memory_space<vmem>>, vector<16xi32>,
                    %get3A_291 = arith.constant 48 : index
                    %get3A_292 = tpu.vector_load %arg11[%get3A_291] {strides = array<i32>} : memref<256xi32, #tpu.memory_space<vmem>>, vector<16xi32>,
                    %swap3A_293 = arith.constant 48 : index
                    %swap3A_294 = tpu.vector_load %arg16[%swap3A_293] {strides = array<i32>} : memref<128xi32, #tpu.memory_space<vmem>>, vector<16xi32>,
                    tpu.vector_store %arg16[%swap3A_293], %get3A_292 {strides = array<i32>} : memref<128xi32, #tpu.memory_space<vmem>>, vector<16xi32>,
                    %get3A_295 = arith.constant 64 : index
                    %get3A_296 = tpu.vector_load %arg10[%get3A_295] {strides = array<i32>} : memref<256xi32, #tpu.memory_space<vmem>>, vector<16xi32>,
                    %swap3A_297 = arith.constant 64 : index
                    %swap3A_298 = tpu.vector_load %arg13[%swap3A_297] {strides = array<i32>} : memref<128xi32, #tpu.memory_space<vmem>>, vector<16xi32>,
                    tpu.vector_store %arg13[%swap3A_297], %get3A_296 {strides = array<i32>} : memref<128xi32, #tpu.memory_space<vmem>>, vector<16xi32>,
                    %get3A_299 = arith.constant 64 : index
                    %get3A_300 = tpu.vector_load %arg11[%get3A_299] {strides = array<i32>} : memref<256xi32, #tpu.memory_space<vmem>>, vector<16xi32>,
                    %swap3A_301 = arith.constant 64 : index
                    %swap3A_302 = tpu.vector_load %arg16[%swap3A_301] {strides = array<i32>} : memref<128xi32, #tpu.memory_space<vmem>>, vector<16xi32>,
                    tpu.vector_store %arg16[%swap3A_301], %get3A_300 {strides = array<i32>} : memref<128xi32, #tpu.memory_space<vmem>>, vector<16xi32>,
                    %get3A_303 = arith.constant 80 : index
                    %get3A_304 = tpu.vector_load %arg10[%get3A_303] {strides = array<i32>} : memref<256xi32, #tpu.memory_space<vmem>>, vector<16xi32>,
                    %swap3A_305 = arith.constant 80 : index
                    %swap3A_306 = tpu.vector_load %arg13[%swap3A_305] {strides = array<i32>} : memref<128xi32, #tpu.memory_space<vmem>>, vector<16xi32>,
                    tpu.vector_store %arg13[%swap3A_305], %get3A_304 {strides = array<i32>} : memref<128xi32, #tpu.memory_space<vmem>>, vector<16xi32>,
                    %get3A_307 = arith.constant 80 : index
                    %get3A_308 = tpu.vector_load %arg11[%get3A_307] {strides = array<i32>} : memref<256xi32, #tpu.memory_space<vmem>>, vector<16xi32>,
                    %swap3A_309 = arith.constant 80 : index
                    %swap3A_310 = tpu.vector_load %arg16[%swap3A_309] {strides = array<i32>} : memref<128xi32, #tpu.memory_space<vmem>>, vector<16xi32>,
                    tpu.vector_store %arg16[%swap3A_309], %get3A_308 {strides = array<i32>} : memref<128xi32, #tpu.memory_space<vmem>>, vector<16xi32>,
                    %get3A_311 = arith.constant 96 : index
                    %get3A_312 = tpu.vector_load %arg10[%get3A_311] {strides = array<i32>} : memref<256xi32, #tpu.memory_space<vmem>>, vector<16xi32>,
                    %swap3A_313 = arith.constant 96 : index
                    %swap3A_314 = tpu.vector_load %arg13[%swap3A_313] {strides = array<i32>} : memref<128xi32, #tpu.memory_space<vmem>>, vector<16xi32>,
                    tpu.vector_store %arg13[%swap3A_313], %get3A_312 {strides = array<i32>} : memref<128xi32, #tpu.memory_space<vmem>>, vector<16xi32>,
                    %get3A_315 = arith.constant 96 : index
                    %get3A_316 = tpu.vector_load %arg11[%get3A_315] {strides = array<i32>} : memref<256xi32, #tpu.memory_space<vmem>>, vector<16xi32>,
                    %swap3A_317 = arith.constant 96 : index
                    %swap3A_318 = tpu.vector_load %arg16[%swap3A_317] {strides = array<i32>} : memref<128xi32, #tpu.memory_space<vmem>>, vector<16xi32>,
                    tpu.vector_store %arg16[%swap3A_317], %get3A_316 {strides = array<i32>} : memref<128xi32, #tpu.memory_space<vmem>>, vector<16xi32>,
                    %get3A_319 = arith.constant 112 : index
                    %get3A_320 = tpu.vector_load %arg10[%get3A_319] {strides = array<i32>} : memref<256xi32, #tpu.memory_space<vmem>>, vector<16xi32>,
                    %swap3A_321 = arith.constant 112 : index
                    %swap3A_322 = tpu.vector_load %arg13[%swap3A_321] {strides = array<i32>} : memref<128xi32, #tpu.memory_space<vmem>>, vector<16xi32>,
                    tpu.vector_store %arg13[%swap3A_321], %get3A_320 {strides = array<i32>} : memref<128xi32, #tpu.memory_space<vmem>>, vector<16xi32>,
                    %get3A_323 = arith.constant 112 : index
                    %get3A_324 = tpu.vector_load %arg11[%get3A_323] {strides = array<i32>} : memref<256xi32, #tpu.memory_space<vmem>>, vector<16xi32>,
                    %swap3A_325 = arith.constant 112 : index
                    %swap3A_326 = tpu.vector_load %arg16[%swap3A_325] {strides = array<i32>} : memref<128xi32, #tpu.memory_space<vmem>>, vector<16xi32>,
                    tpu.vector_store %arg16[%swap3A_325], %get3A_324 {strides = array<i32>} : memref<128xi32, #tpu.memory_space<vmem>>, vector<16xi32>,
                    %dma_start3A_327 = arith.constant 0 : i32
                    %dma_start3A_328 = arith.constant 0 : i32
                    %dma_start3A_329 = tpu.memref_slice %arg4[%dma_start3A_327, %dma_start3A_328] : memref<100352x96xf32, #tpu.memory_space<hbm>> -> memref<100352x96xf32, #tpu.memory_space<hbm>>
                    tpu.enqueue_indirect_dma source(%dma_start3A_329 : memref<100352x96xf32, #tpu.memory_space<hbm>>) target(%arg19 : memref<128x96xf32, #tpu.memory_space<vmem>>) offsets(%arg13 : memref<128xi32, #tpu.memory_space<vmem>>) semaphore(%arg24 : memref<!tpu.dma_semaphore, #tpu.memory_space<semaphore_mem>>)
                    %get3A_330 = arith.constant 128 : index
                    %get3A_331 = tpu.vector_load %arg10[%get3A_330] {strides = array<i32>} : memref<256xi32, #tpu.memory_space<vmem>>, vector<16xi32>,
                    %swap3A_332 = arith.constant 0 : index
                    %swap3A_333 = tpu.vector_load %arg10[%swap3A_332] {strides = array<i32>} : memref<256xi32, #tpu.memory_space<vmem>>, vector<16xi32>,
                    tpu.vector_store %arg10[%swap3A_332], %get3A_331 {strides = array<i32>} : memref<256xi32, #tpu.memory_space<vmem>>, vector<16xi32>,
                    %get3A_334 = arith.constant 128 : index
                    %get3A_335 = tpu.vector_load %arg11[%get3A_334] {strides = array<i32>} : memref<256xi32, #tpu.memory_space<vmem>>, vector<16xi32>,
                    %swap3A_336 = arith.constant 0 : index
                    %swap3A_337 = tpu.vector_load %arg11[%swap3A_336] {strides = array<i32>} : memref<256xi32, #tpu.memory_space<vmem>>, vector<16xi32>,
                    tpu.vector_store %arg11[%swap3A_336], %get3A_335 {strides = array<i32>} : memref<256xi32, #tpu.memory_space<vmem>>, vector<16xi32>,
                    %get3A_338 = arith.constant 144 : index
                    %get3A_339 = tpu.vector_load %arg10[%get3A_338] {strides = array<i32>} : memref<256xi32, #tpu.memory_space<vmem>>, vector<16xi32>,
                    %swap3A_340 = arith.constant 16 : index
                    %swap3A_341 = tpu.vector_load %arg10[%swap3A_340] {strides = array<i32>} : memref<256xi32, #tpu.memory_space<vmem>>, vector<16xi32>,
                    tpu.vector_store %arg10[%swap3A_340], %get3A_339 {strides = array<i32>} : memref<256xi32, #tpu.memory_space<vmem>>, vector<16xi32>,
                    %get3A_342 = arith.constant 144 : index
                    %get3A_343 = tpu.vector_load %arg11[%get3A_342] {strides = array<i32>} : memref<256xi32, #tpu.memory_space<vmem>>, vector<16xi32>,
                    %swap3A_344 = arith.constant 16 : index
                    %swap3A_345 = tpu.vector_load %arg11[%swap3A_344] {strides = array<i32>} : memref<256xi32, #tpu.memory_space<vmem>>, vector<16xi32>,
                    tpu.vector_store %arg11[%swap3A_344], %get3A_343 {strides = array<i32>} : memref<256xi32, #tpu.memory_space<vmem>>, vector<16xi32>,
                    %get3A_346 = arith.constant 160 : index
                    %get3A_347 = tpu.vector_load %arg10[%get3A_346] {strides = array<i32>} : memref<256xi32, #tpu.memory_space<vmem>>, vector<16xi32>,
                    %swap3A_348 = arith.constant 32 : index
                    %swap3A_349 = tpu.vector_load %arg10[%swap3A_348] {strides = array<i32>} : memref<256xi32, #tpu.memory_space<vmem>>, vector<16xi32>,
                    tpu.vector_store %arg10[%swap3A_348], %get3A_347 {strides = array<i32>} : memref<256xi32, #tpu.memory_space<vmem>>, vector<16xi32>,
                    %get3A_350 = arith.constant 160 : index
                    %get3A_351 = tpu.vector_load %arg11[%get3A_350] {strides = array<i32>} : memref<256xi32, #tpu.memory_space<vmem>>, vector<16xi32>,
                    %swap3A_352 = arith.constant 32 : index
                    %swap3A_353 = tpu.vector_load %arg11[%swap3A_352] {strides = array<i32>} : memref<256xi32, #tpu.memory_space<vmem>>, vector<16xi32>,
                    tpu.vector_store %arg11[%swap3A_352], %get3A_351 {strides = array<i32>} : memref<256xi32, #tpu.memory_space<vmem>>, vector<16xi32>,
                    %get3A_354 = arith.constant 176 : index
                    %get3A_355 = tpu.vector_load %arg10[%get3A_354] {strides = array<i32>} : memref<256xi32, #tpu.memory_space<vmem>>, vector<16xi32>,
                    %swap3A_356 = arith.constant 48 : index
                    %swap3A_357 = tpu.vector_load %arg10[%swap3A_356] {strides = array<i32>} : memref<256xi32, #tpu.memory_space<vmem>>, vector<16xi32>,
                    tpu.vector_store %arg10[%swap3A_356], %get3A_355 {strides = array<i32>} : memref<256xi32, #tpu.memory_space<vmem>>, vector<16xi32>,
                    %get3A_358 = arith.constant 176 : index
                    %get3A_359 = tpu.vector_load %arg11[%get3A_358] {strides = array<i32>} : memref<256xi32, #tpu.memory_space<vmem>>, vector<16xi32>,
                    %swap3A_360 = arith.constant 48 : index
                    %swap3A_361 = tpu.vector_load %arg11[%swap3A_360] {strides = array<i32>} : memref<256xi32, #tpu.memory_space<vmem>>, vector<16xi32>,
                    tpu.vector_store %arg11[%swap3A_360], %get3A_359 {strides = array<i32>} : memref<256xi32, #tpu.memory_space<vmem>>, vector<16xi32>,
                    %get3A_362 = arith.constant 192 : index
                    %get3A_363 = tpu.vector_load %arg10[%get3A_362] {strides = array<i32>} : memref<256xi32, #tpu.memory_space<vmem>>, vector<16xi32>,
                    %swap3A_364 = arith.constant 64 : index
                    %swap3A_365 = tpu.vector_load %arg10[%swap3A_364] {strides = array<i32>} : memref<256xi32, #tpu.memory_space<vmem>>, vector<16xi32>,
                    tpu.vector_store %arg10[%swap3A_364], %get3A_363 {strides = array<i32>} : memref<256xi32, #tpu.memory_space<vmem>>, vector<16xi32>,
                    %get3A_366 = arith.constant 192 : index
                    %get3A_367 = tpu.vector_load %arg11[%get3A_366] {strides = array<i32>} : memref<256xi32, #tpu.memory_space<vmem>>, vector<16xi32>,
                    %swap3A_368 = arith.constant 64 : index
                    %swap3A_369 = tpu.vector_load %arg11[%swap3A_368] {strides = array<i32>} : memref<256xi32, #tpu.memory_space<vmem>>, vector<16xi32>,
                    tpu.vector_store %arg11[%swap3A_368], %get3A_367 {strides = array<i32>} : memref<256xi32, #tpu.memory_space<vmem>>, vector<16xi32>,
                    %get3A_370 = arith.constant 208 : index
                    %get3A_371 = tpu.vector_load %arg10[%get3A_370] {strides = array<i32>} : memref<256xi32, #tpu.memory_space<vmem>>, vector<16xi32>,
                    %swap3A_372 = arith.constant 80 : index
                    %swap3A_373 = tpu.vector_load %arg10[%swap3A_372] {strides = array<i32>} : memref<256xi32, #tpu.memory_space<vmem>>, vector<16xi32>,
                    tpu.vector_store %arg10[%swap3A_372], %get3A_371 {strides = array<i32>} : memref<256xi32, #tpu.memory_space<vmem>>, vector<16xi32>,
                    %get3A_374 = arith.constant 208 : index
                    %get3A_375 = tpu.vector_load %arg11[%get3A_374] {strides = array<i32>} : memref<256xi32, #tpu.memory_space<vmem>>, vector<16xi32>,
                    %swap3A_376 = arith.constant 80 : index
                    %swap3A_377 = tpu.vector_load %arg11[%swap3A_376] {strides = array<i32>} : memref<256xi32, #tpu.memory_space<vmem>>, vector<16xi32>,
                    tpu.vector_store %arg11[%swap3A_376], %get3A_375 {strides = array<i32>} : memref<256xi32, #tpu.memory_space<vmem>>, vector<16xi32>,
                    %get3A_378 = arith.constant 224 : index
                    %get3A_379 = tpu.vector_load %arg10[%get3A_378] {strides = array<i32>} : memref<256xi32, #tpu.memory_space<vmem>>, vector<16xi32>,
                    %swap3A_380 = arith.constant 96 : index
                    %swap3A_381 = tpu.vector_load %arg10[%swap3A_380] {strides = array<i32>} : memref<256xi32, #tpu.memory_space<vmem>>, vector<16xi32>,
                    tpu.vector_store %arg10[%swap3A_380], %get3A_379 {strides = array<i32>} : memref<256xi32, #tpu.memory_space<vmem>>, vector<16xi32>,
                    %get3A_382 = arith.constant 224 : index
                    %get3A_383 = tpu.vector_load %arg11[%get3A_382] {strides = array<i32>} : memref<256xi32, #tpu.memory_space<vmem>>, vector<16xi32>,
                    %swap3A_384 = arith.constant 96 : index
                    %swap3A_385 = tpu.vector_load %arg11[%swap3A_384] {strides = array<i32>} : memref<256xi32, #tpu.memory_space<vmem>>, vector<16xi32>,
                    tpu.vector_store %arg11[%swap3A_384], %get3A_383 {strides = array<i32>} : memref<256xi32, #tpu.memory_space<vmem>>, vector<16xi32>,
                    %get3A_386 = arith.constant 240 : index
                    %get3A_387 = tpu.vector_load %arg10[%get3A_386] {strides = array<i32>} : memref<256xi32, #tpu.memory_space<vmem>>, vector<16xi32>,
                    %swap3A_388 = arith.constant 112 : index
                    %swap3A_389 = tpu.vector_load %arg10[%swap3A_388] {strides = array<i32>} : memref<256xi32, #tpu.memory_space<vmem>>, vector<16xi32>,
                    tpu.vector_store %arg10[%swap3A_388], %get3A_387 {strides = array<i32>} : memref<256xi32, #tpu.memory_space<vmem>>, vector<16xi32>,
                    %get3A_390 = arith.constant 240 : index
                    %get3A_391 = tpu.vector_load %arg11[%get3A_390] {strides = array<i32>} : memref<256xi32, #tpu.memory_space<vmem>>, vector<16xi32>,
                    %swap3A_392 = arith.constant 112 : index
                    %swap3A_393 = tpu.vector_load %arg11[%swap3A_392] {strides = array<i32>} : memref<256xi32, #tpu.memory_space<vmem>>, vector<16xi32>,
                    tpu.vector_store %arg11[%swap3A_392], %get3A_391 {strides = array<i32>} : memref<256xi32, #tpu.memory_space<vmem>>, vector<16xi32>,
                    %sub3A = arith.constant 128 : i32
                    %sub3A_394 = arith.subi %scan3A_220, %sub3A : i32
                    %add3A_395 = arith.constant 1 : i32
                    %add3A_396 = arith.addi %scan3A_215, %add3A_395 : i32
                    scf.yield %sub3A_394, %add3A_396 : i32, i32
                  } else {
                    %ge3A_254 = arith.constant 1 : i32
                    %ge3A_255 = arith.cmpi sge, %scan3A_215, %ge3A_254 : i32
                    %convert_element_type3A_256 = arith.extui %ge3A_255 : i1 to i32
                    %cond3A_257 = arith.constant 0 : i32
                    %cond3A_258 = arith.cmpi ne, %convert_element_type3A_256, %cond3A_257 : i32
                    scf.if %cond3A_258 {
                      %dma_wait3A_397 = arith.constant 0 : i32
                      %dma_wait3A_398 = arith.constant 0 : i32
                      %dma_wait3A_399 = tpu.memref_slice %arg4[%dma_wait3A_397, %dma_wait3A_398] : memref<100352x96xf32, #tpu.memory_space<hbm>> -> memref<100352x96xf32, #tpu.memory_space<hbm>>
                      tpu.wait_indirect_dma semaphore(%arg24 : memref<!tpu.dma_semaphore, #tpu.memory_space<semaphore_mem>>) src(%dma_wait3A_399 : memref<100352x96xf32, #tpu.memory_space<hbm>>) dst(%arg19 : memref<128x96xf32, #tpu.memory_space<vmem>>)
                      %dma_start3A_400 = arith.constant 0 : i32
                      %dma_start3A_401 = arith.constant 0 : i32
                      %dma_start3A_402 = tpu.memref_slice %arg22[%dma_start3A_400, %dma_start3A_401] : memref<12608x96xf32, #tpu.memory_space<vmem_shared>> -> memref<12608x96xf32, #tpu.memory_space<vmem_shared>>
                      tpu.enqueue_indirect_dma source(%arg19 : memref<128x96xf32, #tpu.memory_space<vmem>>) target(%dma_start3A_402 : memref<12608x96xf32, #tpu.memory_space<vmem_shared>>) offsets(%arg16 : memref<128xi32, #tpu.memory_space<vmem>>) semaphore(%arg27 : memref<!tpu.dma_semaphore, #tpu.memory_space<semaphore_mem>>) {add = true}
                    } else {
                    }
                    %ge3A_259 = arith.constant 3 : i32
                    %ge3A_260 = arith.cmpi sge, %scan3A_215, %ge3A_259 : i32
                    %convert_element_type3A_261 = arith.extui %ge3A_260 : i1 to i32
                    %cond3A_262 = arith.constant 0 : i32
                    %cond3A_263 = arith.cmpi ne, %convert_element_type3A_261, %cond3A_262 : i32
                    scf.if %cond3A_263 {
                      %dma_wait3A_397 = arith.constant 0 : i32
                      %dma_wait3A_398 = arith.constant 0 : i32
                      %dma_wait3A_399 = tpu.memref_slice %arg22[%dma_wait3A_397, %dma_wait3A_398] : memref<12608x96xf32, #tpu.memory_space<vmem_shared>> -> memref<12608x96xf32, #tpu.memory_space<vmem_shared>>
                      tpu.wait_indirect_dma semaphore(%arg28 : memref<!tpu.dma_semaphore, #tpu.memory_space<semaphore_mem>>) src(%arg20 : memref<128x96xf32, #tpu.memory_space<vmem>>) dst(%dma_wait3A_399 : memref<12608x96xf32, #tpu.memory_space<vmem_shared>>)
                    } else {
                    }
                    %get3A = arith.constant 0 : index
                    %get3A_264 = tpu.vector_load %arg10[%get3A] {strides = array<i32>} : memref<256xi32, #tpu.memory_space<vmem>>, vector<16xi32>,
                    %swap3A_265 = arith.constant 0 : index
                    %swap3A_266 = tpu.vector_load %arg14[%swap3A_265] {strides = array<i32>} : memref<128xi32, #tpu.memory_space<vmem>>, vector<16xi32>,
                    tpu.vector_store %arg14[%swap3A_265], %get3A_264 {strides = array<i32>} : memref<128xi32, #tpu.memory_space<vmem>>, vector<16xi32>,
                    %get3A_267 = arith.constant 0 : index
                    %get3A_268 = tpu.vector_load %arg11[%get3A_267] {strides = array<i32>} : memref<256xi32, #tpu.memory_space<vmem>>, vector<16xi32>,
                    %swap3A_269 = arith.constant 0 : index
                    %swap3A_270 = tpu.vector_load %arg17[%swap3A_269] {strides = array<i32>} : memref<128xi32, #tpu.memory_space<vmem>>, vector<16xi32>,
                    tpu.vector_store %arg17[%swap3A_269], %get3A_268 {strides = array<i32>} : memref<128xi32, #tpu.memory_space<vmem>>, vector<16xi32>,
                    %get3A_271 = arith.constant 16 : index
                    %get3A_272 = tpu.vector_load %arg10[%get3A_271] {strides = array<i32>} : memref<256xi32, #tpu.memory_space<vmem>>, vector<16xi32>,
                    %swap3A_273 = arith.constant 16 : index
                    %swap3A_274 = tpu.vector_load %arg14[%swap3A_273] {strides = array<i32>} : memref<128xi32, #tpu.memory_space<vmem>>, vector<16xi32>,
                    tpu.vector_store %arg14[%swap3A_273], %get3A_272 {strides = array<i32>} : memref<128xi32, #tpu.memory_space<vmem>>, vector<16xi32>,
                    %get3A_275 = arith.constant 16 : index
                    %get3A_276 = tpu.vector_load %arg11[%get3A_275] {strides = array<i32>} : memref<256xi32, #tpu.memory_space<vmem>>, vector<16xi32>,
                    %swap3A_277 = arith.constant 16 : index
                    %swap3A_278 = tpu.vector_load %arg17[%swap3A_277] {strides = array<i32>} : memref<128xi32, #tpu.memory_space<vmem>>, vector<16xi32>,
                    tpu.vector_store %arg17[%swap3A_277], %get3A_276 {strides = array<i32>} : memref<128xi32, #tpu.memory_space<vmem>>, vector<16xi32>,
                    %get3A_279 = arith.constant 32 : index
                    %get3A_280 = tpu.vector_load %arg10[%get3A_279] {strides = array<i32>} : memref<256xi32, #tpu.memory_space<vmem>>, vector<16xi32>,
                    %swap3A_281 = arith.constant 32 : index
                    %swap3A_282 = tpu.vector_load %arg14[%swap3A_281] {strides = array<i32>} : memref<128xi32, #tpu.memory_space<vmem>>, vector<16xi32>,
                    tpu.vector_store %arg14[%swap3A_281], %get3A_280 {strides = array<i32>} : memref<128xi32, #tpu.memory_space<vmem>>, vector<16xi32>,
                    %get3A_283 = arith.constant 32 : index
                    %get3A_284 = tpu.vector_load %arg11[%get3A_283] {strides = array<i32>} : memref<256xi32, #tpu.memory_space<vmem>>, vector<16xi32>,
                    %swap3A_285 = arith.constant 32 : index
                    %swap3A_286 = tpu.vector_load %arg17[%swap3A_285] {strides = array<i32>} : memref<128xi32, #tpu.memory_space<vmem>>, vector<16xi32>,
                    tpu.vector_store %arg17[%swap3A_285], %get3A_284 {strides = array<i32>} : memref<128xi32, #tpu.memory_space<vmem>>, vector<16xi32>,
                    %get3A_287 = arith.constant 48 : index
                    %get3A_288 = tpu.vector_load %arg10[%get3A_287] {strides = array<i32>} : memref<256xi32, #tpu.memory_space<vmem>>, vector<16xi32>,
                    %swap3A_289 = arith.constant 48 : index
                    %swap3A_290 = tpu.vector_load %arg14[%swap3A_289] {strides = array<i32>} : memref<128xi32, #tpu.memory_space<vmem>>, vector<16xi32>,
                    tpu.vector_store %arg14[%swap3A_289], %get3A_288 {strides = array<i32>} : memref<128xi32, #tpu.memory_space<vmem>>, vector<16xi32>,
                    %get3A_291 = arith.constant 48 : index
                    %get3A_292 = tpu.vector_load %arg11[%get3A_291] {strides = array<i32>} : memref<256xi32, #tpu.memory_space<vmem>>, vector<16xi32>,
                    %swap3A_293 = arith.constant 48 : index
                    %swap3A_294 = tpu.vector_load %arg17[%swap3A_293] {strides = array<i32>} : memref<128xi32, #tpu.memory_space<vmem>>, vector<16xi32>,
                    tpu.vector_store %arg17[%swap3A_293], %get3A_292 {strides = array<i32>} : memref<128xi32, #tpu.memory_space<vmem>>, vector<16xi32>,
                    %get3A_295 = arith.constant 64 : index
                    %get3A_296 = tpu.vector_load %arg10[%get3A_295] {strides = array<i32>} : memref<256xi32, #tpu.memory_space<vmem>>, vector<16xi32>,
                    %swap3A_297 = arith.constant 64 : index
                    %swap3A_298 = tpu.vector_load %arg14[%swap3A_297] {strides = array<i32>} : memref<128xi32, #tpu.memory_space<vmem>>, vector<16xi32>,
                    tpu.vector_store %arg14[%swap3A_297], %get3A_296 {strides = array<i32>} : memref<128xi32, #tpu.memory_space<vmem>>, vector<16xi32>,
                    %get3A_299 = arith.constant 64 : index
                    %get3A_300 = tpu.vector_load %arg11[%get3A_299] {strides = array<i32>} : memref<256xi32, #tpu.memory_space<vmem>>, vector<16xi32>,
                    %swap3A_301 = arith.constant 64 : index
                    %swap3A_302 = tpu.vector_load %arg17[%swap3A_301] {strides = array<i32>} : memref<128xi32, #tpu.memory_space<vmem>>, vector<16xi32>,
                    tpu.vector_store %arg17[%swap3A_301], %get3A_300 {strides = array<i32>} : memref<128xi32, #tpu.memory_space<vmem>>, vector<16xi32>,
                    %get3A_303 = arith.constant 80 : index
                    %get3A_304 = tpu.vector_load %arg10[%get3A_303] {strides = array<i32>} : memref<256xi32, #tpu.memory_space<vmem>>, vector<16xi32>,
                    %swap3A_305 = arith.constant 80 : index
                    %swap3A_306 = tpu.vector_load %arg14[%swap3A_305] {strides = array<i32>} : memref<128xi32, #tpu.memory_space<vmem>>, vector<16xi32>,
                    tpu.vector_store %arg14[%swap3A_305], %get3A_304 {strides = array<i32>} : memref<128xi32, #tpu.memory_space<vmem>>, vector<16xi32>,
                    %get3A_307 = arith.constant 80 : index
                    %get3A_308 = tpu.vector_load %arg11[%get3A_307] {strides = array<i32>} : memref<256xi32, #tpu.memory_space<vmem>>, vector<16xi32>,
                    %swap3A_309 = arith.constant 80 : index
                    %swap3A_310 = tpu.vector_load %arg17[%swap3A_309] {strides = array<i32>} : memref<128xi32, #tpu.memory_space<vmem>>, vector<16xi32>,
                    tpu.vector_store %arg17[%swap3A_309], %get3A_308 {strides = array<i32>} : memref<128xi32, #tpu.memory_space<vmem>>, vector<16xi32>,
                    %get3A_311 = arith.constant 96 : index
                    %get3A_312 = tpu.vector_load %arg10[%get3A_311] {strides = array<i32>} : memref<256xi32, #tpu.memory_space<vmem>>, vector<16xi32>,
                    %swap3A_313 = arith.constant 96 : index
                    %swap3A_314 = tpu.vector_load %arg14[%swap3A_313] {strides = array<i32>} : memref<128xi32, #tpu.memory_space<vmem>>, vector<16xi32>,
                    tpu.vector_store %arg14[%swap3A_313], %get3A_312 {strides = array<i32>} : memref<128xi32, #tpu.memory_space<vmem>>, vector<16xi32>,
                    %get3A_315 = arith.constant 96 : index
                    %get3A_316 = tpu.vector_load %arg11[%get3A_315] {strides = array<i32>} : memref<256xi32, #tpu.memory_space<vmem>>, vector<16xi32>,
                    %swap3A_317 = arith.constant 96 : index
                    %swap3A_318 = tpu.vector_load %arg17[%swap3A_317] {strides = array<i32>} : memref<128xi32, #tpu.memory_space<vmem>>, vector<16xi32>,
                    tpu.vector_store %arg17[%swap3A_317], %get3A_316 {strides = array<i32>} : memref<128xi32, #tpu.memory_space<vmem>>, vector<16xi32>,
                    %get3A_319 = arith.constant 112 : index
                    %get3A_320 = tpu.vector_load %arg10[%get3A_319] {strides = array<i32>} : memref<256xi32, #tpu.memory_space<vmem>>, vector<16xi32>,
                    %swap3A_321 = arith.constant 112 : index
                    %swap3A_322 = tpu.vector_load %arg14[%swap3A_321] {strides = array<i32>} : memref<128xi32, #tpu.memory_space<vmem>>, vector<16xi32>,
                    tpu.vector_store %arg14[%swap3A_321], %get3A_320 {strides = array<i32>} : memref<128xi32, #tpu.memory_space<vmem>>, vector<16xi32>,
                    %get3A_323 = arith.constant 112 : index
                    %get3A_324 = tpu.vector_load %arg11[%get3A_323] {strides = array<i32>} : memref<256xi32, #tpu.memory_space<vmem>>, vector<16xi32>,
                    %swap3A_325 = arith.constant 112 : index
                    %swap3A_326 = tpu.vector_load %arg17[%swap3A_325] {strides = array<i32>} : memref<128xi32, #tpu.memory_space<vmem>>, vector<16xi32>,
                    tpu.vector_store %arg17[%swap3A_325], %get3A_324 {strides = array<i32>} : memref<128xi32, #tpu.memory_space<vmem>>, vector<16xi32>,
                    %dma_start3A_327 = arith.constant 0 : i32
                    %dma_start3A_328 = arith.constant 0 : i32
                    %dma_start3A_329 = tpu.memref_slice %arg4[%dma_start3A_327, %dma_start3A_328] : memref<100352x96xf32, #tpu.memory_space<hbm>> -> memref<100352x96xf32, #tpu.memory_space<hbm>>
                    tpu.enqueue_indirect_dma source(%dma_start3A_329 : memref<100352x96xf32, #tpu.memory_space<hbm>>) target(%arg20 : memref<128x96xf32, #tpu.memory_space<vmem>>) offsets(%arg14 : memref<128xi32, #tpu.memory_space<vmem>>) semaphore(%arg25 : memref<!tpu.dma_semaphore, #tpu.memory_space<semaphore_mem>>)
                    %get3A_330 = arith.constant 128 : index
                    %get3A_331 = tpu.vector_load %arg10[%get3A_330] {strides = array<i32>} : memref<256xi32, #tpu.memory_space<vmem>>, vector<16xi32>,
                    %swap3A_332 = arith.constant 0 : index
                    %swap3A_333 = tpu.vector_load %arg10[%swap3A_332] {strides = array<i32>} : memref<256xi32, #tpu.memory_space<vmem>>, vector<16xi32>,
                    tpu.vector_store %arg10[%swap3A_332], %get3A_331 {strides = array<i32>} : memref<256xi32, #tpu.memory_space<vmem>>, vector<16xi32>,
                    %get3A_334 = arith.constant 128 : index
                    %get3A_335 = tpu.vector_load %arg11[%get3A_334] {strides = array<i32>} : memref<256xi32, #tpu.memory_space<vmem>>, vector<16xi32>,
                    %swap3A_336 = arith.constant 0 : index
                    %swap3A_337 = tpu.vector_load %arg11[%swap3A_336] {strides = array<i32>} : memref<256xi32, #tpu.memory_space<vmem>>, vector<16xi32>,
                    tpu.vector_store %arg11[%swap3A_336], %get3A_335 {strides = array<i32>} : memref<256xi32, #tpu.memory_space<vmem>>, vector<16xi32>,
                    %get3A_338 = arith.constant 144 : index
                    %get3A_339 = tpu.vector_load %arg10[%get3A_338] {strides = array<i32>} : memref<256xi32, #tpu.memory_space<vmem>>, vector<16xi32>,
                    %swap3A_340 = arith.constant 16 : index
                    %swap3A_341 = tpu.vector_load %arg10[%swap3A_340] {strides = array<i32>} : memref<256xi32, #tpu.memory_space<vmem>>, vector<16xi32>,
                    tpu.vector_store %arg10[%swap3A_340], %get3A_339 {strides = array<i32>} : memref<256xi32, #tpu.memory_space<vmem>>, vector<16xi32>,
                    %get3A_342 = arith.constant 144 : index
                    %get3A_343 = tpu.vector_load %arg11[%get3A_342] {strides = array<i32>} : memref<256xi32, #tpu.memory_space<vmem>>, vector<16xi32>,
                    %swap3A_344 = arith.constant 16 : index
                    %swap3A_345 = tpu.vector_load %arg11[%swap3A_344] {strides = array<i32>} : memref<256xi32, #tpu.memory_space<vmem>>, vector<16xi32>,
                    tpu.vector_store %arg11[%swap3A_344], %get3A_343 {strides = array<i32>} : memref<256xi32, #tpu.memory_space<vmem>>, vector<16xi32>,
                    %get3A_346 = arith.constant 160 : index
                    %get3A_347 = tpu.vector_load %arg10[%get3A_346] {strides = array<i32>} : memref<256xi32, #tpu.memory_space<vmem>>, vector<16xi32>,
                    %swap3A_348 = arith.constant 32 : index
                    %swap3A_349 = tpu.vector_load %arg10[%swap3A_348] {strides = array<i32>} : memref<256xi32, #tpu.memory_space<vmem>>, vector<16xi32>,
                    tpu.vector_store %arg10[%swap3A_348], %get3A_347 {strides = array<i32>} : memref<256xi32, #tpu.memory_space<vmem>>, vector<16xi32>,
                    %get3A_350 = arith.constant 160 : index
                    %get3A_351 = tpu.vector_load %arg11[%get3A_350] {strides = array<i32>} : memref<256xi32, #tpu.memory_space<vmem>>, vector<16xi32>,
                    %swap3A_352 = arith.constant 32 : index
                    %swap3A_353 = tpu.vector_load %arg11[%swap3A_352] {strides = array<i32>} : memref<256xi32, #tpu.memory_space<vmem>>, vector<16xi32>,
                    tpu.vector_store %arg11[%swap3A_352], %get3A_351 {strides = array<i32>} : memref<256xi32, #tpu.memory_space<vmem>>, vector<16xi32>,
                    %get3A_354 = arith.constant 176 : index
                    %get3A_355 = tpu.vector_load %arg10[%get3A_354] {strides = array<i32>} : memref<256xi32, #tpu.memory_space<vmem>>, vector<16xi32>,
                    %swap3A_356 = arith.constant 48 : index
                    %swap3A_357 = tpu.vector_load %arg10[%swap3A_356] {strides = array<i32>} : memref<256xi32, #tpu.memory_space<vmem>>, vector<16xi32>,
                    tpu.vector_store %arg10[%swap3A_356], %get3A_355 {strides = array<i32>} : memref<256xi32, #tpu.memory_space<vmem>>, vector<16xi32>,
                    %get3A_358 = arith.constant 176 : index
                    %get3A_359 = tpu.vector_load %arg11[%get3A_358] {strides = array<i32>} : memref<256xi32, #tpu.memory_space<vmem>>, vector<16xi32>,
                    %swap3A_360 = arith.constant 48 : index
                    %swap3A_361 = tpu.vector_load %arg11[%swap3A_360] {strides = array<i32>} : memref<256xi32, #tpu.memory_space<vmem>>, vector<16xi32>,
                    tpu.vector_store %arg11[%swap3A_360], %get3A_359 {strides = array<i32>} : memref<256xi32, #tpu.memory_space<vmem>>, vector<16xi32>,
                    %get3A_362 = arith.constant 192 : index
                    %get3A_363 = tpu.vector_load %arg10[%get3A_362] {strides = array<i32>} : memref<256xi32, #tpu.memory_space<vmem>>, vector<16xi32>,
                    %swap3A_364 = arith.constant 64 : index
                    %swap3A_365 = tpu.vector_load %arg10[%swap3A_364] {strides = array<i32>} : memref<256xi32, #tpu.memory_space<vmem>>, vector<16xi32>,
                    tpu.vector_store %arg10[%swap3A_364], %get3A_363 {strides = array<i32>} : memref<256xi32, #tpu.memory_space<vmem>>, vector<16xi32>,
                    %get3A_366 = arith.constant 192 : index
                    %get3A_367 = tpu.vector_load %arg11[%get3A_366] {strides = array<i32>} : memref<256xi32, #tpu.memory_space<vmem>>, vector<16xi32>,
                    %swap3A_368 = arith.constant 64 : index
                    %swap3A_369 = tpu.vector_load %arg11[%swap3A_368] {strides = array<i32>} : memref<256xi32, #tpu.memory_space<vmem>>, vector<16xi32>,
                    tpu.vector_store %arg11[%swap3A_368], %get3A_367 {strides = array<i32>} : memref<256xi32, #tpu.memory_space<vmem>>, vector<16xi32>,
                    %get3A_370 = arith.constant 208 : index
                    %get3A_371 = tpu.vector_load %arg10[%get3A_370] {strides = array<i32>} : memref<256xi32, #tpu.memory_space<vmem>>, vector<16xi32>,
                    %swap3A_372 = arith.constant 80 : index
                    %swap3A_373 = tpu.vector_load %arg10[%swap3A_372] {strides = array<i32>} : memref<256xi32, #tpu.memory_space<vmem>>, vector<16xi32>,
                    tpu.vector_store %arg10[%swap3A_372], %get3A_371 {strides = array<i32>} : memref<256xi32, #tpu.memory_space<vmem>>, vector<16xi32>,
                    %get3A_374 = arith.constant 208 : index
                    %get3A_375 = tpu.vector_load %arg11[%get3A_374] {strides = array<i32>} : memref<256xi32, #tpu.memory_space<vmem>>, vector<16xi32>,
                    %swap3A_376 = arith.constant 80 : index
                    %swap3A_377 = tpu.vector_load %arg11[%swap3A_376] {strides = array<i32>} : memref<256xi32, #tpu.memory_space<vmem>>, vector<16xi32>,
                    tpu.vector_store %arg11[%swap3A_376], %get3A_375 {strides = array<i32>} : memref<256xi32, #tpu.memory_space<vmem>>, vector<16xi32>,
                    %get3A_378 = arith.constant 224 : index
                    %get3A_379 = tpu.vector_load %arg10[%get3A_378] {strides = array<i32>} : memref<256xi32, #tpu.memory_space<vmem>>, vector<16xi32>,
                    %swap3A_380 = arith.constant 96 : index
                    %swap3A_381 = tpu.vector_load %arg10[%swap3A_380] {strides = array<i32>} : memref<256xi32, #tpu.memory_space<vmem>>, vector<16xi32>,
                    tpu.vector_store %arg10[%swap3A_380], %get3A_379 {strides = array<i32>} : memref<256xi32, #tpu.memory_space<vmem>>, vector<16xi32>,
                    %get3A_382 = arith.constant 224 : index
                    %get3A_383 = tpu.vector_load %arg11[%get3A_382] {strides = array<i32>} : memref<256xi32, #tpu.memory_space<vmem>>, vector<16xi32>,
                    %swap3A_384 = arith.constant 96 : index
                    %swap3A_385 = tpu.vector_load %arg11[%swap3A_384] {strides = array<i32>} : memref<256xi32, #tpu.memory_space<vmem>>, vector<16xi32>,
                    tpu.vector_store %arg11[%swap3A_384], %get3A_383 {strides = array<i32>} : memref<256xi32, #tpu.memory_space<vmem>>, vector<16xi32>,
                    %get3A_386 = arith.constant 240 : index
                    %get3A_387 = tpu.vector_load %arg10[%get3A_386] {strides = array<i32>} : memref<256xi32, #tpu.memory_space<vmem>>, vector<16xi32>,
                    %swap3A_388 = arith.constant 112 : index
                    %swap3A_389 = tpu.vector_load %arg10[%swap3A_388] {strides = array<i32>} : memref<256xi32, #tpu.memory_space<vmem>>, vector<16xi32>,
                    tpu.vector_store %arg10[%swap3A_388], %get3A_387 {strides = array<i32>} : memref<256xi32, #tpu.memory_space<vmem>>, vector<16xi32>,
                    %get3A_390 = arith.constant 240 : index
                    %get3A_391 = tpu.vector_load %arg11[%get3A_390] {strides = array<i32>} : memref<256xi32, #tpu.memory_space<vmem>>, vector<16xi32>,
                    %swap3A_392 = arith.constant 112 : index
                    %swap3A_393 = tpu.vector_load %arg11[%swap3A_392] {strides = array<i32>} : memref<256xi32, #tpu.memory_space<vmem>>, vector<16xi32>,
                    tpu.vector_store %arg11[%swap3A_392], %get3A_391 {strides = array<i32>} : memref<256xi32, #tpu.memory_space<vmem>>, vector<16xi32>,
                    %sub3A = arith.constant 128 : i32
                    %sub3A_394 = arith.subi %scan3A_220, %sub3A : i32
                    %add3A_395 = arith.constant 1 : i32
                    %add3A_396 = arith.addi %scan3A_215, %add3A_395 : i32
                    scf.yield %sub3A_394, %add3A_396 : i32, i32
                  }
                  scf.yield %cond3A_253#0, %cond3A_253#1 : i32, i32
                }
                scf.yield %cond3A_235#0, %cond3A_235#1 : i32, i32
              } else {
                scf.yield %scan3A_220, %scan3A_215 : i32, i32
              }
              scf.yield %cond3A_227#0, %cond3A_227#1 : i32, i32
            }
            %scan3A_212 = arith.constant 16 : i32
            scf.yield %scan3A_211#0, %scan3A_211#1 : i32, i32
          } else {
            %mul3A_189 = arith.constant 784 : i32
            %mul3A_190 = arith.muli %arg1, %mul3A_189 : i32
            %mul3A_191 = arith.constant 16 : i32
            %mul3A_192 = arith.muli %scan3A_178, %mul3A_191 : i32
            %add3A_193 = arith.addi %mul3A_190, %mul3A_192 : i32
            %dma_wait3A = arith.constant 0 : i32
            %dma_wait3A_194 = tpu.memref_slice %arg2[%add3A_193, %dma_wait3A] : memref<12544x128xi32, #tpu.memory_space<hbm>> -> memref<16x128xi32, #tpu.memory_space<hbm>>
            %dma_wait3A_195 = arith.constant 0 : i32
            %dma_wait3A_196 = tpu.memref_slice %arg2[%add3A_193, %dma_wait3A_195] : memref<12544x128xi32, #tpu.memory_space<hbm>> -> memref<16x128xi32, #tpu.memory_space<hbm>>
            tpu.wait_dma2 semaphore(%arg30 : memref<!tpu.dma_semaphore, #tpu.memory_space<semaphore_mem>>) src(%dma_wait3A_196 : memref<16x128xi32, #tpu.memory_space<hbm>>) dst(%arg7 : memref<16x128xi32, #tpu.memory_space<vmem>>)
            %dma_wait3A_197 = arith.constant 0 : i32
            %dma_wait3A_198 = tpu.memref_slice %arg3[%add3A_193, %dma_wait3A_197] : memref<12544x128xi32, #tpu.memory_space<hbm>> -> memref<16x128xi32, #tpu.memory_space<hbm>>
            %dma_wait3A_199 = arith.constant 0 : i32
            %dma_wait3A_200 = tpu.memref_slice %arg3[%add3A_193, %dma_wait3A_199] : memref<12544x128xi32, #tpu.memory_space<hbm>> -> memref<16x128xi32, #tpu.memory_space<hbm>>
            tpu.wait_dma2 semaphore(%arg30 : memref<!tpu.dma_semaphore, #tpu.memory_space<semaphore_mem>>) src(%dma_wait3A_200 : memref<16x128xi32, #tpu.memory_space<hbm>>) dst(%arg9 : memref<16x128xi32, #tpu.memory_space<vmem>>)
            %add3A_201 = arith.constant 1 : i32
            %add3A_202 = arith.addi %scan3A_178, %add3A_201 : i32
            %lt3A = arith.constant 49 : i32
            %lt3A_203 = arith.cmpi slt, %add3A_202, %lt3A : i32
            %convert_element_type3A_204 = arith.extui %lt3A_203 : i1 to i32
            %cond3A_205 = arith.constant 0 : i32
            %cond3A_206 = arith.cmpi ne, %convert_element_type3A_204, %cond3A_205 : i32
            scf.if %cond3A_206 {
              %add3A_213 = arith.constant 1 : i32
              %add3A_214 = arith.addi %scan3A_178, %add3A_213 : i32
              %mul3A_215 = arith.constant 784 : i32
              %mul3A_216 = arith.muli %arg1, %mul3A_215 : i32
              %mul3A_217 = arith.constant 16 : i32
              %mul3A_218 = arith.muli %add3A_214, %mul3A_217 : i32
              %add3A_219 = arith.addi %mul3A_216, %mul3A_218 : i32
              %dma_start3A_220 = arith.constant 0 : i32
              %dma_start3A_221 = tpu.memref_slice %arg2[%add3A_219, %dma_start3A_220] : memref<12544x128xi32, #tpu.memory_space<hbm>> -> memref<16x128xi32, #tpu.memory_space<hbm>>
              %dma_start3A_222 = arith.constant 0 : i32
              %dma_start3A_223 = tpu.memref_slice %arg2[%add3A_219, %dma_start3A_222] : memref<12544x128xi32, #tpu.memory_space<hbm>> -> memref<16x128xi32, #tpu.memory_space<hbm>>
              tpu.enqueue_dma source(%dma_start3A_223 : memref<16x128xi32, #tpu.memory_space<hbm>>) target(%arg6 : memref<16x128xi32, #tpu.memory_space<vmem>>) target_semaphore(%arg29 : memref<!tpu.dma_semaphore, #tpu.memory_space<semaphore_mem>>)
              %dma_start3A_224 = arith.constant 0 : i32
              %dma_start3A_225 = tpu.memref_slice %arg3[%add3A_219, %dma_start3A_224] : memref<12544x128xi32, #tpu.memory_space<hbm>> -> memref<16x128xi32, #tpu.memory_space<hbm>>
              %dma_start3A_226 = arith.constant 0 : i32
              %dma_start3A_227 = tpu.memref_slice %arg3[%add3A_219, %dma_start3A_226] : memref<12544x128xi32, #tpu.memory_space<hbm>> -> memref<16x128xi32, #tpu.memory_space<hbm>>
              tpu.enqueue_dma source(%dma_start3A_227 : memref<16x128xi32, #tpu.memory_space<hbm>>) target(%arg8 : memref<16x128xi32, #tpu.memory_space<vmem>>) target_semaphore(%arg29 : memref<!tpu.dma_semaphore, #tpu.memory_space<semaphore_mem>>)
            } else {
            }
            %scan3A_207 = arith.constant 0 : i32
            %scan3A_208 = arith.constant 16 : i32
            %scan3A_209 = arith.addi %scan3A_207, %scan3A_208 : i32
            %scan3A_210 = arith.constant 1 : i32
            %scan3A_211:2 = scf.for %scan3A_213 = %scan3A_207 to %scan3A_209 step %scan3A_210 iter_args(%scan3A_214 = %scan3A_179, %scan3A_215 = %scan3A_180) -> (i32, i32)  : i32 {
              %scan3A_216 = arith.constant 0 : i32
              %scan3A_217 = arith.constant 8 : i32
              %scan3A_218 = arith.addi %scan3A_216, %scan3A_217 : i32
              %scan3A_219 = arith.constant 1 : i32
              %scan3A_220 = scf.for %scan3A_228 = %scan3A_216 to %scan3A_218 step %scan3A_219 iter_args(%scan3A_229 = %scan3A_214) -> (i32)  : i32 {
                %mul3A_230 = arith.constant 16 : i32
                %mul3A_231 = arith.muli %scan3A_228, %mul3A_230 : i32
                %get3A = arith.index_cast %scan3A_213 : i32 to index
                %get3A_232 = arith.index_cast %mul3A_231 : i32 to index
                %get3A_233 = tpu.vector_load %arg7[%get3A, %get3A_232] {strides = array<i32>} : memref<16x128xi32, #tpu.memory_space<vmem>>, vector<16xi32>,
                %mul3A_234 = arith.constant 16 : i32
                %mul3A_235 = arith.muli %scan3A_228, %mul3A_234 : i32
                %get3A_236 = arith.index_cast %scan3A_213 : i32 to index
                %get3A_237 = arith.index_cast %mul3A_235 : i32 to index
                %get3A_238 = tpu.vector_load %arg9[%get3A_236, %get3A_237] {strides = array<i32>} : memref<16x128xi32, #tpu.memory_space<vmem>>, vector<16xi32>,
                %ge3A_239 = vector.broadcast %mul3A_13 : i32 to vector<16xi32>
                %ge3A_240 = arith.cmpi sge, %get3A_238, %ge3A_239 : vector<16xi32>
                %add3A_241 = arith.constant 12544 : i32
                %add3A_242 = arith.addi %mul3A_13, %add3A_241 : i32
                %lt3A_243 = vector.broadcast %add3A_242 : i32 to vector<16xi32>
                %lt3A_244 = arith.cmpi slt, %get3A_238, %lt3A_243 : vector<16xi32>
                %and3A = arith.andi %ge3A_240, %lt3A_244 : vector<16xi1>
                %sub3A = vector.broadcast %mul3A_13 : i32 to vector<16xi32>
                %sub3A_245 = arith.subi %get3A_238, %sub3A : vector<16xi32>
                %swap3A_246 = arith.index_cast %scan3A_229 : i32 to index
                %swap3A_247 = tpu.vector_load %arg10[%swap3A_246] masked %and3A {strides = array<i32>} : memref<256xi32, #tpu.memory_space<vmem>>, vector<16xi32>, vector<16xi1>
                tpu.vector_store %arg10[%swap3A_246], %get3A_233 masked %and3A {strides = array<i32>} : memref<256xi32, #tpu.memory_space<vmem>>, vector<16xi32>, vector<16xi1>
                %swap3A_248 = arith.index_cast %scan3A_229 : i32 to index
                %swap3A_249 = tpu.vector_load %arg11[%swap3A_248] masked %and3A {strides = array<i32>} : memref<256xi32, #tpu.memory_space<vmem>>, vector<16xi32>, vector<16xi1>
                tpu.vector_store %arg11[%swap3A_248], %sub3A_245 masked %and3A {strides = array<i32>} : memref<256xi32, #tpu.memory_space<vmem>>, vector<16xi32>, vector<16xi1>
                %all_reduce_population_count3A = tpu.all_reduce %and3A {dim = 0 : i64, kind = #tpu.reduction_kind<sum>} : vector<16xi1> -> vector<16xi32>
                %slice3A = vector.extract_strided_slice %all_reduce_population_count3A {offsets = [0], sizes = [1], strides = [1]} : vector<16xi32> to vector<1xi32>
                %squeeze3A = vector.extract %slice3A[0] : i32 from vector<1xi32>
                %add3A_250 = arith.addi %scan3A_229, %squeeze3A : i32
                scf.yield %add3A_250 : i32
              }
              %scan3A_221 = arith.constant 8 : i32
              %ge3A_222 = arith.constant 128 : i32
              %ge3A_223 = arith.cmpi sge, %scan3A_220, %ge3A_222 : i32
              %convert_element_type3A_224 = arith.extui %ge3A_223 : i1 to i32
              %cond3A_225 = arith.constant 0 : i32
              %cond3A_226 = arith.cmpi ne, %convert_element_type3A_224, %cond3A_225 : i32
              %cond3A_227:2 = scf.if %cond3A_226 -> (i32, i32) {
                %rem3A_228 = arith.constant 3 : i32
                %rem3A_229 = arith.remsi %scan3A_215, %rem3A_228 : i32
                %eq3A_230 = arith.constant 0 : i32
                %eq3A_231 = arith.cmpi eq, %rem3A_229, %eq3A_230 : i32
                %convert_element_type3A_232 = arith.extui %eq3A_231 : i1 to i32
                %cond3A_233 = arith.constant 0 : i32
                %cond3A_234 = arith.cmpi ne, %convert_element_type3A_232, %cond3A_233 : i32
                %cond3A_235:2 = scf.if %cond3A_234 -> (i32, i32) {
                  %ge3A_236 = arith.constant 1 : i32
                  %ge3A_237 = arith.cmpi sge, %scan3A_215, %ge3A_236 : i32
                  %convert_element_type3A_238 = arith.extui %ge3A_237 : i1 to i32
                  %cond3A_239 = arith.constant 0 : i32
                  %cond3A_240 = arith.cmpi ne, %convert_element_type3A_238, %cond3A_239 : i32
                  scf.if %cond3A_240 {
                    %dma_wait3A_379 = arith.constant 0 : i32
                    %dma_wait3A_380 = arith.constant 0 : i32
                    %dma_wait3A_381 = tpu.memref_slice %arg4[%dma_wait3A_379, %dma_wait3A_380] : memref<100352x96xf32, #tpu.memory_space<hbm>> -> memref<100352x96xf32, #tpu.memory_space<hbm>>
                    tpu.wait_indirect_dma semaphore(%arg25 : memref<!tpu.dma_semaphore, #tpu.memory_space<semaphore_mem>>) src(%dma_wait3A_381 : memref<100352x96xf32, #tpu.memory_space<hbm>>) dst(%arg20 : memref<128x96xf32, #tpu.memory_space<vmem>>)
                    %dma_start3A_382 = arith.constant 0 : i32
                    %dma_start3A_383 = arith.constant 0 : i32
                    %dma_start3A_384 = tpu.memref_slice %arg22[%dma_start3A_382, %dma_start3A_383] : memref<12608x96xf32, #tpu.memory_space<vmem_shared>> -> memref<12608x96xf32, #tpu.memory_space<vmem_shared>>
                    tpu.enqueue_indirect_dma source(%arg20 : memref<128x96xf32, #tpu.memory_space<vmem>>) target(%dma_start3A_384 : memref<12608x96xf32, #tpu.memory_space<vmem_shared>>) offsets(%arg17 : memref<128xi32, #tpu.memory_space<vmem>>) semaphore(%arg28 : memref<!tpu.dma_semaphore, #tpu.memory_space<semaphore_mem>>) {add = true}
                  } else {
                  }
                  %ge3A_241 = arith.constant 3 : i32
                  %ge3A_242 = arith.cmpi sge, %scan3A_215, %ge3A_241 : i32
                  %convert_element_type3A_243 = arith.extui %ge3A_242 : i1 to i32
                  %cond3A_244 = arith.constant 0 : i32
                  %cond3A_245 = arith.cmpi ne, %convert_element_type3A_243, %cond3A_244 : i32
                  scf.if %cond3A_245 {
                    %dma_wait3A_379 = arith.constant 0 : i32
                    %dma_wait3A_380 = arith.constant 0 : i32
                    %dma_wait3A_381 = tpu.memref_slice %arg22[%dma_wait3A_379, %dma_wait3A_380] : memref<12608x96xf32, #tpu.memory_space<vmem_shared>> -> memref<12608x96xf32, #tpu.memory_space<vmem_shared>>
                    tpu.wait_indirect_dma semaphore(%arg26 : memref<!tpu.dma_semaphore, #tpu.memory_space<semaphore_mem>>) src(%arg18 : memref<128x96xf32, #tpu.memory_space<vmem>>) dst(%dma_wait3A_381 : memref<12608x96xf32, #tpu.memory_space<vmem_shared>>)
                  } else {
                  }
                  %get3A = arith.constant 0 : index
                  %get3A_246 = tpu.vector_load %arg10[%get3A] {strides = array<i32>} : memref<256xi32, #tpu.memory_space<vmem>>, vector<16xi32>,
                  %swap3A_247 = arith.constant 0 : index
                  %swap3A_248 = tpu.vector_load %arg12[%swap3A_247] {strides = array<i32>} : memref<128xi32, #tpu.memory_space<vmem>>, vector<16xi32>,
                  tpu.vector_store %arg12[%swap3A_247], %get3A_246 {strides = array<i32>} : memref<128xi32, #tpu.memory_space<vmem>>, vector<16xi32>,
                  %get3A_249 = arith.constant 0 : index
                  %get3A_250 = tpu.vector_load %arg11[%get3A_249] {strides = array<i32>} : memref<256xi32, #tpu.memory_space<vmem>>, vector<16xi32>,
                  %swap3A_251 = arith.constant 0 : index
                  %swap3A_252 = tpu.vector_load %arg15[%swap3A_251] {strides = array<i32>} : memref<128xi32, #tpu.memory_space<vmem>>, vector<16xi32>,
                  tpu.vector_store %arg15[%swap3A_251], %get3A_250 {strides = array<i32>} : memref<128xi32, #tpu.memory_space<vmem>>, vector<16xi32>,
                  %get3A_253 = arith.constant 16 : index
                  %get3A_254 = tpu.vector_load %arg10[%get3A_253] {strides = array<i32>} : memref<256xi32, #tpu.memory_space<vmem>>, vector<16xi32>,
                  %swap3A_255 = arith.constant 16 : index
                  %swap3A_256 = tpu.vector_load %arg12[%swap3A_255] {strides = array<i32>} : memref<128xi32, #tpu.memory_space<vmem>>, vector<16xi32>,
                  tpu.vector_store %arg12[%swap3A_255], %get3A_254 {strides = array<i32>} : memref<128xi32, #tpu.memory_space<vmem>>, vector<16xi32>,
                  %get3A_257 = arith.constant 16 : index
                  %get3A_258 = tpu.vector_load %arg11[%get3A_257] {strides = array<i32>} : memref<256xi32, #tpu.memory_space<vmem>>, vector<16xi32>,
                  %swap3A_259 = arith.constant 16 : index
                  %swap3A_260 = tpu.vector_load %arg15[%swap3A_259] {strides = array<i32>} : memref<128xi32, #tpu.memory_space<vmem>>, vector<16xi32>,
                  tpu.vector_store %arg15[%swap3A_259], %get3A_258 {strides = array<i32>} : memref<128xi32, #tpu.memory_space<vmem>>, vector<16xi32>,
                  %get3A_261 = arith.constant 32 : index
                  %get3A_262 = tpu.vector_load %arg10[%get3A_261] {strides = array<i32>} : memref<256xi32, #tpu.memory_space<vmem>>, vector<16xi32>,
                  %swap3A_263 = arith.constant 32 : index
                  %swap3A_264 = tpu.vector_load %arg12[%swap3A_263] {strides = array<i32>} : memref<128xi32, #tpu.memory_space<vmem>>, vector<16xi32>,
                  tpu.vector_store %arg12[%swap3A_263], %get3A_262 {strides = array<i32>} : memref<128xi32, #tpu.memory_space<vmem>>, vector<16xi32>,
                  %get3A_265 = arith.constant 32 : index
                  %get3A_266 = tpu.vector_load %arg11[%get3A_265] {strides = array<i32>} : memref<256xi32, #tpu.memory_space<vmem>>, vector<16xi32>,
                  %swap3A_267 = arith.constant 32 : index
                  %swap3A_268 = tpu.vector_load %arg15[%swap3A_267] {strides = array<i32>} : memref<128xi32, #tpu.memory_space<vmem>>, vector<16xi32>,
                  tpu.vector_store %arg15[%swap3A_267], %get3A_266 {strides = array<i32>} : memref<128xi32, #tpu.memory_space<vmem>>, vector<16xi32>,
                  %get3A_269 = arith.constant 48 : index
                  %get3A_270 = tpu.vector_load %arg10[%get3A_269] {strides = array<i32>} : memref<256xi32, #tpu.memory_space<vmem>>, vector<16xi32>,
                  %swap3A_271 = arith.constant 48 : index
                  %swap3A_272 = tpu.vector_load %arg12[%swap3A_271] {strides = array<i32>} : memref<128xi32, #tpu.memory_space<vmem>>, vector<16xi32>,
                  tpu.vector_store %arg12[%swap3A_271], %get3A_270 {strides = array<i32>} : memref<128xi32, #tpu.memory_space<vmem>>, vector<16xi32>,
                  %get3A_273 = arith.constant 48 : index
                  %get3A_274 = tpu.vector_load %arg11[%get3A_273] {strides = array<i32>} : memref<256xi32, #tpu.memory_space<vmem>>, vector<16xi32>,
                  %swap3A_275 = arith.constant 48 : index
                  %swap3A_276 = tpu.vector_load %arg15[%swap3A_275] {strides = array<i32>} : memref<128xi32, #tpu.memory_space<vmem>>, vector<16xi32>,
                  tpu.vector_store %arg15[%swap3A_275], %get3A_274 {strides = array<i32>} : memref<128xi32, #tpu.memory_space<vmem>>, vector<16xi32>,
                  %get3A_277 = arith.constant 64 : index
                  %get3A_278 = tpu.vector_load %arg10[%get3A_277] {strides = array<i32>} : memref<256xi32, #tpu.memory_space<vmem>>, vector<16xi32>,
                  %swap3A_279 = arith.constant 64 : index
                  %swap3A_280 = tpu.vector_load %arg12[%swap3A_279] {strides = array<i32>} : memref<128xi32, #tpu.memory_space<vmem>>, vector<16xi32>,
                  tpu.vector_store %arg12[%swap3A_279], %get3A_278 {strides = array<i32>} : memref<128xi32, #tpu.memory_space<vmem>>, vector<16xi32>,
                  %get3A_281 = arith.constant 64 : index
                  %get3A_282 = tpu.vector_load %arg11[%get3A_281] {strides = array<i32>} : memref<256xi32, #tpu.memory_space<vmem>>, vector<16xi32>,
                  %swap3A_283 = arith.constant 64 : index
                  %swap3A_284 = tpu.vector_load %arg15[%swap3A_283] {strides = array<i32>} : memref<128xi32, #tpu.memory_space<vmem>>, vector<16xi32>,
                  tpu.vector_store %arg15[%swap3A_283], %get3A_282 {strides = array<i32>} : memref<128xi32, #tpu.memory_space<vmem>>, vector<16xi32>,
                  %get3A_285 = arith.constant 80 : index
                  %get3A_286 = tpu.vector_load %arg10[%get3A_285] {strides = array<i32>} : memref<256xi32, #tpu.memory_space<vmem>>, vector<16xi32>,
                  %swap3A_287 = arith.constant 80 : index
                  %swap3A_288 = tpu.vector_load %arg12[%swap3A_287] {strides = array<i32>} : memref<128xi32, #tpu.memory_space<vmem>>, vector<16xi32>,
                  tpu.vector_store %arg12[%swap3A_287], %get3A_286 {strides = array<i32>} : memref<128xi32, #tpu.memory_space<vmem>>, vector<16xi32>,
                  %get3A_289 = arith.constant 80 : index
                  %get3A_290 = tpu.vector_load %arg11[%get3A_289] {strides = array<i32>} : memref<256xi32, #tpu.memory_space<vmem>>, vector<16xi32>,
                  %swap3A_291 = arith.constant 80 : index
                  %swap3A_292 = tpu.vector_load %arg15[%swap3A_291] {strides = array<i32>} : memref<128xi32, #tpu.memory_space<vmem>>, vector<16xi32>,
                  tpu.vector_store %arg15[%swap3A_291], %get3A_290 {strides = array<i32>} : memref<128xi32, #tpu.memory_space<vmem>>, vector<16xi32>,
                  %get3A_293 = arith.constant 96 : index
                  %get3A_294 = tpu.vector_load %arg10[%get3A_293] {strides = array<i32>} : memref<256xi32, #tpu.memory_space<vmem>>, vector<16xi32>,
                  %swap3A_295 = arith.constant 96 : index
                  %swap3A_296 = tpu.vector_load %arg12[%swap3A_295] {strides = array<i32>} : memref<128xi32, #tpu.memory_space<vmem>>, vector<16xi32>,
                  tpu.vector_store %arg12[%swap3A_295], %get3A_294 {strides = array<i32>} : memref<128xi32, #tpu.memory_space<vmem>>, vector<16xi32>,
                  %get3A_297 = arith.constant 96 : index
                  %get3A_298 = tpu.vector_load %arg11[%get3A_297] {strides = array<i32>} : memref<256xi32, #tpu.memory_space<vmem>>, vector<16xi32>,
                  %swap3A_299 = arith.constant 96 : index
                  %swap3A_300 = tpu.vector_load %arg15[%swap3A_299] {strides = array<i32>} : memref<128xi32, #tpu.memory_space<vmem>>, vector<16xi32>,
                  tpu.vector_store %arg15[%swap3A_299], %get3A_298 {strides = array<i32>} : memref<128xi32, #tpu.memory_space<vmem>>, vector<16xi32>,
                  %get3A_301 = arith.constant 112 : index
                  %get3A_302 = tpu.vector_load %arg10[%get3A_301] {strides = array<i32>} : memref<256xi32, #tpu.memory_space<vmem>>, vector<16xi32>,
                  %swap3A_303 = arith.constant 112 : index
                  %swap3A_304 = tpu.vector_load %arg12[%swap3A_303] {strides = array<i32>} : memref<128xi32, #tpu.memory_space<vmem>>, vector<16xi32>,
                  tpu.vector_store %arg12[%swap3A_303], %get3A_302 {strides = array<i32>} : memref<128xi32, #tpu.memory_space<vmem>>, vector<16xi32>,
                  %get3A_305 = arith.constant 112 : index
                  %get3A_306 = tpu.vector_load %arg11[%get3A_305] {strides = array<i32>} : memref<256xi32, #tpu.memory_space<vmem>>, vector<16xi32>,
                  %swap3A_307 = arith.constant 112 : index
                  %swap3A_308 = tpu.vector_load %arg15[%swap3A_307] {strides = array<i32>} : memref<128xi32, #tpu.memory_space<vmem>>, vector<16xi32>,
                  tpu.vector_store %arg15[%swap3A_307], %get3A_306 {strides = array<i32>} : memref<128xi32, #tpu.memory_space<vmem>>, vector<16xi32>,
                  %dma_start3A_309 = arith.constant 0 : i32
                  %dma_start3A_310 = arith.constant 0 : i32
                  %dma_start3A_311 = tpu.memref_slice %arg4[%dma_start3A_309, %dma_start3A_310] : memref<100352x96xf32, #tpu.memory_space<hbm>> -> memref<100352x96xf32, #tpu.memory_space<hbm>>
                  tpu.enqueue_indirect_dma source(%dma_start3A_311 : memref<100352x96xf32, #tpu.memory_space<hbm>>) target(%arg18 : memref<128x96xf32, #tpu.memory_space<vmem>>) offsets(%arg12 : memref<128xi32, #tpu.memory_space<vmem>>) semaphore(%arg23 : memref<!tpu.dma_semaphore, #tpu.memory_space<semaphore_mem>>)
                  %get3A_312 = arith.constant 128 : index
                  %get3A_313 = tpu.vector_load %arg10[%get3A_312] {strides = array<i32>} : memref<256xi32, #tpu.memory_space<vmem>>, vector<16xi32>,
                  %swap3A_314 = arith.constant 0 : index
                  %swap3A_315 = tpu.vector_load %arg10[%swap3A_314] {strides = array<i32>} : memref<256xi32, #tpu.memory_space<vmem>>, vector<16xi32>,
                  tpu.vector_store %arg10[%swap3A_314], %get3A_313 {strides = array<i32>} : memref<256xi32, #tpu.memory_space<vmem>>, vector<16xi32>,
                  %get3A_316 = arith.constant 128 : index
                  %get3A_317 = tpu.vector_load %arg11[%get3A_316] {strides = array<i32>} : memref<256xi32, #tpu.memory_space<vmem>>, vector<16xi32>,
                  %swap3A_318 = arith.constant 0 : index
                  %swap3A_319 = tpu.vector_load %arg11[%swap3A_318] {strides = array<i32>} : memref<256xi32, #tpu.memory_space<vmem>>, vector<16xi32>,
                  tpu.vector_store %arg11[%swap3A_318], %get3A_317 {strides = array<i32>} : memref<256xi32, #tpu.memory_space<vmem>>, vector<16xi32>,
                  %get3A_320 = arith.constant 144 : index
                  %get3A_321 = tpu.vector_load %arg10[%get3A_320] {strides = array<i32>} : memref<256xi32, #tpu.memory_space<vmem>>, vector<16xi32>,
                  %swap3A_322 = arith.constant 16 : index
                  %swap3A_323 = tpu.vector_load %arg10[%swap3A_322] {strides = array<i32>} : memref<256xi32, #tpu.memory_space<vmem>>, vector<16xi32>,
                  tpu.vector_store %arg10[%swap3A_322], %get3A_321 {strides = array<i32>} : memref<256xi32, #tpu.memory_space<vmem>>, vector<16xi32>,
                  %get3A_324 = arith.constant 144 : index
                  %get3A_325 = tpu.vector_load %arg11[%get3A_324] {strides = array<i32>} : memref<256xi32, #tpu.memory_space<vmem>>, vector<16xi32>,
                  %swap3A_326 = arith.constant 16 : index
                  %swap3A_327 = tpu.vector_load %arg11[%swap3A_326] {strides = array<i32>} : memref<256xi32, #tpu.memory_space<vmem>>, vector<16xi32>,
                  tpu.vector_store %arg11[%swap3A_326], %get3A_325 {strides = array<i32>} : memref<256xi32, #tpu.memory_space<vmem>>, vector<16xi32>,
                  %get3A_328 = arith.constant 160 : index
                  %get3A_329 = tpu.vector_load %arg10[%get3A_328] {strides = array<i32>} : memref<256xi32, #tpu.memory_space<vmem>>, vector<16xi32>,
                  %swap3A_330 = arith.constant 32 : index
                  %swap3A_331 = tpu.vector_load %arg10[%swap3A_330] {strides = array<i32>} : memref<256xi32, #tpu.memory_space<vmem>>, vector<16xi32>,
                  tpu.vector_store %arg10[%swap3A_330], %get3A_329 {strides = array<i32>} : memref<256xi32, #tpu.memory_space<vmem>>, vector<16xi32>,
                  %get3A_332 = arith.constant 160 : index
                  %get3A_333 = tpu.vector_load %arg11[%get3A_332] {strides = array<i32>} : memref<256xi32, #tpu.memory_space<vmem>>, vector<16xi32>,
                  %swap3A_334 = arith.constant 32 : index
                  %swap3A_335 = tpu.vector_load %arg11[%swap3A_334] {strides = array<i32>} : memref<256xi32, #tpu.memory_space<vmem>>, vector<16xi32>,
                  tpu.vector_store %arg11[%swap3A_334], %get3A_333 {strides = array<i32>} : memref<256xi32, #tpu.memory_space<vmem>>, vector<16xi32>,
                  %get3A_336 = arith.constant 176 : index
                  %get3A_337 = tpu.vector_load %arg10[%get3A_336] {strides = array<i32>} : memref<256xi32, #tpu.memory_space<vmem>>, vector<16xi32>,
                  %swap3A_338 = arith.constant 48 : index
                  %swap3A_339 = tpu.vector_load %arg10[%swap3A_338] {strides = array<i32>} : memref<256xi32, #tpu.memory_space<vmem>>, vector<16xi32>,
                  tpu.vector_store %arg10[%swap3A_338], %get3A_337 {strides = array<i32>} : memref<256xi32, #tpu.memory_space<vmem>>, vector<16xi32>,
                  %get3A_340 = arith.constant 176 : index
                  %get3A_341 = tpu.vector_load %arg11[%get3A_340] {strides = array<i32>} : memref<256xi32, #tpu.memory_space<vmem>>, vector<16xi32>,
                  %swap3A_342 = arith.constant 48 : index
                  %swap3A_343 = tpu.vector_load %arg11[%swap3A_342] {strides = array<i32>} : memref<256xi32, #tpu.memory_space<vmem>>, vector<16xi32>,
                  tpu.vector_store %arg11[%swap3A_342], %get3A_341 {strides = array<i32>} : memref<256xi32, #tpu.memory_space<vmem>>, vector<16xi32>,
                  %get3A_344 = arith.constant 192 : index
                  %get3A_345 = tpu.vector_load %arg10[%get3A_344] {strides = array<i32>} : memref<256xi32, #tpu.memory_space<vmem>>, vector<16xi32>,
                  %swap3A_346 = arith.constant 64 : index
                  %swap3A_347 = tpu.vector_load %arg10[%swap3A_346] {strides = array<i32>} : memref<256xi32, #tpu.memory_space<vmem>>, vector<16xi32>,
                  tpu.vector_store %arg10[%swap3A_346], %get3A_345 {strides = array<i32>} : memref<256xi32, #tpu.memory_space<vmem>>, vector<16xi32>,
                  %get3A_348 = arith.constant 192 : index
                  %get3A_349 = tpu.vector_load %arg11[%get3A_348] {strides = array<i32>} : memref<256xi32, #tpu.memory_space<vmem>>, vector<16xi32>,
                  %swap3A_350 = arith.constant 64 : index
                  %swap3A_351 = tpu.vector_load %arg11[%swap3A_350] {strides = array<i32>} : memref<256xi32, #tpu.memory_space<vmem>>, vector<16xi32>,
                  tpu.vector_store %arg11[%swap3A_350], %get3A_349 {strides = array<i32>} : memref<256xi32, #tpu.memory_space<vmem>>, vector<16xi32>,
                  %get3A_352 = arith.constant 208 : index
                  %get3A_353 = tpu.vector_load %arg10[%get3A_352] {strides = array<i32>} : memref<256xi32, #tpu.memory_space<vmem>>, vector<16xi32>,
                  %swap3A_354 = arith.constant 80 : index
                  %swap3A_355 = tpu.vector_load %arg10[%swap3A_354] {strides = array<i32>} : memref<256xi32, #tpu.memory_space<vmem>>, vector<16xi32>,
                  tpu.vector_store %arg10[%swap3A_354], %get3A_353 {strides = array<i32>} : memref<256xi32, #tpu.memory_space<vmem>>, vector<16xi32>,
                  %get3A_356 = arith.constant 208 : index
                  %get3A_357 = tpu.vector_load %arg11[%get3A_356] {strides = array<i32>} : memref<256xi32, #tpu.memory_space<vmem>>, vector<16xi32>,
                  %swap3A_358 = arith.constant 80 : index
                  %swap3A_359 = tpu.vector_load %arg11[%swap3A_358] {strides = array<i32>} : memref<256xi32, #tpu.memory_space<vmem>>, vector<16xi32>,
                  tpu.vector_store %arg11[%swap3A_358], %get3A_357 {strides = array<i32>} : memref<256xi32, #tpu.memory_space<vmem>>, vector<16xi32>,
                  %get3A_360 = arith.constant 224 : index
                  %get3A_361 = tpu.vector_load %arg10[%get3A_360] {strides = array<i32>} : memref<256xi32, #tpu.memory_space<vmem>>, vector<16xi32>,
                  %swap3A_362 = arith.constant 96 : index
                  %swap3A_363 = tpu.vector_load %arg10[%swap3A_362] {strides = array<i32>} : memref<256xi32, #tpu.memory_space<vmem>>, vector<16xi32>,
                  tpu.vector_store %arg10[%swap3A_362], %get3A_361 {strides = array<i32>} : memref<256xi32, #tpu.memory_space<vmem>>, vector<16xi32>,
                  %get3A_364 = arith.constant 224 : index
                  %get3A_365 = tpu.vector_load %arg11[%get3A_364] {strides = array<i32>} : memref<256xi32, #tpu.memory_space<vmem>>, vector<16xi32>,
                  %swap3A_366 = arith.constant 96 : index
                  %swap3A_367 = tpu.vector_load %arg11[%swap3A_366] {strides = array<i32>} : memref<256xi32, #tpu.memory_space<vmem>>, vector<16xi32>,
                  tpu.vector_store %arg11[%swap3A_366], %get3A_365 {strides = array<i32>} : memref<256xi32, #tpu.memory_space<vmem>>, vector<16xi32>,
                  %get3A_368 = arith.constant 240 : index
                  %get3A_369 = tpu.vector_load %arg10[%get3A_368] {strides = array<i32>} : memref<256xi32, #tpu.memory_space<vmem>>, vector<16xi32>,
                  %swap3A_370 = arith.constant 112 : index
                  %swap3A_371 = tpu.vector_load %arg10[%swap3A_370] {strides = array<i32>} : memref<256xi32, #tpu.memory_space<vmem>>, vector<16xi32>,
                  tpu.vector_store %arg10[%swap3A_370], %get3A_369 {strides = array<i32>} : memref<256xi32, #tpu.memory_space<vmem>>, vector<16xi32>,
                  %get3A_372 = arith.constant 240 : index
                  %get3A_373 = tpu.vector_load %arg11[%get3A_372] {strides = array<i32>} : memref<256xi32, #tpu.memory_space<vmem>>, vector<16xi32>,
                  %swap3A_374 = arith.constant 112 : index
                  %swap3A_375 = tpu.vector_load %arg11[%swap3A_374] {strides = array<i32>} : memref<256xi32, #tpu.memory_space<vmem>>, vector<16xi32>,
                  tpu.vector_store %arg11[%swap3A_374], %get3A_373 {strides = array<i32>} : memref<256xi32, #tpu.memory_space<vmem>>, vector<16xi32>,
                  %sub3A = arith.constant 128 : i32
                  %sub3A_376 = arith.subi %scan3A_220, %sub3A : i32
                  %add3A_377 = arith.constant 1 : i32
                  %add3A_378 = arith.addi %scan3A_215, %add3A_377 : i32
                  scf.yield %sub3A_376, %add3A_378 : i32, i32
                } else {
                  %jit3A = arith.constant 3 : i32
                  %eq3A_236 = arith.constant 0 : i32
                  %eq3A_237 = arith.cmpi eq, %jit3A, %eq3A_236 : i32
                  %jit3A_238 = arith.constant 1 : i32
                  %select_n3A = arith.select %eq3A_237, %jit3A_238, %jit3A : i32
                  %rem3A_239 = arith.remsi %scan3A_215, %select_n3A : i32
                  %ne3A = arith.constant 0 : i32
                  %ne3A_240 = arith.cmpi ne, %rem3A_239, %ne3A : i32
                  %lt3A_241 = arith.constant 0 : i32
                  %lt3A_242 = arith.cmpi slt, %rem3A_239, %lt3A_241 : i32
                  %lt3A_243 = arith.constant 0 : i32
                  %lt3A_244 = arith.cmpi slt, %select_n3A, %lt3A_243 : i32
                  %ne3A_245 = arith.xori %lt3A_242, %lt3A_244 : i1
                  %and3A = arith.andi %ne3A_245, %ne3A_240 : i1
                  %add3A_246 = arith.addi %rem3A_239, %select_n3A : i32
                  %select_n3A_247 = arith.select %and3A, %add3A_246, %rem3A_239 : i32
                  %eq3A_248 = arith.constant 1 : i32
                  %eq3A_249 = arith.cmpi eq, %select_n3A_247, %eq3A_248 : i32
                  %convert_element_type3A_250 = arith.extui %eq3A_249 : i1 to i32
                  %cond3A_251 = arith.constant 0 : i32
                  %cond3A_252 = arith.cmpi ne, %convert_element_type3A_250, %cond3A_251 : i32
                  %cond3A_253:2 = scf.if %cond3A_252 -> (i32, i32) {
                    %ge3A_254 = arith.constant 1 : i32
                    %ge3A_255 = arith.cmpi sge, %scan3A_215, %ge3A_254 : i32
                    %convert_element_type3A_256 = arith.extui %ge3A_255 : i1 to i32
                    %cond3A_257 = arith.constant 0 : i32
                    %cond3A_258 = arith.cmpi ne, %convert_element_type3A_256, %cond3A_257 : i32
                    scf.if %cond3A_258 {
                      %dma_wait3A_397 = arith.constant 0 : i32
                      %dma_wait3A_398 = arith.constant 0 : i32
                      %dma_wait3A_399 = tpu.memref_slice %arg4[%dma_wait3A_397, %dma_wait3A_398] : memref<100352x96xf32, #tpu.memory_space<hbm>> -> memref<100352x96xf32, #tpu.memory_space<hbm>>
                      tpu.wait_indirect_dma semaphore(%arg23 : memref<!tpu.dma_semaphore, #tpu.memory_space<semaphore_mem>>) src(%dma_wait3A_399 : memref<100352x96xf32, #tpu.memory_space<hbm>>) dst(%arg18 : memref<128x96xf32, #tpu.memory_space<vmem>>)
                      %dma_start3A_400 = arith.constant 0 : i32
                      %dma_start3A_401 = arith.constant 0 : i32
                      %dma_start3A_402 = tpu.memref_slice %arg22[%dma_start3A_400, %dma_start3A_401] : memref<12608x96xf32, #tpu.memory_space<vmem_shared>> -> memref<12608x96xf32, #tpu.memory_space<vmem_shared>>
                      tpu.enqueue_indirect_dma source(%arg18 : memref<128x96xf32, #tpu.memory_space<vmem>>) target(%dma_start3A_402 : memref<12608x96xf32, #tpu.memory_space<vmem_shared>>) offsets(%arg15 : memref<128xi32, #tpu.memory_space<vmem>>) semaphore(%arg26 : memref<!tpu.dma_semaphore, #tpu.memory_space<semaphore_mem>>) {add = true}
                    } else {
                    }
                    %ge3A_259 = arith.constant 3 : i32
                    %ge3A_260 = arith.cmpi sge, %scan3A_215, %ge3A_259 : i32
                    %convert_element_type3A_261 = arith.extui %ge3A_260 : i1 to i32
                    %cond3A_262 = arith.constant 0 : i32
                    %cond3A_263 = arith.cmpi ne, %convert_element_type3A_261, %cond3A_262 : i32
                    scf.if %cond3A_263 {
                      %dma_wait3A_397 = arith.constant 0 : i32
                      %dma_wait3A_398 = arith.constant 0 : i32
                      %dma_wait3A_399 = tpu.memref_slice %arg22[%dma_wait3A_397, %dma_wait3A_398] : memref<12608x96xf32, #tpu.memory_space<vmem_shared>> -> memref<12608x96xf32, #tpu.memory_space<vmem_shared>>
                      tpu.wait_indirect_dma semaphore(%arg27 : memref<!tpu.dma_semaphore, #tpu.memory_space<semaphore_mem>>) src(%arg19 : memref<128x96xf32, #tpu.memory_space<vmem>>) dst(%dma_wait3A_399 : memref<12608x96xf32, #tpu.memory_space<vmem_shared>>)
                    } else {
                    }
                    %get3A = arith.constant 0 : index
                    %get3A_264 = tpu.vector_load %arg10[%get3A] {strides = array<i32>} : memref<256xi32, #tpu.memory_space<vmem>>, vector<16xi32>,
                    %swap3A_265 = arith.constant 0 : index
                    %swap3A_266 = tpu.vector_load %arg13[%swap3A_265] {strides = array<i32>} : memref<128xi32, #tpu.memory_space<vmem>>, vector<16xi32>,
                    tpu.vector_store %arg13[%swap3A_265], %get3A_264 {strides = array<i32>} : memref<128xi32, #tpu.memory_space<vmem>>, vector<16xi32>,
                    %get3A_267 = arith.constant 0 : index
                    %get3A_268 = tpu.vector_load %arg11[%get3A_267] {strides = array<i32>} : memref<256xi32, #tpu.memory_space<vmem>>, vector<16xi32>,
                    %swap3A_269 = arith.constant 0 : index
                    %swap3A_270 = tpu.vector_load %arg16[%swap3A_269] {strides = array<i32>} : memref<128xi32, #tpu.memory_space<vmem>>, vector<16xi32>,
                    tpu.vector_store %arg16[%swap3A_269], %get3A_268 {strides = array<i32>} : memref<128xi32, #tpu.memory_space<vmem>>, vector<16xi32>,
                    %get3A_271 = arith.constant 16 : index
                    %get3A_272 = tpu.vector_load %arg10[%get3A_271] {strides = array<i32>} : memref<256xi32, #tpu.memory_space<vmem>>, vector<16xi32>,
                    %swap3A_273 = arith.constant 16 : index
                    %swap3A_274 = tpu.vector_load %arg13[%swap3A_273] {strides = array<i32>} : memref<128xi32, #tpu.memory_space<vmem>>, vector<16xi32>,
                    tpu.vector_store %arg13[%swap3A_273], %get3A_272 {strides = array<i32>} : memref<128xi32, #tpu.memory_space<vmem>>, vector<16xi32>,
                    %get3A_275 = arith.constant 16 : index
                    %get3A_276 = tpu.vector_load %arg11[%get3A_275] {strides = array<i32>} : memref<256xi32, #tpu.memory_space<vmem>>, vector<16xi32>,
                    %swap3A_277 = arith.constant 16 : index
                    %swap3A_278 = tpu.vector_load %arg16[%swap3A_277] {strides = array<i32>} : memref<128xi32, #tpu.memory_space<vmem>>, vector<16xi32>,
                    tpu.vector_store %arg16[%swap3A_277], %get3A_276 {strides = array<i32>} : memref<128xi32, #tpu.memory_space<vmem>>, vector<16xi32>,
                    %get3A_279 = arith.constant 32 : index
                    %get3A_280 = tpu.vector_load %arg10[%get3A_279] {strides = array<i32>} : memref<256xi32, #tpu.memory_space<vmem>>, vector<16xi32>,
                    %swap3A_281 = arith.constant 32 : index
                    %swap3A_282 = tpu.vector_load %arg13[%swap3A_281] {strides = array<i32>} : memref<128xi32, #tpu.memory_space<vmem>>, vector<16xi32>,
                    tpu.vector_store %arg13[%swap3A_281], %get3A_280 {strides = array<i32>} : memref<128xi32, #tpu.memory_space<vmem>>, vector<16xi32>,
                    %get3A_283 = arith.constant 32 : index
                    %get3A_284 = tpu.vector_load %arg11[%get3A_283] {strides = array<i32>} : memref<256xi32, #tpu.memory_space<vmem>>, vector<16xi32>,
                    %swap3A_285 = arith.constant 32 : index
                    %swap3A_286 = tpu.vector_load %arg16[%swap3A_285] {strides = array<i32>} : memref<128xi32, #tpu.memory_space<vmem>>, vector<16xi32>,
                    tpu.vector_store %arg16[%swap3A_285], %get3A_284 {strides = array<i32>} : memref<128xi32, #tpu.memory_space<vmem>>, vector<16xi32>,
                    %get3A_287 = arith.constant 48 : index
                    %get3A_288 = tpu.vector_load %arg10[%get3A_287] {strides = array<i32>} : memref<256xi32, #tpu.memory_space<vmem>>, vector<16xi32>,
                    %swap3A_289 = arith.constant 48 : index
                    %swap3A_290 = tpu.vector_load %arg13[%swap3A_289] {strides = array<i32>} : memref<128xi32, #tpu.memory_space<vmem>>, vector<16xi32>,
                    tpu.vector_store %arg13[%swap3A_289], %get3A_288 {strides = array<i32>} : memref<128xi32, #tpu.memory_space<vmem>>, vector<16xi32>,
                    %get3A_291 = arith.constant 48 : index
                    %get3A_292 = tpu.vector_load %arg11[%get3A_291] {strides = array<i32>} : memref<256xi32, #tpu.memory_space<vmem>>, vector<16xi32>,
                    %swap3A_293 = arith.constant 48 : index
                    %swap3A_294 = tpu.vector_load %arg16[%swap3A_293] {strides = array<i32>} : memref<128xi32, #tpu.memory_space<vmem>>, vector<16xi32>,
                    tpu.vector_store %arg16[%swap3A_293], %get3A_292 {strides = array<i32>} : memref<128xi32, #tpu.memory_space<vmem>>, vector<16xi32>,
                    %get3A_295 = arith.constant 64 : index
                    %get3A_296 = tpu.vector_load %arg10[%get3A_295] {strides = array<i32>} : memref<256xi32, #tpu.memory_space<vmem>>, vector<16xi32>,
                    %swap3A_297 = arith.constant 64 : index
                    %swap3A_298 = tpu.vector_load %arg13[%swap3A_297] {strides = array<i32>} : memref<128xi32, #tpu.memory_space<vmem>>, vector<16xi32>,
                    tpu.vector_store %arg13[%swap3A_297], %get3A_296 {strides = array<i32>} : memref<128xi32, #tpu.memory_space<vmem>>, vector<16xi32>,
                    %get3A_299 = arith.constant 64 : index
                    %get3A_300 = tpu.vector_load %arg11[%get3A_299] {strides = array<i32>} : memref<256xi32, #tpu.memory_space<vmem>>, vector<16xi32>,
                    %swap3A_301 = arith.constant 64 : index
                    %swap3A_302 = tpu.vector_load %arg16[%swap3A_301] {strides = array<i32>} : memref<128xi32, #tpu.memory_space<vmem>>, vector<16xi32>,
                    tpu.vector_store %arg16[%swap3A_301], %get3A_300 {strides = array<i32>} : memref<128xi32, #tpu.memory_space<vmem>>, vector<16xi32>,
                    %get3A_303 = arith.constant 80 : index
                    %get3A_304 = tpu.vector_load %arg10[%get3A_303] {strides = array<i32>} : memref<256xi32, #tpu.memory_space<vmem>>, vector<16xi32>,
                    %swap3A_305 = arith.constant 80 : index
                    %swap3A_306 = tpu.vector_load %arg13[%swap3A_305] {strides = array<i32>} : memref<128xi32, #tpu.memory_space<vmem>>, vector<16xi32>,
                    tpu.vector_store %arg13[%swap3A_305], %get3A_304 {strides = array<i32>} : memref<128xi32, #tpu.memory_space<vmem>>, vector<16xi32>,
                    %get3A_307 = arith.constant 80 : index
                    %get3A_308 = tpu.vector_load %arg11[%get3A_307] {strides = array<i32>} : memref<256xi32, #tpu.memory_space<vmem>>, vector<16xi32>,
                    %swap3A_309 = arith.constant 80 : index
                    %swap3A_310 = tpu.vector_load %arg16[%swap3A_309] {strides = array<i32>} : memref<128xi32, #tpu.memory_space<vmem>>, vector<16xi32>,
                    tpu.vector_store %arg16[%swap3A_309], %get3A_308 {strides = array<i32>} : memref<128xi32, #tpu.memory_space<vmem>>, vector<16xi32>,
                    %get3A_311 = arith.constant 96 : index
                    %get3A_312 = tpu.vector_load %arg10[%get3A_311] {strides = array<i32>} : memref<256xi32, #tpu.memory_space<vmem>>, vector<16xi32>,
                    %swap3A_313 = arith.constant 96 : index
                    %swap3A_314 = tpu.vector_load %arg13[%swap3A_313] {strides = array<i32>} : memref<128xi32, #tpu.memory_space<vmem>>, vector<16xi32>,
                    tpu.vector_store %arg13[%swap3A_313], %get3A_312 {strides = array<i32>} : memref<128xi32, #tpu.memory_space<vmem>>, vector<16xi32>,
                    %get3A_315 = arith.constant 96 : index
                    %get3A_316 = tpu.vector_load %arg11[%get3A_315] {strides = array<i32>} : memref<256xi32, #tpu.memory_space<vmem>>, vector<16xi32>,
                    %swap3A_317 = arith.constant 96 : index
                    %swap3A_318 = tpu.vector_load %arg16[%swap3A_317] {strides = array<i32>} : memref<128xi32, #tpu.memory_space<vmem>>, vector<16xi32>,
                    tpu.vector_store %arg16[%swap3A_317], %get3A_316 {strides = array<i32>} : memref<128xi32, #tpu.memory_space<vmem>>, vector<16xi32>,
                    %get3A_319 = arith.constant 112 : index
                    %get3A_320 = tpu.vector_load %arg10[%get3A_319] {strides = array<i32>} : memref<256xi32, #tpu.memory_space<vmem>>, vector<16xi32>,
                    %swap3A_321 = arith.constant 112 : index
                    %swap3A_322 = tpu.vector_load %arg13[%swap3A_321] {strides = array<i32>} : memref<128xi32, #tpu.memory_space<vmem>>, vector<16xi32>,
                    tpu.vector_store %arg13[%swap3A_321], %get3A_320 {strides = array<i32>} : memref<128xi32, #tpu.memory_space<vmem>>, vector<16xi32>,
                    %get3A_323 = arith.constant 112 : index
                    %get3A_324 = tpu.vector_load %arg11[%get3A_323] {strides = array<i32>} : memref<256xi32, #tpu.memory_space<vmem>>, vector<16xi32>,
                    %swap3A_325 = arith.constant 112 : index
                    %swap3A_326 = tpu.vector_load %arg16[%swap3A_325] {strides = array<i32>} : memref<128xi32, #tpu.memory_space<vmem>>, vector<16xi32>,
                    tpu.vector_store %arg16[%swap3A_325], %get3A_324 {strides = array<i32>} : memref<128xi32, #tpu.memory_space<vmem>>, vector<16xi32>,
                    %dma_start3A_327 = arith.constant 0 : i32
                    %dma_start3A_328 = arith.constant 0 : i32
                    %dma_start3A_329 = tpu.memref_slice %arg4[%dma_start3A_327, %dma_start3A_328] : memref<100352x96xf32, #tpu.memory_space<hbm>> -> memref<100352x96xf32, #tpu.memory_space<hbm>>
                    tpu.enqueue_indirect_dma source(%dma_start3A_329 : memref<100352x96xf32, #tpu.memory_space<hbm>>) target(%arg19 : memref<128x96xf32, #tpu.memory_space<vmem>>) offsets(%arg13 : memref<128xi32, #tpu.memory_space<vmem>>) semaphore(%arg24 : memref<!tpu.dma_semaphore, #tpu.memory_space<semaphore_mem>>)
                    %get3A_330 = arith.constant 128 : index
                    %get3A_331 = tpu.vector_load %arg10[%get3A_330] {strides = array<i32>} : memref<256xi32, #tpu.memory_space<vmem>>, vector<16xi32>,
                    %swap3A_332 = arith.constant 0 : index
                    %swap3A_333 = tpu.vector_load %arg10[%swap3A_332] {strides = array<i32>} : memref<256xi32, #tpu.memory_space<vmem>>, vector<16xi32>,
                    tpu.vector_store %arg10[%swap3A_332], %get3A_331 {strides = array<i32>} : memref<256xi32, #tpu.memory_space<vmem>>, vector<16xi32>,
                    %get3A_334 = arith.constant 128 : index
                    %get3A_335 = tpu.vector_load %arg11[%get3A_334] {strides = array<i32>} : memref<256xi32, #tpu.memory_space<vmem>>, vector<16xi32>,
                    %swap3A_336 = arith.constant 0 : index
                    %swap3A_337 = tpu.vector_load %arg11[%swap3A_336] {strides = array<i32>} : memref<256xi32, #tpu.memory_space<vmem>>, vector<16xi32>,
                    tpu.vector_store %arg11[%swap3A_336], %get3A_335 {strides = array<i32>} : memref<256xi32, #tpu.memory_space<vmem>>, vector<16xi32>,
                    %get3A_338 = arith.constant 144 : index
                    %get3A_339 = tpu.vector_load %arg10[%get3A_338] {strides = array<i32>} : memref<256xi32, #tpu.memory_space<vmem>>, vector<16xi32>,
                    %swap3A_340 = arith.constant 16 : index
                    %swap3A_341 = tpu.vector_load %arg10[%swap3A_340] {strides = array<i32>} : memref<256xi32, #tpu.memory_space<vmem>>, vector<16xi32>,
                    tpu.vector_store %arg10[%swap3A_340], %get3A_339 {strides = array<i32>} : memref<256xi32, #tpu.memory_space<vmem>>, vector<16xi32>,
                    %get3A_342 = arith.constant 144 : index
                    %get3A_343 = tpu.vector_load %arg11[%get3A_342] {strides = array<i32>} : memref<256xi32, #tpu.memory_space<vmem>>, vector<16xi32>,
                    %swap3A_344 = arith.constant 16 : index
                    %swap3A_345 = tpu.vector_load %arg11[%swap3A_344] {strides = array<i32>} : memref<256xi32, #tpu.memory_space<vmem>>, vector<16xi32>,
                    tpu.vector_store %arg11[%swap3A_344], %get3A_343 {strides = array<i32>} : memref<256xi32, #tpu.memory_space<vmem>>, vector<16xi32>,
                    %get3A_346 = arith.constant 160 : index
                    %get3A_347 = tpu.vector_load %arg10[%get3A_346] {strides = array<i32>} : memref<256xi32, #tpu.memory_space<vmem>>, vector<16xi32>,
                    %swap3A_348 = arith.constant 32 : index
                    %swap3A_349 = tpu.vector_load %arg10[%swap3A_348] {strides = array<i32>} : memref<256xi32, #tpu.memory_space<vmem>>, vector<16xi32>,
                    tpu.vector_store %arg10[%swap3A_348], %get3A_347 {strides = array<i32>} : memref<256xi32, #tpu.memory_space<vmem>>, vector<16xi32>,
                    %get3A_350 = arith.constant 160 : index
                    %get3A_351 = tpu.vector_load %arg11[%get3A_350] {strides = array<i32>} : memref<256xi32, #tpu.memory_space<vmem>>, vector<16xi32>,
                    %swap3A_352 = arith.constant 32 : index
                    %swap3A_353 = tpu.vector_load %arg11[%swap3A_352] {strides = array<i32>} : memref<256xi32, #tpu.memory_space<vmem>>, vector<16xi32>,
                    tpu.vector_store %arg11[%swap3A_352], %get3A_351 {strides = array<i32>} : memref<256xi32, #tpu.memory_space<vmem>>, vector<16xi32>,
                    %get3A_354 = arith.constant 176 : index
                    %get3A_355 = tpu.vector_load %arg10[%get3A_354] {strides = array<i32>} : memref<256xi32, #tpu.memory_space<vmem>>, vector<16xi32>,
                    %swap3A_356 = arith.constant 48 : index
                    %swap3A_357 = tpu.vector_load %arg10[%swap3A_356] {strides = array<i32>} : memref<256xi32, #tpu.memory_space<vmem>>, vector<16xi32>,
                    tpu.vector_store %arg10[%swap3A_356], %get3A_355 {strides = array<i32>} : memref<256xi32, #tpu.memory_space<vmem>>, vector<16xi32>,
                    %get3A_358 = arith.constant 176 : index
                    %get3A_359 = tpu.vector_load %arg11[%get3A_358] {strides = array<i32>} : memref<256xi32, #tpu.memory_space<vmem>>, vector<16xi32>,
                    %swap3A_360 = arith.constant 48 : index
                    %swap3A_361 = tpu.vector_load %arg11[%swap3A_360] {strides = array<i32>} : memref<256xi32, #tpu.memory_space<vmem>>, vector<16xi32>,
                    tpu.vector_store %arg11[%swap3A_360], %get3A_359 {strides = array<i32>} : memref<256xi32, #tpu.memory_space<vmem>>, vector<16xi32>,
                    %get3A_362 = arith.constant 192 : index
                    %get3A_363 = tpu.vector_load %arg10[%get3A_362] {strides = array<i32>} : memref<256xi32, #tpu.memory_space<vmem>>, vector<16xi32>,
                    %swap3A_364 = arith.constant 64 : index
                    %swap3A_365 = tpu.vector_load %arg10[%swap3A_364] {strides = array<i32>} : memref<256xi32, #tpu.memory_space<vmem>>, vector<16xi32>,
                    tpu.vector_store %arg10[%swap3A_364], %get3A_363 {strides = array<i32>} : memref<256xi32, #tpu.memory_space<vmem>>, vector<16xi32>,
                    %get3A_366 = arith.constant 192 : index
                    %get3A_367 = tpu.vector_load %arg11[%get3A_366] {strides = array<i32>} : memref<256xi32, #tpu.memory_space<vmem>>, vector<16xi32>,
                    %swap3A_368 = arith.constant 64 : index
                    %swap3A_369 = tpu.vector_load %arg11[%swap3A_368] {strides = array<i32>} : memref<256xi32, #tpu.memory_space<vmem>>, vector<16xi32>,
                    tpu.vector_store %arg11[%swap3A_368], %get3A_367 {strides = array<i32>} : memref<256xi32, #tpu.memory_space<vmem>>, vector<16xi32>,
                    %get3A_370 = arith.constant 208 : index
                    %get3A_371 = tpu.vector_load %arg10[%get3A_370] {strides = array<i32>} : memref<256xi32, #tpu.memory_space<vmem>>, vector<16xi32>,
                    %swap3A_372 = arith.constant 80 : index
                    %swap3A_373 = tpu.vector_load %arg10[%swap3A_372] {strides = array<i32>} : memref<256xi32, #tpu.memory_space<vmem>>, vector<16xi32>,
                    tpu.vector_store %arg10[%swap3A_372], %get3A_371 {strides = array<i32>} : memref<256xi32, #tpu.memory_space<vmem>>, vector<16xi32>,
                    %get3A_374 = arith.constant 208 : index
                    %get3A_375 = tpu.vector_load %arg11[%get3A_374] {strides = array<i32>} : memref<256xi32, #tpu.memory_space<vmem>>, vector<16xi32>,
                    %swap3A_376 = arith.constant 80 : index
                    %swap3A_377 = tpu.vector_load %arg11[%swap3A_376] {strides = array<i32>} : memref<256xi32, #tpu.memory_space<vmem>>, vector<16xi32>,
                    tpu.vector_store %arg11[%swap3A_376], %get3A_375 {strides = array<i32>} : memref<256xi32, #tpu.memory_space<vmem>>, vector<16xi32>,
                    %get3A_378 = arith.constant 224 : index
                    %get3A_379 = tpu.vector_load %arg10[%get3A_378] {strides = array<i32>} : memref<256xi32, #tpu.memory_space<vmem>>, vector<16xi32>,
                    %swap3A_380 = arith.constant 96 : index
                    %swap3A_381 = tpu.vector_load %arg10[%swap3A_380] {strides = array<i32>} : memref<256xi32, #tpu.memory_space<vmem>>, vector<16xi32>,
                    tpu.vector_store %arg10[%swap3A_380], %get3A_379 {strides = array<i32>} : memref<256xi32, #tpu.memory_space<vmem>>, vector<16xi32>,
                    %get3A_382 = arith.constant 224 : index
                    %get3A_383 = tpu.vector_load %arg11[%get3A_382] {strides = array<i32>} : memref<256xi32, #tpu.memory_space<vmem>>, vector<16xi32>,
                    %swap3A_384 = arith.constant 96 : index
                    %swap3A_385 = tpu.vector_load %arg11[%swap3A_384] {strides = array<i32>} : memref<256xi32, #tpu.memory_space<vmem>>, vector<16xi32>,
                    tpu.vector_store %arg11[%swap3A_384], %get3A_383 {strides = array<i32>} : memref<256xi32, #tpu.memory_space<vmem>>, vector<16xi32>,
                    %get3A_386 = arith.constant 240 : index
                    %get3A_387 = tpu.vector_load %arg10[%get3A_386] {strides = array<i32>} : memref<256xi32, #tpu.memory_space<vmem>>, vector<16xi32>,
                    %swap3A_388 = arith.constant 112 : index
                    %swap3A_389 = tpu.vector_load %arg10[%swap3A_388] {strides = array<i32>} : memref<256xi32, #tpu.memory_space<vmem>>, vector<16xi32>,
                    tpu.vector_store %arg10[%swap3A_388], %get3A_387 {strides = array<i32>} : memref<256xi32, #tpu.memory_space<vmem>>, vector<16xi32>,
                    %get3A_390 = arith.constant 240 : index
                    %get3A_391 = tpu.vector_load %arg11[%get3A_390] {strides = array<i32>} : memref<256xi32, #tpu.memory_space<vmem>>, vector<16xi32>,
                    %swap3A_392 = arith.constant 112 : index
                    %swap3A_393 = tpu.vector_load %arg11[%swap3A_392] {strides = array<i32>} : memref<256xi32, #tpu.memory_space<vmem>>, vector<16xi32>,
                    tpu.vector_store %arg11[%swap3A_392], %get3A_391 {strides = array<i32>} : memref<256xi32, #tpu.memory_space<vmem>>, vector<16xi32>,
                    %sub3A = arith.constant 128 : i32
                    %sub3A_394 = arith.subi %scan3A_220, %sub3A : i32
                    %add3A_395 = arith.constant 1 : i32
                    %add3A_396 = arith.addi %scan3A_215, %add3A_395 : i32
                    scf.yield %sub3A_394, %add3A_396 : i32, i32
                  } else {
                    %ge3A_254 = arith.constant 1 : i32
                    %ge3A_255 = arith.cmpi sge, %scan3A_215, %ge3A_254 : i32
                    %convert_element_type3A_256 = arith.extui %ge3A_255 : i1 to i32
                    %cond3A_257 = arith.constant 0 : i32
                    %cond3A_258 = arith.cmpi ne, %convert_element_type3A_256, %cond3A_257 : i32
                    scf.if %cond3A_258 {
                      %dma_wait3A_397 = arith.constant 0 : i32
                      %dma_wait3A_398 = arith.constant 0 : i32
                      %dma_wait3A_399 = tpu.memref_slice %arg4[%dma_wait3A_397, %dma_wait3A_398] : memref<100352x96xf32, #tpu.memory_space<hbm>> -> memref<100352x96xf32, #tpu.memory_space<hbm>>
                      tpu.wait_indirect_dma semaphore(%arg24 : memref<!tpu.dma_semaphore, #tpu.memory_space<semaphore_mem>>) src(%dma_wait3A_399 : memref<100352x96xf32, #tpu.memory_space<hbm>>) dst(%arg19 : memref<128x96xf32, #tpu.memory_space<vmem>>)
                      %dma_start3A_400 = arith.constant 0 : i32
                      %dma_start3A_401 = arith.constant 0 : i32
                      %dma_start3A_402 = tpu.memref_slice %arg22[%dma_start3A_400, %dma_start3A_401] : memref<12608x96xf32, #tpu.memory_space<vmem_shared>> -> memref<12608x96xf32, #tpu.memory_space<vmem_shared>>
                      tpu.enqueue_indirect_dma source(%arg19 : memref<128x96xf32, #tpu.memory_space<vmem>>) target(%dma_start3A_402 : memref<12608x96xf32, #tpu.memory_space<vmem_shared>>) offsets(%arg16 : memref<128xi32, #tpu.memory_space<vmem>>) semaphore(%arg27 : memref<!tpu.dma_semaphore, #tpu.memory_space<semaphore_mem>>) {add = true}
                    } else {
                    }
                    %ge3A_259 = arith.constant 3 : i32
                    %ge3A_260 = arith.cmpi sge, %scan3A_215, %ge3A_259 : i32
                    %convert_element_type3A_261 = arith.extui %ge3A_260 : i1 to i32
                    %cond3A_262 = arith.constant 0 : i32
                    %cond3A_263 = arith.cmpi ne, %convert_element_type3A_261, %cond3A_262 : i32
                    scf.if %cond3A_263 {
                      %dma_wait3A_397 = arith.constant 0 : i32
                      %dma_wait3A_398 = arith.constant 0 : i32
                      %dma_wait3A_399 = tpu.memref_slice %arg22[%dma_wait3A_397, %dma_wait3A_398] : memref<12608x96xf32, #tpu.memory_space<vmem_shared>> -> memref<12608x96xf32, #tpu.memory_space<vmem_shared>>
                      tpu.wait_indirect_dma semaphore(%arg28 : memref<!tpu.dma_semaphore, #tpu.memory_space<semaphore_mem>>) src(%arg20 : memref<128x96xf32, #tpu.memory_space<vmem>>) dst(%dma_wait3A_399 : memref<12608x96xf32, #tpu.memory_space<vmem_shared>>)
                    } else {
                    }
                    %get3A = arith.constant 0 : index
                    %get3A_264 = tpu.vector_load %arg10[%get3A] {strides = array<i32>} : memref<256xi32, #tpu.memory_space<vmem>>, vector<16xi32>,
                    %swap3A_265 = arith.constant 0 : index
                    %swap3A_266 = tpu.vector_load %arg14[%swap3A_265] {strides = array<i32>} : memref<128xi32, #tpu.memory_space<vmem>>, vector<16xi32>,
                    tpu.vector_store %arg14[%swap3A_265], %get3A_264 {strides = array<i32>} : memref<128xi32, #tpu.memory_space<vmem>>, vector<16xi32>,
                    %get3A_267 = arith.constant 0 : index
                    %get3A_268 = tpu.vector_load %arg11[%get3A_267] {strides = array<i32>} : memref<256xi32, #tpu.memory_space<vmem>>, vector<16xi32>,
                    %swap3A_269 = arith.constant 0 : index
                    %swap3A_270 = tpu.vector_load %arg17[%swap3A_269] {strides = array<i32>} : memref<128xi32, #tpu.memory_space<vmem>>, vector<16xi32>,
                    tpu.vector_store %arg17[%swap3A_269], %get3A_268 {strides = array<i32>} : memref<128xi32, #tpu.memory_space<vmem>>, vector<16xi32>,
                    %get3A_271 = arith.constant 16 : index
                    %get3A_272 = tpu.vector_load %arg10[%get3A_271] {strides = array<i32>} : memref<256xi32, #tpu.memory_space<vmem>>, vector<16xi32>,
                    %swap3A_273 = arith.constant 16 : index
                    %swap3A_274 = tpu.vector_load %arg14[%swap3A_273] {strides = array<i32>} : memref<128xi32, #tpu.memory_space<vmem>>, vector<16xi32>,
                    tpu.vector_store %arg14[%swap3A_273], %get3A_272 {strides = array<i32>} : memref<128xi32, #tpu.memory_space<vmem>>, vector<16xi32>,
                    %get3A_275 = arith.constant 16 : index
                    %get3A_276 = tpu.vector_load %arg11[%get3A_275] {strides = array<i32>} : memref<256xi32, #tpu.memory_space<vmem>>, vector<16xi32>,
                    %swap3A_277 = arith.constant 16 : index
                    %swap3A_278 = tpu.vector_load %arg17[%swap3A_277] {strides = array<i32>} : memref<128xi32, #tpu.memory_space<vmem>>, vector<16xi32>,
                    tpu.vector_store %arg17[%swap3A_277], %get3A_276 {strides = array<i32>} : memref<128xi32, #tpu.memory_space<vmem>>, vector<16xi32>,
                    %get3A_279 = arith.constant 32 : index
                    %get3A_280 = tpu.vector_load %arg10[%get3A_279] {strides = array<i32>} : memref<256xi32, #tpu.memory_space<vmem>>, vector<16xi32>,
                    %swap3A_281 = arith.constant 32 : index
                    %swap3A_282 = tpu.vector_load %arg14[%swap3A_281] {strides = array<i32>} : memref<128xi32, #tpu.memory_space<vmem>>, vector<16xi32>,
                    tpu.vector_store %arg14[%swap3A_281], %get3A_280 {strides = array<i32>} : memref<128xi32, #tpu.memory_space<vmem>>, vector<16xi32>,
                    %get3A_283 = arith.constant 32 : index
                    %get3A_284 = tpu.vector_load %arg11[%get3A_283] {strides = array<i32>} : memref<256xi32, #tpu.memory_space<vmem>>, vector<16xi32>,
                    %swap3A_285 = arith.constant 32 : index
                    %swap3A_286 = tpu.vector_load %arg17[%swap3A_285] {strides = array<i32>} : memref<128xi32, #tpu.memory_space<vmem>>, vector<16xi32>,
                    tpu.vector_store %arg17[%swap3A_285], %get3A_284 {strides = array<i32>} : memref<128xi32, #tpu.memory_space<vmem>>, vector<16xi32>,
                    %get3A_287 = arith.constant 48 : index
                    %get3A_288 = tpu.vector_load %arg10[%get3A_287] {strides = array<i32>} : memref<256xi32, #tpu.memory_space<vmem>>, vector<16xi32>,
                    %swap3A_289 = arith.constant 48 : index
                    %swap3A_290 = tpu.vector_load %arg14[%swap3A_289] {strides = array<i32>} : memref<128xi32, #tpu.memory_space<vmem>>, vector<16xi32>,
                    tpu.vector_store %arg14[%swap3A_289], %get3A_288 {strides = array<i32>} : memref<128xi32, #tpu.memory_space<vmem>>, vector<16xi32>,
                    %get3A_291 = arith.constant 48 : index
                    %get3A_292 = tpu.vector_load %arg11[%get3A_291] {strides = array<i32>} : memref<256xi32, #tpu.memory_space<vmem>>, vector<16xi32>,
                    %swap3A_293 = arith.constant 48 : index
                    %swap3A_294 = tpu.vector_load %arg17[%swap3A_293] {strides = array<i32>} : memref<128xi32, #tpu.memory_space<vmem>>, vector<16xi32>,
                    tpu.vector_store %arg17[%swap3A_293], %get3A_292 {strides = array<i32>} : memref<128xi32, #tpu.memory_space<vmem>>, vector<16xi32>,
                    %get3A_295 = arith.constant 64 : index
                    %get3A_296 = tpu.vector_load %arg10[%get3A_295] {strides = array<i32>} : memref<256xi32, #tpu.memory_space<vmem>>, vector<16xi32>,
                    %swap3A_297 = arith.constant 64 : index
                    %swap3A_298 = tpu.vector_load %arg14[%swap3A_297] {strides = array<i32>} : memref<128xi32, #tpu.memory_space<vmem>>, vector<16xi32>,
                    tpu.vector_store %arg14[%swap3A_297], %get3A_296 {strides = array<i32>} : memref<128xi32, #tpu.memory_space<vmem>>, vector<16xi32>,
                    %get3A_299 = arith.constant 64 : index
                    %get3A_300 = tpu.vector_load %arg11[%get3A_299] {strides = array<i32>} : memref<256xi32, #tpu.memory_space<vmem>>, vector<16xi32>,
                    %swap3A_301 = arith.constant 64 : index
                    %swap3A_302 = tpu.vector_load %arg17[%swap3A_301] {strides = array<i32>} : memref<128xi32, #tpu.memory_space<vmem>>, vector<16xi32>,
                    tpu.vector_store %arg17[%swap3A_301], %get3A_300 {strides = array<i32>} : memref<128xi32, #tpu.memory_space<vmem>>, vector<16xi32>,
                    %get3A_303 = arith.constant 80 : index
                    %get3A_304 = tpu.vector_load %arg10[%get3A_303] {strides = array<i32>} : memref<256xi32, #tpu.memory_space<vmem>>, vector<16xi32>,
                    %swap3A_305 = arith.constant 80 : index
                    %swap3A_306 = tpu.vector_load %arg14[%swap3A_305] {strides = array<i32>} : memref<128xi32, #tpu.memory_space<vmem>>, vector<16xi32>,
                    tpu.vector_store %arg14[%swap3A_305], %get3A_304 {strides = array<i32>} : memref<128xi32, #tpu.memory_space<vmem>>, vector<16xi32>,
                    %get3A_307 = arith.constant 80 : index
                    %get3A_308 = tpu.vector_load %arg11[%get3A_307] {strides = array<i32>} : memref<256xi32, #tpu.memory_space<vmem>>, vector<16xi32>,
                    %swap3A_309 = arith.constant 80 : index
                    %swap3A_310 = tpu.vector_load %arg17[%swap3A_309] {strides = array<i32>} : memref<128xi32, #tpu.memory_space<vmem>>, vector<16xi32>,
                    tpu.vector_store %arg17[%swap3A_309], %get3A_308 {strides = array<i32>} : memref<128xi32, #tpu.memory_space<vmem>>, vector<16xi32>,
                    %get3A_311 = arith.constant 96 : index
                    %get3A_312 = tpu.vector_load %arg10[%get3A_311] {strides = array<i32>} : memref<256xi32, #tpu.memory_space<vmem>>, vector<16xi32>,
                    %swap3A_313 = arith.constant 96 : index
                    %swap3A_314 = tpu.vector_load %arg14[%swap3A_313] {strides = array<i32>} : memref<128xi32, #tpu.memory_space<vmem>>, vector<16xi32>,
                    tpu.vector_store %arg14[%swap3A_313], %get3A_312 {strides = array<i32>} : memref<128xi32, #tpu.memory_space<vmem>>, vector<16xi32>,
                    %get3A_315 = arith.constant 96 : index
                    %get3A_316 = tpu.vector_load %arg11[%get3A_315] {strides = array<i32>} : memref<256xi32, #tpu.memory_space<vmem>>, vector<16xi32>,
                    %swap3A_317 = arith.constant 96 : index
                    %swap3A_318 = tpu.vector_load %arg17[%swap3A_317] {strides = array<i32>} : memref<128xi32, #tpu.memory_space<vmem>>, vector<16xi32>,
                    tpu.vector_store %arg17[%swap3A_317], %get3A_316 {strides = array<i32>} : memref<128xi32, #tpu.memory_space<vmem>>, vector<16xi32>,
                    %get3A_319 = arith.constant 112 : index
                    %get3A_320 = tpu.vector_load %arg10[%get3A_319] {strides = array<i32>} : memref<256xi32, #tpu.memory_space<vmem>>, vector<16xi32>,
                    %swap3A_321 = arith.constant 112 : index
                    %swap3A_322 = tpu.vector_load %arg14[%swap3A_321] {strides = array<i32>} : memref<128xi32, #tpu.memory_space<vmem>>, vector<16xi32>,
                    tpu.vector_store %arg14[%swap3A_321], %get3A_320 {strides = array<i32>} : memref<128xi32, #tpu.memory_space<vmem>>, vector<16xi32>,
                    %get3A_323 = arith.constant 112 : index
                    %get3A_324 = tpu.vector_load %arg11[%get3A_323] {strides = array<i32>} : memref<256xi32, #tpu.memory_space<vmem>>, vector<16xi32>,
                    %swap3A_325 = arith.constant 112 : index
                    %swap3A_326 = tpu.vector_load %arg17[%swap3A_325] {strides = array<i32>} : memref<128xi32, #tpu.memory_space<vmem>>, vector<16xi32>,
                    tpu.vector_store %arg17[%swap3A_325], %get3A_324 {strides = array<i32>} : memref<128xi32, #tpu.memory_space<vmem>>, vector<16xi32>,
                    %dma_start3A_327 = arith.constant 0 : i32
                    %dma_start3A_328 = arith.constant 0 : i32
                    %dma_start3A_329 = tpu.memref_slice %arg4[%dma_start3A_327, %dma_start3A_328] : memref<100352x96xf32, #tpu.memory_space<hbm>> -> memref<100352x96xf32, #tpu.memory_space<hbm>>
                    tpu.enqueue_indirect_dma source(%dma_start3A_329 : memref<100352x96xf32, #tpu.memory_space<hbm>>) target(%arg20 : memref<128x96xf32, #tpu.memory_space<vmem>>) offsets(%arg14 : memref<128xi32, #tpu.memory_space<vmem>>) semaphore(%arg25 : memref<!tpu.dma_semaphore, #tpu.memory_space<semaphore_mem>>)
                    %get3A_330 = arith.constant 128 : index
                    %get3A_331 = tpu.vector_load %arg10[%get3A_330] {strides = array<i32>} : memref<256xi32, #tpu.memory_space<vmem>>, vector<16xi32>,
                    %swap3A_332 = arith.constant 0 : index
                    %swap3A_333 = tpu.vector_load %arg10[%swap3A_332] {strides = array<i32>} : memref<256xi32, #tpu.memory_space<vmem>>, vector<16xi32>,
                    tpu.vector_store %arg10[%swap3A_332], %get3A_331 {strides = array<i32>} : memref<256xi32, #tpu.memory_space<vmem>>, vector<16xi32>,
                    %get3A_334 = arith.constant 128 : index
                    %get3A_335 = tpu.vector_load %arg11[%get3A_334] {strides = array<i32>} : memref<256xi32, #tpu.memory_space<vmem>>, vector<16xi32>,
                    %swap3A_336 = arith.constant 0 : index
                    %swap3A_337 = tpu.vector_load %arg11[%swap3A_336] {strides = array<i32>} : memref<256xi32, #tpu.memory_space<vmem>>, vector<16xi32>,
                    tpu.vector_store %arg11[%swap3A_336], %get3A_335 {strides = array<i32>} : memref<256xi32, #tpu.memory_space<vmem>>, vector<16xi32>,
                    %get3A_338 = arith.constant 144 : index
                    %get3A_339 = tpu.vector_load %arg10[%get3A_338] {strides = array<i32>} : memref<256xi32, #tpu.memory_space<vmem>>, vector<16xi32>,
                    %swap3A_340 = arith.constant 16 : index
                    %swap3A_341 = tpu.vector_load %arg10[%swap3A_340] {strides = array<i32>} : memref<256xi32, #tpu.memory_space<vmem>>, vector<16xi32>,
                    tpu.vector_store %arg10[%swap3A_340], %get3A_339 {strides = array<i32>} : memref<256xi32, #tpu.memory_space<vmem>>, vector<16xi32>,
                    %get3A_342 = arith.constant 144 : index
                    %get3A_343 = tpu.vector_load %arg11[%get3A_342] {strides = array<i32>} : memref<256xi32, #tpu.memory_space<vmem>>, vector<16xi32>,
                    %swap3A_344 = arith.constant 16 : index
                    %swap3A_345 = tpu.vector_load %arg11[%swap3A_344] {strides = array<i32>} : memref<256xi32, #tpu.memory_space<vmem>>, vector<16xi32>,
                    tpu.vector_store %arg11[%swap3A_344], %get3A_343 {strides = array<i32>} : memref<256xi32, #tpu.memory_space<vmem>>, vector<16xi32>,
                    %get3A_346 = arith.constant 160 : index
                    %get3A_347 = tpu.vector_load %arg10[%get3A_346] {strides = array<i32>} : memref<256xi32, #tpu.memory_space<vmem>>, vector<16xi32>,
                    %swap3A_348 = arith.constant 32 : index
                    %swap3A_349 = tpu.vector_load %arg10[%swap3A_348] {strides = array<i32>} : memref<256xi32, #tpu.memory_space<vmem>>, vector<16xi32>,
                    tpu.vector_store %arg10[%swap3A_348], %get3A_347 {strides = array<i32>} : memref<256xi32, #tpu.memory_space<vmem>>, vector<16xi32>,
                    %get3A_350 = arith.constant 160 : index
                    %get3A_351 = tpu.vector_load %arg11[%get3A_350] {strides = array<i32>} : memref<256xi32, #tpu.memory_space<vmem>>, vector<16xi32>,
                    %swap3A_352 = arith.constant 32 : index
                    %swap3A_353 = tpu.vector_load %arg11[%swap3A_352] {strides = array<i32>} : memref<256xi32, #tpu.memory_space<vmem>>, vector<16xi32>,
                    tpu.vector_store %arg11[%swap3A_352], %get3A_351 {strides = array<i32>} : memref<256xi32, #tpu.memory_space<vmem>>, vector<16xi32>,
                    %get3A_354 = arith.constant 176 : index
                    %get3A_355 = tpu.vector_load %arg10[%get3A_354] {strides = array<i32>} : memref<256xi32, #tpu.memory_space<vmem>>, vector<16xi32>,
                    %swap3A_356 = arith.constant 48 : index
                    %swap3A_357 = tpu.vector_load %arg10[%swap3A_356] {strides = array<i32>} : memref<256xi32, #tpu.memory_space<vmem>>, vector<16xi32>,
                    tpu.vector_store %arg10[%swap3A_356], %get3A_355 {strides = array<i32>} : memref<256xi32, #tpu.memory_space<vmem>>, vector<16xi32>,
                    %get3A_358 = arith.constant 176 : index
                    %get3A_359 = tpu.vector_load %arg11[%get3A_358] {strides = array<i32>} : memref<256xi32, #tpu.memory_space<vmem>>, vector<16xi32>,
                    %swap3A_360 = arith.constant 48 : index
                    %swap3A_361 = tpu.vector_load %arg11[%swap3A_360] {strides = array<i32>} : memref<256xi32, #tpu.memory_space<vmem>>, vector<16xi32>,
                    tpu.vector_store %arg11[%swap3A_360], %get3A_359 {strides = array<i32>} : memref<256xi32, #tpu.memory_space<vmem>>, vector<16xi32>,
                    %get3A_362 = arith.constant 192 : index
                    %get3A_363 = tpu.vector_load %arg10[%get3A_362] {strides = array<i32>} : memref<256xi32, #tpu.memory_space<vmem>>, vector<16xi32>,
                    %swap3A_364 = arith.constant 64 : index
                    %swap3A_365 = tpu.vector_load %arg10[%swap3A_364] {strides = array<i32>} : memref<256xi32, #tpu.memory_space<vmem>>, vector<16xi32>,
                    tpu.vector_store %arg10[%swap3A_364], %get3A_363 {strides = array<i32>} : memref<256xi32, #tpu.memory_space<vmem>>, vector<16xi32>,
                    %get3A_366 = arith.constant 192 : index
                    %get3A_367 = tpu.vector_load %arg11[%get3A_366] {strides = array<i32>} : memref<256xi32, #tpu.memory_space<vmem>>, vector<16xi32>,
                    %swap3A_368 = arith.constant 64 : index
                    %swap3A_369 = tpu.vector_load %arg11[%swap3A_368] {strides = array<i32>} : memref<256xi32, #tpu.memory_space<vmem>>, vector<16xi32>,
                    tpu.vector_store %arg11[%swap3A_368], %get3A_367 {strides = array<i32>} : memref<256xi32, #tpu.memory_space<vmem>>, vector<16xi32>,
                    %get3A_370 = arith.constant 208 : index
                    %get3A_371 = tpu.vector_load %arg10[%get3A_370] {strides = array<i32>} : memref<256xi32, #tpu.memory_space<vmem>>, vector<16xi32>,
                    %swap3A_372 = arith.constant 80 : index
                    %swap3A_373 = tpu.vector_load %arg10[%swap3A_372] {strides = array<i32>} : memref<256xi32, #tpu.memory_space<vmem>>, vector<16xi32>,
                    tpu.vector_store %arg10[%swap3A_372], %get3A_371 {strides = array<i32>} : memref<256xi32, #tpu.memory_space<vmem>>, vector<16xi32>,
                    %get3A_374 = arith.constant 208 : index
                    %get3A_375 = tpu.vector_load %arg11[%get3A_374] {strides = array<i32>} : memref<256xi32, #tpu.memory_space<vmem>>, vector<16xi32>,
                    %swap3A_376 = arith.constant 80 : index
                    %swap3A_377 = tpu.vector_load %arg11[%swap3A_376] {strides = array<i32>} : memref<256xi32, #tpu.memory_space<vmem>>, vector<16xi32>,
                    tpu.vector_store %arg11[%swap3A_376], %get3A_375 {strides = array<i32>} : memref<256xi32, #tpu.memory_space<vmem>>, vector<16xi32>,
                    %get3A_378 = arith.constant 224 : index
                    %get3A_379 = tpu.vector_load %arg10[%get3A_378] {strides = array<i32>} : memref<256xi32, #tpu.memory_space<vmem>>, vector<16xi32>,
                    %swap3A_380 = arith.constant 96 : index
                    %swap3A_381 = tpu.vector_load %arg10[%swap3A_380] {strides = array<i32>} : memref<256xi32, #tpu.memory_space<vmem>>, vector<16xi32>,
                    tpu.vector_store %arg10[%swap3A_380], %get3A_379 {strides = array<i32>} : memref<256xi32, #tpu.memory_space<vmem>>, vector<16xi32>,
                    %get3A_382 = arith.constant 224 : index
                    %get3A_383 = tpu.vector_load %arg11[%get3A_382] {strides = array<i32>} : memref<256xi32, #tpu.memory_space<vmem>>, vector<16xi32>,
                    %swap3A_384 = arith.constant 96 : index
                    %swap3A_385 = tpu.vector_load %arg11[%swap3A_384] {strides = array<i32>} : memref<256xi32, #tpu.memory_space<vmem>>, vector<16xi32>,
                    tpu.vector_store %arg11[%swap3A_384], %get3A_383 {strides = array<i32>} : memref<256xi32, #tpu.memory_space<vmem>>, vector<16xi32>,
                    %get3A_386 = arith.constant 240 : index
                    %get3A_387 = tpu.vector_load %arg10[%get3A_386] {strides = array<i32>} : memref<256xi32, #tpu.memory_space<vmem>>, vector<16xi32>,
                    %swap3A_388 = arith.constant 112 : index
                    %swap3A_389 = tpu.vector_load %arg10[%swap3A_388] {strides = array<i32>} : memref<256xi32, #tpu.memory_space<vmem>>, vector<16xi32>,
                    tpu.vector_store %arg10[%swap3A_388], %get3A_387 {strides = array<i32>} : memref<256xi32, #tpu.memory_space<vmem>>, vector<16xi32>,
                    %get3A_390 = arith.constant 240 : index
                    %get3A_391 = tpu.vector_load %arg11[%get3A_390] {strides = array<i32>} : memref<256xi32, #tpu.memory_space<vmem>>, vector<16xi32>,
                    %swap3A_392 = arith.constant 112 : index
                    %swap3A_393 = tpu.vector_load %arg11[%swap3A_392] {strides = array<i32>} : memref<256xi32, #tpu.memory_space<vmem>>, vector<16xi32>,
                    tpu.vector_store %arg11[%swap3A_392], %get3A_391 {strides = array<i32>} : memref<256xi32, #tpu.memory_space<vmem>>, vector<16xi32>,
                    %sub3A = arith.constant 128 : i32
                    %sub3A_394 = arith.subi %scan3A_220, %sub3A : i32
                    %add3A_395 = arith.constant 1 : i32
                    %add3A_396 = arith.addi %scan3A_215, %add3A_395 : i32
                    scf.yield %sub3A_394, %add3A_396 : i32, i32
                  }
                  scf.yield %cond3A_253#0, %cond3A_253#1 : i32, i32
                }
                scf.yield %cond3A_235#0, %cond3A_235#1 : i32, i32
              } else {
                scf.yield %scan3A_220, %scan3A_215 : i32, i32
              }
              scf.yield %cond3A_227#0, %cond3A_227#1 : i32, i32
            }
            %scan3A_212 = arith.constant 16 : i32
            scf.yield %scan3A_211#0, %scan3A_211#1 : i32, i32
          }
          scf.yield %cond3A_188#0, %cond3A_188#1 : i32, i32
        }
        %scan3A_59 = arith.constant 49 : i32
        %broadcast_in_dim3A_60 = arith.constant 0 : i32
        %broadcast_in_dim3A_61 = vector.broadcast %broadcast_in_dim3A_60 : i32 to vector<16xi32>
        %broadcast_in_dim3A_62 = arith.constant 12544 : i32
        %broadcast_in_dim3A_63 = vector.broadcast %broadcast_in_dim3A_62 : i32 to vector<16xi32>
        %add3A_64 = arith.constant 0 : i32
        %add3A_65 = arith.addi %scan3A_58#0, %add3A_64 : i32
        %swap3A = arith.index_cast %add3A_65 : i32 to index
        %swap3A_66 = tpu.vector_load %arg10[%swap3A] {strides = array<i32>} : memref<256xi32, #tpu.memory_space<vmem>>, vector<16xi32>,
        tpu.vector_store %arg10[%swap3A], %broadcast_in_dim3A_61 {strides = array<i32>} : memref<256xi32, #tpu.memory_space<vmem>>, vector<16xi32>,
        %add3A_67 = arith.constant 0 : i32
        %add3A_68 = arith.addi %scan3A_58#0, %add3A_67 : i32
        %swap3A_69 = arith.index_cast %add3A_68 : i32 to index
        %swap3A_70 = tpu.vector_load %arg11[%swap3A_69] {strides = array<i32>} : memref<256xi32, #tpu.memory_space<vmem>>, vector<16xi32>,
        tpu.vector_store %arg11[%swap3A_69], %broadcast_in_dim3A_63 {strides = array<i32>} : memref<256xi32, #tpu.memory_space<vmem>>, vector<16xi32>,
        %add3A_71 = arith.constant 16 : i32
        %add3A_72 = arith.addi %scan3A_58#0, %add3A_71 : i32
        %swap3A_73 = arith.index_cast %add3A_72 : i32 to index
        %swap3A_74 = tpu.vector_load %arg10[%swap3A_73] {strides = array<i32>} : memref<256xi32, #tpu.memory_space<vmem>>, vector<16xi32>,
        tpu.vector_store %arg10[%swap3A_73], %broadcast_in_dim3A_61 {strides = array<i32>} : memref<256xi32, #tpu.memory_space<vmem>>, vector<16xi32>,
        %add3A_75 = arith.constant 16 : i32
        %add3A_76 = arith.addi %scan3A_58#0, %add3A_75 : i32
        %swap3A_77 = arith.index_cast %add3A_76 : i32 to index
        %swap3A_78 = tpu.vector_load %arg11[%swap3A_77] {strides = array<i32>} : memref<256xi32, #tpu.memory_space<vmem>>, vector<16xi32>,
        tpu.vector_store %arg11[%swap3A_77], %broadcast_in_dim3A_63 {strides = array<i32>} : memref<256xi32, #tpu.memory_space<vmem>>, vector<16xi32>,
        %add3A_79 = arith.constant 32 : i32
        %add3A_80 = arith.addi %scan3A_58#0, %add3A_79 : i32
        %swap3A_81 = arith.index_cast %add3A_80 : i32 to index
        %swap3A_82 = tpu.vector_load %arg10[%swap3A_81] {strides = array<i32>} : memref<256xi32, #tpu.memory_space<vmem>>, vector<16xi32>,
        tpu.vector_store %arg10[%swap3A_81], %broadcast_in_dim3A_61 {strides = array<i32>} : memref<256xi32, #tpu.memory_space<vmem>>, vector<16xi32>,
        %add3A_83 = arith.constant 32 : i32
        %add3A_84 = arith.addi %scan3A_58#0, %add3A_83 : i32
        %swap3A_85 = arith.index_cast %add3A_84 : i32 to index
        %swap3A_86 = tpu.vector_load %arg11[%swap3A_85] {strides = array<i32>} : memref<256xi32, #tpu.memory_space<vmem>>, vector<16xi32>,
        tpu.vector_store %arg11[%swap3A_85], %broadcast_in_dim3A_63 {strides = array<i32>} : memref<256xi32, #tpu.memory_space<vmem>>, vector<16xi32>,
        %add3A_87 = arith.constant 48 : i32
        %add3A_88 = arith.addi %scan3A_58#0, %add3A_87 : i32
        %swap3A_89 = arith.index_cast %add3A_88 : i32 to index
        %swap3A_90 = tpu.vector_load %arg10[%swap3A_89] {strides = array<i32>} : memref<256xi32, #tpu.memory_space<vmem>>, vector<16xi32>,
        tpu.vector_store %arg10[%swap3A_89], %broadcast_in_dim3A_61 {strides = array<i32>} : memref<256xi32, #tpu.memory_space<vmem>>, vector<16xi32>,
        %add3A_91 = arith.constant 48 : i32
        %add3A_92 = arith.addi %scan3A_58#0, %add3A_91 : i32
        %swap3A_93 = arith.index_cast %add3A_92 : i32 to index
        %swap3A_94 = tpu.vector_load %arg11[%swap3A_93] {strides = array<i32>} : memref<256xi32, #tpu.memory_space<vmem>>, vector<16xi32>,
        tpu.vector_store %arg11[%swap3A_93], %broadcast_in_dim3A_63 {strides = array<i32>} : memref<256xi32, #tpu.memory_space<vmem>>, vector<16xi32>,
        %add3A_95 = arith.constant 64 : i32
        %add3A_96 = arith.addi %scan3A_58#0, %add3A_95 : i32
        %swap3A_97 = arith.index_cast %add3A_96 : i32 to index
        %swap3A_98 = tpu.vector_load %arg10[%swap3A_97] {strides = array<i32>} : memref<256xi32, #tpu.memory_space<vmem>>, vector<16xi32>,
        tpu.vector_store %arg10[%swap3A_97], %broadcast_in_dim3A_61 {strides = array<i32>} : memref<256xi32, #tpu.memory_space<vmem>>, vector<16xi32>,
        %add3A_99 = arith.constant 64 : i32
        %add3A_100 = arith.addi %scan3A_58#0, %add3A_99 : i32
        %swap3A_101 = arith.index_cast %add3A_100 : i32 to index
        %swap3A_102 = tpu.vector_load %arg11[%swap3A_101] {strides = array<i32>} : memref<256xi32, #tpu.memory_space<vmem>>, vector<16xi32>,
        tpu.vector_store %arg11[%swap3A_101], %broadcast_in_dim3A_63 {strides = array<i32>} : memref<256xi32, #tpu.memory_space<vmem>>, vector<16xi32>,
        %add3A_103 = arith.constant 80 : i32
        %add3A_104 = arith.addi %scan3A_58#0, %add3A_103 : i32
        %swap3A_105 = arith.index_cast %add3A_104 : i32 to index
        %swap3A_106 = tpu.vector_load %arg10[%swap3A_105] {strides = array<i32>} : memref<256xi32, #tpu.memory_space<vmem>>, vector<16xi32>,
        tpu.vector_store %arg10[%swap3A_105], %broadcast_in_dim3A_61 {strides = array<i32>} : memref<256xi32, #tpu.memory_space<vmem>>, vector<16xi32>,
        %add3A_107 = arith.constant 80 : i32
        %add3A_108 = arith.addi %scan3A_58#0, %add3A_107 : i32
        %swap3A_109 = arith.index_cast %add3A_108 : i32 to index
        %swap3A_110 = tpu.vector_load %arg11[%swap3A_109] {strides = array<i32>} : memref<256xi32, #tpu.memory_space<vmem>>, vector<16xi32>,
        tpu.vector_store %arg11[%swap3A_109], %broadcast_in_dim3A_63 {strides = array<i32>} : memref<256xi32, #tpu.memory_space<vmem>>, vector<16xi32>,
        %add3A_111 = arith.constant 96 : i32
        %add3A_112 = arith.addi %scan3A_58#0, %add3A_111 : i32
        %swap3A_113 = arith.index_cast %add3A_112 : i32 to index
        %swap3A_114 = tpu.vector_load %arg10[%swap3A_113] {strides = array<i32>} : memref<256xi32, #tpu.memory_space<vmem>>, vector<16xi32>,
        tpu.vector_store %arg10[%swap3A_113], %broadcast_in_dim3A_61 {strides = array<i32>} : memref<256xi32, #tpu.memory_space<vmem>>, vector<16xi32>,
        %add3A_115 = arith.constant 96 : i32
        %add3A_116 = arith.addi %scan3A_58#0, %add3A_115 : i32
        %swap3A_117 = arith.index_cast %add3A_116 : i32 to index
        %swap3A_118 = tpu.vector_load %arg11[%swap3A_117] {strides = array<i32>} : memref<256xi32, #tpu.memory_space<vmem>>, vector<16xi32>,
        tpu.vector_store %arg11[%swap3A_117], %broadcast_in_dim3A_63 {strides = array<i32>} : memref<256xi32, #tpu.memory_space<vmem>>, vector<16xi32>,
        %add3A_119 = arith.constant 112 : i32
        %add3A_120 = arith.addi %scan3A_58#0, %add3A_119 : i32
        %swap3A_121 = arith.index_cast %add3A_120 : i32 to index
        %swap3A_122 = tpu.vector_load %arg10[%swap3A_121] {strides = array<i32>} : memref<256xi32, #tpu.memory_space<vmem>>, vector<16xi32>,
        tpu.vector_store %arg10[%swap3A_121], %broadcast_in_dim3A_61 {strides = array<i32>} : memref<256xi32, #tpu.memory_space<vmem>>, vector<16xi32>,
        %add3A_123 = arith.constant 112 : i32
        %add3A_124 = arith.addi %scan3A_58#0, %add3A_123 : i32
        %swap3A_125 = arith.index_cast %add3A_124 : i32 to index
        %swap3A_126 = tpu.vector_load %arg11[%swap3A_125] {strides = array<i32>} : memref<256xi32, #tpu.memory_space<vmem>>, vector<16xi32>,
        tpu.vector_store %arg11[%swap3A_125], %broadcast_in_dim3A_63 {strides = array<i32>} : memref<256xi32, #tpu.memory_space<vmem>>, vector<16xi32>,
        %rem3A_127 = arith.constant 3 : i32
        %rem3A_128 = arith.remsi %scan3A_58#1, %rem3A_127 : i32
        %eq3A_129 = arith.constant 0 : i32
        %eq3A_130 = arith.cmpi eq, %rem3A_128, %eq3A_129 : i32
        %convert_element_type3A_131 = arith.extui %eq3A_130 : i1 to i32
        %cond3A_132 = arith.constant 0 : i32
        %cond3A_133 = arith.cmpi ne, %convert_element_type3A_131, %cond3A_132 : i32
        %cond3A_134:2 = scf.if %cond3A_133 -> (i32, i32) {
          %ge3A_178 = arith.constant 1 : i32
          %ge3A_179 = arith.cmpi sge, %scan3A_58#1, %ge3A_178 : i32
          %convert_element_type3A_180 = arith.extui %ge3A_179 : i1 to i32
          %cond3A_181 = arith.constant 0 : i32
          %cond3A_182 = arith.cmpi ne, %convert_element_type3A_180, %cond3A_181 : i32
          scf.if %cond3A_182 {
            %dma_wait3A = arith.constant 0 : i32
            %dma_wait3A_321 = arith.constant 0 : i32
            %dma_wait3A_322 = tpu.memref_slice %arg4[%dma_wait3A, %dma_wait3A_321] : memref<100352x96xf32, #tpu.memory_space<hbm>> -> memref<100352x96xf32, #tpu.memory_space<hbm>>
            tpu.wait_indirect_dma semaphore(%arg25 : memref<!tpu.dma_semaphore, #tpu.memory_space<semaphore_mem>>) src(%dma_wait3A_322 : memref<100352x96xf32, #tpu.memory_space<hbm>>) dst(%arg20 : memref<128x96xf32, #tpu.memory_space<vmem>>)
            %dma_start3A_323 = arith.constant 0 : i32
            %dma_start3A_324 = arith.constant 0 : i32
            %dma_start3A_325 = tpu.memref_slice %arg22[%dma_start3A_323, %dma_start3A_324] : memref<12608x96xf32, #tpu.memory_space<vmem_shared>> -> memref<12608x96xf32, #tpu.memory_space<vmem_shared>>
            tpu.enqueue_indirect_dma source(%arg20 : memref<128x96xf32, #tpu.memory_space<vmem>>) target(%dma_start3A_325 : memref<12608x96xf32, #tpu.memory_space<vmem_shared>>) offsets(%arg17 : memref<128xi32, #tpu.memory_space<vmem>>) semaphore(%arg28 : memref<!tpu.dma_semaphore, #tpu.memory_space<semaphore_mem>>) {add = true}
          } else {
          }
          %ge3A_183 = arith.constant 3 : i32
          %ge3A_184 = arith.cmpi sge, %scan3A_58#1, %ge3A_183 : i32
          %convert_element_type3A_185 = arith.extui %ge3A_184 : i1 to i32
          %cond3A_186 = arith.constant 0 : i32
          %cond3A_187 = arith.cmpi ne, %convert_element_type3A_185, %cond3A_186 : i32
          scf.if %cond3A_187 {
            %dma_wait3A = arith.constant 0 : i32
            %dma_wait3A_321 = arith.constant 0 : i32
            %dma_wait3A_322 = tpu.memref_slice %arg22[%dma_wait3A, %dma_wait3A_321] : memref<12608x96xf32, #tpu.memory_space<vmem_shared>> -> memref<12608x96xf32, #tpu.memory_space<vmem_shared>>
            tpu.wait_indirect_dma semaphore(%arg26 : memref<!tpu.dma_semaphore, #tpu.memory_space<semaphore_mem>>) src(%arg18 : memref<128x96xf32, #tpu.memory_space<vmem>>) dst(%dma_wait3A_322 : memref<12608x96xf32, #tpu.memory_space<vmem_shared>>)
          } else {
          }
          %get3A = arith.constant 0 : index
          %get3A_188 = tpu.vector_load %arg10[%get3A] {strides = array<i32>} : memref<256xi32, #tpu.memory_space<vmem>>, vector<16xi32>,
          %swap3A_189 = arith.constant 0 : index
          %swap3A_190 = tpu.vector_load %arg12[%swap3A_189] {strides = array<i32>} : memref<128xi32, #tpu.memory_space<vmem>>, vector<16xi32>,
          tpu.vector_store %arg12[%swap3A_189], %get3A_188 {strides = array<i32>} : memref<128xi32, #tpu.memory_space<vmem>>, vector<16xi32>,
          %get3A_191 = arith.constant 0 : index
          %get3A_192 = tpu.vector_load %arg11[%get3A_191] {strides = array<i32>} : memref<256xi32, #tpu.memory_space<vmem>>, vector<16xi32>,
          %swap3A_193 = arith.constant 0 : index
          %swap3A_194 = tpu.vector_load %arg15[%swap3A_193] {strides = array<i32>} : memref<128xi32, #tpu.memory_space<vmem>>, vector<16xi32>,
          tpu.vector_store %arg15[%swap3A_193], %get3A_192 {strides = array<i32>} : memref<128xi32, #tpu.memory_space<vmem>>, vector<16xi32>,
          %get3A_195 = arith.constant 16 : index
          %get3A_196 = tpu.vector_load %arg10[%get3A_195] {strides = array<i32>} : memref<256xi32, #tpu.memory_space<vmem>>, vector<16xi32>,
          %swap3A_197 = arith.constant 16 : index
          %swap3A_198 = tpu.vector_load %arg12[%swap3A_197] {strides = array<i32>} : memref<128xi32, #tpu.memory_space<vmem>>, vector<16xi32>,
          tpu.vector_store %arg12[%swap3A_197], %get3A_196 {strides = array<i32>} : memref<128xi32, #tpu.memory_space<vmem>>, vector<16xi32>,
          %get3A_199 = arith.constant 16 : index
          %get3A_200 = tpu.vector_load %arg11[%get3A_199] {strides = array<i32>} : memref<256xi32, #tpu.memory_space<vmem>>, vector<16xi32>,
          %swap3A_201 = arith.constant 16 : index
          %swap3A_202 = tpu.vector_load %arg15[%swap3A_201] {strides = array<i32>} : memref<128xi32, #tpu.memory_space<vmem>>, vector<16xi32>,
          tpu.vector_store %arg15[%swap3A_201], %get3A_200 {strides = array<i32>} : memref<128xi32, #tpu.memory_space<vmem>>, vector<16xi32>,
          %get3A_203 = arith.constant 32 : index
          %get3A_204 = tpu.vector_load %arg10[%get3A_203] {strides = array<i32>} : memref<256xi32, #tpu.memory_space<vmem>>, vector<16xi32>,
          %swap3A_205 = arith.constant 32 : index
          %swap3A_206 = tpu.vector_load %arg12[%swap3A_205] {strides = array<i32>} : memref<128xi32, #tpu.memory_space<vmem>>, vector<16xi32>,
          tpu.vector_store %arg12[%swap3A_205], %get3A_204 {strides = array<i32>} : memref<128xi32, #tpu.memory_space<vmem>>, vector<16xi32>,
          %get3A_207 = arith.constant 32 : index
          %get3A_208 = tpu.vector_load %arg11[%get3A_207] {strides = array<i32>} : memref<256xi32, #tpu.memory_space<vmem>>, vector<16xi32>,
          %swap3A_209 = arith.constant 32 : index
          %swap3A_210 = tpu.vector_load %arg15[%swap3A_209] {strides = array<i32>} : memref<128xi32, #tpu.memory_space<vmem>>, vector<16xi32>,
          tpu.vector_store %arg15[%swap3A_209], %get3A_208 {strides = array<i32>} : memref<128xi32, #tpu.memory_space<vmem>>, vector<16xi32>,
          %get3A_211 = arith.constant 48 : index
          %get3A_212 = tpu.vector_load %arg10[%get3A_211] {strides = array<i32>} : memref<256xi32, #tpu.memory_space<vmem>>, vector<16xi32>,
          %swap3A_213 = arith.constant 48 : index
          %swap3A_214 = tpu.vector_load %arg12[%swap3A_213] {strides = array<i32>} : memref<128xi32, #tpu.memory_space<vmem>>, vector<16xi32>,
          tpu.vector_store %arg12[%swap3A_213], %get3A_212 {strides = array<i32>} : memref<128xi32, #tpu.memory_space<vmem>>, vector<16xi32>,
          %get3A_215 = arith.constant 48 : index
          %get3A_216 = tpu.vector_load %arg11[%get3A_215] {strides = array<i32>} : memref<256xi32, #tpu.memory_space<vmem>>, vector<16xi32>,
          %swap3A_217 = arith.constant 48 : index
          %swap3A_218 = tpu.vector_load %arg15[%swap3A_217] {strides = array<i32>} : memref<128xi32, #tpu.memory_space<vmem>>, vector<16xi32>,
          tpu.vector_store %arg15[%swap3A_217], %get3A_216 {strides = array<i32>} : memref<128xi32, #tpu.memory_space<vmem>>, vector<16xi32>,
          %get3A_219 = arith.constant 64 : index
          %get3A_220 = tpu.vector_load %arg10[%get3A_219] {strides = array<i32>} : memref<256xi32, #tpu.memory_space<vmem>>, vector<16xi32>,
          %swap3A_221 = arith.constant 64 : index
          %swap3A_222 = tpu.vector_load %arg12[%swap3A_221] {strides = array<i32>} : memref<128xi32, #tpu.memory_space<vmem>>, vector<16xi32>,
          tpu.vector_store %arg12[%swap3A_221], %get3A_220 {strides = array<i32>} : memref<128xi32, #tpu.memory_space<vmem>>, vector<16xi32>,
          %get3A_223 = arith.constant 64 : index
          %get3A_224 = tpu.vector_load %arg11[%get3A_223] {strides = array<i32>} : memref<256xi32, #tpu.memory_space<vmem>>, vector<16xi32>,
          %swap3A_225 = arith.constant 64 : index
          %swap3A_226 = tpu.vector_load %arg15[%swap3A_225] {strides = array<i32>} : memref<128xi32, #tpu.memory_space<vmem>>, vector<16xi32>,
          tpu.vector_store %arg15[%swap3A_225], %get3A_224 {strides = array<i32>} : memref<128xi32, #tpu.memory_space<vmem>>, vector<16xi32>,
          %get3A_227 = arith.constant 80 : index
          %get3A_228 = tpu.vector_load %arg10[%get3A_227] {strides = array<i32>} : memref<256xi32, #tpu.memory_space<vmem>>, vector<16xi32>,
          %swap3A_229 = arith.constant 80 : index
          %swap3A_230 = tpu.vector_load %arg12[%swap3A_229] {strides = array<i32>} : memref<128xi32, #tpu.memory_space<vmem>>, vector<16xi32>,
          tpu.vector_store %arg12[%swap3A_229], %get3A_228 {strides = array<i32>} : memref<128xi32, #tpu.memory_space<vmem>>, vector<16xi32>,
          %get3A_231 = arith.constant 80 : index
          %get3A_232 = tpu.vector_load %arg11[%get3A_231] {strides = array<i32>} : memref<256xi32, #tpu.memory_space<vmem>>, vector<16xi32>,
          %swap3A_233 = arith.constant 80 : index
          %swap3A_234 = tpu.vector_load %arg15[%swap3A_233] {strides = array<i32>} : memref<128xi32, #tpu.memory_space<vmem>>, vector<16xi32>,
          tpu.vector_store %arg15[%swap3A_233], %get3A_232 {strides = array<i32>} : memref<128xi32, #tpu.memory_space<vmem>>, vector<16xi32>,
          %get3A_235 = arith.constant 96 : index
          %get3A_236 = tpu.vector_load %arg10[%get3A_235] {strides = array<i32>} : memref<256xi32, #tpu.memory_space<vmem>>, vector<16xi32>,
          %swap3A_237 = arith.constant 96 : index
          %swap3A_238 = tpu.vector_load %arg12[%swap3A_237] {strides = array<i32>} : memref<128xi32, #tpu.memory_space<vmem>>, vector<16xi32>,
          tpu.vector_store %arg12[%swap3A_237], %get3A_236 {strides = array<i32>} : memref<128xi32, #tpu.memory_space<vmem>>, vector<16xi32>,
          %get3A_239 = arith.constant 96 : index
          %get3A_240 = tpu.vector_load %arg11[%get3A_239] {strides = array<i32>} : memref<256xi32, #tpu.memory_space<vmem>>, vector<16xi32>,
          %swap3A_241 = arith.constant 96 : index
          %swap3A_242 = tpu.vector_load %arg15[%swap3A_241] {strides = array<i32>} : memref<128xi32, #tpu.memory_space<vmem>>, vector<16xi32>,
          tpu.vector_store %arg15[%swap3A_241], %get3A_240 {strides = array<i32>} : memref<128xi32, #tpu.memory_space<vmem>>, vector<16xi32>,
          %get3A_243 = arith.constant 112 : index
          %get3A_244 = tpu.vector_load %arg10[%get3A_243] {strides = array<i32>} : memref<256xi32, #tpu.memory_space<vmem>>, vector<16xi32>,
          %swap3A_245 = arith.constant 112 : index
          %swap3A_246 = tpu.vector_load %arg12[%swap3A_245] {strides = array<i32>} : memref<128xi32, #tpu.memory_space<vmem>>, vector<16xi32>,
          tpu.vector_store %arg12[%swap3A_245], %get3A_244 {strides = array<i32>} : memref<128xi32, #tpu.memory_space<vmem>>, vector<16xi32>,
          %get3A_247 = arith.constant 112 : index
          %get3A_248 = tpu.vector_load %arg11[%get3A_247] {strides = array<i32>} : memref<256xi32, #tpu.memory_space<vmem>>, vector<16xi32>,
          %swap3A_249 = arith.constant 112 : index
          %swap3A_250 = tpu.vector_load %arg15[%swap3A_249] {strides = array<i32>} : memref<128xi32, #tpu.memory_space<vmem>>, vector<16xi32>,
          tpu.vector_store %arg15[%swap3A_249], %get3A_248 {strides = array<i32>} : memref<128xi32, #tpu.memory_space<vmem>>, vector<16xi32>,
          %dma_start3A_251 = arith.constant 0 : i32
          %dma_start3A_252 = arith.constant 0 : i32
          %dma_start3A_253 = tpu.memref_slice %arg4[%dma_start3A_251, %dma_start3A_252] : memref<100352x96xf32, #tpu.memory_space<hbm>> -> memref<100352x96xf32, #tpu.memory_space<hbm>>
          tpu.enqueue_indirect_dma source(%dma_start3A_253 : memref<100352x96xf32, #tpu.memory_space<hbm>>) target(%arg18 : memref<128x96xf32, #tpu.memory_space<vmem>>) offsets(%arg12 : memref<128xi32, #tpu.memory_space<vmem>>) semaphore(%arg23 : memref<!tpu.dma_semaphore, #tpu.memory_space<semaphore_mem>>)
          %get3A_254 = arith.constant 128 : index
          %get3A_255 = tpu.vector_load %arg10[%get3A_254] {strides = array<i32>} : memref<256xi32, #tpu.memory_space<vmem>>, vector<16xi32>,
          %swap3A_256 = arith.constant 0 : index
          %swap3A_257 = tpu.vector_load %arg10[%swap3A_256] {strides = array<i32>} : memref<256xi32, #tpu.memory_space<vmem>>, vector<16xi32>,
          tpu.vector_store %arg10[%swap3A_256], %get3A_255 {strides = array<i32>} : memref<256xi32, #tpu.memory_space<vmem>>, vector<16xi32>,
          %get3A_258 = arith.constant 128 : index
          %get3A_259 = tpu.vector_load %arg11[%get3A_258] {strides = array<i32>} : memref<256xi32, #tpu.memory_space<vmem>>, vector<16xi32>,
          %swap3A_260 = arith.constant 0 : index
          %swap3A_261 = tpu.vector_load %arg11[%swap3A_260] {strides = array<i32>} : memref<256xi32, #tpu.memory_space<vmem>>, vector<16xi32>,
          tpu.vector_store %arg11[%swap3A_260], %get3A_259 {strides = array<i32>} : memref<256xi32, #tpu.memory_space<vmem>>, vector<16xi32>,
          %get3A_262 = arith.constant 144 : index
          %get3A_263 = tpu.vector_load %arg10[%get3A_262] {strides = array<i32>} : memref<256xi32, #tpu.memory_space<vmem>>, vector<16xi32>,
          %swap3A_264 = arith.constant 16 : index
          %swap3A_265 = tpu.vector_load %arg10[%swap3A_264] {strides = array<i32>} : memref<256xi32, #tpu.memory_space<vmem>>, vector<16xi32>,
          tpu.vector_store %arg10[%swap3A_264], %get3A_263 {strides = array<i32>} : memref<256xi32, #tpu.memory_space<vmem>>, vector<16xi32>,
          %get3A_266 = arith.constant 144 : index
          %get3A_267 = tpu.vector_load %arg11[%get3A_266] {strides = array<i32>} : memref<256xi32, #tpu.memory_space<vmem>>, vector<16xi32>,
          %swap3A_268 = arith.constant 16 : index
          %swap3A_269 = tpu.vector_load %arg11[%swap3A_268] {strides = array<i32>} : memref<256xi32, #tpu.memory_space<vmem>>, vector<16xi32>,
          tpu.vector_store %arg11[%swap3A_268], %get3A_267 {strides = array<i32>} : memref<256xi32, #tpu.memory_space<vmem>>, vector<16xi32>,
          %get3A_270 = arith.constant 160 : index
          %get3A_271 = tpu.vector_load %arg10[%get3A_270] {strides = array<i32>} : memref<256xi32, #tpu.memory_space<vmem>>, vector<16xi32>,
          %swap3A_272 = arith.constant 32 : index
          %swap3A_273 = tpu.vector_load %arg10[%swap3A_272] {strides = array<i32>} : memref<256xi32, #tpu.memory_space<vmem>>, vector<16xi32>,
          tpu.vector_store %arg10[%swap3A_272], %get3A_271 {strides = array<i32>} : memref<256xi32, #tpu.memory_space<vmem>>, vector<16xi32>,
          %get3A_274 = arith.constant 160 : index
          %get3A_275 = tpu.vector_load %arg11[%get3A_274] {strides = array<i32>} : memref<256xi32, #tpu.memory_space<vmem>>, vector<16xi32>,
          %swap3A_276 = arith.constant 32 : index
          %swap3A_277 = tpu.vector_load %arg11[%swap3A_276] {strides = array<i32>} : memref<256xi32, #tpu.memory_space<vmem>>, vector<16xi32>,
          tpu.vector_store %arg11[%swap3A_276], %get3A_275 {strides = array<i32>} : memref<256xi32, #tpu.memory_space<vmem>>, vector<16xi32>,
          %get3A_278 = arith.constant 176 : index
          %get3A_279 = tpu.vector_load %arg10[%get3A_278] {strides = array<i32>} : memref<256xi32, #tpu.memory_space<vmem>>, vector<16xi32>,
          %swap3A_280 = arith.constant 48 : index
          %swap3A_281 = tpu.vector_load %arg10[%swap3A_280] {strides = array<i32>} : memref<256xi32, #tpu.memory_space<vmem>>, vector<16xi32>,
          tpu.vector_store %arg10[%swap3A_280], %get3A_279 {strides = array<i32>} : memref<256xi32, #tpu.memory_space<vmem>>, vector<16xi32>,
          %get3A_282 = arith.constant 176 : index
          %get3A_283 = tpu.vector_load %arg11[%get3A_282] {strides = array<i32>} : memref<256xi32, #tpu.memory_space<vmem>>, vector<16xi32>,
          %swap3A_284 = arith.constant 48 : index
          %swap3A_285 = tpu.vector_load %arg11[%swap3A_284] {strides = array<i32>} : memref<256xi32, #tpu.memory_space<vmem>>, vector<16xi32>,
          tpu.vector_store %arg11[%swap3A_284], %get3A_283 {strides = array<i32>} : memref<256xi32, #tpu.memory_space<vmem>>, vector<16xi32>,
          %get3A_286 = arith.constant 192 : index
          %get3A_287 = tpu.vector_load %arg10[%get3A_286] {strides = array<i32>} : memref<256xi32, #tpu.memory_space<vmem>>, vector<16xi32>,
          %swap3A_288 = arith.constant 64 : index
          %swap3A_289 = tpu.vector_load %arg10[%swap3A_288] {strides = array<i32>} : memref<256xi32, #tpu.memory_space<vmem>>, vector<16xi32>,
          tpu.vector_store %arg10[%swap3A_288], %get3A_287 {strides = array<i32>} : memref<256xi32, #tpu.memory_space<vmem>>, vector<16xi32>,
          %get3A_290 = arith.constant 192 : index
          %get3A_291 = tpu.vector_load %arg11[%get3A_290] {strides = array<i32>} : memref<256xi32, #tpu.memory_space<vmem>>, vector<16xi32>,
          %swap3A_292 = arith.constant 64 : index
          %swap3A_293 = tpu.vector_load %arg11[%swap3A_292] {strides = array<i32>} : memref<256xi32, #tpu.memory_space<vmem>>, vector<16xi32>,
          tpu.vector_store %arg11[%swap3A_292], %get3A_291 {strides = array<i32>} : memref<256xi32, #tpu.memory_space<vmem>>, vector<16xi32>,
          %get3A_294 = arith.constant 208 : index
          %get3A_295 = tpu.vector_load %arg10[%get3A_294] {strides = array<i32>} : memref<256xi32, #tpu.memory_space<vmem>>, vector<16xi32>,
          %swap3A_296 = arith.constant 80 : index
          %swap3A_297 = tpu.vector_load %arg10[%swap3A_296] {strides = array<i32>} : memref<256xi32, #tpu.memory_space<vmem>>, vector<16xi32>,
          tpu.vector_store %arg10[%swap3A_296], %get3A_295 {strides = array<i32>} : memref<256xi32, #tpu.memory_space<vmem>>, vector<16xi32>,
          %get3A_298 = arith.constant 208 : index
          %get3A_299 = tpu.vector_load %arg11[%get3A_298] {strides = array<i32>} : memref<256xi32, #tpu.memory_space<vmem>>, vector<16xi32>,
          %swap3A_300 = arith.constant 80 : index
          %swap3A_301 = tpu.vector_load %arg11[%swap3A_300] {strides = array<i32>} : memref<256xi32, #tpu.memory_space<vmem>>, vector<16xi32>,
          tpu.vector_store %arg11[%swap3A_300], %get3A_299 {strides = array<i32>} : memref<256xi32, #tpu.memory_space<vmem>>, vector<16xi32>,
          %get3A_302 = arith.constant 224 : index
          %get3A_303 = tpu.vector_load %arg10[%get3A_302] {strides = array<i32>} : memref<256xi32, #tpu.memory_space<vmem>>, vector<16xi32>,
          %swap3A_304 = arith.constant 96 : index
          %swap3A_305 = tpu.vector_load %arg10[%swap3A_304] {strides = array<i32>} : memref<256xi32, #tpu.memory_space<vmem>>, vector<16xi32>,
          tpu.vector_store %arg10[%swap3A_304], %get3A_303 {strides = array<i32>} : memref<256xi32, #tpu.memory_space<vmem>>, vector<16xi32>,
          %get3A_306 = arith.constant 224 : index
          %get3A_307 = tpu.vector_load %arg11[%get3A_306] {strides = array<i32>} : memref<256xi32, #tpu.memory_space<vmem>>, vector<16xi32>,
          %swap3A_308 = arith.constant 96 : index
          %swap3A_309 = tpu.vector_load %arg11[%swap3A_308] {strides = array<i32>} : memref<256xi32, #tpu.memory_space<vmem>>, vector<16xi32>,
          tpu.vector_store %arg11[%swap3A_308], %get3A_307 {strides = array<i32>} : memref<256xi32, #tpu.memory_space<vmem>>, vector<16xi32>,
          %get3A_310 = arith.constant 240 : index
          %get3A_311 = tpu.vector_load %arg10[%get3A_310] {strides = array<i32>} : memref<256xi32, #tpu.memory_space<vmem>>, vector<16xi32>,
          %swap3A_312 = arith.constant 112 : index
          %swap3A_313 = tpu.vector_load %arg10[%swap3A_312] {strides = array<i32>} : memref<256xi32, #tpu.memory_space<vmem>>, vector<16xi32>,
          tpu.vector_store %arg10[%swap3A_312], %get3A_311 {strides = array<i32>} : memref<256xi32, #tpu.memory_space<vmem>>, vector<16xi32>,
          %get3A_314 = arith.constant 240 : index
          %get3A_315 = tpu.vector_load %arg11[%get3A_314] {strides = array<i32>} : memref<256xi32, #tpu.memory_space<vmem>>, vector<16xi32>,
          %swap3A_316 = arith.constant 112 : index
          %swap3A_317 = tpu.vector_load %arg11[%swap3A_316] {strides = array<i32>} : memref<256xi32, #tpu.memory_space<vmem>>, vector<16xi32>,
          tpu.vector_store %arg11[%swap3A_316], %get3A_315 {strides = array<i32>} : memref<256xi32, #tpu.memory_space<vmem>>, vector<16xi32>,
          %sub3A = arith.constant 128 : i32
          %sub3A_318 = arith.subi %scan3A_58#0, %sub3A : i32
          %add3A_319 = arith.constant 1 : i32
          %add3A_320 = arith.addi %scan3A_58#1, %add3A_319 : i32
          scf.yield %sub3A_318, %add3A_320 : i32, i32
        } else {
          %jit3A = arith.constant 3 : i32
          %eq3A_178 = arith.constant 0 : i32
          %eq3A_179 = arith.cmpi eq, %jit3A, %eq3A_178 : i32
          %jit3A_180 = arith.constant 1 : i32
          %select_n3A = arith.select %eq3A_179, %jit3A_180, %jit3A : i32
          %rem3A_181 = arith.remsi %scan3A_58#1, %select_n3A : i32
          %ne3A = arith.constant 0 : i32
          %ne3A_182 = arith.cmpi ne, %rem3A_181, %ne3A : i32
          %lt3A = arith.constant 0 : i32
          %lt3A_183 = arith.cmpi slt, %rem3A_181, %lt3A : i32
          %lt3A_184 = arith.constant 0 : i32
          %lt3A_185 = arith.cmpi slt, %select_n3A, %lt3A_184 : i32
          %ne3A_186 = arith.xori %lt3A_183, %lt3A_185 : i1
          %and3A = arith.andi %ne3A_186, %ne3A_182 : i1
          %add3A_187 = arith.addi %rem3A_181, %select_n3A : i32
          %select_n3A_188 = arith.select %and3A, %add3A_187, %rem3A_181 : i32
          %eq3A_189 = arith.constant 1 : i32
          %eq3A_190 = arith.cmpi eq, %select_n3A_188, %eq3A_189 : i32
          %convert_element_type3A_191 = arith.extui %eq3A_190 : i1 to i32
          %cond3A_192 = arith.constant 0 : i32
          %cond3A_193 = arith.cmpi ne, %convert_element_type3A_191, %cond3A_192 : i32
          %cond3A_194:2 = scf.if %cond3A_193 -> (i32, i32) {
            %ge3A_195 = arith.constant 1 : i32
            %ge3A_196 = arith.cmpi sge, %scan3A_58#1, %ge3A_195 : i32
            %convert_element_type3A_197 = arith.extui %ge3A_196 : i1 to i32
            %cond3A_198 = arith.constant 0 : i32
            %cond3A_199 = arith.cmpi ne, %convert_element_type3A_197, %cond3A_198 : i32
            scf.if %cond3A_199 {
              %dma_wait3A = arith.constant 0 : i32
              %dma_wait3A_338 = arith.constant 0 : i32
              %dma_wait3A_339 = tpu.memref_slice %arg4[%dma_wait3A, %dma_wait3A_338] : memref<100352x96xf32, #tpu.memory_space<hbm>> -> memref<100352x96xf32, #tpu.memory_space<hbm>>
              tpu.wait_indirect_dma semaphore(%arg23 : memref<!tpu.dma_semaphore, #tpu.memory_space<semaphore_mem>>) src(%dma_wait3A_339 : memref<100352x96xf32, #tpu.memory_space<hbm>>) dst(%arg18 : memref<128x96xf32, #tpu.memory_space<vmem>>)
              %dma_start3A_340 = arith.constant 0 : i32
              %dma_start3A_341 = arith.constant 0 : i32
              %dma_start3A_342 = tpu.memref_slice %arg22[%dma_start3A_340, %dma_start3A_341] : memref<12608x96xf32, #tpu.memory_space<vmem_shared>> -> memref<12608x96xf32, #tpu.memory_space<vmem_shared>>
              tpu.enqueue_indirect_dma source(%arg18 : memref<128x96xf32, #tpu.memory_space<vmem>>) target(%dma_start3A_342 : memref<12608x96xf32, #tpu.memory_space<vmem_shared>>) offsets(%arg15 : memref<128xi32, #tpu.memory_space<vmem>>) semaphore(%arg26 : memref<!tpu.dma_semaphore, #tpu.memory_space<semaphore_mem>>) {add = true}
            } else {
            }
            %ge3A_200 = arith.constant 3 : i32
            %ge3A_201 = arith.cmpi sge, %scan3A_58#1, %ge3A_200 : i32
            %convert_element_type3A_202 = arith.extui %ge3A_201 : i1 to i32
            %cond3A_203 = arith.constant 0 : i32
            %cond3A_204 = arith.cmpi ne, %convert_element_type3A_202, %cond3A_203 : i32
            scf.if %cond3A_204 {
              %dma_wait3A = arith.constant 0 : i32
              %dma_wait3A_338 = arith.constant 0 : i32
              %dma_wait3A_339 = tpu.memref_slice %arg22[%dma_wait3A, %dma_wait3A_338] : memref<12608x96xf32, #tpu.memory_space<vmem_shared>> -> memref<12608x96xf32, #tpu.memory_space<vmem_shared>>
              tpu.wait_indirect_dma semaphore(%arg27 : memref<!tpu.dma_semaphore, #tpu.memory_space<semaphore_mem>>) src(%arg19 : memref<128x96xf32, #tpu.memory_space<vmem>>) dst(%dma_wait3A_339 : memref<12608x96xf32, #tpu.memory_space<vmem_shared>>)
            } else {
            }
            %get3A = arith.constant 0 : index
            %get3A_205 = tpu.vector_load %arg10[%get3A] {strides = array<i32>} : memref<256xi32, #tpu.memory_space<vmem>>, vector<16xi32>,
            %swap3A_206 = arith.constant 0 : index
            %swap3A_207 = tpu.vector_load %arg13[%swap3A_206] {strides = array<i32>} : memref<128xi32, #tpu.memory_space<vmem>>, vector<16xi32>,
            tpu.vector_store %arg13[%swap3A_206], %get3A_205 {strides = array<i32>} : memref<128xi32, #tpu.memory_space<vmem>>, vector<16xi32>,
            %get3A_208 = arith.constant 0 : index
            %get3A_209 = tpu.vector_load %arg11[%get3A_208] {strides = array<i32>} : memref<256xi32, #tpu.memory_space<vmem>>, vector<16xi32>,
            %swap3A_210 = arith.constant 0 : index
            %swap3A_211 = tpu.vector_load %arg16[%swap3A_210] {strides = array<i32>} : memref<128xi32, #tpu.memory_space<vmem>>, vector<16xi32>,
            tpu.vector_store %arg16[%swap3A_210], %get3A_209 {strides = array<i32>} : memref<128xi32, #tpu.memory_space<vmem>>, vector<16xi32>,
            %get3A_212 = arith.constant 16 : index
            %get3A_213 = tpu.vector_load %arg10[%get3A_212] {strides = array<i32>} : memref<256xi32, #tpu.memory_space<vmem>>, vector<16xi32>,
            %swap3A_214 = arith.constant 16 : index
            %swap3A_215 = tpu.vector_load %arg13[%swap3A_214] {strides = array<i32>} : memref<128xi32, #tpu.memory_space<vmem>>, vector<16xi32>,
            tpu.vector_store %arg13[%swap3A_214], %get3A_213 {strides = array<i32>} : memref<128xi32, #tpu.memory_space<vmem>>, vector<16xi32>,
            %get3A_216 = arith.constant 16 : index
            %get3A_217 = tpu.vector_load %arg11[%get3A_216] {strides = array<i32>} : memref<256xi32, #tpu.memory_space<vmem>>, vector<16xi32>,
            %swap3A_218 = arith.constant 16 : index
            %swap3A_219 = tpu.vector_load %arg16[%swap3A_218] {strides = array<i32>} : memref<128xi32, #tpu.memory_space<vmem>>, vector<16xi32>,
            tpu.vector_store %arg16[%swap3A_218], %get3A_217 {strides = array<i32>} : memref<128xi32, #tpu.memory_space<vmem>>, vector<16xi32>,
            %get3A_220 = arith.constant 32 : index
            %get3A_221 = tpu.vector_load %arg10[%get3A_220] {strides = array<i32>} : memref<256xi32, #tpu.memory_space<vmem>>, vector<16xi32>,
            %swap3A_222 = arith.constant 32 : index
            %swap3A_223 = tpu.vector_load %arg13[%swap3A_222] {strides = array<i32>} : memref<128xi32, #tpu.memory_space<vmem>>, vector<16xi32>,
            tpu.vector_store %arg13[%swap3A_222], %get3A_221 {strides = array<i32>} : memref<128xi32, #tpu.memory_space<vmem>>, vector<16xi32>,
            %get3A_224 = arith.constant 32 : index
            %get3A_225 = tpu.vector_load %arg11[%get3A_224] {strides = array<i32>} : memref<256xi32, #tpu.memory_space<vmem>>, vector<16xi32>,
            %swap3A_226 = arith.constant 32 : index
            %swap3A_227 = tpu.vector_load %arg16[%swap3A_226] {strides = array<i32>} : memref<128xi32, #tpu.memory_space<vmem>>, vector<16xi32>,
            tpu.vector_store %arg16[%swap3A_226], %get3A_225 {strides = array<i32>} : memref<128xi32, #tpu.memory_space<vmem>>, vector<16xi32>,
            %get3A_228 = arith.constant 48 : index
            %get3A_229 = tpu.vector_load %arg10[%get3A_228] {strides = array<i32>} : memref<256xi32, #tpu.memory_space<vmem>>, vector<16xi32>,
            %swap3A_230 = arith.constant 48 : index
            %swap3A_231 = tpu.vector_load %arg13[%swap3A_230] {strides = array<i32>} : memref<128xi32, #tpu.memory_space<vmem>>, vector<16xi32>,
            tpu.vector_store %arg13[%swap3A_230], %get3A_229 {strides = array<i32>} : memref<128xi32, #tpu.memory_space<vmem>>, vector<16xi32>,
            %get3A_232 = arith.constant 48 : index
            %get3A_233 = tpu.vector_load %arg11[%get3A_232] {strides = array<i32>} : memref<256xi32, #tpu.memory_space<vmem>>, vector<16xi32>,
            %swap3A_234 = arith.constant 48 : index
            %swap3A_235 = tpu.vector_load %arg16[%swap3A_234] {strides = array<i32>} : memref<128xi32, #tpu.memory_space<vmem>>, vector<16xi32>,
            tpu.vector_store %arg16[%swap3A_234], %get3A_233 {strides = array<i32>} : memref<128xi32, #tpu.memory_space<vmem>>, vector<16xi32>,
            %get3A_236 = arith.constant 64 : index
            %get3A_237 = tpu.vector_load %arg10[%get3A_236] {strides = array<i32>} : memref<256xi32, #tpu.memory_space<vmem>>, vector<16xi32>,
            %swap3A_238 = arith.constant 64 : index
            %swap3A_239 = tpu.vector_load %arg13[%swap3A_238] {strides = array<i32>} : memref<128xi32, #tpu.memory_space<vmem>>, vector<16xi32>,
            tpu.vector_store %arg13[%swap3A_238], %get3A_237 {strides = array<i32>} : memref<128xi32, #tpu.memory_space<vmem>>, vector<16xi32>,
            %get3A_240 = arith.constant 64 : index
            %get3A_241 = tpu.vector_load %arg11[%get3A_240] {strides = array<i32>} : memref<256xi32, #tpu.memory_space<vmem>>, vector<16xi32>,
            %swap3A_242 = arith.constant 64 : index
            %swap3A_243 = tpu.vector_load %arg16[%swap3A_242] {strides = array<i32>} : memref<128xi32, #tpu.memory_space<vmem>>, vector<16xi32>,
            tpu.vector_store %arg16[%swap3A_242], %get3A_241 {strides = array<i32>} : memref<128xi32, #tpu.memory_space<vmem>>, vector<16xi32>,
            %get3A_244 = arith.constant 80 : index
            %get3A_245 = tpu.vector_load %arg10[%get3A_244] {strides = array<i32>} : memref<256xi32, #tpu.memory_space<vmem>>, vector<16xi32>,
            %swap3A_246 = arith.constant 80 : index
            %swap3A_247 = tpu.vector_load %arg13[%swap3A_246] {strides = array<i32>} : memref<128xi32, #tpu.memory_space<vmem>>, vector<16xi32>,
            tpu.vector_store %arg13[%swap3A_246], %get3A_245 {strides = array<i32>} : memref<128xi32, #tpu.memory_space<vmem>>, vector<16xi32>,
            %get3A_248 = arith.constant 80 : index
            %get3A_249 = tpu.vector_load %arg11[%get3A_248] {strides = array<i32>} : memref<256xi32, #tpu.memory_space<vmem>>, vector<16xi32>,
            %swap3A_250 = arith.constant 80 : index
            %swap3A_251 = tpu.vector_load %arg16[%swap3A_250] {strides = array<i32>} : memref<128xi32, #tpu.memory_space<vmem>>, vector<16xi32>,
            tpu.vector_store %arg16[%swap3A_250], %get3A_249 {strides = array<i32>} : memref<128xi32, #tpu.memory_space<vmem>>, vector<16xi32>,
            %get3A_252 = arith.constant 96 : index
            %get3A_253 = tpu.vector_load %arg10[%get3A_252] {strides = array<i32>} : memref<256xi32, #tpu.memory_space<vmem>>, vector<16xi32>,
            %swap3A_254 = arith.constant 96 : index
            %swap3A_255 = tpu.vector_load %arg13[%swap3A_254] {strides = array<i32>} : memref<128xi32, #tpu.memory_space<vmem>>, vector<16xi32>,
            tpu.vector_store %arg13[%swap3A_254], %get3A_253 {strides = array<i32>} : memref<128xi32, #tpu.memory_space<vmem>>, vector<16xi32>,
            %get3A_256 = arith.constant 96 : index
            %get3A_257 = tpu.vector_load %arg11[%get3A_256] {strides = array<i32>} : memref<256xi32, #tpu.memory_space<vmem>>, vector<16xi32>,
            %swap3A_258 = arith.constant 96 : index
            %swap3A_259 = tpu.vector_load %arg16[%swap3A_258] {strides = array<i32>} : memref<128xi32, #tpu.memory_space<vmem>>, vector<16xi32>,
            tpu.vector_store %arg16[%swap3A_258], %get3A_257 {strides = array<i32>} : memref<128xi32, #tpu.memory_space<vmem>>, vector<16xi32>,
            %get3A_260 = arith.constant 112 : index
            %get3A_261 = tpu.vector_load %arg10[%get3A_260] {strides = array<i32>} : memref<256xi32, #tpu.memory_space<vmem>>, vector<16xi32>,
            %swap3A_262 = arith.constant 112 : index
            %swap3A_263 = tpu.vector_load %arg13[%swap3A_262] {strides = array<i32>} : memref<128xi32, #tpu.memory_space<vmem>>, vector<16xi32>,
            tpu.vector_store %arg13[%swap3A_262], %get3A_261 {strides = array<i32>} : memref<128xi32, #tpu.memory_space<vmem>>, vector<16xi32>,
            %get3A_264 = arith.constant 112 : index
            %get3A_265 = tpu.vector_load %arg11[%get3A_264] {strides = array<i32>} : memref<256xi32, #tpu.memory_space<vmem>>, vector<16xi32>,
            %swap3A_266 = arith.constant 112 : index
            %swap3A_267 = tpu.vector_load %arg16[%swap3A_266] {strides = array<i32>} : memref<128xi32, #tpu.memory_space<vmem>>, vector<16xi32>,
            tpu.vector_store %arg16[%swap3A_266], %get3A_265 {strides = array<i32>} : memref<128xi32, #tpu.memory_space<vmem>>, vector<16xi32>,
            %dma_start3A_268 = arith.constant 0 : i32
            %dma_start3A_269 = arith.constant 0 : i32
            %dma_start3A_270 = tpu.memref_slice %arg4[%dma_start3A_268, %dma_start3A_269] : memref<100352x96xf32, #tpu.memory_space<hbm>> -> memref<100352x96xf32, #tpu.memory_space<hbm>>
            tpu.enqueue_indirect_dma source(%dma_start3A_270 : memref<100352x96xf32, #tpu.memory_space<hbm>>) target(%arg19 : memref<128x96xf32, #tpu.memory_space<vmem>>) offsets(%arg13 : memref<128xi32, #tpu.memory_space<vmem>>) semaphore(%arg24 : memref<!tpu.dma_semaphore, #tpu.memory_space<semaphore_mem>>)
            %get3A_271 = arith.constant 128 : index
            %get3A_272 = tpu.vector_load %arg10[%get3A_271] {strides = array<i32>} : memref<256xi32, #tpu.memory_space<vmem>>, vector<16xi32>,
            %swap3A_273 = arith.constant 0 : index
            %swap3A_274 = tpu.vector_load %arg10[%swap3A_273] {strides = array<i32>} : memref<256xi32, #tpu.memory_space<vmem>>, vector<16xi32>,
            tpu.vector_store %arg10[%swap3A_273], %get3A_272 {strides = array<i32>} : memref<256xi32, #tpu.memory_space<vmem>>, vector<16xi32>,
            %get3A_275 = arith.constant 128 : index
            %get3A_276 = tpu.vector_load %arg11[%get3A_275] {strides = array<i32>} : memref<256xi32, #tpu.memory_space<vmem>>, vector<16xi32>,
            %swap3A_277 = arith.constant 0 : index
            %swap3A_278 = tpu.vector_load %arg11[%swap3A_277] {strides = array<i32>} : memref<256xi32, #tpu.memory_space<vmem>>, vector<16xi32>,
            tpu.vector_store %arg11[%swap3A_277], %get3A_276 {strides = array<i32>} : memref<256xi32, #tpu.memory_space<vmem>>, vector<16xi32>,
            %get3A_279 = arith.constant 144 : index
            %get3A_280 = tpu.vector_load %arg10[%get3A_279] {strides = array<i32>} : memref<256xi32, #tpu.memory_space<vmem>>, vector<16xi32>,
            %swap3A_281 = arith.constant 16 : index
            %swap3A_282 = tpu.vector_load %arg10[%swap3A_281] {strides = array<i32>} : memref<256xi32, #tpu.memory_space<vmem>>, vector<16xi32>,
            tpu.vector_store %arg10[%swap3A_281], %get3A_280 {strides = array<i32>} : memref<256xi32, #tpu.memory_space<vmem>>, vector<16xi32>,
            %get3A_283 = arith.constant 144 : index
            %get3A_284 = tpu.vector_load %arg11[%get3A_283] {strides = array<i32>} : memref<256xi32, #tpu.memory_space<vmem>>, vector<16xi32>,
            %swap3A_285 = arith.constant 16 : index
            %swap3A_286 = tpu.vector_load %arg11[%swap3A_285] {strides = array<i32>} : memref<256xi32, #tpu.memory_space<vmem>>, vector<16xi32>,
            tpu.vector_store %arg11[%swap3A_285], %get3A_284 {strides = array<i32>} : memref<256xi32, #tpu.memory_space<vmem>>, vector<16xi32>,
            %get3A_287 = arith.constant 160 : index
            %get3A_288 = tpu.vector_load %arg10[%get3A_287] {strides = array<i32>} : memref<256xi32, #tpu.memory_space<vmem>>, vector<16xi32>,
            %swap3A_289 = arith.constant 32 : index
            %swap3A_290 = tpu.vector_load %arg10[%swap3A_289] {strides = array<i32>} : memref<256xi32, #tpu.memory_space<vmem>>, vector<16xi32>,
            tpu.vector_store %arg10[%swap3A_289], %get3A_288 {strides = array<i32>} : memref<256xi32, #tpu.memory_space<vmem>>, vector<16xi32>,
            %get3A_291 = arith.constant 160 : index
            %get3A_292 = tpu.vector_load %arg11[%get3A_291] {strides = array<i32>} : memref<256xi32, #tpu.memory_space<vmem>>, vector<16xi32>,
            %swap3A_293 = arith.constant 32 : index
            %swap3A_294 = tpu.vector_load %arg11[%swap3A_293] {strides = array<i32>} : memref<256xi32, #tpu.memory_space<vmem>>, vector<16xi32>,
            tpu.vector_store %arg11[%swap3A_293], %get3A_292 {strides = array<i32>} : memref<256xi32, #tpu.memory_space<vmem>>, vector<16xi32>,
            %get3A_295 = arith.constant 176 : index
            %get3A_296 = tpu.vector_load %arg10[%get3A_295] {strides = array<i32>} : memref<256xi32, #tpu.memory_space<vmem>>, vector<16xi32>,
            %swap3A_297 = arith.constant 48 : index
            %swap3A_298 = tpu.vector_load %arg10[%swap3A_297] {strides = array<i32>} : memref<256xi32, #tpu.memory_space<vmem>>, vector<16xi32>,
            tpu.vector_store %arg10[%swap3A_297], %get3A_296 {strides = array<i32>} : memref<256xi32, #tpu.memory_space<vmem>>, vector<16xi32>,
            %get3A_299 = arith.constant 176 : index
            %get3A_300 = tpu.vector_load %arg11[%get3A_299] {strides = array<i32>} : memref<256xi32, #tpu.memory_space<vmem>>, vector<16xi32>,
            %swap3A_301 = arith.constant 48 : index
            %swap3A_302 = tpu.vector_load %arg11[%swap3A_301] {strides = array<i32>} : memref<256xi32, #tpu.memory_space<vmem>>, vector<16xi32>,
            tpu.vector_store %arg11[%swap3A_301], %get3A_300 {strides = array<i32>} : memref<256xi32, #tpu.memory_space<vmem>>, vector<16xi32>,
            %get3A_303 = arith.constant 192 : index
            %get3A_304 = tpu.vector_load %arg10[%get3A_303] {strides = array<i32>} : memref<256xi32, #tpu.memory_space<vmem>>, vector<16xi32>,
            %swap3A_305 = arith.constant 64 : index
            %swap3A_306 = tpu.vector_load %arg10[%swap3A_305] {strides = array<i32>} : memref<256xi32, #tpu.memory_space<vmem>>, vector<16xi32>,
            tpu.vector_store %arg10[%swap3A_305], %get3A_304 {strides = array<i32>} : memref<256xi32, #tpu.memory_space<vmem>>, vector<16xi32>,
            %get3A_307 = arith.constant 192 : index
            %get3A_308 = tpu.vector_load %arg11[%get3A_307] {strides = array<i32>} : memref<256xi32, #tpu.memory_space<vmem>>, vector<16xi32>,
            %swap3A_309 = arith.constant 64 : index
            %swap3A_310 = tpu.vector_load %arg11[%swap3A_309] {strides = array<i32>} : memref<256xi32, #tpu.memory_space<vmem>>, vector<16xi32>,
            tpu.vector_store %arg11[%swap3A_309], %get3A_308 {strides = array<i32>} : memref<256xi32, #tpu.memory_space<vmem>>, vector<16xi32>,
            %get3A_311 = arith.constant 208 : index
            %get3A_312 = tpu.vector_load %arg10[%get3A_311] {strides = array<i32>} : memref<256xi32, #tpu.memory_space<vmem>>, vector<16xi32>,
            %swap3A_313 = arith.constant 80 : index
            %swap3A_314 = tpu.vector_load %arg10[%swap3A_313] {strides = array<i32>} : memref<256xi32, #tpu.memory_space<vmem>>, vector<16xi32>,
            tpu.vector_store %arg10[%swap3A_313], %get3A_312 {strides = array<i32>} : memref<256xi32, #tpu.memory_space<vmem>>, vector<16xi32>,
            %get3A_315 = arith.constant 208 : index
            %get3A_316 = tpu.vector_load %arg11[%get3A_315] {strides = array<i32>} : memref<256xi32, #tpu.memory_space<vmem>>, vector<16xi32>,
            %swap3A_317 = arith.constant 80 : index
            %swap3A_318 = tpu.vector_load %arg11[%swap3A_317] {strides = array<i32>} : memref<256xi32, #tpu.memory_space<vmem>>, vector<16xi32>,
            tpu.vector_store %arg11[%swap3A_317], %get3A_316 {strides = array<i32>} : memref<256xi32, #tpu.memory_space<vmem>>, vector<16xi32>,
            %get3A_319 = arith.constant 224 : index
            %get3A_320 = tpu.vector_load %arg10[%get3A_319] {strides = array<i32>} : memref<256xi32, #tpu.memory_space<vmem>>, vector<16xi32>,
            %swap3A_321 = arith.constant 96 : index
            %swap3A_322 = tpu.vector_load %arg10[%swap3A_321] {strides = array<i32>} : memref<256xi32, #tpu.memory_space<vmem>>, vector<16xi32>,
            tpu.vector_store %arg10[%swap3A_321], %get3A_320 {strides = array<i32>} : memref<256xi32, #tpu.memory_space<vmem>>, vector<16xi32>,
            %get3A_323 = arith.constant 224 : index
            %get3A_324 = tpu.vector_load %arg11[%get3A_323] {strides = array<i32>} : memref<256xi32, #tpu.memory_space<vmem>>, vector<16xi32>,
            %swap3A_325 = arith.constant 96 : index
            %swap3A_326 = tpu.vector_load %arg11[%swap3A_325] {strides = array<i32>} : memref<256xi32, #tpu.memory_space<vmem>>, vector<16xi32>,
            tpu.vector_store %arg11[%swap3A_325], %get3A_324 {strides = array<i32>} : memref<256xi32, #tpu.memory_space<vmem>>, vector<16xi32>,
            %get3A_327 = arith.constant 240 : index
            %get3A_328 = tpu.vector_load %arg10[%get3A_327] {strides = array<i32>} : memref<256xi32, #tpu.memory_space<vmem>>, vector<16xi32>,
            %swap3A_329 = arith.constant 112 : index
            %swap3A_330 = tpu.vector_load %arg10[%swap3A_329] {strides = array<i32>} : memref<256xi32, #tpu.memory_space<vmem>>, vector<16xi32>,
            tpu.vector_store %arg10[%swap3A_329], %get3A_328 {strides = array<i32>} : memref<256xi32, #tpu.memory_space<vmem>>, vector<16xi32>,
            %get3A_331 = arith.constant 240 : index
            %get3A_332 = tpu.vector_load %arg11[%get3A_331] {strides = array<i32>} : memref<256xi32, #tpu.memory_space<vmem>>, vector<16xi32>,
            %swap3A_333 = arith.constant 112 : index
            %swap3A_334 = tpu.vector_load %arg11[%swap3A_333] {strides = array<i32>} : memref<256xi32, #tpu.memory_space<vmem>>, vector<16xi32>,
            tpu.vector_store %arg11[%swap3A_333], %get3A_332 {strides = array<i32>} : memref<256xi32, #tpu.memory_space<vmem>>, vector<16xi32>,
            %sub3A = arith.constant 128 : i32
            %sub3A_335 = arith.subi %scan3A_58#0, %sub3A : i32
            %add3A_336 = arith.constant 1 : i32
            %add3A_337 = arith.addi %scan3A_58#1, %add3A_336 : i32
            scf.yield %sub3A_335, %add3A_337 : i32, i32
          } else {
            %ge3A_195 = arith.constant 1 : i32
            %ge3A_196 = arith.cmpi sge, %scan3A_58#1, %ge3A_195 : i32
            %convert_element_type3A_197 = arith.extui %ge3A_196 : i1 to i32
            %cond3A_198 = arith.constant 0 : i32
            %cond3A_199 = arith.cmpi ne, %convert_element_type3A_197, %cond3A_198 : i32
            scf.if %cond3A_199 {
              %dma_wait3A = arith.constant 0 : i32
              %dma_wait3A_338 = arith.constant 0 : i32
              %dma_wait3A_339 = tpu.memref_slice %arg4[%dma_wait3A, %dma_wait3A_338] : memref<100352x96xf32, #tpu.memory_space<hbm>> -> memref<100352x96xf32, #tpu.memory_space<hbm>>
              tpu.wait_indirect_dma semaphore(%arg24 : memref<!tpu.dma_semaphore, #tpu.memory_space<semaphore_mem>>) src(%dma_wait3A_339 : memref<100352x96xf32, #tpu.memory_space<hbm>>) dst(%arg19 : memref<128x96xf32, #tpu.memory_space<vmem>>)
              %dma_start3A_340 = arith.constant 0 : i32
              %dma_start3A_341 = arith.constant 0 : i32
              %dma_start3A_342 = tpu.memref_slice %arg22[%dma_start3A_340, %dma_start3A_341] : memref<12608x96xf32, #tpu.memory_space<vmem_shared>> -> memref<12608x96xf32, #tpu.memory_space<vmem_shared>>
              tpu.enqueue_indirect_dma source(%arg19 : memref<128x96xf32, #tpu.memory_space<vmem>>) target(%dma_start3A_342 : memref<12608x96xf32, #tpu.memory_space<vmem_shared>>) offsets(%arg16 : memref<128xi32, #tpu.memory_space<vmem>>) semaphore(%arg27 : memref<!tpu.dma_semaphore, #tpu.memory_space<semaphore_mem>>) {add = true}
            } else {
            }
            %ge3A_200 = arith.constant 3 : i32
            %ge3A_201 = arith.cmpi sge, %scan3A_58#1, %ge3A_200 : i32
            %convert_element_type3A_202 = arith.extui %ge3A_201 : i1 to i32
            %cond3A_203 = arith.constant 0 : i32
            %cond3A_204 = arith.cmpi ne, %convert_element_type3A_202, %cond3A_203 : i32
            scf.if %cond3A_204 {
              %dma_wait3A = arith.constant 0 : i32
              %dma_wait3A_338 = arith.constant 0 : i32
              %dma_wait3A_339 = tpu.memref_slice %arg22[%dma_wait3A, %dma_wait3A_338] : memref<12608x96xf32, #tpu.memory_space<vmem_shared>> -> memref<12608x96xf32, #tpu.memory_space<vmem_shared>>
              tpu.wait_indirect_dma semaphore(%arg28 : memref<!tpu.dma_semaphore, #tpu.memory_space<semaphore_mem>>) src(%arg20 : memref<128x96xf32, #tpu.memory_space<vmem>>) dst(%dma_wait3A_339 : memref<12608x96xf32, #tpu.memory_space<vmem_shared>>)
            } else {
            }
            %get3A = arith.constant 0 : index
            %get3A_205 = tpu.vector_load %arg10[%get3A] {strides = array<i32>} : memref<256xi32, #tpu.memory_space<vmem>>, vector<16xi32>,
            %swap3A_206 = arith.constant 0 : index
            %swap3A_207 = tpu.vector_load %arg14[%swap3A_206] {strides = array<i32>} : memref<128xi32, #tpu.memory_space<vmem>>, vector<16xi32>,
            tpu.vector_store %arg14[%swap3A_206], %get3A_205 {strides = array<i32>} : memref<128xi32, #tpu.memory_space<vmem>>, vector<16xi32>,
            %get3A_208 = arith.constant 0 : index
            %get3A_209 = tpu.vector_load %arg11[%get3A_208] {strides = array<i32>} : memref<256xi32, #tpu.memory_space<vmem>>, vector<16xi32>,
            %swap3A_210 = arith.constant 0 : index
            %swap3A_211 = tpu.vector_load %arg17[%swap3A_210] {strides = array<i32>} : memref<128xi32, #tpu.memory_space<vmem>>, vector<16xi32>,
            tpu.vector_store %arg17[%swap3A_210], %get3A_209 {strides = array<i32>} : memref<128xi32, #tpu.memory_space<vmem>>, vector<16xi32>,
            %get3A_212 = arith.constant 16 : index
            %get3A_213 = tpu.vector_load %arg10[%get3A_212] {strides = array<i32>} : memref<256xi32, #tpu.memory_space<vmem>>, vector<16xi32>,
            %swap3A_214 = arith.constant 16 : index
            %swap3A_215 = tpu.vector_load %arg14[%swap3A_214] {strides = array<i32>} : memref<128xi32, #tpu.memory_space<vmem>>, vector<16xi32>,
            tpu.vector_store %arg14[%swap3A_214], %get3A_213 {strides = array<i32>} : memref<128xi32, #tpu.memory_space<vmem>>, vector<16xi32>,
            %get3A_216 = arith.constant 16 : index
            %get3A_217 = tpu.vector_load %arg11[%get3A_216] {strides = array<i32>} : memref<256xi32, #tpu.memory_space<vmem>>, vector<16xi32>,
            %swap3A_218 = arith.constant 16 : index
            %swap3A_219 = tpu.vector_load %arg17[%swap3A_218] {strides = array<i32>} : memref<128xi32, #tpu.memory_space<vmem>>, vector<16xi32>,
            tpu.vector_store %arg17[%swap3A_218], %get3A_217 {strides = array<i32>} : memref<128xi32, #tpu.memory_space<vmem>>, vector<16xi32>,
            %get3A_220 = arith.constant 32 : index
            %get3A_221 = tpu.vector_load %arg10[%get3A_220] {strides = array<i32>} : memref<256xi32, #tpu.memory_space<vmem>>, vector<16xi32>,
            %swap3A_222 = arith.constant 32 : index
            %swap3A_223 = tpu.vector_load %arg14[%swap3A_222] {strides = array<i32>} : memref<128xi32, #tpu.memory_space<vmem>>, vector<16xi32>,
            tpu.vector_store %arg14[%swap3A_222], %get3A_221 {strides = array<i32>} : memref<128xi32, #tpu.memory_space<vmem>>, vector<16xi32>,
            %get3A_224 = arith.constant 32 : index
            %get3A_225 = tpu.vector_load %arg11[%get3A_224] {strides = array<i32>} : memref<256xi32, #tpu.memory_space<vmem>>, vector<16xi32>,
            %swap3A_226 = arith.constant 32 : index
            %swap3A_227 = tpu.vector_load %arg17[%swap3A_226] {strides = array<i32>} : memref<128xi32, #tpu.memory_space<vmem>>, vector<16xi32>,
            tpu.vector_store %arg17[%swap3A_226], %get3A_225 {strides = array<i32>} : memref<128xi32, #tpu.memory_space<vmem>>, vector<16xi32>,
            %get3A_228 = arith.constant 48 : index
            %get3A_229 = tpu.vector_load %arg10[%get3A_228] {strides = array<i32>} : memref<256xi32, #tpu.memory_space<vmem>>, vector<16xi32>,
            %swap3A_230 = arith.constant 48 : index
            %swap3A_231 = tpu.vector_load %arg14[%swap3A_230] {strides = array<i32>} : memref<128xi32, #tpu.memory_space<vmem>>, vector<16xi32>,
            tpu.vector_store %arg14[%swap3A_230], %get3A_229 {strides = array<i32>} : memref<128xi32, #tpu.memory_space<vmem>>, vector<16xi32>,
            %get3A_232 = arith.constant 48 : index
            %get3A_233 = tpu.vector_load %arg11[%get3A_232] {strides = array<i32>} : memref<256xi32, #tpu.memory_space<vmem>>, vector<16xi32>,
            %swap3A_234 = arith.constant 48 : index
            %swap3A_235 = tpu.vector_load %arg17[%swap3A_234] {strides = array<i32>} : memref<128xi32, #tpu.memory_space<vmem>>, vector<16xi32>,
            tpu.vector_store %arg17[%swap3A_234], %get3A_233 {strides = array<i32>} : memref<128xi32, #tpu.memory_space<vmem>>, vector<16xi32>,
            %get3A_236 = arith.constant 64 : index
            %get3A_237 = tpu.vector_load %arg10[%get3A_236] {strides = array<i32>} : memref<256xi32, #tpu.memory_space<vmem>>, vector<16xi32>,
            %swap3A_238 = arith.constant 64 : index
            %swap3A_239 = tpu.vector_load %arg14[%swap3A_238] {strides = array<i32>} : memref<128xi32, #tpu.memory_space<vmem>>, vector<16xi32>,
            tpu.vector_store %arg14[%swap3A_238], %get3A_237 {strides = array<i32>} : memref<128xi32, #tpu.memory_space<vmem>>, vector<16xi32>,
            %get3A_240 = arith.constant 64 : index
            %get3A_241 = tpu.vector_load %arg11[%get3A_240] {strides = array<i32>} : memref<256xi32, #tpu.memory_space<vmem>>, vector<16xi32>,
            %swap3A_242 = arith.constant 64 : index
            %swap3A_243 = tpu.vector_load %arg17[%swap3A_242] {strides = array<i32>} : memref<128xi32, #tpu.memory_space<vmem>>, vector<16xi32>,
            tpu.vector_store %arg17[%swap3A_242], %get3A_241 {strides = array<i32>} : memref<128xi32, #tpu.memory_space<vmem>>, vector<16xi32>,
            %get3A_244 = arith.constant 80 : index
            %get3A_245 = tpu.vector_load %arg10[%get3A_244] {strides = array<i32>} : memref<256xi32, #tpu.memory_space<vmem>>, vector<16xi32>,
            %swap3A_246 = arith.constant 80 : index
            %swap3A_247 = tpu.vector_load %arg14[%swap3A_246] {strides = array<i32>} : memref<128xi32, #tpu.memory_space<vmem>>, vector<16xi32>,
            tpu.vector_store %arg14[%swap3A_246], %get3A_245 {strides = array<i32>} : memref<128xi32, #tpu.memory_space<vmem>>, vector<16xi32>,
            %get3A_248 = arith.constant 80 : index
            %get3A_249 = tpu.vector_load %arg11[%get3A_248] {strides = array<i32>} : memref<256xi32, #tpu.memory_space<vmem>>, vector<16xi32>,
            %swap3A_250 = arith.constant 80 : index
            %swap3A_251 = tpu.vector_load %arg17[%swap3A_250] {strides = array<i32>} : memref<128xi32, #tpu.memory_space<vmem>>, vector<16xi32>,
            tpu.vector_store %arg17[%swap3A_250], %get3A_249 {strides = array<i32>} : memref<128xi32, #tpu.memory_space<vmem>>, vector<16xi32>,
            %get3A_252 = arith.constant 96 : index
            %get3A_253 = tpu.vector_load %arg10[%get3A_252] {strides = array<i32>} : memref<256xi32, #tpu.memory_space<vmem>>, vector<16xi32>,
            %swap3A_254 = arith.constant 96 : index
            %swap3A_255 = tpu.vector_load %arg14[%swap3A_254] {strides = array<i32>} : memref<128xi32, #tpu.memory_space<vmem>>, vector<16xi32>,
            tpu.vector_store %arg14[%swap3A_254], %get3A_253 {strides = array<i32>} : memref<128xi32, #tpu.memory_space<vmem>>, vector<16xi32>,
            %get3A_256 = arith.constant 96 : index
            %get3A_257 = tpu.vector_load %arg11[%get3A_256] {strides = array<i32>} : memref<256xi32, #tpu.memory_space<vmem>>, vector<16xi32>,
            %swap3A_258 = arith.constant 96 : index
            %swap3A_259 = tpu.vector_load %arg17[%swap3A_258] {strides = array<i32>} : memref<128xi32, #tpu.memory_space<vmem>>, vector<16xi32>,
            tpu.vector_store %arg17[%swap3A_258], %get3A_257 {strides = array<i32>} : memref<128xi32, #tpu.memory_space<vmem>>, vector<16xi32>,
            %get3A_260 = arith.constant 112 : index
            %get3A_261 = tpu.vector_load %arg10[%get3A_260] {strides = array<i32>} : memref<256xi32, #tpu.memory_space<vmem>>, vector<16xi32>,
            %swap3A_262 = arith.constant 112 : index
            %swap3A_263 = tpu.vector_load %arg14[%swap3A_262] {strides = array<i32>} : memref<128xi32, #tpu.memory_space<vmem>>, vector<16xi32>,
            tpu.vector_store %arg14[%swap3A_262], %get3A_261 {strides = array<i32>} : memref<128xi32, #tpu.memory_space<vmem>>, vector<16xi32>,
            %get3A_264 = arith.constant 112 : index
            %get3A_265 = tpu.vector_load %arg11[%get3A_264] {strides = array<i32>} : memref<256xi32, #tpu.memory_space<vmem>>, vector<16xi32>,
            %swap3A_266 = arith.constant 112 : index
            %swap3A_267 = tpu.vector_load %arg17[%swap3A_266] {strides = array<i32>} : memref<128xi32, #tpu.memory_space<vmem>>, vector<16xi32>,
            tpu.vector_store %arg17[%swap3A_266], %get3A_265 {strides = array<i32>} : memref<128xi32, #tpu.memory_space<vmem>>, vector<16xi32>,
            %dma_start3A_268 = arith.constant 0 : i32
            %dma_start3A_269 = arith.constant 0 : i32
            %dma_start3A_270 = tpu.memref_slice %arg4[%dma_start3A_268, %dma_start3A_269] : memref<100352x96xf32, #tpu.memory_space<hbm>> -> memref<100352x96xf32, #tpu.memory_space<hbm>>
            tpu.enqueue_indirect_dma source(%dma_start3A_270 : memref<100352x96xf32, #tpu.memory_space<hbm>>) target(%arg20 : memref<128x96xf32, #tpu.memory_space<vmem>>) offsets(%arg14 : memref<128xi32, #tpu.memory_space<vmem>>) semaphore(%arg25 : memref<!tpu.dma_semaphore, #tpu.memory_space<semaphore_mem>>)
            %get3A_271 = arith.constant 128 : index
            %get3A_272 = tpu.vector_load %arg10[%get3A_271] {strides = array<i32>} : memref<256xi32, #tpu.memory_space<vmem>>, vector<16xi32>,
            %swap3A_273 = arith.constant 0 : index
            %swap3A_274 = tpu.vector_load %arg10[%swap3A_273] {strides = array<i32>} : memref<256xi32, #tpu.memory_space<vmem>>, vector<16xi32>,
            tpu.vector_store %arg10[%swap3A_273], %get3A_272 {strides = array<i32>} : memref<256xi32, #tpu.memory_space<vmem>>, vector<16xi32>,
            %get3A_275 = arith.constant 128 : index
            %get3A_276 = tpu.vector_load %arg11[%get3A_275] {strides = array<i32>} : memref<256xi32, #tpu.memory_space<vmem>>, vector<16xi32>,
            %swap3A_277 = arith.constant 0 : index
            %swap3A_278 = tpu.vector_load %arg11[%swap3A_277] {strides = array<i32>} : memref<256xi32, #tpu.memory_space<vmem>>, vector<16xi32>,
            tpu.vector_store %arg11[%swap3A_277], %get3A_276 {strides = array<i32>} : memref<256xi32, #tpu.memory_space<vmem>>, vector<16xi32>,
            %get3A_279 = arith.constant 144 : index
            %get3A_280 = tpu.vector_load %arg10[%get3A_279] {strides = array<i32>} : memref<256xi32, #tpu.memory_space<vmem>>, vector<16xi32>,
            %swap3A_281 = arith.constant 16 : index
            %swap3A_282 = tpu.vector_load %arg10[%swap3A_281] {strides = array<i32>} : memref<256xi32, #tpu.memory_space<vmem>>, vector<16xi32>,
            tpu.vector_store %arg10[%swap3A_281], %get3A_280 {strides = array<i32>} : memref<256xi32, #tpu.memory_space<vmem>>, vector<16xi32>,
            %get3A_283 = arith.constant 144 : index
            %get3A_284 = tpu.vector_load %arg11[%get3A_283] {strides = array<i32>} : memref<256xi32, #tpu.memory_space<vmem>>, vector<16xi32>,
            %swap3A_285 = arith.constant 16 : index
            %swap3A_286 = tpu.vector_load %arg11[%swap3A_285] {strides = array<i32>} : memref<256xi32, #tpu.memory_space<vmem>>, vector<16xi32>,
            tpu.vector_store %arg11[%swap3A_285], %get3A_284 {strides = array<i32>} : memref<256xi32, #tpu.memory_space<vmem>>, vector<16xi32>,
            %get3A_287 = arith.constant 160 : index
            %get3A_288 = tpu.vector_load %arg10[%get3A_287] {strides = array<i32>} : memref<256xi32, #tpu.memory_space<vmem>>, vector<16xi32>,
            %swap3A_289 = arith.constant 32 : index
            %swap3A_290 = tpu.vector_load %arg10[%swap3A_289] {strides = array<i32>} : memref<256xi32, #tpu.memory_space<vmem>>, vector<16xi32>,
            tpu.vector_store %arg10[%swap3A_289], %get3A_288 {strides = array<i32>} : memref<256xi32, #tpu.memory_space<vmem>>, vector<16xi32>,
            %get3A_291 = arith.constant 160 : index
            %get3A_292 = tpu.vector_load %arg11[%get3A_291] {strides = array<i32>} : memref<256xi32, #tpu.memory_space<vmem>>, vector<16xi32>,
            %swap3A_293 = arith.constant 32 : index
            %swap3A_294 = tpu.vector_load %arg11[%swap3A_293] {strides = array<i32>} : memref<256xi32, #tpu.memory_space<vmem>>, vector<16xi32>,
            tpu.vector_store %arg11[%swap3A_293], %get3A_292 {strides = array<i32>} : memref<256xi32, #tpu.memory_space<vmem>>, vector<16xi32>,
            %get3A_295 = arith.constant 176 : index
            %get3A_296 = tpu.vector_load %arg10[%get3A_295] {strides = array<i32>} : memref<256xi32, #tpu.memory_space<vmem>>, vector<16xi32>,
            %swap3A_297 = arith.constant 48 : index
            %swap3A_298 = tpu.vector_load %arg10[%swap3A_297] {strides = array<i32>} : memref<256xi32, #tpu.memory_space<vmem>>, vector<16xi32>,
            tpu.vector_store %arg10[%swap3A_297], %get3A_296 {strides = array<i32>} : memref<256xi32, #tpu.memory_space<vmem>>, vector<16xi32>,
            %get3A_299 = arith.constant 176 : index
            %get3A_300 = tpu.vector_load %arg11[%get3A_299] {strides = array<i32>} : memref<256xi32, #tpu.memory_space<vmem>>, vector<16xi32>,
            %swap3A_301 = arith.constant 48 : index
            %swap3A_302 = tpu.vector_load %arg11[%swap3A_301] {strides = array<i32>} : memref<256xi32, #tpu.memory_space<vmem>>, vector<16xi32>,
            tpu.vector_store %arg11[%swap3A_301], %get3A_300 {strides = array<i32>} : memref<256xi32, #tpu.memory_space<vmem>>, vector<16xi32>,
            %get3A_303 = arith.constant 192 : index
            %get3A_304 = tpu.vector_load %arg10[%get3A_303] {strides = array<i32>} : memref<256xi32, #tpu.memory_space<vmem>>, vector<16xi32>,
            %swap3A_305 = arith.constant 64 : index
            %swap3A_306 = tpu.vector_load %arg10[%swap3A_305] {strides = array<i32>} : memref<256xi32, #tpu.memory_space<vmem>>, vector<16xi32>,
            tpu.vector_store %arg10[%swap3A_305], %get3A_304 {strides = array<i32>} : memref<256xi32, #tpu.memory_space<vmem>>, vector<16xi32>,
            %get3A_307 = arith.constant 192 : index
            %get3A_308 = tpu.vector_load %arg11[%get3A_307] {strides = array<i32>} : memref<256xi32, #tpu.memory_space<vmem>>, vector<16xi32>,
            %swap3A_309 = arith.constant 64 : index
            %swap3A_310 = tpu.vector_load %arg11[%swap3A_309] {strides = array<i32>} : memref<256xi32, #tpu.memory_space<vmem>>, vector<16xi32>,
            tpu.vector_store %arg11[%swap3A_309], %get3A_308 {strides = array<i32>} : memref<256xi32, #tpu.memory_space<vmem>>, vector<16xi32>,
            %get3A_311 = arith.constant 208 : index
            %get3A_312 = tpu.vector_load %arg10[%get3A_311] {strides = array<i32>} : memref<256xi32, #tpu.memory_space<vmem>>, vector<16xi32>,
            %swap3A_313 = arith.constant 80 : index
            %swap3A_314 = tpu.vector_load %arg10[%swap3A_313] {strides = array<i32>} : memref<256xi32, #tpu.memory_space<vmem>>, vector<16xi32>,
            tpu.vector_store %arg10[%swap3A_313], %get3A_312 {strides = array<i32>} : memref<256xi32, #tpu.memory_space<vmem>>, vector<16xi32>,
            %get3A_315 = arith.constant 208 : index
            %get3A_316 = tpu.vector_load %arg11[%get3A_315] {strides = array<i32>} : memref<256xi32, #tpu.memory_space<vmem>>, vector<16xi32>,
            %swap3A_317 = arith.constant 80 : index
            %swap3A_318 = tpu.vector_load %arg11[%swap3A_317] {strides = array<i32>} : memref<256xi32, #tpu.memory_space<vmem>>, vector<16xi32>,
            tpu.vector_store %arg11[%swap3A_317], %get3A_316 {strides = array<i32>} : memref<256xi32, #tpu.memory_space<vmem>>, vector<16xi32>,
            %get3A_319 = arith.constant 224 : index
            %get3A_320 = tpu.vector_load %arg10[%get3A_319] {strides = array<i32>} : memref<256xi32, #tpu.memory_space<vmem>>, vector<16xi32>,
            %swap3A_321 = arith.constant 96 : index
            %swap3A_322 = tpu.vector_load %arg10[%swap3A_321] {strides = array<i32>} : memref<256xi32, #tpu.memory_space<vmem>>, vector<16xi32>,
            tpu.vector_store %arg10[%swap3A_321], %get3A_320 {strides = array<i32>} : memref<256xi32, #tpu.memory_space<vmem>>, vector<16xi32>,
            %get3A_323 = arith.constant 224 : index
            %get3A_324 = tpu.vector_load %arg11[%get3A_323] {strides = array<i32>} : memref<256xi32, #tpu.memory_space<vmem>>, vector<16xi32>,
            %swap3A_325 = arith.constant 96 : index
            %swap3A_326 = tpu.vector_load %arg11[%swap3A_325] {strides = array<i32>} : memref<256xi32, #tpu.memory_space<vmem>>, vector<16xi32>,
            tpu.vector_store %arg11[%swap3A_325], %get3A_324 {strides = array<i32>} : memref<256xi32, #tpu.memory_space<vmem>>, vector<16xi32>,
            %get3A_327 = arith.constant 240 : index
            %get3A_328 = tpu.vector_load %arg10[%get3A_327] {strides = array<i32>} : memref<256xi32, #tpu.memory_space<vmem>>, vector<16xi32>,
            %swap3A_329 = arith.constant 112 : index
            %swap3A_330 = tpu.vector_load %arg10[%swap3A_329] {strides = array<i32>} : memref<256xi32, #tpu.memory_space<vmem>>, vector<16xi32>,
            tpu.vector_store %arg10[%swap3A_329], %get3A_328 {strides = array<i32>} : memref<256xi32, #tpu.memory_space<vmem>>, vector<16xi32>,
            %get3A_331 = arith.constant 240 : index
            %get3A_332 = tpu.vector_load %arg11[%get3A_331] {strides = array<i32>} : memref<256xi32, #tpu.memory_space<vmem>>, vector<16xi32>,
            %swap3A_333 = arith.constant 112 : index
            %swap3A_334 = tpu.vector_load %arg11[%swap3A_333] {strides = array<i32>} : memref<256xi32, #tpu.memory_space<vmem>>, vector<16xi32>,
            tpu.vector_store %arg11[%swap3A_333], %get3A_332 {strides = array<i32>} : memref<256xi32, #tpu.memory_space<vmem>>, vector<16xi32>,
            %sub3A = arith.constant 128 : i32
            %sub3A_335 = arith.subi %scan3A_58#0, %sub3A : i32
            %add3A_336 = arith.constant 1 : i32
            %add3A_337 = arith.addi %scan3A_58#1, %add3A_336 : i32
            scf.yield %sub3A_335, %add3A_337 : i32, i32
          }
          scf.yield %cond3A_194#0, %cond3A_194#1 : i32, i32
        }
        %add3A_135 = arith.constant 2 : i32
        %add3A_136 = arith.addi %cond3A_134#1, %add3A_135 : i32
        %rem3A_137 = arith.constant 3 : i32
        %rem3A_138 = arith.remsi %add3A_136, %rem3A_137 : i32
        %eq3A_139 = arith.constant 0 : i32
        %eq3A_140 = arith.cmpi eq, %rem3A_138, %eq3A_139 : i32
        %convert_element_type3A_141 = arith.extui %eq3A_140 : i1 to i32
        %cond3A_142 = arith.constant 0 : i32
        %cond3A_143 = arith.cmpi ne, %convert_element_type3A_141, %cond3A_142 : i32
        scf.if %cond3A_143 {
          %dma_wait3A = arith.constant 0 : i32
          %dma_wait3A_178 = arith.constant 0 : i32
          %dma_wait3A_179 = tpu.memref_slice %arg4[%dma_wait3A, %dma_wait3A_178] : memref<100352x96xf32, #tpu.memory_space<hbm>> -> memref<100352x96xf32, #tpu.memory_space<hbm>>
          tpu.wait_indirect_dma semaphore(%arg23 : memref<!tpu.dma_semaphore, #tpu.memory_space<semaphore_mem>>) src(%dma_wait3A_179 : memref<100352x96xf32, #tpu.memory_space<hbm>>) dst(%arg18 : memref<128x96xf32, #tpu.memory_space<vmem>>)
          %dma_start3A_180 = arith.constant 0 : i32
          %dma_start3A_181 = arith.constant 0 : i32
          %dma_start3A_182 = tpu.memref_slice %arg22[%dma_start3A_180, %dma_start3A_181] : memref<12608x96xf32, #tpu.memory_space<vmem_shared>> -> memref<12608x96xf32, #tpu.memory_space<vmem_shared>>
          tpu.enqueue_indirect_dma source(%arg18 : memref<128x96xf32, #tpu.memory_space<vmem>>) target(%dma_start3A_182 : memref<12608x96xf32, #tpu.memory_space<vmem_shared>>) offsets(%arg15 : memref<128xi32, #tpu.memory_space<vmem>>) semaphore(%arg26 : memref<!tpu.dma_semaphore, #tpu.memory_space<semaphore_mem>>) {add = true}
          %dma_wait3A_183 = arith.constant 0 : i32
          %dma_wait3A_184 = arith.constant 0 : i32
          %dma_wait3A_185 = tpu.memref_slice %arg22[%dma_wait3A_183, %dma_wait3A_184] : memref<12608x96xf32, #tpu.memory_space<vmem_shared>> -> memref<12608x96xf32, #tpu.memory_space<vmem_shared>>
          tpu.wait_indirect_dma semaphore(%arg26 : memref<!tpu.dma_semaphore, #tpu.memory_space<semaphore_mem>>) src(%arg18 : memref<128x96xf32, #tpu.memory_space<vmem>>) dst(%dma_wait3A_185 : memref<12608x96xf32, #tpu.memory_space<vmem_shared>>)
        } else {
          %eq3A_178 = arith.constant 1 : i32
          %eq3A_179 = arith.cmpi eq, %rem3A_138, %eq3A_178 : i32
          %convert_element_type3A_180 = arith.extui %eq3A_179 : i1 to i32
          %cond3A_181 = arith.constant 0 : i32
          %cond3A_182 = arith.cmpi ne, %convert_element_type3A_180, %cond3A_181 : i32
          scf.if %cond3A_182 {
            %dma_wait3A = arith.constant 0 : i32
            %dma_wait3A_183 = arith.constant 0 : i32
            %dma_wait3A_184 = tpu.memref_slice %arg4[%dma_wait3A, %dma_wait3A_183] : memref<100352x96xf32, #tpu.memory_space<hbm>> -> memref<100352x96xf32, #tpu.memory_space<hbm>>
            tpu.wait_indirect_dma semaphore(%arg24 : memref<!tpu.dma_semaphore, #tpu.memory_space<semaphore_mem>>) src(%dma_wait3A_184 : memref<100352x96xf32, #tpu.memory_space<hbm>>) dst(%arg19 : memref<128x96xf32, #tpu.memory_space<vmem>>)
            %dma_start3A_185 = arith.constant 0 : i32
            %dma_start3A_186 = arith.constant 0 : i32
            %dma_start3A_187 = tpu.memref_slice %arg22[%dma_start3A_185, %dma_start3A_186] : memref<12608x96xf32, #tpu.memory_space<vmem_shared>> -> memref<12608x96xf32, #tpu.memory_space<vmem_shared>>
            tpu.enqueue_indirect_dma source(%arg19 : memref<128x96xf32, #tpu.memory_space<vmem>>) target(%dma_start3A_187 : memref<12608x96xf32, #tpu.memory_space<vmem_shared>>) offsets(%arg16 : memref<128xi32, #tpu.memory_space<vmem>>) semaphore(%arg27 : memref<!tpu.dma_semaphore, #tpu.memory_space<semaphore_mem>>) {add = true}
            %dma_wait3A_188 = arith.constant 0 : i32
            %dma_wait3A_189 = arith.constant 0 : i32
            %dma_wait3A_190 = tpu.memref_slice %arg22[%dma_wait3A_188, %dma_wait3A_189] : memref<12608x96xf32, #tpu.memory_space<vmem_shared>> -> memref<12608x96xf32, #tpu.memory_space<vmem_shared>>
            tpu.wait_indirect_dma semaphore(%arg27 : memref<!tpu.dma_semaphore, #tpu.memory_space<semaphore_mem>>) src(%arg19 : memref<128x96xf32, #tpu.memory_space<vmem>>) dst(%dma_wait3A_190 : memref<12608x96xf32, #tpu.memory_space<vmem_shared>>)
          } else {
            %dma_wait3A = arith.constant 0 : i32
            %dma_wait3A_183 = arith.constant 0 : i32
            %dma_wait3A_184 = tpu.memref_slice %arg4[%dma_wait3A, %dma_wait3A_183] : memref<100352x96xf32, #tpu.memory_space<hbm>> -> memref<100352x96xf32, #tpu.memory_space<hbm>>
            tpu.wait_indirect_dma semaphore(%arg25 : memref<!tpu.dma_semaphore, #tpu.memory_space<semaphore_mem>>) src(%dma_wait3A_184 : memref<100352x96xf32, #tpu.memory_space<hbm>>) dst(%arg20 : memref<128x96xf32, #tpu.memory_space<vmem>>)
            %dma_start3A_185 = arith.constant 0 : i32
            %dma_start3A_186 = arith.constant 0 : i32
            %dma_start3A_187 = tpu.memref_slice %arg22[%dma_start3A_185, %dma_start3A_186] : memref<12608x96xf32, #tpu.memory_space<vmem_shared>> -> memref<12608x96xf32, #tpu.memory_space<vmem_shared>>
            tpu.enqueue_indirect_dma source(%arg20 : memref<128x96xf32, #tpu.memory_space<vmem>>) target(%dma_start3A_187 : memref<12608x96xf32, #tpu.memory_space<vmem_shared>>) offsets(%arg17 : memref<128xi32, #tpu.memory_space<vmem>>) semaphore(%arg28 : memref<!tpu.dma_semaphore, #tpu.memory_space<semaphore_mem>>) {add = true}
            %dma_wait3A_188 = arith.constant 0 : i32
            %dma_wait3A_189 = arith.constant 0 : i32
            %dma_wait3A_190 = tpu.memref_slice %arg22[%dma_wait3A_188, %dma_wait3A_189] : memref<12608x96xf32, #tpu.memory_space<vmem_shared>> -> memref<12608x96xf32, #tpu.memory_space<vmem_shared>>
            tpu.wait_indirect_dma semaphore(%arg28 : memref<!tpu.dma_semaphore, #tpu.memory_space<semaphore_mem>>) src(%arg20 : memref<128x96xf32, #tpu.memory_space<vmem>>) dst(%dma_wait3A_190 : memref<12608x96xf32, #tpu.memory_space<vmem_shared>>)
          }
        }
        %ge3A = arith.constant 2 : i32
        %ge3A_144 = arith.cmpi sge, %cond3A_134#1, %ge3A : i32
        %convert_element_type3A_145 = arith.extui %ge3A_144 : i1 to i32
        %cond3A_146 = arith.constant 0 : i32
        %cond3A_147 = arith.cmpi ne, %convert_element_type3A_145, %cond3A_146 : i32
        scf.if %cond3A_147 {
          %add3A_178 = arith.constant 1 : i32
          %add3A_179 = arith.addi %cond3A_134#1, %add3A_178 : i32
          %rem3A_180 = arith.constant 3 : i32
          %rem3A_181 = arith.remsi %add3A_179, %rem3A_180 : i32
          %eq3A_182 = arith.constant 0 : i32
          %eq3A_183 = arith.cmpi eq, %rem3A_181, %eq3A_182 : i32
          %convert_element_type3A_184 = arith.extui %eq3A_183 : i1 to i32
          %cond3A_185 = arith.constant 0 : i32
          %cond3A_186 = arith.cmpi ne, %convert_element_type3A_184, %cond3A_185 : i32
          scf.if %cond3A_186 {
            %dma_wait3A = arith.constant 0 : i32
            %dma_wait3A_187 = arith.constant 0 : i32
            %dma_wait3A_188 = tpu.memref_slice %arg22[%dma_wait3A, %dma_wait3A_187] : memref<12608x96xf32, #tpu.memory_space<vmem_shared>> -> memref<12608x96xf32, #tpu.memory_space<vmem_shared>>
            tpu.wait_indirect_dma semaphore(%arg26 : memref<!tpu.dma_semaphore, #tpu.memory_space<semaphore_mem>>) src(%arg18 : memref<128x96xf32, #tpu.memory_space<vmem>>) dst(%dma_wait3A_188 : memref<12608x96xf32, #tpu.memory_space<vmem_shared>>)
          } else {
            %eq3A_187 = arith.constant 1 : i32
            %eq3A_188 = arith.cmpi eq, %rem3A_181, %eq3A_187 : i32
            %convert_element_type3A_189 = arith.extui %eq3A_188 : i1 to i32
            %cond3A_190 = arith.constant 0 : i32
            %cond3A_191 = arith.cmpi ne, %convert_element_type3A_189, %cond3A_190 : i32
            scf.if %cond3A_191 {
              %dma_wait3A = arith.constant 0 : i32
              %dma_wait3A_192 = arith.constant 0 : i32
              %dma_wait3A_193 = tpu.memref_slice %arg22[%dma_wait3A, %dma_wait3A_192] : memref<12608x96xf32, #tpu.memory_space<vmem_shared>> -> memref<12608x96xf32, #tpu.memory_space<vmem_shared>>
              tpu.wait_indirect_dma semaphore(%arg27 : memref<!tpu.dma_semaphore, #tpu.memory_space<semaphore_mem>>) src(%arg19 : memref<128x96xf32, #tpu.memory_space<vmem>>) dst(%dma_wait3A_193 : memref<12608x96xf32, #tpu.memory_space<vmem_shared>>)
            } else {
              %dma_wait3A = arith.constant 0 : i32
              %dma_wait3A_192 = arith.constant 0 : i32
              %dma_wait3A_193 = tpu.memref_slice %arg22[%dma_wait3A, %dma_wait3A_192] : memref<12608x96xf32, #tpu.memory_space<vmem_shared>> -> memref<12608x96xf32, #tpu.memory_space<vmem_shared>>
              tpu.wait_indirect_dma semaphore(%arg28 : memref<!tpu.dma_semaphore, #tpu.memory_space<semaphore_mem>>) src(%arg20 : memref<128x96xf32, #tpu.memory_space<vmem>>) dst(%dma_wait3A_193 : memref<12608x96xf32, #tpu.memory_space<vmem_shared>>)
            }
          }
        } else {
        }
        %ge3A_148 = arith.constant 3 : i32
        %ge3A_149 = arith.cmpi sge, %cond3A_134#1, %ge3A_148 : i32
        %convert_element_type3A_150 = arith.extui %ge3A_149 : i1 to i32
        %cond3A_151 = arith.constant 0 : i32
        %cond3A_152 = arith.cmpi ne, %convert_element_type3A_150, %cond3A_151 : i32
        scf.if %cond3A_152 {
          %rem3A_178 = arith.constant 3 : i32
          %rem3A_179 = arith.remsi %cond3A_134#1, %rem3A_178 : i32
          %eq3A_180 = arith.constant 0 : i32
          %eq3A_181 = arith.cmpi eq, %rem3A_179, %eq3A_180 : i32
          %convert_element_type3A_182 = arith.extui %eq3A_181 : i1 to i32
          %cond3A_183 = arith.constant 0 : i32
          %cond3A_184 = arith.cmpi ne, %convert_element_type3A_182, %cond3A_183 : i32
          scf.if %cond3A_184 {
            %dma_wait3A = arith.constant 0 : i32
            %dma_wait3A_185 = arith.constant 0 : i32
            %dma_wait3A_186 = tpu.memref_slice %arg22[%dma_wait3A, %dma_wait3A_185] : memref<12608x96xf32, #tpu.memory_space<vmem_shared>> -> memref<12608x96xf32, #tpu.memory_space<vmem_shared>>
            tpu.wait_indirect_dma semaphore(%arg26 : memref<!tpu.dma_semaphore, #tpu.memory_space<semaphore_mem>>) src(%arg18 : memref<128x96xf32, #tpu.memory_space<vmem>>) dst(%dma_wait3A_186 : memref<12608x96xf32, #tpu.memory_space<vmem_shared>>)
          } else {
            %eq3A_185 = arith.constant 1 : i32
            %eq3A_186 = arith.cmpi eq, %rem3A_179, %eq3A_185 : i32
            %convert_element_type3A_187 = arith.extui %eq3A_186 : i1 to i32
            %cond3A_188 = arith.constant 0 : i32
            %cond3A_189 = arith.cmpi ne, %convert_element_type3A_187, %cond3A_188 : i32
            scf.if %cond3A_189 {
              %dma_wait3A = arith.constant 0 : i32
              %dma_wait3A_190 = arith.constant 0 : i32
              %dma_wait3A_191 = tpu.memref_slice %arg22[%dma_wait3A, %dma_wait3A_190] : memref<12608x96xf32, #tpu.memory_space<vmem_shared>> -> memref<12608x96xf32, #tpu.memory_space<vmem_shared>>
              tpu.wait_indirect_dma semaphore(%arg27 : memref<!tpu.dma_semaphore, #tpu.memory_space<semaphore_mem>>) src(%arg19 : memref<128x96xf32, #tpu.memory_space<vmem>>) dst(%dma_wait3A_191 : memref<12608x96xf32, #tpu.memory_space<vmem_shared>>)
            } else {
              %dma_wait3A = arith.constant 0 : i32
              %dma_wait3A_190 = arith.constant 0 : i32
              %dma_wait3A_191 = tpu.memref_slice %arg22[%dma_wait3A, %dma_wait3A_190] : memref<12608x96xf32, #tpu.memory_space<vmem_shared>> -> memref<12608x96xf32, #tpu.memory_space<vmem_shared>>
              tpu.wait_indirect_dma semaphore(%arg28 : memref<!tpu.dma_semaphore, #tpu.memory_space<semaphore_mem>>) src(%arg20 : memref<128x96xf32, #tpu.memory_space<vmem>>) dst(%dma_wait3A_191 : memref<12608x96xf32, #tpu.memory_space<vmem_shared>>)
            }
          }
        } else {
        }
        %barrier3A_153 = arith.constant 0 : index
        tpu.barrier barrier_id(%barrier3A_153)
        %add3A_154 = arith.constant 0 : i32
        %add3A_155 = arith.addi %mul3A_15, %add3A_154 : i32
        %add3A_156 = arith.addi %mul3A_13, %add3A_155 : i32
        "tpu.region"() ({
          %run_scoped3A = tpu.sem_alloc : memref<!tpu.dma_semaphore, #tpu.memory_space<semaphore_mem>>
          %dma_start3A_178 = arith.constant 0 : i32
          %dma_start3A_179 = tpu.memref_slice %arg5[%add3A_156, %dma_start3A_178] : memref<100352x96xf32, #tpu.memory_space<hbm>> -> memref<128x96xf32, #tpu.memory_space<hbm>>
          %dma_start3A_180 = arith.constant 0 : i32
          %dma_start3A_181 = tpu.memref_slice %arg22[%add3A_155, %dma_start3A_180] : memref<12608x96xf32, #tpu.memory_space<vmem_shared>> -> memref<128x96xf32, #tpu.memory_space<vmem_shared>>
          tpu.enqueue_dma source(%dma_start3A_181 : memref<128x96xf32, #tpu.memory_space<vmem_shared>>) target(%dma_start3A_179 : memref<128x96xf32, #tpu.memory_space<hbm>>) target_semaphore(%run_scoped3A : memref<!tpu.dma_semaphore, #tpu.memory_space<semaphore_mem>>)
          %dma_wait3A = arith.constant 0 : i32
          %dma_wait3A_182 = tpu.memref_slice %arg5[%add3A_156, %dma_wait3A] : memref<100352x96xf32, #tpu.memory_space<hbm>> -> memref<128x96xf32, #tpu.memory_space<hbm>>
          %dma_wait3A_183 = arith.constant 0 : i32
          %dma_wait3A_184 = tpu.memref_slice %arg22[%add3A_155, %dma_wait3A_183] : memref<12608x96xf32, #tpu.memory_space<vmem_shared>> -> memref<128x96xf32, #tpu.memory_space<vmem_shared>>
          tpu.wait_dma2 semaphore(%run_scoped3A : memref<!tpu.dma_semaphore, #tpu.memory_space<semaphore_mem>>) src(%dma_wait3A_184 : memref<128x96xf32, #tpu.memory_space<vmem_shared>>) dst(%dma_wait3A_182 : memref<128x96xf32, #tpu.memory_space<hbm>>)
          tpu.yield
        }) : () -> ()
        %add3A_157 = arith.constant 128 : i32
        %add3A_158 = arith.addi %mul3A_15, %add3A_157 : i32
        %add3A_159 = arith.addi %mul3A_13, %add3A_158 : i32
        "tpu.region"() ({
          %run_scoped3A = tpu.sem_alloc : memref<!tpu.dma_semaphore, #tpu.memory_space<semaphore_mem>>
          %dma_start3A_178 = arith.constant 0 : i32
          %dma_start3A_179 = tpu.memref_slice %arg5[%add3A_159, %dma_start3A_178] : memref<100352x96xf32, #tpu.memory_space<hbm>> -> memref<128x96xf32, #tpu.memory_space<hbm>>
          %dma_start3A_180 = arith.constant 0 : i32
          %dma_start3A_181 = tpu.memref_slice %arg22[%add3A_158, %dma_start3A_180] : memref<12608x96xf32, #tpu.memory_space<vmem_shared>> -> memref<128x96xf32, #tpu.memory_space<vmem_shared>>
          tpu.enqueue_dma source(%dma_start3A_181 : memref<128x96xf32, #tpu.memory_space<vmem_shared>>) target(%dma_start3A_179 : memref<128x96xf32, #tpu.memory_space<hbm>>) target_semaphore(%run_scoped3A : memref<!tpu.dma_semaphore, #tpu.memory_space<semaphore_mem>>)
          %dma_wait3A = arith.constant 0 : i32
          %dma_wait3A_182 = tpu.memref_slice %arg5[%add3A_159, %dma_wait3A] : memref<100352x96xf32, #tpu.memory_space<hbm>> -> memref<128x96xf32, #tpu.memory_space<hbm>>
          %dma_wait3A_183 = arith.constant 0 : i32
          %dma_wait3A_184 = tpu.memref_slice %arg22[%add3A_158, %dma_wait3A_183] : memref<12608x96xf32, #tpu.memory_space<vmem_shared>> -> memref<128x96xf32, #tpu.memory_space<vmem_shared>>
          tpu.wait_dma2 semaphore(%run_scoped3A : memref<!tpu.dma_semaphore, #tpu.memory_space<semaphore_mem>>) src(%dma_wait3A_184 : memref<128x96xf32, #tpu.memory_space<vmem_shared>>) dst(%dma_wait3A_182 : memref<128x96xf32, #tpu.memory_space<hbm>>)
          tpu.yield
        }) : () -> ()
        %add3A_160 = arith.constant 256 : i32
        %add3A_161 = arith.addi %mul3A_15, %add3A_160 : i32
        %add3A_162 = arith.addi %mul3A_13, %add3A_161 : i32
        "tpu.region"() ({
          %run_scoped3A = tpu.sem_alloc : memref<!tpu.dma_semaphore, #tpu.memory_space<semaphore_mem>>
          %dma_start3A_178 = arith.constant 0 : i32
          %dma_start3A_179 = tpu.memref_slice %arg5[%add3A_162, %dma_start3A_178] : memref<100352x96xf32, #tpu.memory_space<hbm>> -> memref<128x96xf32, #tpu.memory_space<hbm>>
          %dma_start3A_180 = arith.constant 0 : i32
          %dma_start3A_181 = tpu.memref_slice %arg22[%add3A_161, %dma_start3A_180] : memref<12608x96xf32, #tpu.memory_space<vmem_shared>> -> memref<128x96xf32, #tpu.memory_space<vmem_shared>>
          tpu.enqueue_dma source(%dma_start3A_181 : memref<128x96xf32, #tpu.memory_space<vmem_shared>>) target(%dma_start3A_179 : memref<128x96xf32, #tpu.memory_space<hbm>>) target_semaphore(%run_scoped3A : memref<!tpu.dma_semaphore, #tpu.memory_space<semaphore_mem>>)
          %dma_wait3A = arith.constant 0 : i32
          %dma_wait3A_182 = tpu.memref_slice %arg5[%add3A_162, %dma_wait3A] : memref<100352x96xf32, #tpu.memory_space<hbm>> -> memref<128x96xf32, #tpu.memory_space<hbm>>
          %dma_wait3A_183 = arith.constant 0 : i32
          %dma_wait3A_184 = tpu.memref_slice %arg22[%add3A_161, %dma_wait3A_183] : memref<12608x96xf32, #tpu.memory_space<vmem_shared>> -> memref<128x96xf32, #tpu.memory_space<vmem_shared>>
          tpu.wait_dma2 semaphore(%run_scoped3A : memref<!tpu.dma_semaphore, #tpu.memory_space<semaphore_mem>>) src(%dma_wait3A_184 : memref<128x96xf32, #tpu.memory_space<vmem_shared>>) dst(%dma_wait3A_182 : memref<128x96xf32, #tpu.memory_space<hbm>>)
          tpu.yield
        }) : () -> ()
        %add3A_163 = arith.constant 384 : i32
        %add3A_164 = arith.addi %mul3A_15, %add3A_163 : i32
        %add3A_165 = arith.addi %mul3A_13, %add3A_164 : i32
        "tpu.region"() ({
          %run_scoped3A = tpu.sem_alloc : memref<!tpu.dma_semaphore, #tpu.memory_space<semaphore_mem>>
          %dma_start3A_178 = arith.constant 0 : i32
          %dma_start3A_179 = tpu.memref_slice %arg5[%add3A_165, %dma_start3A_178] : memref<100352x96xf32, #tpu.memory_space<hbm>> -> memref<128x96xf32, #tpu.memory_space<hbm>>
          %dma_start3A_180 = arith.constant 0 : i32
          %dma_start3A_181 = tpu.memref_slice %arg22[%add3A_164, %dma_start3A_180] : memref<12608x96xf32, #tpu.memory_space<vmem_shared>> -> memref<128x96xf32, #tpu.memory_space<vmem_shared>>
          tpu.enqueue_dma source(%dma_start3A_181 : memref<128x96xf32, #tpu.memory_space<vmem_shared>>) target(%dma_start3A_179 : memref<128x96xf32, #tpu.memory_space<hbm>>) target_semaphore(%run_scoped3A : memref<!tpu.dma_semaphore, #tpu.memory_space<semaphore_mem>>)
          %dma_wait3A = arith.constant 0 : i32
          %dma_wait3A_182 = tpu.memref_slice %arg5[%add3A_165, %dma_wait3A] : memref<100352x96xf32, #tpu.memory_space<hbm>> -> memref<128x96xf32, #tpu.memory_space<hbm>>
          %dma_wait3A_183 = arith.constant 0 : i32
          %dma_wait3A_184 = tpu.memref_slice %arg22[%add3A_164, %dma_wait3A_183] : memref<12608x96xf32, #tpu.memory_space<vmem_shared>> -> memref<128x96xf32, #tpu.memory_space<vmem_shared>>
          tpu.wait_dma2 semaphore(%run_scoped3A : memref<!tpu.dma_semaphore, #tpu.memory_space<semaphore_mem>>) src(%dma_wait3A_184 : memref<128x96xf32, #tpu.memory_space<vmem_shared>>) dst(%dma_wait3A_182 : memref<128x96xf32, #tpu.memory_space<hbm>>)
          tpu.yield
        }) : () -> ()
        %add3A_166 = arith.constant 512 : i32
        %add3A_167 = arith.addi %mul3A_15, %add3A_166 : i32
        %add3A_168 = arith.addi %mul3A_13, %add3A_167 : i32
        "tpu.region"() ({
          %run_scoped3A = tpu.sem_alloc : memref<!tpu.dma_semaphore, #tpu.memory_space<semaphore_mem>>
          %dma_start3A_178 = arith.constant 0 : i32
          %dma_start3A_179 = tpu.memref_slice %arg5[%add3A_168, %dma_start3A_178] : memref<100352x96xf32, #tpu.memory_space<hbm>> -> memref<128x96xf32, #tpu.memory_space<hbm>>
          %dma_start3A_180 = arith.constant 0 : i32
          %dma_start3A_181 = tpu.memref_slice %arg22[%add3A_167, %dma_start3A_180] : memref<12608x96xf32, #tpu.memory_space<vmem_shared>> -> memref<128x96xf32, #tpu.memory_space<vmem_shared>>
          tpu.enqueue_dma source(%dma_start3A_181 : memref<128x96xf32, #tpu.memory_space<vmem_shared>>) target(%dma_start3A_179 : memref<128x96xf32, #tpu.memory_space<hbm>>) target_semaphore(%run_scoped3A : memref<!tpu.dma_semaphore, #tpu.memory_space<semaphore_mem>>)
          %dma_wait3A = arith.constant 0 : i32
          %dma_wait3A_182 = tpu.memref_slice %arg5[%add3A_168, %dma_wait3A] : memref<100352x96xf32, #tpu.memory_space<hbm>> -> memref<128x96xf32, #tpu.memory_space<hbm>>
          %dma_wait3A_183 = arith.constant 0 : i32
          %dma_wait3A_184 = tpu.memref_slice %arg22[%add3A_167, %dma_wait3A_183] : memref<12608x96xf32, #tpu.memory_space<vmem_shared>> -> memref<128x96xf32, #tpu.memory_space<vmem_shared>>
          tpu.wait_dma2 semaphore(%run_scoped3A : memref<!tpu.dma_semaphore, #tpu.memory_space<semaphore_mem>>) src(%dma_wait3A_184 : memref<128x96xf32, #tpu.memory_space<vmem_shared>>) dst(%dma_wait3A_182 : memref<128x96xf32, #tpu.memory_space<hbm>>)
          tpu.yield
        }) : () -> ()
        %add3A_169 = arith.constant 640 : i32
        %add3A_170 = arith.addi %mul3A_15, %add3A_169 : i32
        %add3A_171 = arith.addi %mul3A_13, %add3A_170 : i32
        "tpu.region"() ({
          %run_scoped3A = tpu.sem_alloc : memref<!tpu.dma_semaphore, #tpu.memory_space<semaphore_mem>>
          %dma_start3A_178 = arith.constant 0 : i32
          %dma_start3A_179 = tpu.memref_slice %arg5[%add3A_171, %dma_start3A_178] : memref<100352x96xf32, #tpu.memory_space<hbm>> -> memref<128x96xf32, #tpu.memory_space<hbm>>
          %dma_start3A_180 = arith.constant 0 : i32
          %dma_start3A_181 = tpu.memref_slice %arg22[%add3A_170, %dma_start3A_180] : memref<12608x96xf32, #tpu.memory_space<vmem_shared>> -> memref<128x96xf32, #tpu.memory_space<vmem_shared>>
          tpu.enqueue_dma source(%dma_start3A_181 : memref<128x96xf32, #tpu.memory_space<vmem_shared>>) target(%dma_start3A_179 : memref<128x96xf32, #tpu.memory_space<hbm>>) target_semaphore(%run_scoped3A : memref<!tpu.dma_semaphore, #tpu.memory_space<semaphore_mem>>)
          %dma_wait3A = arith.constant 0 : i32
          %dma_wait3A_182 = tpu.memref_slice %arg5[%add3A_171, %dma_wait3A] : memref<100352x96xf32, #tpu.memory_space<hbm>> -> memref<128x96xf32, #tpu.memory_space<hbm>>
          %dma_wait3A_183 = arith.constant 0 : i32
          %dma_wait3A_184 = tpu.memref_slice %arg22[%add3A_170, %dma_wait3A_183] : memref<12608x96xf32, #tpu.memory_space<vmem_shared>> -> memref<128x96xf32, #tpu.memory_space<vmem_shared>>
          tpu.wait_dma2 semaphore(%run_scoped3A : memref<!tpu.dma_semaphore, #tpu.memory_space<semaphore_mem>>) src(%dma_wait3A_184 : memref<128x96xf32, #tpu.memory_space<vmem_shared>>) dst(%dma_wait3A_182 : memref<128x96xf32, #tpu.memory_space<hbm>>)
          tpu.yield
        }) : () -> ()
        %add3A_172 = arith.constant 768 : i32
        %add3A_173 = arith.addi %mul3A_15, %add3A_172 : i32
        %add3A_174 = arith.addi %mul3A_13, %mul3A_15 : i32
        %add3A_175 = arith.constant 768 : i32
        %add3A_176 = arith.addi %add3A_174, %add3A_175 : i32
        "tpu.region"() ({
          %run_scoped3A = tpu.sem_alloc : memref<!tpu.dma_semaphore, #tpu.memory_space<semaphore_mem>>
          %dma_start3A_178 = arith.constant 0 : i32
          %dma_start3A_179 = tpu.memref_slice %arg5[%add3A_176, %dma_start3A_178] : memref<100352x96xf32, #tpu.memory_space<hbm>> -> memref<16x96xf32, #tpu.memory_space<hbm>>
          %dma_start3A_180 = arith.constant 0 : i32
          %dma_start3A_181 = tpu.memref_slice %arg22[%add3A_173, %dma_start3A_180] : memref<12608x96xf32, #tpu.memory_space<vmem_shared>> -> memref<16x96xf32, #tpu.memory_space<vmem_shared>>
          tpu.enqueue_dma source(%dma_start3A_181 : memref<16x96xf32, #tpu.memory_space<vmem_shared>>) target(%dma_start3A_179 : memref<16x96xf32, #tpu.memory_space<hbm>>) target_semaphore(%run_scoped3A : memref<!tpu.dma_semaphore, #tpu.memory_space<semaphore_mem>>)
          %dma_wait3A = arith.constant 0 : i32
          %dma_wait3A_182 = tpu.memref_slice %arg5[%add3A_176, %dma_wait3A] : memref<100352x96xf32, #tpu.memory_space<hbm>> -> memref<16x96xf32, #tpu.memory_space<hbm>>
          %dma_wait3A_183 = arith.constant 0 : i32
          %dma_wait3A_184 = tpu.memref_slice %arg22[%add3A_173, %dma_wait3A_183] : memref<12608x96xf32, #tpu.memory_space<vmem_shared>> -> memref<16x96xf32, #tpu.memory_space<vmem_shared>>
          tpu.wait_dma2 semaphore(%run_scoped3A : memref<!tpu.dma_semaphore, #tpu.memory_space<semaphore_mem>>) src(%dma_wait3A_184 : memref<16x96xf32, #tpu.memory_space<vmem_shared>>) dst(%dma_wait3A_182 : memref<16x96xf32, #tpu.memory_space<hbm>>)
          tpu.yield
        }) : () -> ()
        %barrier3A_177 = arith.constant 0 : index
        tpu.barrier barrier_id(%barrier3A_177)
      } else {
      }
    }
    %scan3A_9 = arith.constant 8 : i32
    return
  }
}

#map = affine_map<(d0, d1) -> (0, 0)>
#map1 = affine_map<(d0, d1) -> (0, 0, 0)>
module attributes {stable_mosaic.version = 14 : i64} {
  func.func @_deg_body(%arg0: i32, %arg1: i32, %arg2: memref<12544x128xi32, #tpu.memory_space<hbm>>, %arg3: memref<12544x128xi32, #tpu.memory_space<hbm>>, %arg4: memref<8x2x100352xf32, #tpu.memory_space<hbm>>, %arg5: memref<112x128xi32, #tpu.memory_space<vmem>>, %arg6: memref<112x128xi32, #tpu.memory_space<vmem>>, %arg7: memref<112x128xi32, #tpu.memory_space<vmem>>, %arg8: memref<112x128xi32, #tpu.memory_space<vmem>>, %arg9: memref<25088xf32, #tpu.memory_space<vmem>>, %arg10: memref<25088xf32, #tpu.memory_space<vmem>>, %arg11: memref<!tpu.dma_semaphore, #tpu.memory_space<semaphore_mem>>, %arg12: memref<!tpu.dma_semaphore, #tpu.memory_space<semaphore_mem>>) attributes {dimension_semantics = [#tpu.dimension_semantics<core_parallel>, #tpu.dimension_semantics<subcore_parallel>], iteration_bounds = array<i64: 2, 16>, scalar_prefetch = 0 : i64, scratch_operands = 8 : i64, tpu.core_type = #tpu.core_type<sc_vector_subcore>, window_params = [{transform_indices = #map}, {transform_indices = #map}, {transform_indices = #map1}]} {
    %mul3A = arith.constant 16 : i32
    %mul3A_0 = arith.muli %arg0, %mul3A : i32
    %add3A = arith.addi %mul3A_0, %arg1 : i32
    %rem3A = arith.constant 8 : i32
    %rem3A_1 = arith.remsi %add3A, %rem3A : i32
    %jit3A = arith.constant 8 : i32
    %div3A = arith.divsi %add3A, %jit3A : i32
    %sign3A = arith.constant 0 : i32
    %sign3A_2 = arith.cmpi sgt, %add3A, %sign3A : i32
    %sign3A_3 = arith.extui %sign3A_2 : i1 to i32
    %sign3A_4 = arith.constant 0 : i32
    %sign3A_5 = arith.cmpi slt, %add3A, %sign3A_4 : i32
    %sign3A_6 = arith.extui %sign3A_5 : i1 to i32
    %sign3A_7 = arith.subi %sign3A_3, %sign3A_6 : i32
    %sign3A_8 = arith.constant 0 : i32
    %sign3A_9 = arith.cmpi sgt, %jit3A, %sign3A_8 : i32
    %sign3A_10 = arith.extui %sign3A_9 : i1 to i32
    %sign3A_11 = arith.constant 0 : i32
    %sign3A_12 = arith.cmpi slt, %jit3A, %sign3A_11 : i32
    %sign3A_13 = arith.extui %sign3A_12 : i1 to i32
    %sign3A_14 = arith.subi %sign3A_10, %sign3A_13 : i32
    %ne3A = arith.cmpi ne, %sign3A_7, %sign3A_14 : i32
    %rem3A_15 = arith.remsi %add3A, %jit3A : i32
    %ne3A_16 = arith.constant 0 : i32
    %ne3A_17 = arith.cmpi ne, %rem3A_15, %ne3A_16 : i32
    %and3A = arith.andi %ne3A, %ne3A_17 : i1
    %sub3A = arith.constant 1 : i32
    %sub3A_18 = arith.subi %div3A, %sub3A : i32
    %select_n3A = arith.select %and3A, %sub3A_18, %div3A : i32
    %mul3A_19 = arith.constant 25088 : i32
    %mul3A_20 = arith.muli %select_n3A, %mul3A_19 : i32
    %broadcast_in_dim3A = arith.constant 0.000000e+00 : f32
    %broadcast_in_dim3A_21 = vector.broadcast %broadcast_in_dim3A : f32 to vector<16xf32>
    %broadcast_in_dim3A_22 = arith.constant 1.000000e+00 : f32
    %broadcast_in_dim3A_23 = vector.broadcast %broadcast_in_dim3A_22 : f32 to vector<16xf32>
    %scan3A = arith.constant 0 : i32
    %scan3A_24 = arith.constant 1568 : i32
    %scan3A_25 = arith.addi %scan3A, %scan3A_24 : i32
    %scan3A_26 = arith.constant 1 : i32
    scf.for %scan3A_45 = %scan3A to %scan3A_25 step %scan3A_26  : i32 {
      %mul3A_46 = arith.constant 16 : i32
      %mul3A_47 = arith.muli %scan3A_45, %mul3A_46 : i32
      %swap3A = arith.index_cast %mul3A_47 : i32 to index
      %swap3A_48 = tpu.vector_load %arg9[%swap3A] {strides = array<i32>} : memref<25088xf32, #tpu.memory_space<vmem>>, vector<16xf32>,
      tpu.vector_store %arg9[%swap3A], %broadcast_in_dim3A_21 {strides = array<i32>} : memref<25088xf32, #tpu.memory_space<vmem>>, vector<16xf32>,
      %mul3A_49 = arith.constant 16 : i32
      %mul3A_50 = arith.muli %scan3A_45, %mul3A_49 : i32
      %swap3A_51 = arith.index_cast %mul3A_50 : i32 to index
      %swap3A_52 = tpu.vector_load %arg10[%swap3A_51] {strides = array<i32>} : memref<25088xf32, #tpu.memory_space<vmem>>, vector<16xf32>,
      tpu.vector_store %arg10[%swap3A_51], %broadcast_in_dim3A_21 {strides = array<i32>} : memref<25088xf32, #tpu.memory_space<vmem>>, vector<16xf32>,
    }
    %scan3A_27 = arith.constant 1568 : i32
    %mul3A_28 = arith.constant 1568 : i32
    %mul3A_29 = arith.muli %rem3A_1, %mul3A_28 : i32
    %add3A_30 = arith.constant 0 : i32
    %add3A_31 = arith.addi %mul3A_29, %add3A_30 : i32
    %dma_start3A = arith.constant 0 : i32
    %dma_start3A_32 = tpu.memref_slice %arg2[%add3A_31, %dma_start3A] : memref<12544x128xi32, #tpu.memory_space<hbm>> -> memref<112x128xi32, #tpu.memory_space<hbm>>
    %dma_start3A_33 = arith.constant 0 : i32
    %dma_start3A_34 = tpu.memref_slice %arg2[%add3A_31, %dma_start3A_33] : memref<12544x128xi32, #tpu.memory_space<hbm>> -> memref<112x128xi32, #tpu.memory_space<hbm>>
    tpu.enqueue_dma source(%dma_start3A_34 : memref<112x128xi32, #tpu.memory_space<hbm>>) target(%arg5 : memref<112x128xi32, #tpu.memory_space<vmem>>) target_semaphore(%arg11 : memref<!tpu.dma_semaphore, #tpu.memory_space<semaphore_mem>>)
    %dma_start3A_35 = arith.constant 0 : i32
    %dma_start3A_36 = tpu.memref_slice %arg3[%add3A_31, %dma_start3A_35] : memref<12544x128xi32, #tpu.memory_space<hbm>> -> memref<112x128xi32, #tpu.memory_space<hbm>>
    %dma_start3A_37 = arith.constant 0 : i32
    %dma_start3A_38 = tpu.memref_slice %arg3[%add3A_31, %dma_start3A_37] : memref<12544x128xi32, #tpu.memory_space<hbm>> -> memref<112x128xi32, #tpu.memory_space<hbm>>
    tpu.enqueue_dma source(%dma_start3A_38 : memref<112x128xi32, #tpu.memory_space<hbm>>) target(%arg7 : memref<112x128xi32, #tpu.memory_space<vmem>>) target_semaphore(%arg11 : memref<!tpu.dma_semaphore, #tpu.memory_space<semaphore_mem>>)
    %scan3A_39 = arith.constant 0 : i32
    %scan3A_40 = arith.constant 14 : i32
    %scan3A_41 = arith.addi %scan3A_39, %scan3A_40 : i32
    %scan3A_42 = arith.constant 1 : i32
    scf.for %scan3A_45 = %scan3A_39 to %scan3A_41 step %scan3A_42  : i32 {
      %rem3A_46 = arith.constant 2 : i32
      %rem3A_47 = arith.remsi %scan3A_45, %rem3A_46 : i32
      %eq3A = arith.constant 0 : i32
      %eq3A_48 = arith.cmpi eq, %rem3A_47, %eq3A : i32
      %convert_element_type3A = arith.extui %eq3A_48 : i1 to i32
      %cond3A = arith.constant 0 : i32
      %cond3A_49 = arith.cmpi ne, %convert_element_type3A, %cond3A : i32
      scf.if %cond3A_49 {
        %mul3A_50 = arith.constant 1568 : i32
        %mul3A_51 = arith.muli %rem3A_1, %mul3A_50 : i32
        %mul3A_52 = arith.constant 112 : i32
        %mul3A_53 = arith.muli %scan3A_45, %mul3A_52 : i32
        %add3A_54 = arith.addi %mul3A_51, %mul3A_53 : i32
        %dma_wait3A = arith.constant 0 : i32
        %dma_wait3A_55 = tpu.memref_slice %arg2[%add3A_54, %dma_wait3A] : memref<12544x128xi32, #tpu.memory_space<hbm>> -> memref<112x128xi32, #tpu.memory_space<hbm>>
        %dma_wait3A_56 = arith.constant 0 : i32
        %dma_wait3A_57 = tpu.memref_slice %arg2[%add3A_54, %dma_wait3A_56] : memref<12544x128xi32, #tpu.memory_space<hbm>> -> memref<112x128xi32, #tpu.memory_space<hbm>>
        tpu.wait_dma2 semaphore(%arg11 : memref<!tpu.dma_semaphore, #tpu.memory_space<semaphore_mem>>) src(%dma_wait3A_57 : memref<112x128xi32, #tpu.memory_space<hbm>>) dst(%arg5 : memref<112x128xi32, #tpu.memory_space<vmem>>)
        %dma_wait3A_58 = arith.constant 0 : i32
        %dma_wait3A_59 = tpu.memref_slice %arg3[%add3A_54, %dma_wait3A_58] : memref<12544x128xi32, #tpu.memory_space<hbm>> -> memref<112x128xi32, #tpu.memory_space<hbm>>
        %dma_wait3A_60 = arith.constant 0 : i32
        %dma_wait3A_61 = tpu.memref_slice %arg3[%add3A_54, %dma_wait3A_60] : memref<12544x128xi32, #tpu.memory_space<hbm>> -> memref<112x128xi32, #tpu.memory_space<hbm>>
        tpu.wait_dma2 semaphore(%arg11 : memref<!tpu.dma_semaphore, #tpu.memory_space<semaphore_mem>>) src(%dma_wait3A_61 : memref<112x128xi32, #tpu.memory_space<hbm>>) dst(%arg7 : memref<112x128xi32, #tpu.memory_space<vmem>>)
        %add3A_62 = arith.constant 1 : i32
        %add3A_63 = arith.addi %scan3A_45, %add3A_62 : i32
        %lt3A = arith.constant 14 : i32
        %lt3A_64 = arith.cmpi slt, %add3A_63, %lt3A : i32
        %convert_element_type3A_65 = arith.extui %lt3A_64 : i1 to i32
        %cond3A_66 = arith.constant 0 : i32
        %cond3A_67 = arith.cmpi ne, %convert_element_type3A_65, %cond3A_66 : i32
        scf.if %cond3A_67 {
          %add3A_73 = arith.constant 1 : i32
          %add3A_74 = arith.addi %scan3A_45, %add3A_73 : i32
          %mul3A_75 = arith.constant 1568 : i32
          %mul3A_76 = arith.muli %rem3A_1, %mul3A_75 : i32
          %mul3A_77 = arith.constant 112 : i32
          %mul3A_78 = arith.muli %add3A_74, %mul3A_77 : i32
          %add3A_79 = arith.addi %mul3A_76, %mul3A_78 : i32
          %dma_start3A_80 = arith.constant 0 : i32
          %dma_start3A_81 = tpu.memref_slice %arg2[%add3A_79, %dma_start3A_80] : memref<12544x128xi32, #tpu.memory_space<hbm>> -> memref<112x128xi32, #tpu.memory_space<hbm>>
          %dma_start3A_82 = arith.constant 0 : i32
          %dma_start3A_83 = tpu.memref_slice %arg2[%add3A_79, %dma_start3A_82] : memref<12544x128xi32, #tpu.memory_space<hbm>> -> memref<112x128xi32, #tpu.memory_space<hbm>>
          tpu.enqueue_dma source(%dma_start3A_83 : memref<112x128xi32, #tpu.memory_space<hbm>>) target(%arg6 : memref<112x128xi32, #tpu.memory_space<vmem>>) target_semaphore(%arg12 : memref<!tpu.dma_semaphore, #tpu.memory_space<semaphore_mem>>)
          %dma_start3A_84 = arith.constant 0 : i32
          %dma_start3A_85 = tpu.memref_slice %arg3[%add3A_79, %dma_start3A_84] : memref<12544x128xi32, #tpu.memory_space<hbm>> -> memref<112x128xi32, #tpu.memory_space<hbm>>
          %dma_start3A_86 = arith.constant 0 : i32
          %dma_start3A_87 = tpu.memref_slice %arg3[%add3A_79, %dma_start3A_86] : memref<12544x128xi32, #tpu.memory_space<hbm>> -> memref<112x128xi32, #tpu.memory_space<hbm>>
          tpu.enqueue_dma source(%dma_start3A_87 : memref<112x128xi32, #tpu.memory_space<hbm>>) target(%arg8 : memref<112x128xi32, #tpu.memory_space<vmem>>) target_semaphore(%arg12 : memref<!tpu.dma_semaphore, #tpu.memory_space<semaphore_mem>>)
        } else {
        }
        %scan3A_68 = arith.constant 0 : i32
        %scan3A_69 = arith.constant 112 : i32
        %scan3A_70 = arith.addi %scan3A_68, %scan3A_69 : i32
        %scan3A_71 = arith.constant 1 : i32
        scf.for %scan3A_73 = %scan3A_68 to %scan3A_70 step %scan3A_71  : i32 {
          %scan3A_74 = arith.constant 0 : i32
          %scan3A_75 = arith.constant 8 : i32
          %scan3A_76 = arith.addi %scan3A_74, %scan3A_75 : i32
          %scan3A_77 = arith.constant 1 : i32
          scf.for %scan3A_79 = %scan3A_74 to %scan3A_76 step %scan3A_77  : i32 {
            %mul3A_80 = arith.constant 16 : i32
            %mul3A_81 = arith.muli %scan3A_79, %mul3A_80 : i32
            %get3A = arith.index_cast %scan3A_73 : i32 to index
            %get3A_82 = arith.index_cast %mul3A_81 : i32 to index
            %get3A_83 = tpu.vector_load %arg5[%get3A, %get3A_82] {strides = array<i32>} : memref<112x128xi32, #tpu.memory_space<vmem>>, vector<16xi32>,
            %sub3A_84 = vector.broadcast %mul3A_20 : i32 to vector<16xi32>
            %sub3A_85 = arith.subi %get3A_83, %sub3A_84 : vector<16xi32>
            %ge3A = arith.constant 0 : i32
            %ge3A_86 = vector.broadcast %ge3A : i32 to vector<16xi32>
            %ge3A_87 = arith.cmpi sge, %sub3A_85, %ge3A_86 : vector<16xi32>
            %lt3A_88 = arith.constant 25088 : i32
            %lt3A_89 = vector.broadcast %lt3A_88 : i32 to vector<16xi32>
            %lt3A_90 = arith.cmpi slt, %sub3A_85, %lt3A_89 : vector<16xi32>
            %and3A_91 = arith.andi %ge3A_87, %lt3A_90 : vector<16xi1>
            tpu.vector_store_idx %arg9[%sub3A_85], %broadcast_in_dim3A_23 masked %and3A_91 {add = true} : memref<25088xf32, #tpu.memory_space<vmem>>[vector<16xi32>], vector<16xf32>, vector<16xi1>
            %mul3A_92 = arith.constant 16 : i32
            %mul3A_93 = arith.muli %scan3A_79, %mul3A_92 : i32
            %get3A_94 = arith.index_cast %scan3A_73 : i32 to index
            %get3A_95 = arith.index_cast %mul3A_93 : i32 to index
            %get3A_96 = tpu.vector_load %arg7[%get3A_94, %get3A_95] {strides = array<i32>} : memref<112x128xi32, #tpu.memory_space<vmem>>, vector<16xi32>,
            %sub3A_97 = vector.broadcast %mul3A_20 : i32 to vector<16xi32>
            %sub3A_98 = arith.subi %get3A_96, %sub3A_97 : vector<16xi32>
            %ge3A_99 = arith.constant 0 : i32
            %ge3A_100 = vector.broadcast %ge3A_99 : i32 to vector<16xi32>
            %ge3A_101 = arith.cmpi sge, %sub3A_98, %ge3A_100 : vector<16xi32>
            %lt3A_102 = arith.constant 25088 : i32
            %lt3A_103 = vector.broadcast %lt3A_102 : i32 to vector<16xi32>
            %lt3A_104 = arith.cmpi slt, %sub3A_98, %lt3A_103 : vector<16xi32>
            %and3A_105 = arith.andi %ge3A_101, %lt3A_104 : vector<16xi1>
            tpu.vector_store_idx %arg10[%sub3A_98], %broadcast_in_dim3A_23 masked %and3A_105 {add = true} : memref<25088xf32, #tpu.memory_space<vmem>>[vector<16xi32>], vector<16xf32>, vector<16xi1>
          }
          %scan3A_78 = arith.constant 8 : i32
        }
        %scan3A_72 = arith.constant 112 : i32
      } else {
        %mul3A_50 = arith.constant 1568 : i32
        %mul3A_51 = arith.muli %rem3A_1, %mul3A_50 : i32
        %mul3A_52 = arith.constant 112 : i32
        %mul3A_53 = arith.muli %scan3A_45, %mul3A_52 : i32
        %add3A_54 = arith.addi %mul3A_51, %mul3A_53 : i32
        %dma_wait3A = arith.constant 0 : i32
        %dma_wait3A_55 = tpu.memref_slice %arg2[%add3A_54, %dma_wait3A] : memref<12544x128xi32, #tpu.memory_space<hbm>> -> memref<112x128xi32, #tpu.memory_space<hbm>>
        %dma_wait3A_56 = arith.constant 0 : i32
        %dma_wait3A_57 = tpu.memref_slice %arg2[%add3A_54, %dma_wait3A_56] : memref<12544x128xi32, #tpu.memory_space<hbm>> -> memref<112x128xi32, #tpu.memory_space<hbm>>
        tpu.wait_dma2 semaphore(%arg12 : memref<!tpu.dma_semaphore, #tpu.memory_space<semaphore_mem>>) src(%dma_wait3A_57 : memref<112x128xi32, #tpu.memory_space<hbm>>) dst(%arg6 : memref<112x128xi32, #tpu.memory_space<vmem>>)
        %dma_wait3A_58 = arith.constant 0 : i32
        %dma_wait3A_59 = tpu.memref_slice %arg3[%add3A_54, %dma_wait3A_58] : memref<12544x128xi32, #tpu.memory_space<hbm>> -> memref<112x128xi32, #tpu.memory_space<hbm>>
        %dma_wait3A_60 = arith.constant 0 : i32
        %dma_wait3A_61 = tpu.memref_slice %arg3[%add3A_54, %dma_wait3A_60] : memref<12544x128xi32, #tpu.memory_space<hbm>> -> memref<112x128xi32, #tpu.memory_space<hbm>>
        tpu.wait_dma2 semaphore(%arg12 : memref<!tpu.dma_semaphore, #tpu.memory_space<semaphore_mem>>) src(%dma_wait3A_61 : memref<112x128xi32, #tpu.memory_space<hbm>>) dst(%arg8 : memref<112x128xi32, #tpu.memory_space<vmem>>)
        %add3A_62 = arith.constant 1 : i32
        %add3A_63 = arith.addi %scan3A_45, %add3A_62 : i32
        %lt3A = arith.constant 14 : i32
        %lt3A_64 = arith.cmpi slt, %add3A_63, %lt3A : i32
        %convert_element_type3A_65 = arith.extui %lt3A_64 : i1 to i32
        %cond3A_66 = arith.constant 0 : i32
        %cond3A_67 = arith.cmpi ne, %convert_element_type3A_65, %cond3A_66 : i32
        scf.if %cond3A_67 {
          %add3A_73 = arith.constant 1 : i32
          %add3A_74 = arith.addi %scan3A_45, %add3A_73 : i32
          %mul3A_75 = arith.constant 1568 : i32
          %mul3A_76 = arith.muli %rem3A_1, %mul3A_75 : i32
          %mul3A_77 = arith.constant 112 : i32
          %mul3A_78 = arith.muli %add3A_74, %mul3A_77 : i32
          %add3A_79 = arith.addi %mul3A_76, %mul3A_78 : i32
          %dma_start3A_80 = arith.constant 0 : i32
          %dma_start3A_81 = tpu.memref_slice %arg2[%add3A_79, %dma_start3A_80] : memref<12544x128xi32, #tpu.memory_space<hbm>> -> memref<112x128xi32, #tpu.memory_space<hbm>>
          %dma_start3A_82 = arith.constant 0 : i32
          %dma_start3A_83 = tpu.memref_slice %arg2[%add3A_79, %dma_start3A_82] : memref<12544x128xi32, #tpu.memory_space<hbm>> -> memref<112x128xi32, #tpu.memory_space<hbm>>
          tpu.enqueue_dma source(%dma_start3A_83 : memref<112x128xi32, #tpu.memory_space<hbm>>) target(%arg5 : memref<112x128xi32, #tpu.memory_space<vmem>>) target_semaphore(%arg11 : memref<!tpu.dma_semaphore, #tpu.memory_space<semaphore_mem>>)
          %dma_start3A_84 = arith.constant 0 : i32
          %dma_start3A_85 = tpu.memref_slice %arg3[%add3A_79, %dma_start3A_84] : memref<12544x128xi32, #tpu.memory_space<hbm>> -> memref<112x128xi32, #tpu.memory_space<hbm>>
          %dma_start3A_86 = arith.constant 0 : i32
          %dma_start3A_87 = tpu.memref_slice %arg3[%add3A_79, %dma_start3A_86] : memref<12544x128xi32, #tpu.memory_space<hbm>> -> memref<112x128xi32, #tpu.memory_space<hbm>>
          tpu.enqueue_dma source(%dma_start3A_87 : memref<112x128xi32, #tpu.memory_space<hbm>>) target(%arg7 : memref<112x128xi32, #tpu.memory_space<vmem>>) target_semaphore(%arg11 : memref<!tpu.dma_semaphore, #tpu.memory_space<semaphore_mem>>)
        } else {
        }
        %scan3A_68 = arith.constant 0 : i32
        %scan3A_69 = arith.constant 112 : i32
        %scan3A_70 = arith.addi %scan3A_68, %scan3A_69 : i32
        %scan3A_71 = arith.constant 1 : i32
        scf.for %scan3A_73 = %scan3A_68 to %scan3A_70 step %scan3A_71  : i32 {
          %scan3A_74 = arith.constant 0 : i32
          %scan3A_75 = arith.constant 8 : i32
          %scan3A_76 = arith.addi %scan3A_74, %scan3A_75 : i32
          %scan3A_77 = arith.constant 1 : i32
          scf.for %scan3A_79 = %scan3A_74 to %scan3A_76 step %scan3A_77  : i32 {
            %mul3A_80 = arith.constant 16 : i32
            %mul3A_81 = arith.muli %scan3A_79, %mul3A_80 : i32
            %get3A = arith.index_cast %scan3A_73 : i32 to index
            %get3A_82 = arith.index_cast %mul3A_81 : i32 to index
            %get3A_83 = tpu.vector_load %arg6[%get3A, %get3A_82] {strides = array<i32>} : memref<112x128xi32, #tpu.memory_space<vmem>>, vector<16xi32>,
            %sub3A_84 = vector.broadcast %mul3A_20 : i32 to vector<16xi32>
            %sub3A_85 = arith.subi %get3A_83, %sub3A_84 : vector<16xi32>
            %ge3A = arith.constant 0 : i32
            %ge3A_86 = vector.broadcast %ge3A : i32 to vector<16xi32>
            %ge3A_87 = arith.cmpi sge, %sub3A_85, %ge3A_86 : vector<16xi32>
            %lt3A_88 = arith.constant 25088 : i32
            %lt3A_89 = vector.broadcast %lt3A_88 : i32 to vector<16xi32>
            %lt3A_90 = arith.cmpi slt, %sub3A_85, %lt3A_89 : vector<16xi32>
            %and3A_91 = arith.andi %ge3A_87, %lt3A_90 : vector<16xi1>
            tpu.vector_store_idx %arg9[%sub3A_85], %broadcast_in_dim3A_23 masked %and3A_91 {add = true} : memref<25088xf32, #tpu.memory_space<vmem>>[vector<16xi32>], vector<16xf32>, vector<16xi1>
            %mul3A_92 = arith.constant 16 : i32
            %mul3A_93 = arith.muli %scan3A_79, %mul3A_92 : i32
            %get3A_94 = arith.index_cast %scan3A_73 : i32 to index
            %get3A_95 = arith.index_cast %mul3A_93 : i32 to index
            %get3A_96 = tpu.vector_load %arg8[%get3A_94, %get3A_95] {strides = array<i32>} : memref<112x128xi32, #tpu.memory_space<vmem>>, vector<16xi32>,
            %sub3A_97 = vector.broadcast %mul3A_20 : i32 to vector<16xi32>
            %sub3A_98 = arith.subi %get3A_96, %sub3A_97 : vector<16xi32>
            %ge3A_99 = arith.constant 0 : i32
            %ge3A_100 = vector.broadcast %ge3A_99 : i32 to vector<16xi32>
            %ge3A_101 = arith.cmpi sge, %sub3A_98, %ge3A_100 : vector<16xi32>
            %lt3A_102 = arith.constant 25088 : i32
            %lt3A_103 = vector.broadcast %lt3A_102 : i32 to vector<16xi32>
            %lt3A_104 = arith.cmpi slt, %sub3A_98, %lt3A_103 : vector<16xi32>
            %and3A_105 = arith.andi %ge3A_101, %lt3A_104 : vector<16xi1>
            tpu.vector_store_idx %arg10[%sub3A_98], %broadcast_in_dim3A_23 masked %and3A_105 {add = true} : memref<25088xf32, #tpu.memory_space<vmem>>[vector<16xi32>], vector<16xf32>, vector<16xi1>
          }
          %scan3A_78 = arith.constant 8 : i32
        }
        %scan3A_72 = arith.constant 112 : i32
      }
    }
    %scan3A_43 = arith.constant 14 : i32
    %run_scoped3A = arith.constant 0 : i32
    "tpu.region"() ({
      %run_scoped3A_45 = tpu.sem_alloc : memref<!tpu.dma_semaphore, #tpu.memory_space<semaphore_mem>>
      %dma_start3A_46 = tpu.memref_slice %arg4[%rem3A_1, %run_scoped3A, %mul3A_20] : memref<8x2x100352xf32, #tpu.memory_space<hbm>> -> memref<1x1x25088xf32, #tpu.memory_space<hbm>>
      %dma_start3A_47 = tpu.memref_squeeze %dma_start3A_46 : memref<1x1x25088xf32, #tpu.memory_space<hbm>> -> memref<25088xf32, #tpu.memory_space<hbm>>
      %dma_start3A_48 = tpu.memref_slice %arg4[%rem3A_1, %run_scoped3A, %mul3A_20] : memref<8x2x100352xf32, #tpu.memory_space<hbm>> -> memref<1x1x25088xf32, #tpu.memory_space<hbm>>
      %dma_start3A_49 = tpu.memref_squeeze %dma_start3A_48 : memref<1x1x25088xf32, #tpu.memory_space<hbm>> -> memref<25088xf32, #tpu.memory_space<hbm>>
      tpu.enqueue_dma source(%arg9 : memref<25088xf32, #tpu.memory_space<vmem>>) target(%dma_start3A_49 : memref<25088xf32, #tpu.memory_space<hbm>>) target_semaphore(%run_scoped3A_45 : memref<!tpu.dma_semaphore, #tpu.memory_space<semaphore_mem>>)
      %dma_wait3A = tpu.memref_slice %arg4[%rem3A_1, %run_scoped3A, %mul3A_20] : memref<8x2x100352xf32, #tpu.memory_space<hbm>> -> memref<1x1x25088xf32, #tpu.memory_space<hbm>>
      %dma_wait3A_50 = tpu.memref_squeeze %dma_wait3A : memref<1x1x25088xf32, #tpu.memory_space<hbm>> -> memref<25088xf32, #tpu.memory_space<hbm>>
      %dma_wait3A_51 = tpu.memref_slice %arg4[%rem3A_1, %run_scoped3A, %mul3A_20] : memref<8x2x100352xf32, #tpu.memory_space<hbm>> -> memref<1x1x25088xf32, #tpu.memory_space<hbm>>
      %dma_wait3A_52 = tpu.memref_squeeze %dma_wait3A_51 : memref<1x1x25088xf32, #tpu.memory_space<hbm>> -> memref<25088xf32, #tpu.memory_space<hbm>>
      tpu.wait_dma2 semaphore(%run_scoped3A_45 : memref<!tpu.dma_semaphore, #tpu.memory_space<semaphore_mem>>) src(%arg9 : memref<25088xf32, #tpu.memory_space<vmem>>) dst(%dma_wait3A_52 : memref<25088xf32, #tpu.memory_space<hbm>>)
      tpu.yield
    }) : () -> ()
    %run_scoped3A_44 = arith.constant 1 : i32
    "tpu.region"() ({
      %run_scoped3A_45 = tpu.sem_alloc : memref<!tpu.dma_semaphore, #tpu.memory_space<semaphore_mem>>
      %dma_start3A_46 = tpu.memref_slice %arg4[%rem3A_1, %run_scoped3A_44, %mul3A_20] : memref<8x2x100352xf32, #tpu.memory_space<hbm>> -> memref<1x1x25088xf32, #tpu.memory_space<hbm>>
      %dma_start3A_47 = tpu.memref_squeeze %dma_start3A_46 : memref<1x1x25088xf32, #tpu.memory_space<hbm>> -> memref<25088xf32, #tpu.memory_space<hbm>>
      %dma_start3A_48 = tpu.memref_slice %arg4[%rem3A_1, %run_scoped3A_44, %mul3A_20] : memref<8x2x100352xf32, #tpu.memory_space<hbm>> -> memref<1x1x25088xf32, #tpu.memory_space<hbm>>
      %dma_start3A_49 = tpu.memref_squeeze %dma_start3A_48 : memref<1x1x25088xf32, #tpu.memory_space<hbm>> -> memref<25088xf32, #tpu.memory_space<hbm>>
      tpu.enqueue_dma source(%arg10 : memref<25088xf32, #tpu.memory_space<vmem>>) target(%dma_start3A_49 : memref<25088xf32, #tpu.memory_space<hbm>>) target_semaphore(%run_scoped3A_45 : memref<!tpu.dma_semaphore, #tpu.memory_space<semaphore_mem>>)
      %dma_wait3A = tpu.memref_slice %arg4[%rem3A_1, %run_scoped3A_44, %mul3A_20] : memref<8x2x100352xf32, #tpu.memory_space<hbm>> -> memref<1x1x25088xf32, #tpu.memory_space<hbm>>
      %dma_wait3A_50 = tpu.memref_squeeze %dma_wait3A : memref<1x1x25088xf32, #tpu.memory_space<hbm>> -> memref<25088xf32, #tpu.memory_space<hbm>>
      %dma_wait3A_51 = tpu.memref_slice %arg4[%rem3A_1, %run_scoped3A_44, %mul3A_20] : memref<8x2x100352xf32, #tpu.memory_space<hbm>> -> memref<1x1x25088xf32, #tpu.memory_space<hbm>>
      %dma_wait3A_52 = tpu.memref_squeeze %dma_wait3A_51 : memref<1x1x25088xf32, #tpu.memory_space<hbm>> -> memref<25088xf32, #tpu.memory_space<hbm>>
      tpu.wait_dma2 semaphore(%run_scoped3A_45 : memref<!tpu.dma_semaphore, #tpu.memory_space<semaphore_mem>>) src(%arg10 : memref<25088xf32, #tpu.memory_space<vmem>>) dst(%dma_wait3A_52 : memref<25088xf32, #tpu.memory_space<hbm>>)
      tpu.yield
    }) : () -> ()
    return
  }
}

module attributes {stable_mosaic.version = 14 : i64} {
  func.func @_prep_body(%arg0: i32, %arg1: memref<2x1024x48xf32, #tpu.memory_space<vmem>>, %arg2: memref<1024xf32, #tpu.memory_space<vmem>>, %arg3: memref<1024xf32, #tpu.memory_space<vmem>>, %arg4: memref<1024xf32, #tpu.memory_space<vmem>>, %arg5: memref<1024xf32, #tpu.memory_space<vmem>>, %arg6: memref<1024xf32, #tpu.memory_space<vmem>>, %arg7: memref<1024xf32, #tpu.memory_space<vmem>>, %arg8: memref<1024xf32, #tpu.memory_space<vmem>>, %arg9: memref<1024xf32, #tpu.memory_space<vmem>>, %arg10: memref<1024xf32, #tpu.memory_space<vmem>>, %arg11: memref<1024xf32, #tpu.memory_space<vmem>>, %arg12: memref<1024xf32, #tpu.memory_space<vmem>>, %arg13: memref<1024xf32, #tpu.memory_space<vmem>>, %arg14: memref<1024xf32, #tpu.memory_space<vmem>>, %arg15: memref<1024xf32, #tpu.memory_space<vmem>>, %arg16: memref<1024xf32, #tpu.memory_space<vmem>>, %arg17: memref<1024xf32, #tpu.memory_space<vmem>>, %arg18: memref<1024x96xf32, #tpu.memory_space<vmem>>, %arg19: memref<1024xf32, #tpu.memory_space<vmem>>) attributes {dimension_semantics = [#tpu.dimension_semantics<arbitrary>], iteration_bounds = array<i64: 98>, scalar_prefetch = 0 : i64, scratch_operands = 0 : i64, tpu.core_type = #tpu.core_type<tc>, window_params = [{transform_indices = @transform_0, window_bounds = array<i64: 2, 1024, 48>}, {transform_indices = @transform_1, window_bounds = array<i64: 1024>}, {transform_indices = @transform_2, window_bounds = array<i64: 1024>}, {transform_indices = @transform_3, window_bounds = array<i64: 1024>}, {transform_indices = @transform_4, window_bounds = array<i64: 1024>}, {transform_indices = @transform_5, window_bounds = array<i64: 1024>}, {transform_indices = @transform_6, window_bounds = array<i64: 1024>}, {transform_indices = @transform_7, window_bounds = array<i64: 1024>}, {transform_indices = @transform_8, window_bounds = array<i64: 1024>}, {transform_indices = @transform_9, window_bounds = array<i64: 1024>}, {transform_indices = @transform_10, window_bounds = array<i64: 1024>}, {transform_indices = @transform_11, window_bounds = array<i64: 1024>}, {transform_indices = @transform_12, window_bounds = array<i64: 1024>}, {transform_indices = @transform_13, window_bounds = array<i64: 1024>}, {transform_indices = @transform_14, window_bounds = array<i64: 1024>}, {transform_indices = @transform_15, window_bounds = array<i64: 1024>}, {transform_indices = @transform_16, window_bounds = array<i64: 1024>}, {transform_indices = @transform_17, window_bounds = array<i64: 1024, 96>}, {transform_indices = @transform_18, window_bounds = array<i64: 1024>}]} {
    %get3A = arith.constant 0 : index
    %get3A_0 = arith.constant 0 : index
    %get3A_1 = arith.constant 0 : index
    %get3A_2 = vector.load %arg1[%get3A, %get3A_0, %get3A_1] : memref<2x1024x48xf32, #tpu.memory_space<vmem>>, vector<1x1024x48xf32>
    %get3A_3 = vector.shape_cast %get3A_2 : vector<1x1024x48xf32> to vector<1024x48xf32>
    %get3A_4 = arith.constant 1 : index
    %get3A_5 = arith.constant 0 : index
    %get3A_6 = arith.constant 0 : index
    %get3A_7 = vector.load %arg1[%get3A_4, %get3A_5, %get3A_6] : memref<2x1024x48xf32, #tpu.memory_space<vmem>>, vector<1x1024x48xf32>
    %get3A_8 = vector.shape_cast %get3A_7 : vector<1x1024x48xf32> to vector<1024x48xf32>
    %get3A_9 = arith.constant 0 : index
    %get3A_10 = vector.load %arg2[%get3A_9] : memref<1024xf32, #tpu.memory_space<vmem>>, vector<1024xf32>
    %get3A_11 = arith.constant 0 : index
    %get3A_12 = vector.load %arg10[%get3A_11] : memref<1024xf32, #tpu.memory_space<vmem>>, vector<1024xf32>
    %get3A_13 = arith.constant 0 : index
    %get3A_14 = vector.load %arg3[%get3A_13] : memref<1024xf32, #tpu.memory_space<vmem>>, vector<1024xf32>
    %add3A = arith.addf %get3A_10, %get3A_14 : vector<1024xf32>
    %get3A_15 = arith.constant 0 : index
    %get3A_16 = vector.load %arg11[%get3A_15] : memref<1024xf32, #tpu.memory_space<vmem>>, vector<1024xf32>
    %add3A_17 = arith.addf %get3A_12, %get3A_16 : vector<1024xf32>
    %get3A_18 = arith.constant 0 : index
    %get3A_19 = vector.load %arg4[%get3A_18] : memref<1024xf32, #tpu.memory_space<vmem>>, vector<1024xf32>
    %add3A_20 = arith.addf %add3A, %get3A_19 : vector<1024xf32>
    %get3A_21 = arith.constant 0 : index
    %get3A_22 = vector.load %arg12[%get3A_21] : memref<1024xf32, #tpu.memory_space<vmem>>, vector<1024xf32>
    %add3A_23 = arith.addf %add3A_17, %get3A_22 : vector<1024xf32>
    %get3A_24 = arith.constant 0 : index
    %get3A_25 = vector.load %arg5[%get3A_24] : memref<1024xf32, #tpu.memory_space<vmem>>, vector<1024xf32>
    %add3A_26 = arith.addf %add3A_20, %get3A_25 : vector<1024xf32>
    %get3A_27 = arith.constant 0 : index
    %get3A_28 = vector.load %arg13[%get3A_27] : memref<1024xf32, #tpu.memory_space<vmem>>, vector<1024xf32>
    %add3A_29 = arith.addf %add3A_23, %get3A_28 : vector<1024xf32>
    %get3A_30 = arith.constant 0 : index
    %get3A_31 = vector.load %arg6[%get3A_30] : memref<1024xf32, #tpu.memory_space<vmem>>, vector<1024xf32>
    %add3A_32 = arith.addf %add3A_26, %get3A_31 : vector<1024xf32>
    %get3A_33 = arith.constant 0 : index
    %get3A_34 = vector.load %arg14[%get3A_33] : memref<1024xf32, #tpu.memory_space<vmem>>, vector<1024xf32>
    %add3A_35 = arith.addf %add3A_29, %get3A_34 : vector<1024xf32>
    %get3A_36 = arith.constant 0 : index
    %get3A_37 = vector.load %arg7[%get3A_36] : memref<1024xf32, #tpu.memory_space<vmem>>, vector<1024xf32>
    %add3A_38 = arith.addf %add3A_32, %get3A_37 : vector<1024xf32>
    %get3A_39 = arith.constant 0 : index
    %get3A_40 = vector.load %arg15[%get3A_39] : memref<1024xf32, #tpu.memory_space<vmem>>, vector<1024xf32>
    %add3A_41 = arith.addf %add3A_35, %get3A_40 : vector<1024xf32>
    %get3A_42 = arith.constant 0 : index
    %get3A_43 = vector.load %arg8[%get3A_42] : memref<1024xf32, #tpu.memory_space<vmem>>, vector<1024xf32>
    %add3A_44 = arith.addf %add3A_38, %get3A_43 : vector<1024xf32>
    %get3A_45 = arith.constant 0 : index
    %get3A_46 = vector.load %arg16[%get3A_45] : memref<1024xf32, #tpu.memory_space<vmem>>, vector<1024xf32>
    %add3A_47 = arith.addf %add3A_41, %get3A_46 : vector<1024xf32>
    %get3A_48 = arith.constant 0 : index
    %get3A_49 = vector.load %arg9[%get3A_48] : memref<1024xf32, #tpu.memory_space<vmem>>, vector<1024xf32>
    %add3A_50 = arith.addf %add3A_44, %get3A_49 : vector<1024xf32>
    %get3A_51 = arith.constant 0 : index
    %get3A_52 = vector.load %arg17[%get3A_51] : memref<1024xf32, #tpu.memory_space<vmem>>, vector<1024xf32>
    %add3A_53 = arith.addf %add3A_47, %get3A_52 : vector<1024xf32>
    %gt3A = arith.constant 0.000000e+00 : f32
    %gt3A_54 = vector.broadcast %gt3A : f32 to vector<1024xf32>
    %gt3A_55 = arith.cmpf ogt, %add3A_50, %gt3A_54 : vector<1024xf32>
    %max3A = arith.constant 1.000000e+00 : f32
    %max3A_56 = vector.broadcast %max3A : f32 to vector<1024xf32>
    %max3A_57 = arith.maximumf %add3A_50, %max3A_56 : vector<1024xf32>
    %rsqrt3A = math.rsqrt %max3A_57 : vector<1024xf32>
    %jit3A = arith.constant 0.000000e+00 : f32
    %broadcast_in_dim3A = vector.broadcast %jit3A : f32 to vector<1024xf32>
    %select_n3A = arith.select %gt3A_55, %rsqrt3A, %broadcast_in_dim3A : vector<1024xi1>, vector<1024xf32>
    %gt3A_58 = arith.constant 0.000000e+00 : f32
    %gt3A_59 = vector.broadcast %gt3A_58 : f32 to vector<1024xf32>
    %gt3A_60 = arith.cmpf ogt, %add3A_53, %gt3A_59 : vector<1024xf32>
    %max3A_61 = arith.constant 1.000000e+00 : f32
    %max3A_62 = vector.broadcast %max3A_61 : f32 to vector<1024xf32>
    %max3A_63 = arith.maximumf %add3A_53, %max3A_62 : vector<1024xf32>
    %rsqrt3A_64 = math.rsqrt %max3A_63 : vector<1024xf32>
    %jit3A_65 = arith.constant 0.000000e+00 : f32
    %broadcast_in_dim3A_66 = vector.broadcast %jit3A_65 : f32 to vector<1024xf32>
    %select_n3A_67 = arith.select %gt3A_60, %rsqrt3A_64, %broadcast_in_dim3A_66 : vector<1024xi1>, vector<1024xf32>
    %broadcast_in_dim3A_68 = vector.shape_cast %select_n3A : vector<1024xf32> to vector<1024x1xf32>
    %mul3A = vector.broadcast %broadcast_in_dim3A_68 : vector<1024x1xf32> to vector<1024x48xf32>
    %mul3A_69 = arith.mulf %get3A_3, %mul3A : vector<1024x48xf32>
    %swap3A = arith.constant 0 : index
    %swap3A_70 = arith.constant 0 : index
    %swap3A_71 = vector.load %arg18[%swap3A, %swap3A_70] : memref<1024x96xf32, #tpu.memory_space<vmem>>, vector<1024x48xf32>
    tpu.vector_store %arg18[%swap3A, %swap3A_70], %mul3A_69 {strides = array<i32>} : memref<1024x96xf32, #tpu.memory_space<vmem>>, vector<1024x48xf32>,
    %broadcast_in_dim3A_72 = vector.shape_cast %select_n3A : vector<1024xf32> to vector<1024x1xf32>
    %mul3A_73 = vector.broadcast %broadcast_in_dim3A_72 : vector<1024x1xf32> to vector<1024x48xf32>
    %mul3A_74 = arith.mulf %get3A_8, %mul3A_73 : vector<1024x48xf32>
    %swap3A_75 = arith.constant 0 : index
    %swap3A_76 = arith.constant 48 : index
    %swap3A_77 = vector.load %arg18[%swap3A_75, %swap3A_76] : memref<1024x96xf32, #tpu.memory_space<vmem>>, vector<1024x48xf32>
    tpu.vector_store %arg18[%swap3A_75, %swap3A_76], %mul3A_74 {strides = array<i32>} : memref<1024x96xf32, #tpu.memory_space<vmem>>, vector<1024x48xf32>,
    %swap3A_78 = arith.constant 0 : index
    %swap3A_79 = vector.load %arg19[%swap3A_78] : memref<1024xf32, #tpu.memory_space<vmem>>, vector<1024xf32>
    tpu.vector_store %arg19[%swap3A_78], %select_n3A_67 {strides = array<i32>} : memref<1024xf32, #tpu.memory_space<vmem>>, vector<1024xf32>,
    return
  }
  func.func @transform_0(%arg0: i32) -> (i32, i32, i32) {
    %c0_i32 = arith.constant 0 : i32
    %c0_i32_0 = arith.constant 0 : i32
    %c0_i32_1 = arith.constant 0 : i32
    return %c0_i32, %arg0, %c0_i32_0 : i32, i32, i32
  }
  func.func @transform_1(%arg0: i32) -> i32 {
    %c0_i32 = arith.constant 0 : i32
    return %arg0 : i32
  }
  func.func @transform_2(%arg0: i32) -> i32 {
    %c0_i32 = arith.constant 0 : i32
    return %arg0 : i32
  }
  func.func @transform_3(%arg0: i32) -> i32 {
    %c0_i32 = arith.constant 0 : i32
    return %arg0 : i32
  }
  func.func @transform_4(%arg0: i32) -> i32 {
    %c0_i32 = arith.constant 0 : i32
    return %arg0 : i32
  }
  func.func @transform_5(%arg0: i32) -> i32 {
    %c0_i32 = arith.constant 0 : i32
    return %arg0 : i32
  }
  func.func @transform_6(%arg0: i32) -> i32 {
    %c0_i32 = arith.constant 0 : i32
    return %arg0 : i32
  }
  func.func @transform_7(%arg0: i32) -> i32 {
    %c0_i32 = arith.constant 0 : i32
    return %arg0 : i32
  }
  func.func @transform_8(%arg0: i32) -> i32 {
    %c0_i32 = arith.constant 0 : i32
    return %arg0 : i32
  }
  func.func @transform_9(%arg0: i32) -> i32 {
    %c0_i32 = arith.constant 0 : i32
    return %arg0 : i32
  }
  func.func @transform_10(%arg0: i32) -> i32 {
    %c0_i32 = arith.constant 0 : i32
    return %arg0 : i32
  }
  func.func @transform_11(%arg0: i32) -> i32 {
    %c0_i32 = arith.constant 0 : i32
    return %arg0 : i32
  }
  func.func @transform_12(%arg0: i32) -> i32 {
    %c0_i32 = arith.constant 0 : i32
    return %arg0 : i32
  }
  func.func @transform_13(%arg0: i32) -> i32 {
    %c0_i32 = arith.constant 0 : i32
    return %arg0 : i32
  }
  func.func @transform_14(%arg0: i32) -> i32 {
    %c0_i32 = arith.constant 0 : i32
    return %arg0 : i32
  }
  func.func @transform_15(%arg0: i32) -> i32 {
    %c0_i32 = arith.constant 0 : i32
    return %arg0 : i32
  }
  func.func @transform_16(%arg0: i32) -> i32 {
    %c0_i32 = arith.constant 0 : i32
    return %arg0 : i32
  }
  func.func @transform_17(%arg0: i32) -> (i32, i32) {
    %c0_i32 = arith.constant 0 : i32
    %c0_i32_0 = arith.constant 0 : i32
    return %arg0, %c0_i32 : i32, i32
  }
  func.func @transform_18(%arg0: i32) -> i32 {
    %c0_i32 = arith.constant 0 : i32
    return %arg0 : i32
  }
}

module attributes {stable_mosaic.version = 14 : i64} {
  func.func @_read_body(%arg0: i32, %arg1: memref<1024x96xf32, #tpu.memory_space<vmem>>, %arg2: memref<1024xf32, #tpu.memory_space<vmem>>, %arg3: memref<48x48xf32, #tpu.memory_space<vmem>>, %arg4: memref<48xf32, #tpu.memory_space<vmem>>, %arg5: memref<48x96xf32, #tpu.memory_space<vmem>>, %arg6: memref<96xf32, #tpu.memory_space<vmem>>, %arg7: memref<96x48xf32, #tpu.memory_space<vmem>>, %arg8: memref<48xf32, #tpu.memory_space<vmem>>, %arg9: memref<48x24xf32, #tpu.memory_space<vmem>>, %arg10: memref<24xf32, #tpu.memory_space<vmem>>, %arg11: memref<2x1024x24xf32, #tpu.memory_space<vmem>>) attributes {dimension_semantics = [#tpu.dimension_semantics<arbitrary>], iteration_bounds = array<i64: 98>, scalar_prefetch = 0 : i64, scratch_operands = 0 : i64, tpu.core_type = #tpu.core_type<tc>, window_params = [{transform_indices = @transform_0, window_bounds = array<i64: 1024, 96>}, {transform_indices = @transform_1, window_bounds = array<i64: 1024>}, {pipeline_mode = #tpu.pipeline_mode<synchronous>, transform_indices = @transform_2, window_bounds = array<i64: 48, 48>}, {pipeline_mode = #tpu.pipeline_mode<synchronous>, transform_indices = @transform_3, window_bounds = array<i64: 48>}, {pipeline_mode = #tpu.pipeline_mode<synchronous>, transform_indices = @transform_4, window_bounds = array<i64: 48, 96>}, {pipeline_mode = #tpu.pipeline_mode<synchronous>, transform_indices = @transform_5, window_bounds = array<i64: 96>}, {pipeline_mode = #tpu.pipeline_mode<synchronous>, transform_indices = @transform_6, window_bounds = array<i64: 96, 48>}, {pipeline_mode = #tpu.pipeline_mode<synchronous>, transform_indices = @transform_7, window_bounds = array<i64: 48>}, {pipeline_mode = #tpu.pipeline_mode<synchronous>, transform_indices = @transform_8, window_bounds = array<i64: 48, 24>}, {pipeline_mode = #tpu.pipeline_mode<synchronous>, transform_indices = @transform_9, window_bounds = array<i64: 24>}, {transform_indices = @transform_10, window_bounds = array<i64: 2, 1024, 24>}]} {
    %get3A = arith.constant 0 : index
    %get3A_0 = vector.load %arg2[%get3A] : memref<1024xf32, #tpu.memory_space<vmem>>, vector<1024xf32>
    %broadcast_in_dim3A = vector.shape_cast %get3A_0 : vector<1024xf32> to vector<1024x1xf32>
    %get3A_1 = arith.constant 0 : index
    %get3A_2 = arith.constant 0 : index
    %get3A_3 = vector.load %arg1[%get3A_1, %get3A_2] : memref<1024x96xf32, #tpu.memory_space<vmem>>, vector<1024x48xf32>
    %mul3A = vector.broadcast %broadcast_in_dim3A : vector<1024x1xf32> to vector<1024x48xf32>
    %mul3A_4 = arith.mulf %get3A_3, %mul3A : vector<1024x48xf32>
    %get3A_5 = arith.constant 0 : index
    %get3A_6 = arith.constant 0 : index
    %get3A_7 = vector.load %arg3[%get3A_5, %get3A_6] : memref<48x48xf32, #tpu.memory_space<vmem>>, vector<48x48xf32>
    %dot_general3A = arith.constant dense<0.000000e+00> : vector<1024x48xf32>
    %dot_general3A_8 = tpu.matmul %mul3A_4, %get3A_7, %dot_general3A {dimension_numbers = #tpu.dot_dimension_numbers<[1], [0], [0], [1], [0, 0, 1, 1], [], []>, transpose_lhs_hint = false} : vector<1024x48xf32>, vector<48x48xf32>, vector<1024x48xf32> -> vector<1024x48xf32>
    %get3A_9 = arith.constant 0 : index
    %get3A_10 = vector.load %arg4[%get3A_9] : memref<48xf32, #tpu.memory_space<vmem>>, vector<48xf32>
    %broadcast_in_dim3A_11 = vector.shape_cast %get3A_10 : vector<48xf32> to vector<1x48xf32>
    %add3A = vector.broadcast %broadcast_in_dim3A_11 : vector<1x48xf32> to vector<1024x48xf32>
    %add3A_12 = arith.addf %dot_general3A_8, %add3A : vector<1024x48xf32>
    %max3A = arith.constant 0.000000e+00 : f32
    %max3A_13 = vector.broadcast %max3A : f32 to vector<1024x48xf32>
    %max3A_14 = arith.maximumf %add3A_12, %max3A_13 : vector<1024x48xf32>
    %get3A_15 = arith.constant 0 : index
    %get3A_16 = arith.constant 0 : index
    %get3A_17 = vector.load %arg5[%get3A_15, %get3A_16] : memref<48x96xf32, #tpu.memory_space<vmem>>, vector<48x96xf32>
    %dot_general3A_18 = arith.constant dense<0.000000e+00> : vector<1024x96xf32>
    %dot_general3A_19 = tpu.matmul %max3A_14, %get3A_17, %dot_general3A_18 {dimension_numbers = #tpu.dot_dimension_numbers<[1], [0], [0], [1], [0, 0, 1, 1], [], []>, transpose_lhs_hint = false} : vector<1024x48xf32>, vector<48x96xf32>, vector<1024x96xf32> -> vector<1024x96xf32>
    %get3A_20 = arith.constant 0 : index
    %get3A_21 = vector.load %arg6[%get3A_20] : memref<96xf32, #tpu.memory_space<vmem>>, vector<96xf32>
    %broadcast_in_dim3A_22 = vector.shape_cast %get3A_21 : vector<96xf32> to vector<1x96xf32>
    %add3A_23 = vector.broadcast %broadcast_in_dim3A_22 : vector<1x96xf32> to vector<1024x96xf32>
    %add3A_24 = arith.addf %dot_general3A_19, %add3A_23 : vector<1024x96xf32>
    %max3A_25 = arith.constant 0.000000e+00 : f32
    %max3A_26 = vector.broadcast %max3A_25 : f32 to vector<1024x96xf32>
    %max3A_27 = arith.maximumf %add3A_24, %max3A_26 : vector<1024x96xf32>
    %get3A_28 = arith.constant 0 : index
    %get3A_29 = arith.constant 0 : index
    %get3A_30 = vector.load %arg7[%get3A_28, %get3A_29] : memref<96x48xf32, #tpu.memory_space<vmem>>, vector<96x48xf32>
    %dot_general3A_31 = arith.constant dense<0.000000e+00> : vector<1024x48xf32>
    %dot_general3A_32 = tpu.matmul %max3A_27, %get3A_30, %dot_general3A_31 {dimension_numbers = #tpu.dot_dimension_numbers<[1], [0], [0], [1], [0, 0, 1, 1], [], []>, transpose_lhs_hint = false} : vector<1024x96xf32>, vector<96x48xf32>, vector<1024x48xf32> -> vector<1024x48xf32>
    %get3A_33 = arith.constant 0 : index
    %get3A_34 = vector.load %arg8[%get3A_33] : memref<48xf32, #tpu.memory_space<vmem>>, vector<48xf32>
    %broadcast_in_dim3A_35 = vector.shape_cast %get3A_34 : vector<48xf32> to vector<1x48xf32>
    %add3A_36 = vector.broadcast %broadcast_in_dim3A_35 : vector<1x48xf32> to vector<1024x48xf32>
    %add3A_37 = arith.addf %dot_general3A_32, %add3A_36 : vector<1024x48xf32>
    %max3A_38 = arith.constant 0.000000e+00 : f32
    %max3A_39 = vector.broadcast %max3A_38 : f32 to vector<1024x48xf32>
    %max3A_40 = arith.maximumf %add3A_37, %max3A_39 : vector<1024x48xf32>
    %get3A_41 = arith.constant 0 : index
    %get3A_42 = arith.constant 0 : index
    %get3A_43 = vector.load %arg9[%get3A_41, %get3A_42] : memref<48x24xf32, #tpu.memory_space<vmem>>, vector<48x24xf32>
    %dot_general3A_44 = arith.constant dense<0.000000e+00> : vector<1024x24xf32>
    %dot_general3A_45 = tpu.matmul %max3A_40, %get3A_43, %dot_general3A_44 {dimension_numbers = #tpu.dot_dimension_numbers<[1], [0], [0], [1], [0, 0, 1, 1], [], []>, transpose_lhs_hint = false} : vector<1024x48xf32>, vector<48x24xf32>, vector<1024x24xf32> -> vector<1024x24xf32>
    %get3A_46 = arith.constant 0 : index
    %get3A_47 = vector.load %arg10[%get3A_46] : memref<24xf32, #tpu.memory_space<vmem>>, vector<24xf32>
    %broadcast_in_dim3A_48 = vector.shape_cast %get3A_47 : vector<24xf32> to vector<1x24xf32>
    %add3A_49 = vector.broadcast %broadcast_in_dim3A_48 : vector<1x24xf32> to vector<1024x24xf32>
    %add3A_50 = arith.addf %dot_general3A_45, %add3A_49 : vector<1024x24xf32>
    %swap3A = arith.constant 0 : index
    %swap3A_51 = arith.constant 0 : index
    %swap3A_52 = arith.constant 0 : index
    %swap3A_53 = vector.load %arg11[%swap3A, %swap3A_51, %swap3A_52] : memref<2x1024x24xf32, #tpu.memory_space<vmem>>, vector<1x1024x24xf32>
    %swap3A_54 = vector.shape_cast %swap3A_53 : vector<1x1024x24xf32> to vector<1024x24xf32>
    %swap3A_55 = vector.shape_cast %add3A_50 : vector<1024x24xf32> to vector<1x1024x24xf32>
    tpu.vector_store %arg11[%swap3A, %swap3A_51, %swap3A_52], %swap3A_55 {strides = array<i32>} : memref<2x1024x24xf32, #tpu.memory_space<vmem>>, vector<1x1024x24xf32>,
    %get3A_56 = arith.constant 0 : index
    %get3A_57 = arith.constant 48 : index
    %get3A_58 = vector.load %arg1[%get3A_56, %get3A_57] : memref<1024x96xf32, #tpu.memory_space<vmem>>, vector<1024x48xf32>
    %mul3A_59 = vector.broadcast %broadcast_in_dim3A : vector<1024x1xf32> to vector<1024x48xf32>
    %mul3A_60 = arith.mulf %get3A_58, %mul3A_59 : vector<1024x48xf32>
    %get3A_61 = arith.constant 0 : index
    %get3A_62 = arith.constant 0 : index
    %get3A_63 = vector.load %arg3[%get3A_61, %get3A_62] : memref<48x48xf32, #tpu.memory_space<vmem>>, vector<48x48xf32>
    %dot_general3A_64 = arith.constant dense<0.000000e+00> : vector<1024x48xf32>
    %dot_general3A_65 = tpu.matmul %mul3A_60, %get3A_63, %dot_general3A_64 {dimension_numbers = #tpu.dot_dimension_numbers<[1], [0], [0], [1], [0, 0, 1, 1], [], []>, transpose_lhs_hint = false} : vector<1024x48xf32>, vector<48x48xf32>, vector<1024x48xf32> -> vector<1024x48xf32>
    %get3A_66 = arith.constant 0 : index
    %get3A_67 = vector.load %arg4[%get3A_66] : memref<48xf32, #tpu.memory_space<vmem>>, vector<48xf32>
    %broadcast_in_dim3A_68 = vector.shape_cast %get3A_67 : vector<48xf32> to vector<1x48xf32>
    %add3A_69 = vector.broadcast %broadcast_in_dim3A_68 : vector<1x48xf32> to vector<1024x48xf32>
    %add3A_70 = arith.addf %dot_general3A_65, %add3A_69 : vector<1024x48xf32>
    %max3A_71 = arith.constant 0.000000e+00 : f32
    %max3A_72 = vector.broadcast %max3A_71 : f32 to vector<1024x48xf32>
    %max3A_73 = arith.maximumf %add3A_70, %max3A_72 : vector<1024x48xf32>
    %get3A_74 = arith.constant 0 : index
    %get3A_75 = arith.constant 0 : index
    %get3A_76 = vector.load %arg5[%get3A_74, %get3A_75] : memref<48x96xf32, #tpu.memory_space<vmem>>, vector<48x96xf32>
    %dot_general3A_77 = arith.constant dense<0.000000e+00> : vector<1024x96xf32>
    %dot_general3A_78 = tpu.matmul %max3A_73, %get3A_76, %dot_general3A_77 {dimension_numbers = #tpu.dot_dimension_numbers<[1], [0], [0], [1], [0, 0, 1, 1], [], []>, transpose_lhs_hint = false} : vector<1024x48xf32>, vector<48x96xf32>, vector<1024x96xf32> -> vector<1024x96xf32>
    %get3A_79 = arith.constant 0 : index
    %get3A_80 = vector.load %arg6[%get3A_79] : memref<96xf32, #tpu.memory_space<vmem>>, vector<96xf32>
    %broadcast_in_dim3A_81 = vector.shape_cast %get3A_80 : vector<96xf32> to vector<1x96xf32>
    %add3A_82 = vector.broadcast %broadcast_in_dim3A_81 : vector<1x96xf32> to vector<1024x96xf32>
    %add3A_83 = arith.addf %dot_general3A_78, %add3A_82 : vector<1024x96xf32>
    %max3A_84 = arith.constant 0.000000e+00 : f32
    %max3A_85 = vector.broadcast %max3A_84 : f32 to vector<1024x96xf32>
    %max3A_86 = arith.maximumf %add3A_83, %max3A_85 : vector<1024x96xf32>
    %get3A_87 = arith.constant 0 : index
    %get3A_88 = arith.constant 0 : index
    %get3A_89 = vector.load %arg7[%get3A_87, %get3A_88] : memref<96x48xf32, #tpu.memory_space<vmem>>, vector<96x48xf32>
    %dot_general3A_90 = arith.constant dense<0.000000e+00> : vector<1024x48xf32>
    %dot_general3A_91 = tpu.matmul %max3A_86, %get3A_89, %dot_general3A_90 {dimension_numbers = #tpu.dot_dimension_numbers<[1], [0], [0], [1], [0, 0, 1, 1], [], []>, transpose_lhs_hint = false} : vector<1024x96xf32>, vector<96x48xf32>, vector<1024x48xf32> -> vector<1024x48xf32>
    %get3A_92 = arith.constant 0 : index
    %get3A_93 = vector.load %arg8[%get3A_92] : memref<48xf32, #tpu.memory_space<vmem>>, vector<48xf32>
    %broadcast_in_dim3A_94 = vector.shape_cast %get3A_93 : vector<48xf32> to vector<1x48xf32>
    %add3A_95 = vector.broadcast %broadcast_in_dim3A_94 : vector<1x48xf32> to vector<1024x48xf32>
    %add3A_96 = arith.addf %dot_general3A_91, %add3A_95 : vector<1024x48xf32>
    %max3A_97 = arith.constant 0.000000e+00 : f32
    %max3A_98 = vector.broadcast %max3A_97 : f32 to vector<1024x48xf32>
    %max3A_99 = arith.maximumf %add3A_96, %max3A_98 : vector<1024x48xf32>
    %get3A_100 = arith.constant 0 : index
    %get3A_101 = arith.constant 0 : index
    %get3A_102 = vector.load %arg9[%get3A_100, %get3A_101] : memref<48x24xf32, #tpu.memory_space<vmem>>, vector<48x24xf32>
    %dot_general3A_103 = arith.constant dense<0.000000e+00> : vector<1024x24xf32>
    %dot_general3A_104 = tpu.matmul %max3A_99, %get3A_102, %dot_general3A_103 {dimension_numbers = #tpu.dot_dimension_numbers<[1], [0], [0], [1], [0, 0, 1, 1], [], []>, transpose_lhs_hint = false} : vector<1024x48xf32>, vector<48x24xf32>, vector<1024x24xf32> -> vector<1024x24xf32>
    %get3A_105 = arith.constant 0 : index
    %get3A_106 = vector.load %arg10[%get3A_105] : memref<24xf32, #tpu.memory_space<vmem>>, vector<24xf32>
    %broadcast_in_dim3A_107 = vector.shape_cast %get3A_106 : vector<24xf32> to vector<1x24xf32>
    %add3A_108 = vector.broadcast %broadcast_in_dim3A_107 : vector<1x24xf32> to vector<1024x24xf32>
    %add3A_109 = arith.addf %dot_general3A_104, %add3A_108 : vector<1024x24xf32>
    %swap3A_110 = arith.constant 1 : index
    %swap3A_111 = arith.constant 0 : index
    %swap3A_112 = arith.constant 0 : index
    %swap3A_113 = vector.load %arg11[%swap3A_110, %swap3A_111, %swap3A_112] : memref<2x1024x24xf32, #tpu.memory_space<vmem>>, vector<1x1024x24xf32>
    %swap3A_114 = vector.shape_cast %swap3A_113 : vector<1x1024x24xf32> to vector<1024x24xf32>
    %swap3A_115 = vector.shape_cast %add3A_109 : vector<1024x24xf32> to vector<1x1024x24xf32>
    tpu.vector_store %arg11[%swap3A_110, %swap3A_111, %swap3A_112], %swap3A_115 {strides = array<i32>} : memref<2x1024x24xf32, #tpu.memory_space<vmem>>, vector<1x1024x24xf32>,
    return
  }
  func.func @transform_0(%arg0: i32) -> (i32, i32) {
    %c0_i32 = arith.constant 0 : i32
    %c0_i32_0 = arith.constant 0 : i32
    return %arg0, %c0_i32 : i32, i32
  }
  func.func @transform_1(%arg0: i32) -> i32 {
    %c0_i32 = arith.constant 0 : i32
    return %arg0 : i32
  }
  func.func @transform_2(%arg0: i32) -> (i32, i32) {
    %c0_i32 = arith.constant 0 : i32
    %c0_i32_0 = arith.constant 0 : i32
    %c0_i32_1 = arith.constant 0 : i32
    return %c0_i32, %c0_i32_0 : i32, i32
  }
  func.func @transform_3(%arg0: i32) -> i32 {
    %c0_i32 = arith.constant 0 : i32
    %c0_i32_0 = arith.constant 0 : i32
    return %c0_i32 : i32
  }
  func.func @transform_4(%arg0: i32) -> (i32, i32) {
    %c0_i32 = arith.constant 0 : i32
    %c0_i32_0 = arith.constant 0 : i32
    %c0_i32_1 = arith.constant 0 : i32
    return %c0_i32, %c0_i32_0 : i32, i32
  }
  func.func @transform_5(%arg0: i32) -> i32 {
    %c0_i32 = arith.constant 0 : i32
    %c0_i32_0 = arith.constant 0 : i32
    return %c0_i32 : i32
  }
  func.func @transform_6(%arg0: i32) -> (i32, i32) {
    %c0_i32 = arith.constant 0 : i32
    %c0_i32_0 = arith.constant 0 : i32
    %c0_i32_1 = arith.constant 0 : i32
    return %c0_i32, %c0_i32_0 : i32, i32
  }
  func.func @transform_7(%arg0: i32) -> i32 {
    %c0_i32 = arith.constant 0 : i32
    %c0_i32_0 = arith.constant 0 : i32
    return %c0_i32 : i32
  }
  func.func @transform_8(%arg0: i32) -> (i32, i32) {
    %c0_i32 = arith.constant 0 : i32
    %c0_i32_0 = arith.constant 0 : i32
    %c0_i32_1 = arith.constant 0 : i32
    return %c0_i32, %c0_i32_0 : i32, i32
  }
  func.func @transform_9(%arg0: i32) -> i32 {
    %c0_i32 = arith.constant 0 : i32
    %c0_i32_0 = arith.constant 0 : i32
    return %c0_i32 : i32
  }
  func.func @transform_10(%arg0: i32) -> (i32, i32, i32) {
    %c0_i32 = arith.constant 0 : i32
    %c0_i32_0 = arith.constant 0 : i32
    %c0_i32_1 = arith.constant 0 : i32
    return %c0_i32, %arg0, %c0_i32_0 : i32, i32, i32
  }
}

</mosaic_0001>

<sc_bundles>
// kernel: kernel.6.cloned.1.call-start
scs
__scs_entry_jumppad:
0x0: {  	(pc) =	sbr.rel $0x88, $3  }
0x1: {  	(tag) =	ssettag $0x0;
	lr =	simm.s32 $0x1  }
0x2: {  	[smem:$0x3F97] =	sst lr;
	_ =	strace $0xD0000000  }
0x3: {  	_ = 	snop  }
0x4: {  	_ = 	snop  }
0x5: {  	_ = 	snop  }
0x6: {  	_ = 	snop  }
0x7: {  	_ = 	snop  }
__scs_overlays_trampoline_lowered:
0x8: {  	[smem:$0x3FA6] =	sst s0  }
0x9: {  	[smem:$0x3FA7] =	sst s1  }
0xa: {  	[smem:$0x3FA8] =	sst s2  }
0xb: {  	[smem:$0x3FA9] =	sst s3  }
0xc: {  	[smem:$0x3FAA] =	sst s4  }
0xd: {  	[smem:$0x3FAB] =	sst s5  }
0xe: {  	[smem:$0x3FAC] =	sst s6  }
0xf: {  	[smem:$0x3FAD] =	sst s7  }
0x10: {  	[smem:$0x3FAE] =	sst s8  }
0x11: {  	[smem:$0x3FAF] =	sst s9;
	s0 =	simm.s32 @!p0 $0x0  }
0x12: {  	s1 =	sld [smem:$0x3F95];
	s0 =	simm.s32 @p0 $0x1  }
0x13: {  	[smem:$0x3FB0] =	sst s0;
	s0 =	simm.s32 @!p1 $0x0  }
0x14: {  	s2 =	sld [smem:$0x3F94];
	s0 =	simm.s32 @p1 $0x1  }
0x15: {  	[smem:$0x3FB1] =	sst s0;
	s0 =	simm.s32 @!p2 $0x0  }
0x16: {  	s3 =	sld [smem:$0x3FDB];
	s0 =	simm.s32 @p2 $0x1  }
0x17: {  	s4 =	simm.s32 $0x1BF5;
	[smem:$0x3FB3] =	sst s0  }
0x18: {  	s0 =	sld [smem:$0x3F96];
	_ =	swait.ge [sflag:s4], $0x0  }
0x19: {  	s7 =	sld [smem:$0x3F97]  }
0x1a: {  	s8 =	sadd.s32 $0xFFFFE003, lr  }
0x1b: {  	s9 =	sadd.s32 $0xFFFFFEF7, lr;
	s5 =	simm.s32 $0xFFFFFFFF;
	p2 =	slt.u32 s8, $0xFFFFF086  }
0x1c: {  	p1 =	slt.u32 s9, $0xF7A;
	s5 =	simm.s32 @!p2 $0x0  }
0x1d: {  	s5 =	simm.s32 @p1 $0x1;
	p0 =	seq.s32 s7, s2  }
0x1e: {  	s7 =	smul.u32 @!p0 $0xF7A, s2;
	p2 =	seq.s32 @!p0 s5, $0x0  }
0x1f: {  	s9 =	smul.u32 $0xF7A, s1;
	s8 =	simm.s32 @!p0 $0x1BF5;
	p2 =	por !p2, p0  }
0x20: {  	[sflag:s8] =	ssyncset.s32 @!p0 $0xFFFFF086;
	s6 =	sadd.s32 @!p0 s3, s7;
	s7 =	simm.s32 @!p0 $0x108  }
0x21: {  	s3 =	sadd.s32 s3, s9;
	s6 =	sadd.s32 @!p0 $0x88, s6;
	s7 =	simm.s32 @p2 $0x1082  }
0x22: {  	[simem:s7], [sflag:s8] =	dma.local @!p0 [hbm:s6], $0xF7A  }
0x23: {  	s9 =	sor.u32 $0xD0000000, s2;
	s6 =	simm.s32 $0x108;
	_ =	swait.ge @!p0 [sflag:s8], $0x0  }
0x24: {  	s3 =	sadd.s32 $0x88, s3;
	s6 =	simm.s32 @!p1 $0x1082;
	[sflag:s4] =	ssyncset.s32 $0xFFFFF086  }
0x25: {  	[simem:s6], [sflag:s4] =	dma.local [hbm:s3], $0xF7A  }
0x26: {  	[smem:$0x3F97] =	sst s1;
	(tag) =	ssettag s2;
	_ =	strace s9  }
0x27: {  	s1 =	sld [smem:$0x3FA7]  }
0x28: {  	s2 =	sld [smem:$0x3FA8]  }
0x29: {  	s4 =	sld [smem:$0x3FAA]  }
0x2a: {  	p0 =	seq.s32 s5, $0x0;
	s5 =	sld [smem:$0x3FAB]  }
0x2b: {  	s6 =	sld [smem:$0x3FAC]  }
0x2c: {  	s7 =	sld [smem:$0x3FAD]  }
0x2d: {  	s3 =	simm.s32 $0x108;
	s8 =	sld [smem:$0x3FAE]  }
0x2e: {  	s3 =	simm.s32 @!p0 $0x1082;
	s9 =	sld [smem:$0x3FAF]  }
0x2f: {  	lr =	sadd.s32 s0, s3;
	s0 =	sld [smem:$0x3FA6]  }
0x30: {  	s3 =	sld [smem:$0x3FA9]  }
0x31: {  	[smem:$0x3FB2] =	sst s10  }
0x32: {  	s10 =	sld [smem:$0x3FB0];
	_ =	sdelay $0x3  }
0x33: {  	p0 =	seq.s32 s10, $0x1;
	s10 =	sld [smem:$0x3FB2];
	_ =	sdelay $0x3  }
0x34: {  	[smem:$0x3FB2] =	sst s10  }
0x35: {  	s10 =	sld [smem:$0x3FB1];
	_ =	sdelay $0x3  }
0x36: {  	p1 =	seq.s32 s10, $0x1;
	s10 =	sld [smem:$0x3FB2];
	_ =	sdelay $0x3  }
0x37: {  	[smem:$0x3FB2] =	sst s10  }
0x38: {  	s10 =	sld [smem:$0x3FB3]  }
0x39: {  	_ = 	snop;
	(pc) =	sbr.ind lr, $3  }
0x3a: {  	_ = 	snop  }
0x3b: {  	_ = 	snop  }
0x3c: {  	p2 =	seq.s32 s10, $0x1;
	s10 =	sld [smem:$0x3FB2]  }
0x3d: {  	_ =	shalt  }
0x3e: {  	_ =	shalt  }
0x3f: {  	_ =	shalt  }
0x40: {  	_ =	shalt  }
0x41: {  	_ =	shalt  }
0x42: {  	_ =	shalt  }
0x43: {  	_ =	shalt  }
0x44: {  	_ =	shalt  }
0x45: {  	_ =	shalt  }
0x46: {  	_ =	shalt  }
0x47: {  	_ =	shalt  }
0x48: {  	_ =	shalt  }
0x49: {  	_ =	shalt  }
0x4a: {  	_ =	shalt  }
0x4b: {  	_ =	shalt  }
0x4c: {  	_ =	shalt  }
0x4d: {  	_ =	shalt  }
0x4e: {  	_ =	shalt  }
0x4f: {  	_ =	shalt  }
0x50: {  	_ =	shalt  }
0x51: {  	_ =	shalt  }
0x52: {  	_ =	shalt  }
0x53: {  	_ =	shalt  }
0x54: {  	_ =	shalt  }
0x55: {  	_ =	shalt  }
0x56: {  	_ =	shalt  }
0x57: {  	_ =	shalt  }
0x58: {  	_ =	shalt  }
0x59: {  	_ =	shalt  }
0x5a: {  	_ =	shalt  }
0x5b: {  	_ =	shalt  }
0x5c: {  	_ =	shalt  }
0x5d: {  	_ =	shalt  }
0x5e: {  	_ =	shalt  }
0x5f: {  	_ =	shalt  }
0x60: {  	_ =	shalt  }
0x61: {  	_ =	shalt  }
0x62: {  	_ =	shalt  }
0x63: {  	_ =	shalt  }
0x64: {  	_ =	shalt  }
0x65: {  	_ =	shalt  }
0x66: {  	_ =	shalt  }
0x67: {  	_ =	shalt  }
0x68: {  	_ =	shalt  }
0x69: {  	_ =	shalt  }
0x6a: {  	_ =	shalt  }
0x6b: {  	_ =	shalt  }
0x6c: {  	_ =	shalt  }
0x6d: {  	_ =	shalt  }
0x6e: {  	_ =	shalt  }
0x6f: {  	_ =	shalt  }
0x70: {  	_ =	shalt  }
0x71: {  	_ =	shalt  }
0x72: {  	_ =	shalt  }
0x73: {  	_ =	shalt  }
0x74: {  	_ =	shalt  }
0x75: {  	_ =	shalt  }
0x76: {  	_ =	shalt  }
0x77: {  	_ =	shalt  }
0x78: {  	_ =	shalt  }
0x79: {  	_ =	shalt  }
0x7a: {  	_ =	shalt  }
0x7b: {  	_ =	shalt  }
0x7c: {  	_ =	shalt  }
0x7d: {  	_ =	shalt  }
0x7e: {  	_ =	shalt  }
0x7f: {  	_ =	shalt  }
0x80: {  	_ =	shalt  }
0x81: {  	_ =	shalt  }
0x82: {  	_ =	shalt  }
0x83: {  	_ =	shalt  }
0x84: {  	_ =	shalt  }
0x85: {  	_ =	shalt  }
0x86: {  	_ =	shalt  }
0x87: {  	_ =	shalt  }
.Lfunc_end0:
.L_simem_size_0:
called_computation.1_lowered:
.L_overlay_start_0:
0x88: {  	s2 =	sld [smem:$0x3FD9]  }
0x89: {  	s3 =	sld [smem:$0x3FFE];
	_ =	sdelay $0x1  }
0x8a: {  	s1 =	srdreg.scid  }
0x8b: {  	s0 =	sand.u32 $0x1, s1  }
0x8c: {  	s17 =	sshll.u32 s0, $0xA;
	s2 =	sadd.s32 s3, s2  }
0x8d: {  	s2 =	sadd.s32 s2, s17  }
0x8e: {  	[smem:$0x3FBE] =	sst s2  }
0x8f: {  	_ = 	snop  }
0x90: {  	s18 =	sld [smem:$0x3FD0];
	(tm) =	ssettm $0x1  }
0x91: {  	s19 =	sld [smem:$0x3FFB];
	_ =	sdelay $0x3  }
0x92: {  	_ =	strace s19  }
0x93: {  	s2 =	sld [smem:$0x3FFC];
	_ =	sdelay $0x3  }
0x94: {  	_ =	strace s2  }
0x95: {  	s2 =	sld [smem:$0x3FFD];
	_ =	sdelay $0x3  }
0x96: {  	_ =	strace s2  }
0x97: {  	_ =	strace $0x8FFFFFFF  }
0x98: {  	s20 =	sld [smem:$0x3FDB];
	_ =	sdelay $0x1  }
0x99: {  	s4 =	simm.s32 $_scs_section_size  }
0x9a: {  	s5 =	simm.s32 $_size__tile_overlayer_lowered;
	s6 =	simm.s32 $_tile_overlayer_lowered  }
0x9b: {  	s7 =	simm.s32 $0x1BFF;
	s21 =	sshll.u32 s6, $0x1;
	s4 =	sadd.s32 s4, s20  }
0x9c: {  	s22 =	simm.s32 $0x0;
	s5 =	sshll.u32 s5, $0x1;
	s6 =	sadd.s32 s21, s4  }
0x9d: {  	[timem:s22], [sflag:s7] =	dma.local [hbm:s6], s5  }
0x9e: {  	_ =	swait.ge [sflag:s7], s5  }
0x9f: {  	s5 =	ssub.s32 $0x0, s5;
	[sflag:s7] =	ssyncset.done $0x0  }
0xa0: {  	[sflag:s7] =	ssyncadd.s32 s5;
	_ =	sdelay $0x1  }
0xa1: {  	s23 =	simm.s32 $0x1B8B  }
0xa2: {  	_ =	swait.ge [sflag:s23], $0x1  }
0xa3: {  	[sflag:s23] =	ssyncset.done $0x0  }
0xa4: {  	[sflag:s23] =	ssyncadd.s32 $0xFFFFFFFF  }
0xa5: {  	s5 =	sld [smem:$0x0]  }
0xa6: {  	s6 =	sand.u32 $0xFFFFFFFE, s1  }
0xa7: {  	p0 =	sne.s32 s1, s6  }
0xa8: {  	s6 =	sshll.u32 @p0 s6, $0xE  }
0xa9: {  	s6 =	sadd.s32 @p0 $0x11B8D, s6;
	s7 =	sshll.u32 @p0 s5, $0x11  }
0xaa: {  	s6 =	sor.u32 @p0 s7, s6  }
0xab: {  	[sflag:s6] =	ssyncadd.remote.s32 @p0 $0x1;
	_ =	sdelay $0x1  }
0xac: {  	s6 =	simm.s32 @p0 $0x1B8D  }
0xad: {  	_ =	swait.eq @p0 [sflag:s6], $0x1  }
0xae: {  	[sflag:s6] =	ssyncadd.s32 @p0 $0xFFFFFFFF  }
0xaf: {  	s7 =	sshll.u32 @!p0 s1, $0xE  }
0xb0: {  	s7 =	sor.u32 @!p0 $0x4000, s7;
	s6 =	simm.s32 @!p0 $0x1B8D  }
0xb1: {  	s5 =	sshll.u32 @!p0 s5, $0x11;
	s7 =	sadd.s32 @!p0 $0x11B8D, s7;
	_ =	swait.eq @!p0 [sflag:s6], $0x1  }
0xb2: {  	s5 =	sor.u32 @!p0 s5, s7;
	[sflag:s6] =	ssyncadd.s32 @!p0 $0xFFFFFFFF  }
0xb3: {  	s25 =	simm.s32 $0x1B8E;
	s24 =	sld [smem:$0x3FFE];
	[sflag:s5] =	ssyncadd.remote.s32 @!p0 $0x1  }
0xb4: {  	s26 =	simm.s32 $execute0_lowered;
	[smem:$0x3FD2] =	sst s25  }
0xb5: {  	s6 =	sshll.u32 s26, $0x1;
	_ =	strace $0x80000049;
	[dreg:$0x1] =	wrdreg $0xFFFFFFFF  }
0xb6: {  	s28 =	simm.s32 $_size_execute0_lowered;
	s4 =	sadd.s32 s4, s6;
	[dreg:$0x0] =	wrdreg $0x0  }
0xb7: {  	s6 =	sshll.u32 s28, $0x1;
	[dreg:$0x2] =	wrdreg s4  }
0xb8: {  	[dreg:$0x3] =	wrdreg s6  }
0xb9: {  	[dreg:$0x4] =	wrdreg $0xC0  }
0xba: {  	_ =	task [dreg:s22], $0x5FFFF  }
0xbb: {  	[dreg:$0x1] =	wrdreg $0xFFFFFFFF  }
0xbc: {  	[dreg:$0x0] =	wrdreg $0x60  }
0xbd: {  	[dreg:$0x2] =	wrdreg s24  }
0xbe: {  	[dreg:$0x3] =	wrdreg s18  }
0xbf: {  	[dreg:$0x4] =	wrdreg $0xA  }
0xc0: {  	_ =	task.clear_ibuf [dreg:s22], $0x5FFFF;
	_ =	strace $0x90000049  }
0xc1: {  	s29 =	simm.s32 $0xA;
	_ =	strace $0x8000004B  }
0xc2: {  	_ =	swait.ge [sflag:s29], $0x1  }
0xc3: {  	[sflag:s29] =	ssyncadd.s32 $0xFFFFFFFF  }
0xc4: {  	_ =	strace $0x9000004B  }
0xc5: {  	_ =	sfence  }
0xc6: {  	s30 =	sld [smem:$0x0];
	_ =	sdelay $0x2  }
0xc7: {  	s31 =	sshll.u32 s1, $0xD;
	s1 =	sshrl.u32 s1, $0x2  }
0xc8: {  	s4 =	sand.u32 $0x4000, s31;
	s1 =	sadd.s32 s1, s30  }
0xc9: {  	s0 =	sor.u32 s4, s0;
	s1 =	sshll.u32 s1, $0x11  }
0xca: {  	s0 =	sor.u32 s1, s0  }
0xcb: {  	s0 =	sadd.s32 $0x8F2B, s0  }
0xcc: {  	[sflag:s0] =	ssyncadd.remote.s32 $0x1  }
0xcd: {  	_ =	sfence.sel $0xFFFF  }
0xce: {  	[dreg:$0x0] =	wrdreg $0xFFFFFFFF;
	(pc) =	sbr.abs _section_cstart, $3  }
0xcf: {  	[dreg:$0x1] =	wrdreg $0xFFFFFFFF  }
0xd0: {  	_ =	task.clear_ibuf [dreg:s22], $0x2FFFF;
	_ =	strace $0x9FFFFFFF  }
0xd1: {  	(tm) =	ssettm $0x7FFFFFFF  }
tec
execute0_lowered:
.L_overlay_start_1:
0x0: {  	(tag) =	ssettag $0x1  }
0x1: {  	s7 =	rddreg [dreg:$0x0]  }
0x2: {  	s0 =	srdreg.scid;
	s2 =	rddreg [dreg:$0x1];
	s8 =	simm.s32 $0x1  }
0x3: {  	s3 =	simm.s32 $0x0;
	s14 =	simm.s32 $0xA800;
	s15 =	simm.s32 $0xE000  }
0x4: {  	s16 =	simm.s32 $0x14200;
	s18 =	simm.s32 $0x2;
	s5 =	sand.u32 $0x1, s0  }
0x5: {  	s19 =	simm.s32 $0x0;
	s0 =	stileid.u32;
	s1 =	sshll.u32 s5, $0x4  }
0x6: {  	[smem:$0x7FF] =	sst s3;
	s6 =	sand.u32 $0x7, s0;
	s4 =	sor.u32 s0, s1  }
0x7: {  	s10 =	sadd.s32 $0x466200, s7;
	p1 =	sne.s32 s6, $0x0;
	p0 =	seq.s32 s4, $0x0  }
0x8: {  	s5 =	ssub.s32 $0x2, s5;
	s1 =	rddreg [dreg:$0x2];
	p0 =	por !p1, !p0  }
0x9: {  	_ =	strace $0x8000004A;
	s29 =	smul.u32 $0x31000, s6;
	p0 =	por !p0, !p0  }
0xa: {  	s9 =	smul.u32 $0x6200, s6;
	s4 =	sshrl.u32 s4, $0x3;
	s8 =	simm.s32 @!p0 $0x0  }
0xb: {  	s30 =	sshrl.u32 s5, $0x1;
	s12 =	smul.u32 $0x620, s6;
	s4 =	ssub.s32 s4, s8  }
0xc: {  	s11 =	ssub.s32 s5, s30;
	s5 =	simm.s32 $0x1;
	s17 =	smul.u32 $0x6200, s4  }
.Ltmp0:
0xd: {  	s11 =	smax.u32 s11, $0x1;
	s4 =	sadd.s32 $0x435200, s7;
	(pc) =	sbr.rel .LBB2_1-.Ltmp0, $4  }
0xe: {  	s7 =	sadd.s32 s2, s9;
	s6 =	sadd.s32 s4, s9;
	s8 =	sadd.s32 s29, s17  }
0xf: {  	v0 =	vmov s17;
	s17 =	simm.s32 $0x3;
	s13 =	sadd.s32 $0x18800, s8;
	s31 =	sshrl.u32 s8, $0x3  }
0x10: {  	s8 =	sadd.s32 $0x70, s12;
	s12 =	simm.s32 $0x7000;
	s13 =	sshrl.u32 s13, $0x3  }
0x11: {  	v1 =	vimm.f32 $0.0e+00;
	v2 =	vimm.f32 $1.000000000e+00;
	s9 =	sadd.s32 s10, s31;
	s10 =	sadd.s32 s10, s13;
	s13 =	simm.s32 $0x3800  }
.LBB2_10:
0x12: {  	[hbm4b:s9+s3] =	stream.linear.scatter [tilespmem:s15], [sflag:$0x3], $0x6200, $0x38;
	[tilespmem:$0x1A400] =	vst v63  }
0x13: {  	s19 =	sadd.s32 $0x1, s19;
	_ =	swait.ge [sflag:s17], $0x6200  }
0x14: {  	p0 =	sne.s32 s19, s11;
	[sflag:s17] =	ssyncset.done $0x0  }
.Ltmp1:
0x15: {  	[sflag:s17] =	ssyncadd.s32 $0xFFFF9E00;
	(pc) =	sbr.rel @!p0 .LBB2_11-.Ltmp1, $4  }
0x16: {  	[hbm4b:s10+s3] =	stream.linear.scatter [tilespmem:s16], [sflag:$0x3], $0x6200, $0x38;
	[tilespmem:$0x1A400] =	vst v63  }
0x17: {  	_ =	swait.ge [sflag:s17], $0x6200  }
0x18: {  	[sflag:s17] =	ssyncset.done $0x0  }
0x19: {  	[sflag:s17] =	ssyncadd.s32 $0xFFFF9E00  }
.LBB2_1:
0x1a: {  	s20 =	simm.s32 $0x40;
	s21 =	simm.s32 $0x0  }
.LBB2_2:
0x1b: {  	p0 =	sne.s32 s20, $0x187C0;
	[tilespmem:s21+$0xE000] =	vst v1;
	s22 =	smov.u32 s20;
	s20 =	sadd.s32 $0x40, s20  }
.Ltmp2:
0x1c: {  	[tilespmem:s21+$0x14200] =	vst v1;
	(pc) =	sbr.rel @p0 .LBB2_2-.Ltmp2, $2  }
0x1d: {  	_ =	sdelay $0x2  }
0x1e: {  	s21 =	sshra.s32 s22, $0x2  }
.Ltmp3:
0x1f: {  	[tilespmem:s21+$0xE000] =	vst v1;
	(pc) =	sbr.rel .LBB2_4-.Ltmp3, $4  }
0x20: {  	[tilespmem:s21+$0x14200] =	vst v1;
	s20 =	simm.s32 $0x0  }
0x21: {  	[tilespmem:s20], [sflag:$0x1] =	stream.linear.gather [hbm4b:s6+s20], $0x3800, $0x38;
	[tilespmem:$0x1A400] =	vst v63  }
0x22: {  	_ = 	snop  }
0x23: {  	[tilespmem:s12], [sflag:$0x1] =	stream.linear.gather [hbm4b:s7+s20], $0x3800, $0x38;
	[tilespmem:$0x1A400] =	vst v63  }
.LBB2_9:
0x24: {  	s20 =	sadd.s32 $0x1, s20  }
0x25: {  	p0 =	sne.s32 s20, $0xE  }
.Ltmp4:
0x26: {  	_ = 	snop;
	(pc) =	sbr.rel @!p0 .LBB2_10-.Ltmp4, $1  }
0x27: {  	_ =	sdelay $0x3  }
.LBB2_4:
0x28: {  	s21 =	sand.u32 $0x1, s20  }
0x29: {  	p0 =	seq.s32 s21, $0x1  }
.Ltmp5:
0x2a: {  	_ = 	snop;
	(pc) =	sbr.rel @p0 .LBB2_7-.Ltmp5, $1  }
0x2b: {  	_ =	sdelay $0x3  }
0x2c: {  	_ =	swait.ge [sflag:s5], $0x3800  }
0x2d: {  	s21 =	smul.u32 $0x70, s20;
	[sflag:s5] =	ssyncset.done $0x0  }
0x2e: {  	[sflag:s5] =	ssyncadd.s32 $0xFFFFC800  }
0x2f: {  	s21 =	sadd.s32 s21, s8;
	_ =	swait.ge [sflag:s5], $0x3800  }
0x30: {  	s22 =	sshll.u32 s21, $0x4;
	[sflag:s5] =	ssyncset.done $0x0  }
0x31: {  	s21 =	simm.s32 $0x0;
	s23 =	sadd.s32 s4, s22;
	[sflag:s5] =	ssyncadd.s32 $0xFFFFC800  }
0x32: {  	[tilespmem:s13], [sflag:$0x2] =	stream.linear.gather [hbm4b:s23+s21], $0x3800, $0x38;
	[tilespmem:$0x1A400] =	vst v63  }
0x33: {  	s22 =	sadd.s32 s2, s22  }
0x34: {  	[tilespmem:s14], [sflag:$0x2] =	stream.linear.gather [hbm4b:s22+s21], $0x3800, $0x38;
	[tilespmem:$0x1A400] =	vst v63  }
.LBB2_6:
0x35: {  	s22 =	sshra.s32 s21, $0x2  }
0x36: {  	v3 =	vld [tilespmem:s22+$0x0];
	_ =	sdelay $0x4  }
0x37: {  	v4 =	vsub.s32 v3, v0  }
0x38: {  	v3 =	vand.u32 $0x7, v3;
	vm0 =	vlt.u32 v4, $0x6200;
	v4 =	vand.u32 $0xFFFFFFF8, v4  }
0x39: {  	v3 =	vor.u32 v3, v4;
	_ =	sdelay $0x4  }
0x3a: {  	[tilespmem:v3+s15+$0x0] =	vst.idx.add.f32.msk vm0, v2  }
0x3b: {  	v3 =	vld [tilespmem:s22+$0x7000];
	_ =	sdelay $0x4  }
0x3c: {  	v49 =	vsub.s32 v3, v0  }
0x3d: {  	v3 =	vand.u32 $0x7, v3;
	vm13 =	vlt.u32 v49, $0x6200;
	v4 =	vand.u32 $0xFFFFFFF8, v49  }
0x3e: {  	v3 =	vor.u32 v3, v4;
	_ =	sdelay $0x4  }
0x3f: {  	[tilespmem:v3+s16+$0x0] =	vst.idx.add.f32.msk vm13, v2  }
0x40: {  	v3 =	vld [tilespmem:s22+$0x10];
	_ =	sdelay $0x4  }
0x41: {  	v50 =	vsub.s32 v3, v0  }
0x42: {  	v3 =	vand.u32 $0x7, v3;
	vm14 =	vlt.u32 v50, $0x6200;
	v4 =	vand.u32 $0xFFFFFFF8, v50  }
0x43: {  	v3 =	vor.u32 v3, v4;
	_ =	sdelay $0x4  }
0x44: {  	[tilespmem:v3+s15+$0x0] =	vst.idx.add.f32.msk vm14, v2  }
0x45: {  	v3 =	vld [tilespmem:s22+$0x7010];
	_ =	sdelay $0x4  }
0x46: {  	v51 =	vsub.s32 v3, v0  }
0x47: {  	v3 =	vand.u32 $0x7, v3;
	vm15 =	vlt.u32 v51, $0x6200;
	v4 =	vand.u32 $0xFFFFFFF8, v51  }
0x48: {  	v3 =	vor.u32 v3, v4;
	_ =	sdelay $0x4  }
0x49: {  	[tilespmem:v3+s16+$0x0] =	vst.idx.add.f32.msk vm15, v2  }
0x4a: {  	v3 =	vld [tilespmem:s22+$0x20];
	_ =	sdelay $0x4  }
0x4b: {  	v52 =	vsub.s32 v3, v0  }
0x4c: {  	v3 =	vand.u32 $0x7, v3;
	vm4 =	vlt.u32 v52, $0x6200;
	v4 =	vand.u32 $0xFFFFFFF8, v52  }
0x4d: {  	v3 =	vor.u32 v3, v4;
	_ =	sdelay $0x4  }
0x4e: {  	[tilespmem:v3+s15+$0x0] =	vst.idx.add.f32.msk vm4, v2  }
0x4f: {  	v3 =	vld [tilespmem:s22+$0x7020];
	_ =	sdelay $0x4  }
0x50: {  	v53 =	vsub.s32 v3, v0  }
0x51: {  	v3 =	vand.u32 $0x7, v3;
	vm5 =	vlt.u32 v53, $0x6200;
	v4 =	vand.u32 $0xFFFFFFF8, v53  }
0x52: {  	v3 =	vor.u32 v3, v4;
	_ =	sdelay $0x4  }
0x53: {  	[tilespmem:v3+s16+$0x0] =	vst.idx.add.f32.msk vm5, v2  }
0x54: {  	v3 =	vld [tilespmem:s22+$0x30];
	_ =	sdelay $0x4  }
0x55: {  	v54 =	vsub.s32 v3, v0  }
0x56: {  	v3 =	vand.u32 $0x7, v3;
	vm6 =	vlt.u32 v54, $0x6200;
	v4 =	vand.u32 $0xFFFFFFF8, v54  }
0x57: {  	v3 =	vor.u32 v3, v4;
	_ =	sdelay $0x4  }
0x58: {  	[tilespmem:v3+s15+$0x0] =	vst.idx.add.f32.msk vm6, v2  }
0x59: {  	v3 =	vld [tilespmem:s22+$0x7030];
	_ =	sdelay $0x4  }
0x5a: {  	v55 =	vsub.s32 v3, v0  }
0x5b: {  	v3 =	vand.u32 $0x7, v3;
	vm7 =	vlt.u32 v55, $0x6200;
	v4 =	vand.u32 $0xFFFFFFF8, v55  }
0x5c: {  	v3 =	vor.u32 v3, v4;
	_ =	sdelay $0x4  }
0x5d: {  	[tilespmem:v3+s16+$0x0] =	vst.idx.add.f32.msk vm7, v2  }
0x5e: {  	v3 =	vld [tilespmem:s22+$0x40];
	_ =	sdelay $0x4  }
0x5f: {  	v56 =	vsub.s32 v3, v0  }
0x60: {  	v3 =	vand.u32 $0x7, v3;
	vm8 =	vlt.u32 v56, $0x6200;
	v4 =	vand.u32 $0xFFFFFFF8, v56  }
0x61: {  	v3 =	vor.u32 v3, v4;
	_ =	sdelay $0x4  }
0x62: {  	[tilespmem:v3+s15+$0x0] =	vst.idx.add.f32.msk vm8, v2  }
0x63: {  	v3 =	vld [tilespmem:s22+$0x7040];
	_ =	sdelay $0x4  }
0x64: {  	v57 =	vsub.s32 v3, v0  }
0x65: {  	v3 =	vand.u32 $0x7, v3;
	vm9 =	vlt.u32 v57, $0x6200;
	v4 =	vand.u32 $0xFFFFFFF8, v57  }
0x66: {  	v3 =	vor.u32 v3, v4;
	_ =	sdelay $0x4  }
0x67: {  	[tilespmem:v3+s16+$0x0] =	vst.idx.add.f32.msk vm9, v2  }
0x68: {  	v3 =	vld [tilespmem:s22+$0x50];
	_ =	sdelay $0x4  }
0x69: {  	v58 =	vsub.s32 v3, v0  }
0x6a: {  	v3 =	vand.u32 $0x7, v3;
	vm10 =	vlt.u32 v58, $0x6200;
	v4 =	vand.u32 $0xFFFFFFF8, v58  }
0x6b: {  	v3 =	vor.u32 v3, v4;
	_ =	sdelay $0x4  }
0x6c: {  	[tilespmem:v3+s15+$0x0] =	vst.idx.add.f32.msk vm10, v2  }
0x6d: {  	v3 =	vld [tilespmem:s22+$0x7050];
	_ =	sdelay $0x4  }
0x6e: {  	v59 =	vsub.s32 v3, v0  }
0x6f: {  	v3 =	vand.u32 $0x7, v3;
	vm11 =	vlt.u32 v59, $0x6200;
	v4 =	vand.u32 $0xFFFFFFF8, v59  }
0x70: {  	v3 =	vor.u32 v3, v4;
	_ =	sdelay $0x4  }
0x71: {  	[tilespmem:v3+s16+$0x0] =	vst.idx.add.f32.msk vm11, v2  }
0x72: {  	v3 =	vld [tilespmem:s22+$0x60];
	_ =	sdelay $0x4  }
0x73: {  	v60 =	vsub.s32 v3, v0  }
0x74: {  	v3 =	vand.u32 $0x7, v3;
	vm12 =	vlt.u32 v60, $0x6200;
	v4 =	vand.u32 $0xFFFFFFF8, v60  }
0x75: {  	v3 =	vor.u32 v3, v4;
	_ =	sdelay $0x4  }
0x76: {  	[tilespmem:v3+s15+$0x0] =	vst.idx.add.f32.msk vm12, v2  }
0x77: {  	v3 =	vld [tilespmem:s22+$0x7060];
	_ =	sdelay $0x4  }
0x78: {  	v61 =	vsub.s32 v3, v0  }
0x79: {  	v3 =	vand.u32 $0x7, v3;
	vm13 =	vlt.u32 v61, $0x6200;
	v4 =	vand.u32 $0xFFFFFFF8, v61  }
0x7a: {  	v3 =	vor.u32 v3, v4;
	_ =	sdelay $0x4  }
0x7b: {  	[tilespmem:v3+s16+$0x0] =	vst.idx.add.f32.msk vm13, v2  }
0x7c: {  	v3 =	vld [tilespmem:s22+$0x70];
	_ =	sdelay $0x4  }
0x7d: {  	v62 =	vsub.s32 v3, v0  }
0x7e: {  	v3 =	vand.u32 $0x7, v3;
	vm14 =	vlt.u32 v62, $0x6200;
	v4 =	vand.u32 $0xFFFFFFF8, v62  }
0x7f: {  	v3 =	vor.u32 v3, v4;
	_ =	sdelay $0x4  }
0x80: {  	[tilespmem:v3+s15+$0x0] =	vst.idx.add.f32.msk vm14, v2  }
0x81: {  	v3 =	vld [tilespmem:s22+$0x7070];
	_ =	sdelay $0x4  }
0x82: {  	v63 =	vsub.s32 v3, v0  }
0x83: {  	v3 =	vand.u32 $0x7, v3;
	vm15 =	vlt.u32 v63, $0x6200;
	v4 =	vand.u32 $0xFFFFFFF8, v63  }
0x84: {  	p0 =	seq.s32 s21, $0xDE00;
	v3 =	vor.u32 v3, v4  }
.Ltmp6:
0x85: {  	_ = 	snop;
	(pc) =	sbr.rel @!p0 .LBB2_6-.Ltmp6, $2  }
0x86: {  	_ =	sdelay $0x2  }
0x87: {  	s21 =	sadd.s32 $0x200, s21;
	[tilespmem:v3+s16+$0x0] =	vst.idx.add.f32.msk vm15, v2  }
.Ltmp7:
0x88: {  	_ = 	snop;
	(pc) =	sbr.rel .LBB2_9-.Ltmp7, $1  }
0x89: {  	_ =	sdelay $0x3  }
.LBB2_7:
0x8a: {  	_ =	swait.ge [sflag:s18], $0x3800;
	p0 =	seq.s32 s20, $0xD  }
0x8b: {  	[sflag:s18] =	ssyncset.done $0x0;
	s21 =	smul.u32 @!p0 $0x70, s20  }
0x8c: {  	[sflag:s18] =	ssyncadd.s32 $0xFFFFC800  }
0x8d: {  	_ =	swait.ge [sflag:s18], $0x3800;
	s21 =	sadd.s32 @!p0 s21, s8  }
0x8e: {  	[sflag:s18] =	ssyncset.done $0x0;
	s21 =	sshll.u32 @!p0 s21, $0x4  }
0x8f: {  	s23 =	simm.s32 @!p0 $0x0;
	[sflag:s18] =	ssyncadd.s32 $0xFFFFC800;
	s22 =	sadd.s32 @!p0 s4, s21  }
0x90: {  	[tilespmem:s23], [sflag:$0x1] =	stream.linear.gather @!p0 [hbm4b:s22+s23], $0x3800, $0x38;
	[tilespmem:$0x1A400] =	vst v63  }
0x91: {  	s21 =	sadd.s32 @!p0 s2, s21;
	s22 =	simm.s32 @!p0 $0x7000  }
0x92: {  	[tilespmem:s22], [sflag:$0x1] =	stream.linear.gather @!p0 [hbm4b:s21+s23], $0x3800, $0x38;
	[tilespmem:$0x1A400] =	vst v63  }
0x93: {  	s21 =	simm.s32 $0x0  }
.LBB2_8:
0x94: {  	s22 =	sshra.s32 s21, $0x2  }
0x95: {  	v3 =	vld [tilespmem:s22+$0x3800];
	_ =	sdelay $0x4  }
0x96: {  	v4 =	vsub.s32 v3, v0  }
0x97: {  	v3 =	vand.u32 $0x7, v3;
	vm0 =	vlt.u32 v4, $0x6200;
	v4 =	vand.u32 $0xFFFFFFF8, v4  }
0x98: {  	v3 =	vor.u32 v3, v4;
	_ =	sdelay $0x4  }
0x99: {  	[tilespmem:v3+s15+$0x0] =	vst.idx.add.f32.msk vm0, v2  }
0x9a: {  	v3 =	vld [tilespmem:s22+$0xA800];
	_ =	sdelay $0x4  }
0x9b: {  	v49 =	vsub.s32 v3, v0  }
0x9c: {  	v3 =	vand.u32 $0x7, v3;
	vm13 =	vlt.u32 v49, $0x6200;
	v4 =	vand.u32 $0xFFFFFFF8, v49  }
0x9d: {  	v3 =	vor.u32 v3, v4;
	_ =	sdelay $0x4  }
0x9e: {  	[tilespmem:v3+s16+$0x0] =	vst.idx.add.f32.msk vm13, v2  }
0x9f: {  	v3 =	vld [tilespmem:s22+$0x3810];
	_ =	sdelay $0x4  }
0xa0: {  	v50 =	vsub.s32 v3, v0  }
0xa1: {  	v3 =	vand.u32 $0x7, v3;
	vm14 =	vlt.u32 v50, $0x6200;
	v4 =	vand.u32 $0xFFFFFFF8, v50  }
0xa2: {  	v3 =	vor.u32 v3, v4;
	_ =	sdelay $0x4  }
0xa3: {  	[tilespmem:v3+s15+$0x0] =	vst.idx.add.f32.msk vm14, v2  }
0xa4: {  	v3 =	vld [tilespmem:s22+$0xA810];
	_ =	sdelay $0x4  }
0xa5: {  	v51 =	vsub.s32 v3, v0  }
0xa6: {  	v3 =	vand.u32 $0x7, v3;
	vm15 =	vlt.u32 v51, $0x6200;
	v4 =	vand.u32 $0xFFFFFFF8, v51  }
0xa7: {  	v3 =	vor.u32 v3, v4;
	_ =	sdelay $0x4  }
0xa8: {  	[tilespmem:v3+s16+$0x0] =	vst.idx.add.f32.msk vm15, v2  }
0xa9: {  	v3 =	vld [tilespmem:s22+$0x3820];
	_ =	sdelay $0x4  }
0xaa: {  	v52 =	vsub.s32 v3, v0  }
0xab: {  	v3 =	vand.u32 $0x7, v3;
	vm4 =	vlt.u32 v52, $0x6200;
	v4 =	vand.u32 $0xFFFFFFF8, v52  }
0xac: {  	v3 =	vor.u32 v3, v4;
	_ =	sdelay $0x4  }
0xad: {  	[tilespmem:v3+s15+$0x0] =	vst.idx.add.f32.msk vm4, v2  }
0xae: {  	v3 =	vld [tilespmem:s22+$0xA820];
	_ =	sdelay $0x4  }
0xaf: {  	v53 =	vsub.s32 v3, v0  }
0xb0: {  	v3 =	vand.u32 $0x7, v3;
	vm5 =	vlt.u32 v53, $0x6200;
	v4 =	vand.u32 $0xFFFFFFF8, v53  }
0xb1: {  	v3 =	vor.u32 v3, v4;
	_ =	sdelay $0x4  }
0xb2: {  	[tilespmem:v3+s16+$0x0] =	vst.idx.add.f32.msk vm5, v2  }
0xb3: {  	v3 =	vld [tilespmem:s22+$0x3830];
	_ =	sdelay $0x4  }
0xb4: {  	v54 =	vsub.s32 v3, v0  }
0xb5: {  	v3 =	vand.u32 $0x7, v3;
	vm6 =	vlt.u32 v54, $0x6200;
	v4 =	vand.u32 $0xFFFFFFF8, v54  }
0xb6: {  	v3 =	vor.u32 v3, v4;
	_ =	sdelay $0x4  }
0xb7: {  	[tilespmem:v3+s15+$0x0] =	vst.idx.add.f32.msk vm6, v2  }
0xb8: {  	v3 =	vld [tilespmem:s22+$0xA830];
	_ =	sdelay $0x4  }
0xb9: {  	v55 =	vsub.s32 v3, v0  }
0xba: {  	v3 =	vand.u32 $0x7, v3;
	vm7 =	vlt.u32 v55, $0x6200;
	v4 =	vand.u32 $0xFFFFFFF8, v55  }
0xbb: {  	v3 =	vor.u32 v3, v4;
	_ =	sdelay $0x4  }
0xbc: {  	[tilespmem:v3+s16+$0x0] =	vst.idx.add.f32.msk vm7, v2  }
0xbd: {  	v3 =	vld [tilespmem:s22+$0x3840];
	_ =	sdelay $0x4  }
0xbe: {  	v56 =	vsub.s32 v3, v0  }
0xbf: {  	v3 =	vand.u32 $0x7, v3;
	vm8 =	vlt.u32 v56, $0x6200;
	v4 =	vand.u32 $0xFFFFFFF8, v56  }
0xc0: {  	v3 =	vor.u32 v3, v4;
	_ =	sdelay $0x4  }
0xc1: {  	[tilespmem:v3+s15+$0x0] =	vst.idx.add.f32.msk vm8, v2  }
0xc2: {  	v3 =	vld [tilespmem:s22+$0xA840];
	_ =	sdelay $0x4  }
0xc3: {  	v57 =	vsub.s32 v3, v0  }
0xc4: {  	v3 =	vand.u32 $0x7, v3;
	vm9 =	vlt.u32 v57, $0x6200;
	v4 =	vand.u32 $0xFFFFFFF8, v57  }
0xc5: {  	v3 =	vor.u32 v3, v4;
	_ =	sdelay $0x4  }
0xc6: {  	[tilespmem:v3+s16+$0x0] =	vst.idx.add.f32.msk vm9, v2  }
0xc7: {  	v3 =	vld [tilespmem:s22+$0x3850];
	_ =	sdelay $0x4  }
0xc8: {  	v58 =	vsub.s32 v3, v0  }
0xc9: {  	v3 =	vand.u32 $0x7, v3;
	vm10 =	vlt.u32 v58, $0x6200;
	v4 =	vand.u32 $0xFFFFFFF8, v58  }
0xca: {  	v3 =	vor.u32 v3, v4;
	_ =	sdelay $0x4  }
0xcb: {  	[tilespmem:v3+s15+$0x0] =	vst.idx.add.f32.msk vm10, v2  }
0xcc: {  	v3 =	vld [tilespmem:s22+$0xA850];
	_ =	sdelay $0x4  }
0xcd: {  	v59 =	vsub.s32 v3, v0  }
0xce: {  	v3 =	vand.u32 $0x7, v3;
	vm11 =	vlt.u32 v59, $0x6200;
	v4 =	vand.u32 $0xFFFFFFF8, v59  }
0xcf: {  	v3 =	vor.u32 v3, v4;
	_ =	sdelay $0x4  }
0xd0: {  	[tilespmem:v3+s16+$0x0] =	vst.idx.add.f32.msk vm11, v2  }
0xd1: {  	v3 =	vld [tilespmem:s22+$0x3860];
	_ =	sdelay $0x4  }
0xd2: {  	v60 =	vsub.s32 v3, v0  }
0xd3: {  	v3 =	vand.u32 $0x7, v3;
	vm12 =	vlt.u32 v60, $0x6200;
	v4 =	vand.u32 $0xFFFFFFF8, v60  }
0xd4: {  	v3 =	vor.u32 v3, v4;
	_ =	sdelay $0x4  }
0xd5: {  	[tilespmem:v3+s15+$0x0] =	vst.idx.add.f32.msk vm12, v2  }
0xd6: {  	v3 =	vld [tilespmem:s22+$0xA860];
	_ =	sdelay $0x4  }
0xd7: {  	v61 =	vsub.s32 v3, v0  }
0xd8: {  	v3 =	vand.u32 $0x7, v3;
	vm13 =	vlt.u32 v61, $0x6200;
	v4 =	vand.u32 $0xFFFFFFF8, v61  }
0xd9: {  	v3 =	vor.u32 v3, v4;
	_ =	sdelay $0x4  }
0xda: {  	[tilespmem:v3+s16+$0x0] =	vst.idx.add.f32.msk vm13, v2  }
0xdb: {  	v3 =	vld [tilespmem:s22+$0x3870];
	_ =	sdelay $0x4  }
0xdc: {  	v62 =	vsub.s32 v3, v0  }
0xdd: {  	v3 =	vand.u32 $0x7, v3;
	vm14 =	vlt.u32 v62, $0x6200;
	v4 =	vand.u32 $0xFFFFFFF8, v62  }
0xde: {  	v3 =	vor.u32 v3, v4;
	_ =	sdelay $0x4  }
0xdf: {  	[tilespmem:v3+s15+$0x0] =	vst.idx.add.f32.msk vm14, v2  }
0xe0: {  	v3 =	vld [tilespmem:s22+$0xA870];
	_ =	sdelay $0x4  }
0xe1: {  	v63 =	vsub.s32 v3, v0  }
0xe2: {  	v3 =	vand.u32 $0x7, v3;
	vm15 =	vlt.u32 v63, $0x6200;
	v4 =	vand.u32 $0xFFFFFFF8, v63  }
0xe3: {  	p0 =	sne.s32 s21, $0xDE00;
	v3 =	vor.u32 v3, v4  }
.Ltmp8:
0xe4: {  	_ = 	snop;
	(pc) =	sbr.rel @p0 .LBB2_8-.Ltmp8, $2  }
0xe5: {  	_ =	sdelay $0x2  }
0xe6: {  	s21 =	sadd.s32 $0x200, s21;
	[tilespmem:v3+s16+$0x0] =	vst.idx.add.f32.msk vm15, v2  }
.Ltmp9:
0xe7: {  	_ = 	snop;
	(pc) =	sbr.rel .LBB2_9-.Ltmp9, $1  }
0xe8: {  	_ =	sdelay $0x3  }
.LBB2_11:
0xe9: {  	_ =	sfence.sel $0x180000  }
0xea: {  	[bflag:$0x0] =	sbarrier.arrive $0xFFFF  }
0xeb: {  	p0 =	sne.s32 s0, $0x0;
	_ =	strace $0x9000004A  }
0xec: {  	s0 =	sadd.s32 @!p0 $0x100000, s1;
	[bflag:$0x2] =	sbarrier.arrive $0xFFFF  }
0xed: {  	[sflag:s0] =	ssyncadd.tile.s32 @!p0 $0x1;
	_ =	shalt  }
.Lfunc_end2:
_tile_overlayer_lowered:
.L_overlay_start_2:
0xee: {  	(tag) =	ssettag $0x2  }
0xef: {  	s0 =	rddreg [dreg:$0x0];
	s2 =	stileid.u32  }
0xf0: {  	s1 =	rddreg [dreg:$0x1];
	p0 =	sne.s32 s2, $0x0  }
0xf1: {  	s3 =	rddreg [dreg:$0x2];
	[bflag:$0x3] =	sbarrier.arrive $0xFFFF;
	s2 =	simm.s32 @!p0 $0x1C03  }
0xf2: {  	[timem:s3], [sflag:s2] =	dma.local @!p0 [hbm:s0], s1  }
0xf3: {  	s0 =	simm.s32 @!p0 $0x3  }
0xf4: {  	_ =	swait.ge @!p0 [sflag:s0], s1  }
0xf5: {  	s1 =	ssub.s32 @!p0 $0x0, s1;
	[sflag:s0] =	ssyncset.done @!p0 $0x0  }
0xf6: {  	[sflag:s0] =	ssyncadd.s32 @!p0 s1  }
0xf7: {  	[bflag:$0x3] =	sbarrier.arrive $0xFFFF  }
0xf8: {  	_ =	shalt  }

// kernel: kernel.9.cloned.1.call-start
scs
__scs_entry_jumppad:
0x0: {  	(pc) =	sbr.rel $0x88, $3  }
0x1: {  	(tag) =	ssettag $0x0;
	lr =	simm.s32 $0x1  }
0x2: {  	[smem:$0x3F97] =	sst lr;
	_ =	strace $0xD0000000  }
0x3: {  	_ = 	snop  }
0x4: {  	_ = 	snop  }
0x5: {  	_ = 	snop  }
0x6: {  	_ = 	snop  }
0x7: {  	_ = 	snop  }
__scs_overlays_trampoline_lowered:
0x8: {  	[smem:$0x3FA6] =	sst s0  }
0x9: {  	[smem:$0x3FA7] =	sst s1  }
0xa: {  	[smem:$0x3FA8] =	sst s2  }
0xb: {  	[smem:$0x3FA9] =	sst s3  }
0xc: {  	[smem:$0x3FAA] =	sst s4  }
0xd: {  	[smem:$0x3FAB] =	sst s5  }
0xe: {  	[smem:$0x3FAC] =	sst s6  }
0xf: {  	[smem:$0x3FAD] =	sst s7  }
0x10: {  	[smem:$0x3FAE] =	sst s8  }
0x11: {  	[smem:$0x3FAF] =	sst s9;
	s0 =	simm.s32 @!p0 $0x0  }
0x12: {  	s1 =	sld [smem:$0x3F95];
	s0 =	simm.s32 @p0 $0x1  }
0x13: {  	[smem:$0x3FB0] =	sst s0;
	s0 =	simm.s32 @!p1 $0x0  }
0x14: {  	s2 =	sld [smem:$0x3F94];
	s0 =	simm.s32 @p1 $0x1  }
0x15: {  	[smem:$0x3FB1] =	sst s0;
	s0 =	simm.s32 @!p2 $0x0  }
0x16: {  	s3 =	sld [smem:$0x3FDB];
	s0 =	simm.s32 @p2 $0x1  }
0x17: {  	s4 =	simm.s32 $0x1BF5;
	[smem:$0x3FB3] =	sst s0  }
0x18: {  	s0 =	sld [smem:$0x3F96];
	_ =	swait.ge [sflag:s4], $0x0  }
0x19: {  	s7 =	sld [smem:$0x3F97]  }
0x1a: {  	s8 =	sadd.s32 $0xFFFFE003, lr  }
0x1b: {  	s9 =	sadd.s32 $0xFFFFFEF7, lr;
	s5 =	simm.s32 $0xFFFFFFFF;
	p2 =	slt.u32 s8, $0xFFFFF086  }
0x1c: {  	p1 =	slt.u32 s9, $0xF7A;
	s5 =	simm.s32 @!p2 $0x0  }
0x1d: {  	s5 =	simm.s32 @p1 $0x1;
	p0 =	seq.s32 s7, s2  }
0x1e: {  	s7 =	smul.u32 @!p0 $0xF7A, s2;
	p2 =	seq.s32 @!p0 s5, $0x0  }
0x1f: {  	s9 =	smul.u32 $0xF7A, s1;
	s8 =	simm.s32 @!p0 $0x1BF5;
	p2 =	por !p2, p0  }
0x20: {  	[sflag:s8] =	ssyncset.s32 @!p0 $0xFFFFF086;
	s6 =	sadd.s32 @!p0 s3, s7;
	s7 =	simm.s32 @!p0 $0x108  }
0x21: {  	s3 =	sadd.s32 s3, s9;
	s6 =	sadd.s32 @!p0 $0x88, s6;
	s7 =	simm.s32 @p2 $0x1082  }
0x22: {  	[simem:s7], [sflag:s8] =	dma.local @!p0 [hbm:s6], $0xF7A  }
0x23: {  	s9 =	sor.u32 $0xD0000000, s2;
	s6 =	simm.s32 $0x108;
	_ =	swait.ge @!p0 [sflag:s8], $0x0  }
0x24: {  	s3 =	sadd.s32 $0x88, s3;
	s6 =	simm.s32 @!p1 $0x1082;
	[sflag:s4] =	ssyncset.s32 $0xFFFFF086  }
0x25: {  	[simem:s6], [sflag:s4] =	dma.local [hbm:s3], $0xF7A  }
0x26: {  	[smem:$0x3F97] =	sst s1;
	(tag) =	ssettag s2;
	_ =	strace s9  }
0x27: {  	s1 =	sld [smem:$0x3FA7]  }
0x28: {  	s2 =	sld [smem:$0x3FA8]  }
0x29: {  	s4 =	sld [smem:$0x3FAA]  }
0x2a: {  	p0 =	seq.s32 s5, $0x0;
	s5 =	sld [smem:$0x3FAB]  }
0x2b: {  	s6 =	sld [smem:$0x3FAC]  }
0x2c: {  	s7 =	sld [smem:$0x3FAD]  }
0x2d: {  	s3 =	simm.s32 $0x108;
	s8 =	sld [smem:$0x3FAE]  }
0x2e: {  	s3 =	simm.s32 @!p0 $0x1082;
	s9 =	sld [smem:$0x3FAF]  }
0x2f: {  	lr =	sadd.s32 s0, s3;
	s0 =	sld [smem:$0x3FA6]  }
0x30: {  	s3 =	sld [smem:$0x3FA9]  }
0x31: {  	[smem:$0x3FB2] =	sst s10  }
0x32: {  	s10 =	sld [smem:$0x3FB0];
	_ =	sdelay $0x3  }
0x33: {  	p0 =	seq.s32 s10, $0x1;
	s10 =	sld [smem:$0x3FB2];
	_ =	sdelay $0x3  }
0x34: {  	[smem:$0x3FB2] =	sst s10  }
0x35: {  	s10 =	sld [smem:$0x3FB1];
	_ =	sdelay $0x3  }
0x36: {  	p1 =	seq.s32 s10, $0x1;
	s10 =	sld [smem:$0x3FB2];
	_ =	sdelay $0x3  }
0x37: {  	[smem:$0x3FB2] =	sst s10  }
0x38: {  	s10 =	sld [smem:$0x3FB3]  }
0x39: {  	_ = 	snop;
	(pc) =	sbr.ind lr, $3  }
0x3a: {  	_ = 	snop  }
0x3b: {  	_ = 	snop  }
0x3c: {  	p2 =	seq.s32 s10, $0x1;
	s10 =	sld [smem:$0x3FB2]  }
0x3d: {  	_ =	shalt  }
0x3e: {  	_ =	shalt  }
0x3f: {  	_ =	shalt  }
0x40: {  	_ =	shalt  }
0x41: {  	_ =	shalt  }
0x42: {  	_ =	shalt  }
0x43: {  	_ =	shalt  }
0x44: {  	_ =	shalt  }
0x45: {  	_ =	shalt  }
0x46: {  	_ =	shalt  }
0x47: {  	_ =	shalt  }
0x48: {  	_ =	shalt  }
0x49: {  	_ =	shalt  }
0x4a: {  	_ =	shalt  }
0x4b: {  	_ =	shalt  }
0x4c: {  	_ =	shalt  }
0x4d: {  	_ =	shalt  }
0x4e: {  	_ =	shalt  }
0x4f: {  	_ =	shalt  }
0x50: {  	_ =	shalt  }
0x51: {  	_ =	shalt  }
0x52: {  	_ =	shalt  }
0x53: {  	_ =	shalt  }
0x54: {  	_ =	shalt  }
0x55: {  	_ =	shalt  }
0x56: {  	_ =	shalt  }
0x57: {  	_ =	shalt  }
0x58: {  	_ =	shalt  }
0x59: {  	_ =	shalt  }
0x5a: {  	_ =	shalt  }
0x5b: {  	_ =	shalt  }
0x5c: {  	_ =	shalt  }
0x5d: {  	_ =	shalt  }
0x5e: {  	_ =	shalt  }
0x5f: {  	_ =	shalt  }
0x60: {  	_ =	shalt  }
0x61: {  	_ =	shalt  }
0x62: {  	_ =	shalt  }
0x63: {  	_ =	shalt  }
0x64: {  	_ =	shalt  }
0x65: {  	_ =	shalt  }
0x66: {  	_ =	shalt  }
0x67: {  	_ =	shalt  }
0x68: {  	_ =	shalt  }
0x69: {  	_ =	shalt  }
0x6a: {  	_ =	shalt  }
0x6b: {  	_ =	shalt  }
0x6c: {  	_ =	shalt  }
0x6d: {  	_ =	shalt  }
0x6e: {  	_ =	shalt  }
0x6f: {  	_ =	shalt  }
0x70: {  	_ =	shalt  }
0x71: {  	_ =	shalt  }
0x72: {  	_ =	shalt  }
0x73: {  	_ =	shalt  }
0x74: {  	_ =	shalt  }
0x75: {  	_ =	shalt  }
0x76: {  	_ =	shalt  }
0x77: {  	_ =	shalt  }
0x78: {  	_ =	shalt  }
0x79: {  	_ =	shalt  }
0x7a: {  	_ =	shalt  }
0x7b: {  	_ =	shalt  }
0x7c: {  	_ =	shalt  }
0x7d: {  	_ =	shalt  }
0x7e: {  	_ =	shalt  }
0x7f: {  	_ =	shalt  }
0x80: {  	_ =	shalt  }
0x81: {  	_ =	shalt  }
0x82: {  	_ =	shalt  }
0x83: {  	_ =	shalt  }
0x84: {  	_ =	shalt  }
0x85: {  	_ =	shalt  }
0x86: {  	_ =	shalt  }
0x87: {  	_ =	shalt  }
.Lfunc_end0:
.L_simem_size_0:
called_computation.2_lowered:
.L_overlay_start_0:
0x88: {  	s2 =	sld [smem:$0x3FD9]  }
0x89: {  	s3 =	sld [smem:$0x3FFE];
	_ =	sdelay $0x1  }
0x8a: {  	s1 =	srdreg.scid  }
0x8b: {  	s0 =	sand.u32 $0x1, s1  }
0x8c: {  	s17 =	sshll.u32 s0, $0xA;
	s2 =	sadd.s32 s3, s2  }
0x8d: {  	s2 =	sadd.s32 s2, s17  }
0x8e: {  	[smem:$0x3FBE] =	sst s2  }
0x8f: {  	_ = 	snop  }
0x90: {  	s2 =	sld [smem:$0x3FD0];
	(tm) =	ssettm $0x1  }
0x91: {  	s18 =	sld [smem:$0x3FFB];
	_ =	sdelay $0x3  }
0x92: {  	_ =	strace s18  }
0x93: {  	s3 =	sld [smem:$0x3FFC];
	_ =	sdelay $0x3  }
0x94: {  	_ =	strace s3  }
0x95: {  	s3 =	sld [smem:$0x3FFD];
	_ =	sdelay $0x3  }
0x96: {  	_ =	strace s3  }
0x97: {  	_ =	strace $0x8FFFFFFF  }
0x98: {  	s19 =	sld [smem:$0x3FDB];
	_ =	sdelay $0x1  }
0x99: {  	s4 =	simm.s32 $_scs_section_size  }
0x9a: {  	s5 =	simm.s32 $_size__tile_overlayer_lowered;
	s6 =	simm.s32 $_tile_overlayer_lowered  }
0x9b: {  	s22 =	simm.s32 $0x1BFF;
	s21 =	sshll.u32 s6, $0x1;
	s3 =	sadd.s32 s4, s19  }
0x9c: {  	s7 =	simm.s32 $0x0;
	s20 =	sshll.u32 s5, $0x1;
	s5 =	sadd.s32 s21, s3  }
0x9d: {  	[timem:s7], [sflag:s22] =	dma.local [hbm:s5], s20  }
0x9e: {  	_ =	swait.ge [sflag:s22], s20  }
0x9f: {  	s4 =	ssub.s32 $0x0, s20;
	[sflag:s22] =	ssyncset.done $0x0  }
0xa0: {  	[sflag:s22] =	ssyncadd.s32 s4;
	_ =	sdelay $0x1  }
0xa1: {  	s23 =	simm.s32 $0x1B8B  }
0xa2: {  	_ =	swait.ge [sflag:s23], $0x1  }
0xa3: {  	[sflag:s23] =	ssyncset.done $0x0  }
0xa4: {  	s25 =	simm.s32 $0x1B8E;
	s24 =	sld [smem:$0x3FFE];
	[sflag:s23] =	ssyncadd.s32 $0xFFFFFFFF  }
0xa5: {  	s26 =	simm.s32 $execute0_lowered;
	[smem:$0x3FD2] =	sst s25  }
0xa6: {  	s5 =	sshll.u32 s26, $0x1;
	_ =	strace $0x8000004C;
	[dreg:$0x1] =	wrdreg $0xFFFFFFFF  }
0xa7: {  	s28 =	simm.s32 $_size_execute0_lowered;
	s3 =	sadd.s32 s3, s5;
	[dreg:$0x0] =	wrdreg $0x0  }
0xa8: {  	s5 =	sshll.u32 s28, $0x1;
	[dreg:$0x2] =	wrdreg s3  }
0xa9: {  	[dreg:$0x3] =	wrdreg s5  }
0xaa: {  	[dreg:$0x4] =	wrdreg $0xC0  }
0xab: {  	_ =	task [dreg:s7], $0x5FFFF  }
0xac: {  	[dreg:$0x1] =	wrdreg $0xFFFFFFFF  }
0xad: {  	[dreg:$0x0] =	wrdreg $0x60  }
0xae: {  	[dreg:$0x2] =	wrdreg s24  }
0xaf: {  	[dreg:$0x3] =	wrdreg s2  }
0xb0: {  	[dreg:$0x4] =	wrdreg $0xCD000  }
0xb1: {  	[dreg:$0x5] =	wrdreg $0x9  }
0xb2: {  	_ =	task.clear_ibuf [dreg:s7], $0x6FFFF;
	_ =	strace $0x9000004C  }
0xb3: {  	s29 =	simm.s32 $0x9;
	_ =	strace $0x8000004E  }
0xb4: {  	_ =	swait.ge [sflag:s29], $0x1  }
0xb5: {  	[sflag:s29] =	ssyncadd.s32 $0xFFFFFFFF  }
0xb6: {  	_ =	strace $0x9000004E  }
0xb7: {  	_ =	sfence  }
0xb8: {  	s30 =	sld [smem:$0x0];
	_ =	sdelay $0x2  }
0xb9: {  	s31 =	sshll.u32 s1, $0xD;
	s1 =	sshrl.u32 s1, $0x2  }
0xba: {  	s3 =	sand.u32 $0x4000, s31;
	s1 =	sadd.s32 s1, s30  }
0xbb: {  	s0 =	sor.u32 s3, s0;
	s1 =	sshll.u32 s1, $0x11  }
0xbc: {  	s0 =	sor.u32 s1, s0  }
0xbd: {  	s0 =	sadd.s32 $0x8F2B, s0  }
0xbe: {  	[sflag:s0] =	ssyncadd.remote.s32 $0x1  }
0xbf: {  	_ =	sfence.sel $0xFFFF  }
0xc0: {  	[dreg:$0x0] =	wrdreg $0xFFFFFFFF;
	(pc) =	sbr.abs _section_cstart, $3  }
0xc1: {  	[dreg:$0x1] =	wrdreg $0xFFFFFFFF  }
0xc2: {  	_ =	task.clear_ibuf [dreg:s7], $0x2FFFF;
	_ =	strace $0x9FFFFFFF  }
0xc3: {  	(tm) =	ssettm $0x7FFFFFFF  }
tec
execute0_lowered:
.L_overlay_start_1:
0x0: {  	(tag) =	ssettag $0x1  }
0x1: {  	s0 =	rddreg [dreg:$0x0]  }
0x2: {  	s2 =	rddreg [dreg:$0x1]  }
0x3: {  	s3 =	rddreg [dreg:$0x2];
	s7 =	stileid.u32  }
0x4: {  	s1 =	simm.s32 $0x0;
	s29 =	srdreg.scid;
	s12 =	smul.u32 $0x310, s7  }
0x5: {  	[smem:$0x7FF] =	sst s1;
	s6 =	sadd.s32 $0x435200, s0;
	s30 =	smul.u32 $0x49800, s7  }
0x6: {  	s4 =	sand.u32 $0x1, s29;
	s9 =	sadd.s32 $0x18AA00, s0;
	s10 =	sadd.s32 $0x2B0A00, s0  }
0x7: {  	s23 =	smul.u32 $0x3100, s7;
	s13 =	smov.u32 s4;
	s4 =	ssub.s32 $0x2, s4  }
0x8: {  	_ =	strace $0x8000004D;
	s5 =	sadd.s32 $0x80, s12;
	s31 =	sshrl.u32 s4, $0x1  }
0x9: {  	s8 =	sshrl.u32 s30, $0x2;
	s15 =	sadd.s32 $0x18000, s30;
	[dreg:$0x4] =	wrdreg s12  }
0xa: {  	s17 =	sadd.s32 $0x24000, s30;
	s18 =	sadd.s32 $0x100, s12;
	[dreg:$0x5] =	wrdreg s5  }
0xb: {  	s21 =	sadd.s32 $0x180, s12;
	s22 =	sadd.s32 $0x30000, s30;
	[dreg:$0x9] =	wrdreg s18  }
0xc: {  	s1 =	sadd.s32 $0x3C000, s30;
	s25 =	sadd.s32 s6, s23;
	[dreg:$0xb] =	wrdreg s21  }
0xd: {  	s26 =	sadd.s32 s2, s23;
	s28 =	sadd.s32 $0x200, s12;
	[dreg:$0xd] =	wrdreg s25  }
0xe: {  	s30 =	sadd.s32 $0x280, s12;
	s12 =	simm.s32 $0x80;
	[dreg:$0xe] =	wrdreg s26  }
0xf: {  	s5 =	smul.u32 $0x180, s5;
	s11 =	sadd.s32 s8, s3;
	[dreg:$0x10] =	wrdreg s28  }
0x10: {  	s0 =	ssub.s32 s4, s31;
	[dreg:$0x12] =	wrdreg s30;
	s14 =	sadd.s32 $0x1800, s11  }
0x11: {  	s19 =	sshrl.u32 s17, $0x2;
	s16 =	sadd.s32 $0x4800, s11;
	[dreg:$0x6] =	wrdreg s14  }
0x12: {  	s1 =	sshrl.u32 s1, $0x2;
	s20 =	sadd.s32 $0x7800, s11;
	[dreg:$0x8] =	wrdreg s16  }
0x13: {  	s26 =	smul.u32 $0x18800, s7;
	s24 =	sadd.s32 $0xA800, s11;
	[dreg:$0xa] =	wrdreg s20  }
0x14: {  	s25 =	simm.s32 $0xB500;
	s0 =	smax.u32 s0, $0x1;
	[dreg:$0xc] =	wrdreg s24  }
0x15: {  	s17 =	simm.s32 $0x8;
	s29 =	sadd.s32 $0xD800, s11;
	[dreg:$0xf] =	wrdreg s0  }
0x16: {  	s18 =	simm.s32 $0x0;
	s31 =	sadd.s32 $0x10800, s11;
	[dreg:$0x11] =	wrdreg s29  }
0x17: {  	s19 =	sadd.s32 s19, s3;
	s8 =	sshrl.u32 s5, $0x2;
	[dreg:$0x13] =	wrdreg s31  }
.Ltmp0:
0x18: {  	s0 =	sadd.s32 $0x12000, s11;
	s5 =	simm.s32 $0x7;
	(pc) =	sbr.rel .LBB2_1-.Ltmp0, $4  }
0x19: {  	s14 =	simm.s32 $0x2200;
	s4 =	sadd.s32 s8, s3;
	s8 =	simm.s32 $0x1000  }
0x1a: {  	[dreg:$0x7] =	wrdreg s4;
	s4 =	sshrl.u32 s15, $0x2;
	s15 =	simm.s32 $0x2500  }
0x1b: {  	s16 =	sadd.s32 s4, s3;
	s4 =	sshrl.u32 s22, $0x2;
	s22 =	sadd.s32 s1, s3  }
0x1c: {  	v0 =	vimm.f32 $0.0e+00;
	v1 =	vimm.s32 $0x0;
	v2 =	vimm.s32 $0x3100;
	s1 =	simm.s32 $0x9;
	s21 =	sadd.s32 s4, s3;
	s4 =	sadd.s32 $0x800, s26  }
.LBB2_27:
0x1d: {  	s18 =	rddreg [dreg:$0x14]  }
0x1e: {  	s7 =	rddreg [dreg:$0xf];
	s18 =	sadd.s32 $0x1, s18  }
0x1f: {  	p0 =	sne.s32 s18, s7  }
.Ltmp1:
0x20: {  	_ = 	snop;
	(pc) =	sbr.rel @!p0 .LBB2_28-.Ltmp1, $1  }
0x21: {  	_ =	sdelay $0x3  }
.LBB2_1:
0x22: {  	s7 =	simm.s32 $0x0  }
0x23: {  	s31 =	smul.u32 $0xAAAB, s7;
	_ =	sdelay $0x1  }
0x24: {  	[dreg:$0x14] =	wrdreg s18;
	s20 =	sshrl.u32 s31, $0x12  }
0x25: {  	s18 =	simm.s32 $0x1;
	s23 =	simm.s32 $0x0;
	s24 =	smul.u32 $0x6, s20  }
.LBB2_2:
0x26: {  	s28 =	smul.u32 $0xAAAB, s18  }
0x27: {  	s29 =	smov.u32 s18;
	s20 =	smul.u32 $0x180, s20;
	p0 =	sne.s32 s18, $0x17F  }
.Ltmp2:
0x28: {  	s23 =	ssub.s32 s23, s24;
	(pc) =	sbr.rel @p0 .LBB2_2-.Ltmp2, $4  }
0x29: {  	s18 =	sadd.s32 $0x1, s18;
	s23 =	sand.u32 $0xFFFF, s23  }
0x2a: {  	s24 =	sshrl.u32 s20, $0x2;
	s30 =	sshll.u32 s23, $0x4;
	s23 =	smov.u32 s29  }
0x2b: {  	s20 =	sshrl.u32 s28, $0x12;
	s28 =	sadd.s32 s30, s24  }
0x2c: {  	s24 =	smul.u32 $0x6, s20;
	[tilespmem:s28+$0xB500] =	vst v0  }
0x2d: {  	s20 =	smul.u32 $0x180, s20  }
.Ltmp3:
0x2e: {  	s18 =	ssub.s32 s23, s24;
	(pc) =	sbr.rel .LBB2_4-.Ltmp3, $4  }
0x2f: {  	s18 =	sand.u32 $0xFFFF, s18  }
0x30: {  	s20 =	sshrl.u32 s20, $0x2;
	s18 =	sshll.u32 s18, $0x4  }
0x31: {  	s18 =	sadd.s32 s18, s20  }
0x32: {  	[tilespmem:s18+$0xB500] =	vst v0;
	s18 =	simm.s32 $0x0  }
.LBB2_22:
0x33: {  	[tilespmem:s28+$0x2000] =	vst v1  }
0x34: {  	[tilespmem:s28+$0x2100] =	vst v2;
	s7 =	smulhi.u32 $0x55555556, s23;
	s24 =	sshra.s32 s23, $0x1F  }
0x35: {  	[tilespmem:s28+$0x2010] =	vst v1;
	s24 =	smul.u32 $0x55555556, s24  }
0x36: {  	[tilespmem:s28+$0x2110] =	vst v2  }
0x37: {  	[tilespmem:s28+$0x2020] =	vst v1;
	s7 =	sadd.s32 s24, s7  }
0x38: {  	[tilespmem:s28+$0x2120] =	vst v2;
	s24 =	sshrl.u32 s7, $0x1F  }
0x39: {  	[tilespmem:s28+$0x2030] =	vst v1;
	s7 =	sadd.s32 s24, s7  }
0x3a: {  	[tilespmem:s28+$0x2130] =	vst v2;
	s7 =	smul.u32 $0x3, s7  }
0x3b: {  	[tilespmem:s28+$0x2040] =	vst v1  }
0x3c: {  	[tilespmem:s28+$0x2140] =	vst v2;
	s24 =	ssub.s32 s23, s7  }
0x3d: {  	[tilespmem:s28+$0x2050] =	vst v1;
	p0 =	sne.s32 s24, $0x0  }
.Ltmp4:
0x3e: {  	[tilespmem:s28+$0x2150] =	vst v2;
	(pc) =	sbr.rel @!p0 .LBB2_23-.Ltmp4, $4  }
0x3f: {  	[tilespmem:s28+$0x2060] =	vst v1  }
0x40: {  	[tilespmem:s28+$0x2160] =	vst v2  }
0x41: {  	[tilespmem:s28+$0x2070] =	vst v1  }
0x42: {  	[tilespmem:s28+$0x2170] =	vst v2  }
0x43: {  	p0 =	slt.s32 s24, $0x0;
	s7 =	sadd.s32 $0x3, s24  }
0x44: {  	s24 =	smov.u32 @p0 s7  }
0x45: {  	p0 =	sne.s32 s24, $0x1  }
0x46: {  	p1 =	slt.s32 @p0 s23, $0x1  }
0x47: {  	p2 =	por p1, !p0  }
0x48: {  	s7 =	simm.s32 @!p2 $0x2  }
0x49: {  	_ =	swait.ge @!p2 [sflag:s7], $0x3000  }
0x4a: {  	s24 =	simm.s32 @!p2 $0x2400;
	[sflag:s7] =	ssyncset.done @!p2 $0x0  }
0x4b: {  	s28 =	simm.s32 @!p2 $0x5500;
	[sflag:s7] =	ssyncadd.s32 @!p2 $0xFFFFD000;
	s7 =	simm.s32 @!p2 $0x80  }
0x4c: {  	[spmem:s3] =	stream.indirect.scatter.add.f32 @!p2 [tilespmem:s28], [sflag:$0x5], $0x60, s24, s7, $0xb8;
	[tilespmem:$0x1F480] =	vst v63  }
0x4d: {  	p2 =	slt.u32 @!p2 s23, $0x3  }
0x4e: {  	p1 =	por @p0 p2, p1  }
0x4f: {  	p1 =	por p1, !p0  }
0x50: {  	s7 =	simm.s32 @!p1 $0x6  }
0x51: {  	_ =	swait.ge @!p1 [sflag:s7], $0x3000  }
0x52: {  	[sflag:s7] =	ssyncset.done @!p1 $0x0  }
0x53: {  	[sflag:s7] =	ssyncadd.s32 @!p1 $0xFFFFD000  }
0x54: {  	v3 =	vld @p0 [tilespmem:$0x2000]  }
0x55: {  	v4 =	vld @p0 [tilespmem:$0x2100]  }
0x56: {  	v5 =	vld @p0 [tilespmem:$0x2010]  }
0x57: {  	v6 =	vld @p0 [tilespmem:$0x2110]  }
0x58: {  	v7 =	vld @p0 [tilespmem:$0x2020]  }
0x59: {  	[tilespmem:$0x2300] =	vst @p0 v3;
	v3 =	vld @p0 [tilespmem:$0x2120]  }
0x5a: {  	[tilespmem:$0x2480] =	vst @p0 v4;
	v4 =	vld @p0 [tilespmem:$0x2030]  }
0x5b: {  	[tilespmem:$0x2310] =	vst @p0 v5;
	v5 =	vld @p0 [tilespmem:$0x2130]  }
0x5c: {  	[tilespmem:$0x2490] =	vst @p0 v6;
	v6 =	vld @p0 [tilespmem:$0x2040]  }
0x5d: {  	[tilespmem:$0x2320] =	vst @p0 v7;
	v7 =	vld @p0 [tilespmem:$0x2140]  }
0x5e: {  	[tilespmem:$0x24A0] =	vst @p0 v3;
	v3 =	vld @p0 [tilespmem:$0x2050]  }
0x5f: {  	[tilespmem:$0x2330] =	vst @p0 v4;
	v4 =	vld @p0 [tilespmem:$0x2150]  }
0x60: {  	[tilespmem:$0x24B0] =	vst @p0 v5;
	v5 =	vld @p0 [tilespmem:$0x2060]  }
0x61: {  	[tilespmem:$0x2340] =	vst @p0 v6;
	v6 =	vld @p0 [tilespmem:$0x2160]  }
0x62: {  	[tilespmem:$0x24C0] =	vst @p0 v7;
	v7 =	vld @p0 [tilespmem:$0x2070]  }
0x63: {  	[tilespmem:$0x2350] =	vst @p0 v3;
	v3 =	vld @p0 [tilespmem:$0x2170]  }
0x64: {  	[tilespmem:$0x24D0] =	vst @p0 v4  }
0x65: {  	[tilespmem:$0x2360] =	vst @p0 v5  }
0x66: {  	[tilespmem:$0x24E0] =	vst @p0 v6  }
0x67: {  	s24 =	simm.s32 @p0 $0x2300;
	p1 =	slt.s32 @!p0 s23, $0x1;
	[tilespmem:$0x2370] =	vst @p0 v7  }
0x68: {  	s28 =	simm.s32 @p0 $0x8500;
	s7 =	simm.s32 @p0 $0x80;
	p2 =	por p1, p0;
	[tilespmem:$0x24F0] =	vst @p0 v3  }
0x69: {  	[tilespmem:s28], [sflag:$0x3] =	stream.indirect.gather @p0 [hbm4b:s9+s7], $0x60, s24, s7, $0xb8;
	[tilespmem:$0x1F480] =	vst v63  }
0x6a: {  	s7 =	simm.s32 @!p2 $0x1  }
0x6b: {  	_ =	swait.ge @!p2 [sflag:s7], $0x3000  }
0x6c: {  	s24 =	simm.s32 @!p2 $0x2380;
	[sflag:s7] =	ssyncset.done @!p2 $0x0  }
0x6d: {  	s28 =	simm.s32 @!p2 $0x2500;
	[sflag:s7] =	ssyncadd.s32 @!p2 $0xFFFFD000;
	s7 =	simm.s32 @!p2 $0x80  }
0x6e: {  	[spmem:s3] =	stream.indirect.scatter.add.f32 @!p2 [tilespmem:s28], [sflag:$0x4], $0x60, s24, s7, $0xb8;
	[tilespmem:$0x1F480] =	vst v63  }
0x6f: {  	p2 =	slt.u32 @!p2 s23, $0x3  }
0x70: {  	p1 =	por @!p0 p2, p1  }
0x71: {  	p1 =	por p1, p0  }
0x72: {  	s7 =	simm.s32 @!p1 $0x5  }
0x73: {  	_ =	swait.ge @!p1 [sflag:s7], $0x3000  }
0x74: {  	[sflag:s7] =	ssyncset.done @!p1 $0x0  }
0x75: {  	[sflag:s7] =	ssyncadd.s32 @!p1 $0xFFFFD000  }
0x76: {  	v3 =	vld @!p0 [tilespmem:$0x2000]  }
0x77: {  	v4 =	vld @!p0 [tilespmem:$0x2100]  }
0x78: {  	v5 =	vld @!p0 [tilespmem:$0x2010]  }
0x79: {  	v6 =	vld @!p0 [tilespmem:$0x2110]  }
0x7a: {  	v7 =	vld @!p0 [tilespmem:$0x2020]  }
0x7b: {  	[tilespmem:$0x2280] =	vst @!p0 v3;
	v3 =	vld @!p0 [tilespmem:$0x2120]  }
0x7c: {  	[tilespmem:$0x2400] =	vst @!p0 v4;
	v4 =	vld @!p0 [tilespmem:$0x2030]  }
0x7d: {  	[tilespmem:$0x2290] =	vst @!p0 v5;
	v5 =	vld @!p0 [tilespmem:$0x2130]  }
0x7e: {  	[tilespmem:$0x2410] =	vst @!p0 v6;
	v6 =	vld @!p0 [tilespmem:$0x2040]  }
0x7f: {  	[tilespmem:$0x22A0] =	vst @!p0 v7;
	v7 =	vld @!p0 [tilespmem:$0x2140]  }
0x80: {  	[tilespmem:$0x2420] =	vst @!p0 v3;
	v3 =	vld @!p0 [tilespmem:$0x2050]  }
0x81: {  	[tilespmem:$0x22B0] =	vst @!p0 v4;
	v4 =	vld @!p0 [tilespmem:$0x2150]  }
0x82: {  	[tilespmem:$0x2430] =	vst @!p0 v5;
	v5 =	vld @!p0 [tilespmem:$0x2060]  }
0x83: {  	[tilespmem:$0x22C0] =	vst @!p0 v6;
	v6 =	vld @!p0 [tilespmem:$0x2160]  }
0x84: {  	[tilespmem:$0x2440] =	vst @!p0 v7;
	v7 =	vld @!p0 [tilespmem:$0x2070]  }
0x85: {  	[tilespmem:$0x22D0] =	vst @!p0 v3;
	v3 =	vld @!p0 [tilespmem:$0x2170]  }
0x86: {  	[tilespmem:$0x2450] =	vst @!p0 v4  }
0x87: {  	[tilespmem:$0x22E0] =	vst @!p0 v5  }
0x88: {  	[tilespmem:$0x2460] =	vst @!p0 v6  }
0x89: {  	[tilespmem:$0x22F0] =	vst @!p0 v7  }
0x8a: {  	s24 =	simm.s32 @!p0 $0x2280;
	s28 =	simm.s32 @!p0 $0x5500;
	s7 =	simm.s32 @!p0 $0x80;
	[tilespmem:$0x2470] =	vst @!p0 v3  }
0x8b: {  	[tilespmem:s28], [sflag:$0x2] =	stream.indirect.gather @!p0 [hbm4b:s9+s7], $0x60, s24, s7, $0xb8;
	[tilespmem:$0x1F480] =	vst v63  }
.LBB2_25:
0x8c: {  	v3 =	vld [tilespmem:$0x2080]  }
0x8d: {  	v4 =	vld [tilespmem:$0x2180]  }
0x8e: {  	v5 =	vld [tilespmem:$0x2090]  }
0x8f: {  	v6 =	vld [tilespmem:$0x2190]  }
0x90: {  	v7 =	vld [tilespmem:$0x20A0]  }
0x91: {  	[tilespmem:$0x2000] =	vst v3;
	v3 =	vld [tilespmem:$0x21A0]  }
0x92: {  	v56 =	vld [tilespmem:$0x20B0];
	[tilespmem:$0x2100] =	vst v4  }
0x93: {  	v57 =	vld [tilespmem:$0x21B0];
	[tilespmem:$0x2010] =	vst v5  }
0x94: {  	v58 =	vld [tilespmem:$0x20C0];
	[tilespmem:$0x2110] =	vst v6  }
0x95: {  	v59 =	vld [tilespmem:$0x21C0];
	s7 =	sadd.s32 $0x3, s23;
	[tilespmem:$0x2020] =	vst v7  }
0x96: {  	s24 =	smulhi.u32 $0x55555556, s7;
	s28 =	sshra.s32 s7, $0x1F;
	[tilespmem:$0x2120] =	vst v3;
	v3 =	vld [tilespmem:$0x20D0]  }
0x97: {  	v60 =	vld [tilespmem:$0x21D0];
	s28 =	smul.u32 $0x55555556, s28;
	[tilespmem:$0x2030] =	vst v56  }
0x98: {  	v61 =	vld [tilespmem:$0x20E0];
	[tilespmem:$0x2130] =	vst v57  }
0x99: {  	v62 =	vld [tilespmem:$0x21E0];
	s24 =	sadd.s32 s28, s24;
	[tilespmem:$0x2040] =	vst v58  }
0x9a: {  	v63 =	vld [tilespmem:$0x20F0];
	[tilespmem:$0x2140] =	vst v59;
	s28 =	sshrl.u32 s24, $0x1F  }
0x9b: {  	s24 =	sadd.s32 s28, s24;
	[tilespmem:$0x2050] =	vst v3;
	v3 =	vld [tilespmem:$0x21F0]  }
0x9c: {  	[tilespmem:$0x2150] =	vst v60;
	s24 =	smul.u32 $0x3, s24  }
0x9d: {  	[tilespmem:$0x2060] =	vst v61  }
0x9e: {  	[tilespmem:$0x2160] =	vst v62;
	s7 =	ssub.s32 s7, s24  }
0x9f: {  	[tilespmem:$0x2070] =	vst v63;
	p1 =	seq.s32 s7, $0x1  }
0xa0: {  	s24 =	simm.s32 @p1 $0x2;
	[tilespmem:$0x2170] =	vst v3  }
0xa1: {  	s28 =	simm.s32 @p1 $0x2400;
	p2 =	sne.s32 @!p1 s7, $0x0;
	_ =	swait.ge @p1 [sflag:s24], $0x3000  }
0xa2: {  	s29 =	simm.s32 @p1 $0x5500;
	p4 =	por !p2, p1;
	[sflag:s24] =	ssyncset.done @p1 $0x0  }
0xa3: {  	s7 =	simm.s32 @!p4 $0x3;
	[sflag:s24] =	ssyncadd.s32 @p1 $0xFFFFD000;
	s24 =	simm.s32 @p1 $0x80  }
0xa4: {  	[spmem:s3] =	stream.indirect.scatter.add.f32 @p1 [tilespmem:s29], [sflag:$0x5], $0x60, s28, s24, $0xb8;
	[tilespmem:$0x1F480] =	vst v63  }
0xa5: {  	s24 =	sadd.s32 $0x1, s23;
	_ =	swait.ge @!p4 [sflag:s7], $0x3000  }
0xa6: {  	s28 =	simm.s32 @!p4 $0x2480;
	s29 =	simm.s32 @!p4 $0x8500;
	[sflag:s7] =	ssyncset.done @!p4 $0x0  }
0xa7: {  	p0 =	slt.s32 s24, $0x2;
	[sflag:s7] =	ssyncadd.s32 @!p4 $0xFFFFD000;
	s7 =	simm.s32 @!p4 $0x80  }
0xa8: {  	[spmem:s3] =	stream.indirect.scatter.add.f32 @!p4 [tilespmem:s29], [sflag:$0x6], $0x60, s28, s7, $0xb8;
	[tilespmem:$0x1F480] =	vst v63  }
0xa9: {  	s7 =	sadd.s32 @!p0 $0x2, s23  }
0xaa: {  	s23 =	smulhi.u32 @!p0 $0x55555556, s7;
	s28 =	sshra.s32 @!p0 s7, $0x1F  }
0xab: {  	p5 =	por p2, p1;
	s28 =	smul.u32 @!p0 $0x55555556, s28  }
0xac: {  	s29 =	simm.s32 @!p5 $0x1  }
0xad: {  	s30 =	simm.s32 @!p5 $0x2500;
	_ =	swait.ge @!p5 [sflag:s29], $0x3000;
	s23 =	sadd.s32 @!p0 s28, s23  }
0xae: {  	p3 =	seq.s32 @!p0 s24, $0x2;
	[sflag:s29] =	ssyncset.done @!p5 $0x0;
	s28 =	sshrl.u32 @!p0 s23, $0x1F  }
0xaf: {  	p2 =	por p3, p0;
	[sflag:s29] =	ssyncadd.s32 @!p5 $0xFFFFD000;
	s23 =	sadd.s32 @!p0 s28, s23  }
0xb0: {  	s29 =	simm.s32 @!p5 $0x2380;
	s28 =	simm.s32 @!p5 $0x80;
	s23 =	smul.u32 @!p0 $0x3, s23  }
0xb1: {  	[spmem:s3] =	stream.indirect.scatter.add.f32 @!p5 [tilespmem:s30], [sflag:$0x4], $0x60, s29, s28, $0xb8;
	[tilespmem:$0x1F480] =	vst v63  }
0xb2: {  	s31 =	smulhi.u32 @!p2 $0xAAAAAAAB, s24;
	s7 =	ssub.s32 @!p0 s7, s23  }
0xb3: {  	p5 =	seq.s32 @!p0 s7, $0x0  }
0xb4: {  	s28 =	simm.s32 @!p4 $0x6;
	s23 =	sshrl.u32 @!p2 s31, $0x1;
	p6 =	por p5, p0  }
0xb5: {  	s28 =	simm.s32 @p4 $0x4;
	s23 =	smul.u32 @!p2 $0x3, s23;
	p4 =	sne.s32 @!p6 s7, $0x1  }
0xb6: {  	p6 =	por @!p0 p4, p5;
	p4 =	por @!p0 !p4, p5  }
0xb7: {  	s7 =	ssub.s32 @!p2 s24, s23;
	s23 =	simm.s32 @!p4 $0x0  }
0xb8: {  	s23 =	simm.s32 @p4 $0x1  }
0xb9: {  	[smem:$0x7FD] =	sst s23  }
0xba: {  	s31 =	sld [smem:$0x7FD]  }
0xbb: {  	s28 =	simm.s32 @p1 $0x5;
	p1 =	seq.s32 @!p2 s7, $0x0  }
0xbc: {  	p5 =	por !p5, p0;
	p6 =	por p6, p0;
	p4 =	por @!p0 p1, p3  }
0xbd: {  	s23 =	simm.s32 @!p6 $0x5;
	p4 =	por p4, p0;
	p6 =	seq.s32 s31, $0x1  }
0xbe: {  	_ =	swait.ge [sflag:s28], $0x3000;
	p4 =	sne.s32 @!p4 s7, $0x1;
	p6 =	por !p6, p0  }
0xbf: {  	[sflag:s28] =	ssyncset.done $0x0;
	p4 =	por @!p2 !p4, p1;
	s23 =	simm.s32 @p6 $0x6  }
0xc0: {  	p1 =	por @!p0 !p1, p3;
	s23 =	simm.s32 @!p5 $0x4;
	p5 =	por @!p0 p4, p3  }
0xc1: {  	[sflag:s28] =	ssyncadd.s32 $0xFFFFD000;
	p4 =	por @!p0 !p4, p3;
	p5 =	por p5, p0  }
0xc2: {  	_ =	swait.ge @!p0 [sflag:s23], $0x3000;
	p4 =	por !p4, p0;
	s7 =	simm.s32 @!p5 $0x6  }
0xc3: {  	p1 =	por !p1, p0;
	[sflag:s23] =	ssyncset.done @!p0 $0x0;
	s7 =	simm.s32 @p4 $0x5  }
0xc4: {  	[sflag:s23] =	ssyncadd.s32 @!p0 $0xFFFFD000;
	s7 =	simm.s32 @p1 $0x4  }
0xc5: {  	_ =	swait.ge @!p2 [sflag:s7], $0x3000  }
0xc6: {  	s24 =	rddreg [dreg:$0x4]  }
0xc7: {  	s23 =	sadd.s32 s24, s20  }
0xc8: {  	s29 =	stileid.u32;
	[sflag:s7] =	ssyncset.done @!p2 $0x0;
	s28 =	smul.u32 $0xC, s23  }
0xc9: {  	s30 =	sshrl.u32 s11, $0x3;
	[sflag:s7] =	ssyncadd.s32 @!p2 $0xFFFFD000;
	s24 =	sshll.u32 s29, $0x6  }
0xca: {  	[bflag:$0x0] =	sbarrier.arrive $0xFFFF;
	s24 =	sor.u32 $0x1C09, s24;
	s7 =	sadd.s32 s10, s28  }
0xcb: {  	[hbm:s7], [sflag:s24] =	dma.local [spmem:s30], $0x600  }
0xcc: {  	s7 =	rddreg [dreg:$0x5]  }
0xcd: {  	s7 =	sadd.s32 s7, s20  }
0xce: {  	_ =	swait.ge [sflag:s1], $0x600;
	s7 =	smul.u32 $0xC, s7  }
0xcf: {  	[sflag:s1] =	ssyncset.done $0x0;
	s31 =	rddreg [dreg:$0x7]  }
0xd0: {  	[sflag:s1] =	ssyncadd.s32 $0xFFFFFA00;
	s28 =	sshrl.u32 s31, $0x3;
	s7 =	sadd.s32 s10, s7  }
0xd1: {  	[hbm:s7], [sflag:s24] =	dma.local [spmem:s28], $0x600  }
0xd2: {  	s7 =	rddreg [dreg:$0x9]  }
0xd3: {  	s7 =	sadd.s32 s7, s20  }
0xd4: {  	_ =	swait.ge [sflag:s1], $0x600;
	s7 =	smul.u32 $0xC, s7  }
0xd5: {  	[sflag:s1] =	ssyncset.done $0x0  }
0xd6: {  	s29 =	sshrl.u32 s16, $0x3;
	[sflag:s1] =	ssyncadd.s32 $0xFFFFFA00;
	s7 =	sadd.s32 s10, s7  }
0xd7: {  	[hbm:s7], [sflag:s24] =	dma.local [spmem:s29], $0x600  }
0xd8: {  	s7 =	rddreg [dreg:$0xb]  }
0xd9: {  	s7 =	sadd.s32 s7, s20  }
0xda: {  	_ =	swait.ge [sflag:s1], $0x600;
	s7 =	smul.u32 $0xC, s7  }
0xdb: {  	[sflag:s1] =	ssyncset.done $0x0  }
0xdc: {  	s30 =	sshrl.u32 s19, $0x3;
	[sflag:s1] =	ssyncadd.s32 $0xFFFFFA00;
	s7 =	sadd.s32 s10, s7  }
0xdd: {  	[hbm:s7], [sflag:s24] =	dma.local [spmem:s30], $0x600  }
0xde: {  	s7 =	rddreg [dreg:$0x10]  }
0xdf: {  	s7 =	sadd.s32 s7, s20  }
0xe0: {  	_ =	swait.ge [sflag:s1], $0x600;
	s7 =	smul.u32 $0xC, s7  }
0xe1: {  	[sflag:s1] =	ssyncset.done $0x0  }
0xe2: {  	s31 =	sshrl.u32 s21, $0x3;
	[sflag:s1] =	ssyncadd.s32 $0xFFFFFA00;
	s7 =	sadd.s32 s10, s7  }
0xe3: {  	[hbm:s7], [sflag:s24] =	dma.local [spmem:s31], $0x600  }
0xe4: {  	_ =	swait.ge [sflag:s1], $0x600  }
0xe5: {  	s28 =	rddreg [dreg:$0x12]  }
0xe6: {  	s7 =	sadd.s32 s28, s20  }
0xe7: {  	s7 =	smul.u32 $0xC, s7  }
0xe8: {  	s23 =	smul.u32 $0x60, s23;
	[sflag:s1] =	ssyncset.done $0x0  }
0xe9: {  	s29 =	sshrl.u32 s22, $0x3;
	[sflag:s1] =	ssyncadd.s32 $0xFFFFFA00;
	s7 =	sadd.s32 s10, s7  }
0xea: {  	[hbm:s7], [sflag:s24] =	dma.local [spmem:s29], $0x600  }
0xeb: {  	s30 =	sshrl.u32 s23, $0x3;
	_ =	swait.ge [sflag:s1], $0x600  }
0xec: {  	s7 =	sadd.s32 s10, s30;
	[sflag:s1] =	ssyncset.done $0x0  }
0xed: {  	s31 =	sshrl.u32 s0, $0x3;
	s7 =	sadd.s32 $0x2400, s7;
	[sflag:s1] =	ssyncadd.s32 $0xFFFFFA00  }
0xee: {  	[hbm:s7], [sflag:s24] =	dma.local [spmem:s31], $0xC0  }
0xef: {  	_ =	swait.ge [sflag:s1], $0xC0  }
0xf0: {  	[sflag:s1] =	ssyncset.done $0x0  }
0xf1: {  	[sflag:s1] =	ssyncadd.s32 $0xFFFFFF40  }
0xf2: {  	[bflag:$0x0] =	sbarrier.arrive $0xFFFF  }
.LBB2_26:
0xf3: {  	s18 =	sadd.s32 $0x1, s18  }
0xf4: {  	p0 =	sne.s32 s18, $0x8  }
.Ltmp5:
0xf5: {  	_ = 	snop;
	(pc) =	sbr.rel @!p0 .LBB2_27-.Ltmp5, $1  }
0xf6: {  	_ =	sdelay $0x3  }
.LBB2_4:
0xf7: {  	s20 =	sand.u32 $0x1, s18  }
0xf8: {  	p0 =	sne.s32 s20, s13  }
.Ltmp6:
0xf9: {  	_ = 	snop;
	(pc) =	sbr.rel @p0 .LBB2_26-.Ltmp6, $1  }
0xfa: {  	_ =	sdelay $0x3  }
0xfb: {  	[spmem:s11] =	stream.linear.scatter [tilespmem:s25], [sflag:$0x9], $0x1800, $0x38;
	[tilespmem:$0x1F480] =	vst v63  }
0xfc: {  	_ =	swait.ge [sflag:s1], $0x1800  }
0xfd: {  	[sflag:s1] =	ssyncset.done $0x0  }
0xfe: {  	s7 =	rddreg [dreg:$0x6];
	[sflag:s1] =	ssyncadd.s32 $0xFFFFE800  }
0xff: {  	[spmem:s7] =	stream.linear.scatter [tilespmem:s25], [sflag:$0x9], $0x1800, $0x38;
	[tilespmem:$0x1F480] =	vst v63  }
0x100: {  	_ =	swait.ge [sflag:s1], $0x1800  }
0x101: {  	[sflag:s1] =	ssyncset.done $0x0  }
0x102: {  	s30 =	rddreg [dreg:$0x7];
	[sflag:s1] =	ssyncadd.s32 $0xFFFFE800  }
0x103: {  	[spmem:s30] =	stream.linear.scatter [tilespmem:s25], [sflag:$0x9], $0x1800, $0x38;
	[tilespmem:$0x1F480] =	vst v63  }
0x104: {  	_ =	swait.ge [sflag:s1], $0x1800  }
0x105: {  	[sflag:s1] =	ssyncset.done $0x0  }
0x106: {  	s31 =	rddreg [dreg:$0x8];
	[sflag:s1] =	ssyncadd.s32 $0xFFFFE800  }
0x107: {  	[spmem:s31] =	stream.linear.scatter [tilespmem:s25], [sflag:$0x9], $0x1800, $0x38;
	[tilespmem:$0x1F480] =	vst v63  }
0x108: {  	_ =	swait.ge [sflag:s1], $0x1800  }
0x109: {  	[sflag:s1] =	ssyncset.done $0x0  }
0x10a: {  	[sflag:s1] =	ssyncadd.s32 $0xFFFFE800  }
0x10b: {  	[spmem:s16] =	stream.linear.scatter [tilespmem:s25], [sflag:$0x9], $0x1800, $0x38;
	[tilespmem:$0x1F480] =	vst v63  }
0x10c: {  	_ =	swait.ge [sflag:s1], $0x1800  }
0x10d: {  	[sflag:s1] =	ssyncset.done $0x0  }
0x10e: {  	s20 =	rddreg [dreg:$0xa];
	[sflag:s1] =	ssyncadd.s32 $0xFFFFE800  }
0x10f: {  	[spmem:s20] =	stream.linear.scatter [tilespmem:s25], [sflag:$0x9], $0x1800, $0x38;
	[tilespmem:$0x1F480] =	vst v63  }
0x110: {  	_ =	swait.ge [sflag:s1], $0x1800  }
0x111: {  	[sflag:s1] =	ssyncset.done $0x0  }
0x112: {  	[sflag:s1] =	ssyncadd.s32 $0xFFFFE800  }
0x113: {  	[spmem:s19] =	stream.linear.scatter [tilespmem:s25], [sflag:$0x9], $0x1800, $0x38;
	[tilespmem:$0x1F480] =	vst v63  }
0x114: {  	_ =	swait.ge [sflag:s1], $0x1800  }
0x115: {  	[sflag:s1] =	ssyncset.done $0x0  }
0x116: {  	s23 =	rddreg [dreg:$0xc];
	[sflag:s1] =	ssyncadd.s32 $0xFFFFE800  }
0x117: {  	[spmem:s23] =	stream.linear.scatter [tilespmem:s25], [sflag:$0x9], $0x1800, $0x38;
	[tilespmem:$0x1F480] =	vst v63  }
0x118: {  	_ =	swait.ge [sflag:s1], $0x1800  }
0x119: {  	[sflag:s1] =	ssyncset.done $0x0  }
0x11a: {  	[sflag:s1] =	ssyncadd.s32 $0xFFFFE800  }
0x11b: {  	[spmem:s21] =	stream.linear.scatter [tilespmem:s25], [sflag:$0x9], $0x1800, $0x38;
	[tilespmem:$0x1F480] =	vst v63  }
0x11c: {  	_ =	swait.ge [sflag:s1], $0x1800  }
0x11d: {  	[sflag:s1] =	ssyncset.done $0x0  }
0x11e: {  	s24 =	rddreg [dreg:$0x11];
	[sflag:s1] =	ssyncadd.s32 $0xFFFFE800  }
0x11f: {  	[spmem:s24] =	stream.linear.scatter [tilespmem:s25], [sflag:$0x9], $0x1800, $0x38;
	[tilespmem:$0x1F480] =	vst v63  }
0x120: {  	_ =	swait.ge [sflag:s1], $0x1800  }
0x121: {  	[sflag:s1] =	ssyncset.done $0x0  }
0x122: {  	[sflag:s1] =	ssyncadd.s32 $0xFFFFE800  }
0x123: {  	[spmem:s22] =	stream.linear.scatter [tilespmem:s25], [sflag:$0x9], $0x1800, $0x38;
	[tilespmem:$0x1F480] =	vst v63  }
0x124: {  	_ =	swait.ge [sflag:s1], $0x1800  }
0x125: {  	[sflag:s1] =	ssyncset.done $0x0  }
0x126: {  	s29 =	rddreg [dreg:$0x13];
	[sflag:s1] =	ssyncadd.s32 $0xFFFFE800  }
0x127: {  	[spmem:s29] =	stream.linear.scatter [tilespmem:s25], [sflag:$0x9], $0x1800, $0x38;
	[tilespmem:$0x1F480] =	vst v63  }
0x128: {  	_ =	swait.ge [sflag:s1], $0x1800  }
0x129: {  	[sflag:s1] =	ssyncset.done $0x0  }
0x12a: {  	[sflag:s1] =	ssyncadd.s32 $0xFFFFE800  }
0x12b: {  	[spmem:s0] =	stream.linear.scatter [tilespmem:s25], [sflag:$0x9], $0x600, $0x38;
	[tilespmem:$0x1F480] =	vst v63  }
0x12c: {  	_ =	swait.ge [sflag:s1], $0x600  }
0x12d: {  	[sflag:s1] =	ssyncset.done $0x0  }
0x12e: {  	s20 =	smul.u32 $0x3100, s18;
	[sflag:s1] =	ssyncadd.s32 $0xFFFFFA00  }
.Ltmp7:
0x12f: {  	[bflag:$0x0] =	sbarrier.arrive $0xFFFF;
	(pc) =	sbr.rel .LBB2_6-.Ltmp7, $4  }
0x130: {  	s23 =	simm.s32 $0x0;
	s24 =	sadd.s32 $0x3100, s20;
	s30 =	rddreg [dreg:$0xd]  }
0x131: {  	[tilespmem:s23], [sflag:$0x7] =	stream.linear.gather [hbm4b:s30+s23], $0x800, $0x38;
	[tilespmem:$0x1F480] =	vst v63  }
0x132: {  	s28 =	simm.s32 $0x0;
	v4 =	vmov s24;
	s24 =	simm.s32 $0x0;
	s31 =	rddreg [dreg:$0xe]  }
0x133: {  	v3 =	vmov s20;
	[tilespmem:s8], [sflag:$0x7] =	stream.linear.gather [hbm4b:s31+s23], $0x800, $0x38;
	[tilespmem:$0x1F480] =	vst v63  }
.LBB2_21:
0x134: {  	s24 =	sadd.s32 $0x1, s24  }
0x135: {  	p0 =	sne.s32 s24, $0x31  }
.Ltmp8:
0x136: {  	_ = 	snop;
	(pc) =	sbr.rel @!p0 .LBB2_22-.Ltmp8, $1  }
0x137: {  	_ =	sdelay $0x3  }
.LBB2_6:
0x138: {  	s29 =	sand.u32 $0x1, s24  }
0x139: {  	p0 =	seq.s32 s29, $0x1  }
.Ltmp9:
0x13a: {  	_ = 	snop;
	(pc) =	sbr.rel @p0 .LBB2_14-.Ltmp9, $1  }
0x13b: {  	_ =	sdelay $0x3  }
0x13c: {  	_ =	swait.ge [sflag:s5], $0x800;
	s29 =	sor.u32 $0x1, s24  }
0x13d: {  	[sflag:s5] =	ssyncset.done $0x0;
	p0 =	sgt.u32 s29, $0x30  }
0x13e: {  	[sflag:s5] =	ssyncadd.s32 $0xFFFFF800;
	s29 =	sshll.u32 @!p0 s29, $0xB  }
0x13f: {  	s31 =	simm.s32 @!p0 $0x0;
	_ =	swait.ge [sflag:s5], $0x800;
	s29 =	sadd.s32 @!p0 s26, s29  }
0x140: {  	s7 =	simm.s32 @!p0 $0x800;
	[sflag:s5] =	ssyncset.done $0x0;
	s29 =	sshrl.u32 @!p0 s29, $0x3  }
.Ltmp10:
0x141: {  	[sflag:s5] =	ssyncadd.s32 $0xFFFFF800;
	s30 =	sadd.s32 @!p0 s6, s29;
	(pc) =	sbr.rel .LBB2_8-.Ltmp10, $4  }
0x142: {  	[tilespmem:s7], [sflag:$0x8] =	stream.linear.gather @!p0 [hbm4b:s30+s31], $0x800, $0x38;
	[tilespmem:$0x1F480] =	vst v63  }
0x143: {  	s7 =	sadd.s32 @!p0 s2, s29;
	s29 =	simm.s32 @!p0 $0x1800  }
0x144: {  	[tilespmem:s29], [sflag:$0x8] =	stream.linear.gather @!p0 [hbm4b:s7+s31], $0x800, $0x38;
	[tilespmem:$0x1F480] =	vst v63  }
0x145: {  	s29 =	simm.s32 $0x0  }
.LBB2_11:
0x146: {  	p0 =	slt.s32 s30, $0x0;
	s7 =	sadd.s32 $0x3, s30  }
0x147: {  	s30 =	smov.u32 @p0 s7  }
0x148: {  	p0 =	sne.s32 s30, $0x1  }
0x149: {  	p1 =	slt.s32 @p0 s23, $0x1  }
0x14a: {  	p2 =	por p1, !p0  }
0x14b: {  	s7 =	simm.s32 @!p2 $0x2  }
0x14c: {  	_ =	swait.ge @!p2 [sflag:s7], $0x3000  }
0x14d: {  	s30 =	simm.s32 @!p2 $0x2400;
	[sflag:s7] =	ssyncset.done @!p2 $0x0  }
0x14e: {  	s31 =	simm.s32 @!p2 $0x5500;
	[sflag:s7] =	ssyncadd.s32 @!p2 $0xFFFFD000;
	s7 =	simm.s32 @!p2 $0x80  }
0x14f: {  	[spmem:s3] =	stream.indirect.scatter.add.f32 @!p2 [tilespmem:s31], [sflag:$0x5], $0x60, s30, s7, $0xb8;
	[tilespmem:$0x1F480] =	vst v63  }
0x150: {  	p2 =	slt.u32 @!p2 s23, $0x3  }
0x151: {  	p1 =	por @p0 p2, p1  }
0x152: {  	p1 =	por p1, !p0  }
0x153: {  	s7 =	simm.s32 @!p1 $0x6  }
0x154: {  	_ =	swait.ge @!p1 [sflag:s7], $0x3000  }
0x155: {  	[sflag:s7] =	ssyncset.done @!p1 $0x0  }
0x156: {  	[sflag:s7] =	ssyncadd.s32 @!p1 $0xFFFFD000  }
0x157: {  	v5 =	vld @p0 [tilespmem:$0x2000]  }
0x158: {  	v6 =	vld @p0 [tilespmem:$0x2100]  }
0x159: {  	v7 =	vld @p0 [tilespmem:$0x2010]  }
0x15a: {  	v8 =	vld @p0 [tilespmem:$0x2110]  }
0x15b: {  	v9 =	vld @p0 [tilespmem:$0x2020]  }
0x15c: {  	[tilespmem:$0x2300] =	vst @p0 v5;
	v5 =	vld @p0 [tilespmem:$0x2120]  }
0x15d: {  	[tilespmem:$0x2480] =	vst @p0 v6;
	v6 =	vld @p0 [tilespmem:$0x2030]  }
0x15e: {  	[tilespmem:$0x2310] =	vst @p0 v7;
	v7 =	vld @p0 [tilespmem:$0x2130]  }
0x15f: {  	[tilespmem:$0x2490] =	vst @p0 v8;
	v8 =	vld @p0 [tilespmem:$0x2040]  }
0x160: {  	[tilespmem:$0x2320] =	vst @p0 v9;
	v9 =	vld @p0 [tilespmem:$0x2140]  }
0x161: {  	[tilespmem:$0x24A0] =	vst @p0 v5;
	v5 =	vld @p0 [tilespmem:$0x2050]  }
0x162: {  	[tilespmem:$0x2330] =	vst @p0 v6;
	v6 =	vld @p0 [tilespmem:$0x2150]  }
0x163: {  	[tilespmem:$0x24B0] =	vst @p0 v7;
	v7 =	vld @p0 [tilespmem:$0x2060]  }
0x164: {  	[tilespmem:$0x2340] =	vst @p0 v8;
	v8 =	vld @p0 [tilespmem:$0x2160]  }
0x165: {  	[tilespmem:$0x24C0] =	vst @p0 v9;
	v9 =	vld @p0 [tilespmem:$0x2070]  }
0x166: {  	[tilespmem:$0x2350] =	vst @p0 v5;
	v5 =	vld @p0 [tilespmem:$0x2170]  }
0x167: {  	[tilespmem:$0x24D0] =	vst @p0 v6  }
0x168: {  	[tilespmem:$0x2360] =	vst @p0 v7  }
0x169: {  	[tilespmem:$0x24E0] =	vst @p0 v8  }
0x16a: {  	s30 =	simm.s32 @p0 $0x2300;
	p1 =	slt.s32 @!p0 s23, $0x1;
	[tilespmem:$0x2370] =	vst @p0 v9  }
0x16b: {  	s31 =	simm.s32 @p0 $0x8500;
	s7 =	simm.s32 @p0 $0x80;
	p2 =	por p1, p0;
	[tilespmem:$0x24F0] =	vst @p0 v5  }
0x16c: {  	[tilespmem:s31], [sflag:$0x3] =	stream.indirect.gather @p0 [hbm4b:s9+s7], $0x60, s30, s7, $0xb8;
	[tilespmem:$0x1F480] =	vst v63  }
0x16d: {  	s7 =	simm.s32 @!p2 $0x1  }
0x16e: {  	_ =	swait.ge @!p2 [sflag:s7], $0x3000  }
0x16f: {  	s30 =	simm.s32 @!p2 $0x2380;
	[sflag:s7] =	ssyncset.done @!p2 $0x0  }
0x170: {  	s31 =	simm.s32 @!p2 $0x2500;
	[sflag:s7] =	ssyncadd.s32 @!p2 $0xFFFFD000;
	s7 =	simm.s32 @!p2 $0x80  }
0x171: {  	[spmem:s3] =	stream.indirect.scatter.add.f32 @!p2 [tilespmem:s31], [sflag:$0x4], $0x60, s30, s7, $0xb8;
	[tilespmem:$0x1F480] =	vst v63  }
0x172: {  	p2 =	slt.u32 @!p2 s23, $0x3  }
0x173: {  	p1 =	por @!p0 p2, p1  }
0x174: {  	p1 =	por p1, p0  }
0x175: {  	s7 =	simm.s32 @!p1 $0x5  }
0x176: {  	_ =	swait.ge @!p1 [sflag:s7], $0x3000  }
0x177: {  	[sflag:s7] =	ssyncset.done @!p1 $0x0  }
0x178: {  	[sflag:s7] =	ssyncadd.s32 @!p1 $0xFFFFD000  }
0x179: {  	v5 =	vld @!p0 [tilespmem:$0x2000]  }
0x17a: {  	v6 =	vld @!p0 [tilespmem:$0x2100]  }
0x17b: {  	v7 =	vld @!p0 [tilespmem:$0x2010]  }
0x17c: {  	v8 =	vld @!p0 [tilespmem:$0x2110]  }
0x17d: {  	v9 =	vld @!p0 [tilespmem:$0x2020]  }
0x17e: {  	[tilespmem:$0x2280] =	vst @!p0 v5;
	v5 =	vld @!p0 [tilespmem:$0x2120]  }
0x17f: {  	[tilespmem:$0x2400] =	vst @!p0 v6;
	v6 =	vld @!p0 [tilespmem:$0x2030]  }
0x180: {  	[tilespmem:$0x2290] =	vst @!p0 v7;
	v7 =	vld @!p0 [tilespmem:$0x2130]  }
0x181: {  	[tilespmem:$0x2410] =	vst @!p0 v8;
	v8 =	vld @!p0 [tilespmem:$0x2040]  }
0x182: {  	[tilespmem:$0x22A0] =	vst @!p0 v9;
	v9 =	vld @!p0 [tilespmem:$0x2140]  }
0x183: {  	[tilespmem:$0x2420] =	vst @!p0 v5;
	v5 =	vld @!p0 [tilespmem:$0x2050]  }
0x184: {  	[tilespmem:$0x22B0] =	vst @!p0 v6;
	v6 =	vld @!p0 [tilespmem:$0x2150]  }
0x185: {  	[tilespmem:$0x2430] =	vst @!p0 v7;
	v7 =	vld @!p0 [tilespmem:$0x2060]  }
0x186: {  	[tilespmem:$0x22C0] =	vst @!p0 v8;
	v8 =	vld @!p0 [tilespmem:$0x2160]  }
0x187: {  	[tilespmem:$0x2440] =	vst @!p0 v9;
	v9 =	vld @!p0 [tilespmem:$0x2070]  }
0x188: {  	[tilespmem:$0x22D0] =	vst @!p0 v5;
	v5 =	vld @!p0 [tilespmem:$0x2170]  }
0x189: {  	[tilespmem:$0x2450] =	vst @!p0 v6  }
0x18a: {  	[tilespmem:$0x22E0] =	vst @!p0 v7  }
0x18b: {  	[tilespmem:$0x2460] =	vst @!p0 v8  }
0x18c: {  	[tilespmem:$0x22F0] =	vst @!p0 v9  }
0x18d: {  	s30 =	simm.s32 @!p0 $0x2280;
	s31 =	simm.s32 @!p0 $0x5500;
	s7 =	simm.s32 @!p0 $0x80;
	[tilespmem:$0x2470] =	vst @!p0 v5  }
0x18e: {  	[tilespmem:s31], [sflag:$0x2] =	stream.indirect.gather @!p0 [hbm4b:s9+s7], $0x60, s30, s7, $0xb8;
	[tilespmem:$0x1F480] =	vst v63  }
.LBB2_12:
0x18f: {  	v5 =	vld [tilespmem:$0x2080]  }
0x190: {  	v6 =	vld [tilespmem:$0x2180]  }
0x191: {  	v7 =	vld [tilespmem:$0x2090]  }
0x192: {  	v8 =	vld [tilespmem:$0x2190]  }
0x193: {  	v9 =	vld [tilespmem:$0x20A0]  }
0x194: {  	[tilespmem:$0x2000] =	vst v5;
	v5 =	vld [tilespmem:$0x21A0]  }
0x195: {  	v60 =	vld [tilespmem:$0x20C0];
	[tilespmem:$0x2100] =	vst v6  }
0x196: {  	v61 =	vld [tilespmem:$0x21C0];
	[tilespmem:$0x2010] =	vst v7  }
0x197: {  	v6 =	vld [tilespmem:$0x20B0];
	[tilespmem:$0x2110] =	vst v8  }
0x198: {  	v7 =	vld [tilespmem:$0x21B0];
	[tilespmem:$0x2020] =	vst v9  }
0x199: {  	[tilespmem:$0x2120] =	vst v5;
	v5 =	vld [tilespmem:$0x20D0]  }
0x19a: {  	v62 =	vld [tilespmem:$0x21E0];
	[tilespmem:$0x2040] =	vst v60  }
0x19b: {  	v63 =	vld [tilespmem:$0x20F0];
	[tilespmem:$0x2140] =	vst v61  }
0x19c: {  	[tilespmem:$0x2030] =	vst v6;
	v6 =	vld [tilespmem:$0x21D0]  }
0x19d: {  	[tilespmem:$0x2130] =	vst v7;
	v7 =	vld [tilespmem:$0x20E0]  }
0x19e: {  	[tilespmem:$0x2050] =	vst v5;
	v5 =	vld [tilespmem:$0x21F0]  }
0x19f: {  	[tilespmem:$0x2160] =	vst v62  }
0x1a0: {  	[tilespmem:$0x2070] =	vst v63  }
0x1a1: {  	[tilespmem:$0x2150] =	vst v6  }
0x1a2: {  	[tilespmem:$0x2060] =	vst v7  }
0x1a3: {  	s28 =	sadd.s32 $0xFFFFFF80, s28;
	s23 =	sadd.s32 $0x1, s23;
	[tilespmem:$0x2170] =	vst v5  }
.LBB2_13:
0x1a4: {  	s29 =	sadd.s32 $0x200, s29  }
0x1a5: {  	p0 =	seq.s32 s29, $0x2000  }
.Ltmp11:
0x1a6: {  	_ = 	snop;
	(pc) =	sbr.rel @p0 .LBB2_21-.Ltmp11, $1  }
0x1a7: {  	_ =	sdelay $0x3  }
.LBB2_8:
0x1a8: {  	s30 =	sshra.s32 s29, $0x2  }
0x1a9: {  	v5 =	vld [tilespmem:s30+$0x1000];
	_ =	sdelay $0x1  }
0x1aa: {  	v6 =	vld [tilespmem:s30+$0x0];
	_ =	sdelay $0x2  }
0x1ab: {  	vm0 =	vge.s32 v5, v3;
	vm1 =	vlt.s32 v5, v4  }
0x1ac: {  	vm0 =	vmand vm0, vm1  }
0x1ad: {  	v5 =	vsub.s32 v5, v3;
	[tilespmem:s28+$0x2000] =	vst.msk vm0, v6;
	v6 =	vmpcnt.ones.xlane vm0  }
0x1ae: {  	[tilespmem:s28+$0x2100] =	vst.msk vm0, v5  }
0x1af: {  	(v2sf) =	vpush v6, $0x0;
	v5 =	vld [tilespmem:s30+$0x1010];
	_ =	sdelay $0x4  }
0x1b0: {  	vm14 =	vge.s32 v5, v3;
	vm15 =	vlt.s32 v5, v4  }
0x1b1: {  	vm0 =	vmand vm14, vm15  }
0x1b2: {  	v6 =	vmpcnt.ones.xlane vm0;
	_ =	sdelay $0x1  }
0x1b3: {  	(v2sf) =	vpush v6, $0x0;
	_ =	sdelay $0x2  }
0x1b4: {  	v6 =	vld [tilespmem:s30+$0x10];
	_ =	sdelay $0x2  }
0x1b5: {  	s7 =	spop (v2sf)  }
0x1b6: {  	s7 =	sadd.s32 s28, s7  }
0x1b7: {  	v5 =	vsub.s32 v5, v3;
	[tilespmem:s7+$0x2000] =	vst.msk vm0, v6  }
0x1b8: {  	[tilespmem:s7+$0x2100] =	vst.msk vm0, v5  }
0x1b9: {  	v5 =	vld [tilespmem:s30+$0x1020];
	_ =	sdelay $0x1  }
0x1ba: {  	v6 =	vld [tilespmem:s30+$0x20];
	_ =	sdelay $0x2  }
0x1bb: {  	s28 =	spop (v2sf);
	vm4 =	vge.s32 v5, v3;
	vm5 =	vlt.s32 v5, v4  }
0x1bc: {  	s7 =	sadd.s32 s7, s28;
	vm0 =	vmand vm4, vm5  }
0x1bd: {  	v5 =	vsub.s32 v5, v3;
	[tilespmem:s7+$0x2000] =	vst.msk vm0, v6;
	v6 =	vmpcnt.ones.xlane vm0  }
0x1be: {  	[tilespmem:s7+$0x2100] =	vst.msk vm0, v5  }
0x1bf: {  	(v2sf) =	vpush v6, $0x0;
	v5 =	vld [tilespmem:s30+$0x1030];
	_ =	sdelay $0x4  }
0x1c0: {  	vm6 =	vge.s32 v5, v3;
	vm7 =	vlt.s32 v5, v4  }
0x1c1: {  	vm0 =	vmand vm6, vm7  }
0x1c2: {  	v6 =	vmpcnt.ones.xlane vm0;
	_ =	sdelay $0x1  }
0x1c3: {  	(v2sf) =	vpush v6, $0x0;
	_ =	sdelay $0x2  }
0x1c4: {  	v6 =	vld [tilespmem:s30+$0x30];
	_ =	sdelay $0x2  }
0x1c5: {  	s28 =	spop (v2sf)  }
0x1c6: {  	s7 =	sadd.s32 s7, s28  }
0x1c7: {  	v5 =	vsub.s32 v5, v3;
	[tilespmem:s7+$0x2000] =	vst.msk vm0, v6  }
0x1c8: {  	[tilespmem:s7+$0x2100] =	vst.msk vm0, v5  }
0x1c9: {  	v5 =	vld [tilespmem:s30+$0x1040];
	_ =	sdelay $0x1  }
0x1ca: {  	v6 =	vld [tilespmem:s30+$0x40];
	_ =	sdelay $0x2  }
0x1cb: {  	s28 =	spop (v2sf);
	vm8 =	vge.s32 v5, v3;
	vm9 =	vlt.s32 v5, v4  }
0x1cc: {  	s7 =	sadd.s32 s7, s28;
	vm0 =	vmand vm8, vm9  }
0x1cd: {  	v5 =	vsub.s32 v5, v3;
	[tilespmem:s7+$0x2000] =	vst.msk vm0, v6;
	v6 =	vmpcnt.ones.xlane vm0  }
0x1ce: {  	[tilespmem:s7+$0x2100] =	vst.msk vm0, v5  }
0x1cf: {  	(v2sf) =	vpush v6, $0x0;
	v5 =	vld [tilespmem:s30+$0x1050];
	_ =	sdelay $0x4  }
0x1d0: {  	vm10 =	vge.s32 v5, v3;
	vm11 =	vlt.s32 v5, v4  }
0x1d1: {  	vm0 =	vmand vm10, vm11  }
0x1d2: {  	v6 =	vmpcnt.ones.xlane vm0;
	_ =	sdelay $0x1  }
0x1d3: {  	(v2sf) =	vpush v6, $0x0;
	_ =	sdelay $0x2  }
0x1d4: {  	v6 =	vld [tilespmem:s30+$0x50];
	_ =	sdelay $0x2  }
0x1d5: {  	s28 =	spop (v2sf)  }
0x1d6: {  	s7 =	sadd.s32 s7, s28  }
0x1d7: {  	v5 =	vsub.s32 v5, v3;
	[tilespmem:s7+$0x2000] =	vst.msk vm0, v6  }
0x1d8: {  	[tilespmem:s7+$0x2100] =	vst.msk vm0, v5  }
0x1d9: {  	v5 =	vld [tilespmem:s30+$0x1060];
	_ =	sdelay $0x1  }
0x1da: {  	v6 =	vld [tilespmem:s30+$0x60];
	_ =	sdelay $0x2  }
0x1db: {  	s28 =	spop (v2sf);
	vm12 =	vge.s32 v5, v3;
	vm13 =	vlt.s32 v5, v4  }
0x1dc: {  	s7 =	sadd.s32 s7, s28;
	vm0 =	vmand vm12, vm13  }
0x1dd: {  	v5 =	vsub.s32 v5, v3;
	[tilespmem:s7+$0x2000] =	vst.msk vm0, v6  }
0x1de: {  	[tilespmem:s7+$0x2100] =	vst.msk vm0, v5  }
0x1df: {  	v5 =	vld [tilespmem:s30+$0x1070];
	_ =	sdelay $0x4  }
0x1e0: {  	vm14 =	vge.s32 v5, v3;
	vm2 =	vlt.s32 v5, v4  }
0x1e1: {  	v6 =	vmpcnt.ones.xlane vm0;
	vm15 =	vmand vm14, vm2  }
0x1e2: {  	v7 =	vmpcnt.ones.xlane vm15  }
0x1e3: {  	(v2sf) =	vpush v6, $0x0  }
0x1e4: {  	(v2sf) =	vpush v7, $0x0;
	_ =	sdelay $0xd  }
0x1e5: {  	s28 =	spop (v2sf)  }
0x1e6: {  	s7 =	sadd.s32 s7, s28;
	s28 =	spop (v2sf)  }
0x1e7: {  	v6 =	vld [tilespmem:s30+$0x70];
	s28 =	sadd.s32 s7, s28  }
0x1e8: {  	p0 =	slt.s32 s28, $0x80  }
.Ltmp12:
0x1e9: {  	_ = 	snop;
	(pc) =	sbr.rel @p0 .LBB2_13-.Ltmp12, $3  }
0x1ea: {  	_ =	sdelay $0x1  }
0x1eb: {  	v5 =	vsub.s32 v5, v3;
	[tilespmem:s7+$0x2000] =	vst.msk vm15, v6  }
0x1ec: {  	[tilespmem:s7+$0x2100] =	vst.msk vm15, v5  }
0x1ed: {  	s7 =	smulhi.u32 $0x55555556, s23;
	s30 =	sshra.s32 s23, $0x1F  }
0x1ee: {  	s30 =	smul.u32 $0x55555556, s30;
	_ =	sdelay $0x1  }
0x1ef: {  	s7 =	sadd.s32 s30, s7  }
0x1f0: {  	s30 =	sshrl.u32 s7, $0x1F  }
0x1f1: {  	s7 =	sadd.s32 s30, s7  }
0x1f2: {  	s7 =	smul.u32 $0x3, s7;
	_ =	sdelay $0x1  }
0x1f3: {  	s30 =	ssub.s32 s23, s7  }
0x1f4: {  	p0 =	sne.s32 s30, $0x0  }
.Ltmp13:
0x1f5: {  	_ = 	snop;
	(pc) =	sbr.rel @p0 .LBB2_11-.Ltmp13, $1  }
0x1f6: {  	_ =	sdelay $0x3  }
0x1f7: {  	p0 =	slt.s32 s23, $0x1  }
0x1f8: {  	s7 =	simm.s32 @!p0 $0x3  }
0x1f9: {  	_ =	swait.ge @!p0 [sflag:s7], $0x3000  }
0x1fa: {  	s30 =	simm.s32 @!p0 $0x2480;
	s31 =	simm.s32 @!p0 $0x8500;
	[sflag:s7] =	ssyncset.done @!p0 $0x0  }
0x1fb: {  	p1 =	slt.u32 @!p0 s23, $0x3;
	[sflag:s7] =	ssyncadd.s32 @!p0 $0xFFFFD000;
	s7 =	simm.s32 @!p0 $0x80  }
0x1fc: {  	[spmem:s3] =	stream.indirect.scatter.add.f32 @!p0 [tilespmem:s31], [sflag:$0x6], $0x60, s30, s7, $0xb8;
	[tilespmem:$0x1F480] =	vst v63  }
0x1fd: {  	p0 =	por p1, p0  }
0x1fe: {  	s7 =	simm.s32 @!p0 $0x4  }
0x1ff: {  	_ =	swait.ge @!p0 [sflag:s7], $0x3000  }
0x200: {  	[sflag:s7] =	ssyncset.done @!p0 $0x0  }
0x201: {  	[sflag:s7] =	ssyncadd.s32 @!p0 $0xFFFFD000  }
0x202: {  	v5 =	vld [tilespmem:$0x2000]  }
0x203: {  	v6 =	vld [tilespmem:$0x2100]  }
0x204: {  	v7 =	vld [tilespmem:$0x2010]  }
0x205: {  	v8 =	vld [tilespmem:$0x2110]  }
0x206: {  	v9 =	vld [tilespmem:$0x2020]  }
0x207: {  	[tilespmem:$0x2200] =	vst v5;
	v5 =	vld [tilespmem:$0x2120]  }
0x208: {  	v60 =	vld [tilespmem:$0x2040];
	[tilespmem:$0x2380] =	vst v6  }
0x209: {  	v61 =	vld [tilespmem:$0x2140];
	[tilespmem:$0x2210] =	vst v7  }
0x20a: {  	v6 =	vld [tilespmem:$0x2030];
	[tilespmem:$0x2390] =	vst v8  }
0x20b: {  	v7 =	vld [tilespmem:$0x2130];
	[tilespmem:$0x2220] =	vst v9  }
0x20c: {  	[tilespmem:$0x23A0] =	vst v5;
	v5 =	vld [tilespmem:$0x2050]  }
0x20d: {  	v62 =	vld [tilespmem:$0x2160];
	[tilespmem:$0x2240] =	vst v60  }
0x20e: {  	v63 =	vld [tilespmem:$0x2070];
	[tilespmem:$0x23C0] =	vst v61  }
0x20f: {  	[tilespmem:$0x2230] =	vst v6;
	v6 =	vld [tilespmem:$0x2150]  }
0x210: {  	[tilespmem:$0x23B0] =	vst v7;
	v7 =	vld [tilespmem:$0x2060]  }
0x211: {  	[tilespmem:$0x2250] =	vst v5;
	v5 =	vld [tilespmem:$0x2170]  }
0x212: {  	[tilespmem:$0x23E0] =	vst v62  }
.Ltmp14:
0x213: {  	[tilespmem:$0x2270] =	vst v63;
	(pc) =	sbr.rel .LBB2_12-.Ltmp14, $4  }
0x214: {  	[tilespmem:$0x23D0] =	vst v6  }
0x215: {  	[tilespmem:$0x2260] =	vst v7  }
0x216: {  	[tilespmem:$0x23F0] =	vst v5  }
0x217: {  	[tilespmem:s15], [sflag:$0x1] =	stream.indirect.gather [hbm4b:s9+s12], $0x60, s14, s12, $0xb8;
	[tilespmem:$0x1F480] =	vst v63  }
.LBB2_14:
0x218: {  	_ =	swait.ge [sflag:s17], $0x800  }
0x219: {  	[sflag:s17] =	ssyncset.done $0x0  }
0x21a: {  	s7 =	sshll.u32 s24, $0xB;
	[sflag:s17] =	ssyncadd.s32 $0xFFFFF800  }
0x21b: {  	s7 =	sadd.s32 s7, s4;
	_ =	swait.ge [sflag:s17], $0x800  }
.Ltmp15:
0x21c: {  	s7 =	sshrl.u32 s7, $0x3;
	[sflag:s17] =	ssyncset.done $0x0;
	(pc) =	sbr.rel .LBB2_15-.Ltmp15, $4  }
0x21d: {  	s29 =	simm.s32 $0x0;
	s30 =	sadd.s32 s6, s7;
	[sflag:s17] =	ssyncadd.s32 $0xFFFFF800  }
0x21e: {  	[tilespmem:s29], [sflag:$0x7] =	stream.linear.gather [hbm4b:s30+s29], $0x800, $0x38;
	[tilespmem:$0x1F480] =	vst v63  }
0x21f: {  	s7 =	sadd.s32 s2, s7  }
0x220: {  	[tilespmem:s8], [sflag:$0x7] =	stream.linear.gather [hbm4b:s7+s29], $0x800, $0x38;
	[tilespmem:$0x1F480] =	vst v63  }
.LBB2_17:
0x221: {  	p0 =	slt.s32 s23, $0x1  }
0x222: {  	s7 =	simm.s32 @!p0 $0x3  }
0x223: {  	_ =	swait.ge @!p0 [sflag:s7], $0x3000  }
0x224: {  	s30 =	simm.s32 @!p0 $0x2480;
	s31 =	simm.s32 @!p0 $0x8500;
	[sflag:s7] =	ssyncset.done @!p0 $0x0  }
0x225: {  	p1 =	slt.u32 @!p0 s23, $0x3;
	[sflag:s7] =	ssyncadd.s32 @!p0 $0xFFFFD000;
	s7 =	simm.s32 @!p0 $0x80  }
0x226: {  	[spmem:s3] =	stream.indirect.scatter.add.f32 @!p0 [tilespmem:s31], [sflag:$0x6], $0x60, s30, s7, $0xb8;
	[tilespmem:$0x1F480] =	vst v63  }
0x227: {  	p0 =	por p1, p0  }
0x228: {  	s7 =	simm.s32 @!p0 $0x4  }
0x229: {  	_ =	swait.ge @!p0 [sflag:s7], $0x3000  }
0x22a: {  	[sflag:s7] =	ssyncset.done @!p0 $0x0  }
0x22b: {  	[sflag:s7] =	ssyncadd.s32 @!p0 $0xFFFFD000  }
0x22c: {  	v5 =	vld [tilespmem:$0x2000]  }
0x22d: {  	v6 =	vld [tilespmem:$0x2100]  }
0x22e: {  	v7 =	vld [tilespmem:$0x2010]  }
0x22f: {  	v8 =	vld [tilespmem:$0x2110]  }
0x230: {  	v9 =	vld [tilespmem:$0x2020]  }
0x231: {  	[tilespmem:$0x2200] =	vst v5;
	v5 =	vld [tilespmem:$0x2120]  }
0x232: {  	v60 =	vld [tilespmem:$0x2040];
	[tilespmem:$0x2380] =	vst v6  }
0x233: {  	v61 =	vld [tilespmem:$0x2140];
	[tilespmem:$0x2210] =	vst v7  }
0x234: {  	v6 =	vld [tilespmem:$0x2030];
	[tilespmem:$0x2390] =	vst v8  }
0x235: {  	v7 =	vld [tilespmem:$0x2130];
	[tilespmem:$0x2220] =	vst v9  }
0x236: {  	[tilespmem:$0x23A0] =	vst v5;
	v5 =	vld [tilespmem:$0x2050]  }
0x237: {  	v62 =	vld [tilespmem:$0x2160];
	[tilespmem:$0x2240] =	vst v60  }
0x238: {  	v63 =	vld [tilespmem:$0x2070];
	[tilespmem:$0x23C0] =	vst v61  }
0x239: {  	[tilespmem:$0x2230] =	vst v6;
	v6 =	vld [tilespmem:$0x2150]  }
0x23a: {  	[tilespmem:$0x23B0] =	vst v7;
	v7 =	vld [tilespmem:$0x2060]  }
0x23b: {  	[tilespmem:$0x2250] =	vst v5;
	v5 =	vld [tilespmem:$0x2170]  }
0x23c: {  	[tilespmem:$0x23E0] =	vst v62  }
0x23d: {  	[tilespmem:$0x2270] =	vst v63  }
0x23e: {  	[tilespmem:$0x23D0] =	vst v6  }
0x23f: {  	[tilespmem:$0x2260] =	vst v7  }
0x240: {  	[tilespmem:$0x23F0] =	vst v5  }
0x241: {  	[tilespmem:s15], [sflag:$0x1] =	stream.indirect.gather [hbm4b:s9+s12], $0x60, s14, s12, $0xb8;
	[tilespmem:$0x1F480] =	vst v63  }
.LBB2_19:
0x242: {  	v5 =	vld [tilespmem:$0x2080]  }
0x243: {  	v6 =	vld [tilespmem:$0x2180]  }
0x244: {  	v7 =	vld [tilespmem:$0x2090]  }
0x245: {  	v8 =	vld [tilespmem:$0x2190]  }
0x246: {  	v9 =	vld [tilespmem:$0x20A0]  }
0x247: {  	[tilespmem:$0x2000] =	vst v5;
	v5 =	vld [tilespmem:$0x21A0]  }
0x248: {  	v60 =	vld [tilespmem:$0x20C0];
	[tilespmem:$0x2100] =	vst v6  }
0x249: {  	v61 =	vld [tilespmem:$0x21C0];
	[tilespmem:$0x2010] =	vst v7  }
0x24a: {  	v6 =	vld [tilespmem:$0x20B0];
	[tilespmem:$0x2110] =	vst v8  }
0x24b: {  	v7 =	vld [tilespmem:$0x21B0];
	[tilespmem:$0x2020] =	vst v9  }
0x24c: {  	[tilespmem:$0x2120] =	vst v5;
	v5 =	vld [tilespmem:$0x20D0]  }
0x24d: {  	v62 =	vld [tilespmem:$0x21E0];
	[tilespmem:$0x2040] =	vst v60  }
0x24e: {  	v63 =	vld [tilespmem:$0x20F0];
	[tilespmem:$0x2140] =	vst v61  }
0x24f: {  	[tilespmem:$0x2030] =	vst v6;
	v6 =	vld [tilespmem:$0x21D0]  }
0x250: {  	[tilespmem:$0x2130] =	vst v7;
	v7 =	vld [tilespmem:$0x20E0]  }
0x251: {  	[tilespmem:$0x2050] =	vst v5;
	v5 =	vld [tilespmem:$0x21F0]  }
0x252: {  	[tilespmem:$0x2160] =	vst v62  }
0x253: {  	[tilespmem:$0x2070] =	vst v63  }
0x254: {  	[tilespmem:$0x2150] =	vst v6  }
0x255: {  	[tilespmem:$0x2060] =	vst v7  }
0x256: {  	s28 =	sadd.s32 $0xFFFFFF80, s28;
	s23 =	sadd.s32 $0x1, s23;
	[tilespmem:$0x2170] =	vst v5  }
.LBB2_20:
0x257: {  	s29 =	sadd.s32 $0x200, s29  }
0x258: {  	p0 =	sne.s32 s29, $0x2000  }
.Ltmp16:
0x259: {  	_ = 	snop;
	(pc) =	sbr.rel @!p0 .LBB2_21-.Ltmp16, $1  }
0x25a: {  	_ =	sdelay $0x3  }
.LBB2_15:
0x25b: {  	s30 =	sshra.s32 s29, $0x2  }
0x25c: {  	v5 =	vld [tilespmem:s30+$0x1800];
	_ =	sdelay $0x1  }
0x25d: {  	v6 =	vld [tilespmem:s30+$0x800];
	_ =	sdelay $0x2  }
0x25e: {  	vm0 =	vge.s32 v5, v3;
	vm1 =	vlt.s32 v5, v4  }
0x25f: {  	vm0 =	vmand vm0, vm1  }
0x260: {  	v5 =	vsub.s32 v5, v3;
	[tilespmem:s28+$0x2000] =	vst.msk vm0, v6;
	v6 =	vmpcnt.ones.xlane vm0  }
0x261: {  	[tilespmem:s28+$0x2100] =	vst.msk vm0, v5  }
0x262: {  	(v2sf) =	vpush v6, $0x0;
	v5 =	vld [tilespmem:s30+$0x1810];
	_ =	sdelay $0x4  }
0x263: {  	vm14 =	vge.s32 v5, v3;
	vm15 =	vlt.s32 v5, v4  }
0x264: {  	vm0 =	vmand vm14, vm15  }
0x265: {  	v6 =	vmpcnt.ones.xlane vm0;
	_ =	sdelay $0x1  }
0x266: {  	(v2sf) =	vpush v6, $0x0;
	_ =	sdelay $0x2  }
0x267: {  	v6 =	vld [tilespmem:s30+$0x810];
	_ =	sdelay $0x2  }
0x268: {  	s7 =	spop (v2sf)  }
0x269: {  	s7 =	sadd.s32 s28, s7  }
0x26a: {  	v5 =	vsub.s32 v5, v3;
	[tilespmem:s7+$0x2000] =	vst.msk vm0, v6  }
0x26b: {  	[tilespmem:s7+$0x2100] =	vst.msk vm0, v5  }
0x26c: {  	v5 =	vld [tilespmem:s30+$0x1820];
	_ =	sdelay $0x1  }
0x26d: {  	v6 =	vld [tilespmem:s30+$0x820];
	_ =	sdelay $0x2  }
0x26e: {  	s28 =	spop (v2sf);
	vm4 =	vge.s32 v5, v3;
	vm5 =	vlt.s32 v5, v4  }
0x26f: {  	s7 =	sadd.s32 s7, s28;
	vm0 =	vmand vm4, vm5  }
0x270: {  	v5 =	vsub.s32 v5, v3;
	[tilespmem:s7+$0x2000] =	vst.msk vm0, v6;
	v6 =	vmpcnt.ones.xlane vm0  }
0x271: {  	[tilespmem:s7+$0x2100] =	vst.msk vm0, v5  }
0x272: {  	(v2sf) =	vpush v6, $0x0;
	v5 =	vld [tilespmem:s30+$0x1830];
	_ =	sdelay $0x4  }
0x273: {  	vm6 =	vge.s32 v5, v3;
	vm7 =	vlt.s32 v5, v4  }
0x274: {  	vm0 =	vmand vm6, vm7  }
0x275: {  	v6 =	vmpcnt.ones.xlane vm0;
	_ =	sdelay $0x1  }
0x276: {  	(v2sf) =	vpush v6, $0x0;
	_ =	sdelay $0x2  }
0x277: {  	v6 =	vld [tilespmem:s30+$0x830];
	_ =	sdelay $0x2  }
0x278: {  	s28 =	spop (v2sf)  }
0x279: {  	s7 =	sadd.s32 s7, s28  }
0x27a: {  	v5 =	vsub.s32 v5, v3;
	[tilespmem:s7+$0x2000] =	vst.msk vm0, v6  }
0x27b: {  	[tilespmem:s7+$0x2100] =	vst.msk vm0, v5  }
0x27c: {  	v5 =	vld [tilespmem:s30+$0x1840];
	_ =	sdelay $0x1  }
0x27d: {  	v6 =	vld [tilespmem:s30+$0x840];
	_ =	sdelay $0x2  }
0x27e: {  	s28 =	spop (v2sf);
	vm8 =	vge.s32 v5, v3;
	vm9 =	vlt.s32 v5, v4  }
0x27f: {  	s7 =	sadd.s32 s7, s28;
	vm0 =	vmand vm8, vm9  }
0x280: {  	v5 =	vsub.s32 v5, v3;
	[tilespmem:s7+$0x2000] =	vst.msk vm0, v6;
	v6 =	vmpcnt.ones.xlane vm0  }
0x281: {  	[tilespmem:s7+$0x2100] =	vst.msk vm0, v5  }
0x282: {  	(v2sf) =	vpush v6, $0x0;
	v5 =	vld [tilespmem:s30+$0x1850];
	_ =	sdelay $0x4  }
0x283: {  	vm10 =	vge.s32 v5, v3;
	vm11 =	vlt.s32 v5, v4  }
0x284: {  	vm0 =	vmand vm10, vm11  }
0x285: {  	v6 =	vmpcnt.ones.xlane vm0;
	_ =	sdelay $0x1  }
0x286: {  	(v2sf) =	vpush v6, $0x0;
	_ =	sdelay $0x2  }
0x287: {  	v6 =	vld [tilespmem:s30+$0x850];
	_ =	sdelay $0x2  }
0x288: {  	s28 =	spop (v2sf)  }
0x289: {  	s7 =	sadd.s32 s7, s28  }
0x28a: {  	v5 =	vsub.s32 v5, v3;
	[tilespmem:s7+$0x2000] =	vst.msk vm0, v6  }
0x28b: {  	[tilespmem:s7+$0x2100] =	vst.msk vm0, v5  }
0x28c: {  	v5 =	vld [tilespmem:s30+$0x1860];
	_ =	sdelay $0x1  }
0x28d: {  	v6 =	vld [tilespmem:s30+$0x860];
	_ =	sdelay $0x2  }
0x28e: {  	s28 =	spop (v2sf);
	vm12 =	vge.s32 v5, v3;
	vm13 =	vlt.s32 v5, v4  }
0x28f: {  	s7 =	sadd.s32 s7, s28;
	vm0 =	vmand vm12, vm13  }
0x290: {  	v5 =	vsub.s32 v5, v3;
	[tilespmem:s7+$0x2000] =	vst.msk vm0, v6  }
0x291: {  	[tilespmem:s7+$0x2100] =	vst.msk vm0, v5  }
0x292: {  	v5 =	vld [tilespmem:s30+$0x1870];
	_ =	sdelay $0x4  }
0x293: {  	vm14 =	vge.s32 v5, v3;
	vm2 =	vlt.s32 v5, v4  }
0x294: {  	v6 =	vmpcnt.ones.xlane vm0;
	vm15 =	vmand vm14, vm2  }
0x295: {  	v7 =	vmpcnt.ones.xlane vm15  }
0x296: {  	(v2sf) =	vpush v6, $0x0  }
0x297: {  	(v2sf) =	vpush v7, $0x0;
	_ =	sdelay $0xd  }
0x298: {  	s28 =	spop (v2sf)  }
0x299: {  	s7 =	sadd.s32 s7, s28;
	s28 =	spop (v2sf)  }
0x29a: {  	v6 =	vld [tilespmem:s30+$0x870];
	s28 =	sadd.s32 s7, s28  }
0x29b: {  	p0 =	slt.s32 s28, $0x80  }
.Ltmp17:
0x29c: {  	_ = 	snop;
	(pc) =	sbr.rel @p0 .LBB2_20-.Ltmp17, $3  }
0x29d: {  	_ =	sdelay $0x1  }
0x29e: {  	v5 =	vsub.s32 v5, v3;
	[tilespmem:s7+$0x2000] =	vst.msk vm15, v6  }
0x29f: {  	[tilespmem:s7+$0x2100] =	vst.msk vm15, v5  }
0x2a0: {  	s7 =	smulhi.u32 $0x55555556, s23;
	s30 =	sshra.s32 s23, $0x1F  }
0x2a1: {  	s30 =	smul.u32 $0x55555556, s30;
	_ =	sdelay $0x1  }
0x2a2: {  	s7 =	sadd.s32 s30, s7  }
0x2a3: {  	s30 =	sshrl.u32 s7, $0x1F  }
0x2a4: {  	s7 =	sadd.s32 s30, s7  }
0x2a5: {  	s7 =	smul.u32 $0x3, s7;
	_ =	sdelay $0x1  }
0x2a6: {  	s30 =	ssub.s32 s23, s7  }
0x2a7: {  	p0 =	sne.s32 s30, $0x0  }
.Ltmp18:
0x2a8: {  	_ = 	snop;
	(pc) =	sbr.rel @!p0 .LBB2_17-.Ltmp18, $1  }
0x2a9: {  	_ =	sdelay $0x3  }
0x2aa: {  	p0 =	slt.s32 s30, $0x0;
	s7 =	sadd.s32 $0x3, s30  }
0x2ab: {  	s30 =	smov.u32 @p0 s7  }
0x2ac: {  	p0 =	sne.s32 s30, $0x1  }
0x2ad: {  	p1 =	slt.s32 @p0 s23, $0x1  }
0x2ae: {  	p2 =	por p1, !p0  }
0x2af: {  	s7 =	simm.s32 @!p2 $0x2  }
0x2b0: {  	_ =	swait.ge @!p2 [sflag:s7], $0x3000  }
0x2b1: {  	s30 =	simm.s32 @!p2 $0x2400;
	[sflag:s7] =	ssyncset.done @!p2 $0x0  }
0x2b2: {  	s31 =	simm.s32 @!p2 $0x5500;
	[sflag:s7] =	ssyncadd.s32 @!p2 $0xFFFFD000;
	s7 =	simm.s32 @!p2 $0x80  }
0x2b3: {  	[spmem:s3] =	stream.indirect.scatter.add.f32 @!p2 [tilespmem:s31], [sflag:$0x5], $0x60, s30, s7, $0xb8;
	[tilespmem:$0x1F480] =	vst v63  }
0x2b4: {  	p2 =	slt.u32 @!p2 s23, $0x3  }
0x2b5: {  	p1 =	por @p0 p2, p1  }
0x2b6: {  	p1 =	por p1, !p0  }
0x2b7: {  	s7 =	simm.s32 @!p1 $0x6  }
0x2b8: {  	_ =	swait.ge @!p1 [sflag:s7], $0x3000  }
0x2b9: {  	[sflag:s7] =	ssyncset.done @!p1 $0x0  }
0x2ba: {  	[sflag:s7] =	ssyncadd.s32 @!p1 $0xFFFFD000  }
0x2bb: {  	v5 =	vld @p0 [tilespmem:$0x2000]  }
0x2bc: {  	v6 =	vld @p0 [tilespmem:$0x2100]  }
0x2bd: {  	v7 =	vld @p0 [tilespmem:$0x2010]  }
0x2be: {  	v8 =	vld @p0 [tilespmem:$0x2110]  }
0x2bf: {  	v9 =	vld @p0 [tilespmem:$0x2020]  }
0x2c0: {  	[tilespmem:$0x2300] =	vst @p0 v5;
	v5 =	vld @p0 [tilespmem:$0x2120]  }
0x2c1: {  	[tilespmem:$0x2480] =	vst @p0 v6;
	v6 =	vld @p0 [tilespmem:$0x2030]  }
0x2c2: {  	[tilespmem:$0x2310] =	vst @p0 v7;
	v7 =	vld @p0 [tilespmem:$0x2130]  }
0x2c3: {  	[tilespmem:$0x2490] =	vst @p0 v8;
	v8 =	vld @p0 [tilespmem:$0x2040]  }
0x2c4: {  	[tilespmem:$0x2320] =	vst @p0 v9;
	v9 =	vld @p0 [tilespmem:$0x2140]  }
0x2c5: {  	[tilespmem:$0x24A0] =	vst @p0 v5;
	v5 =	vld @p0 [tilespmem:$0x2050]  }
0x2c6: {  	[tilespmem:$0x2330] =	vst @p0 v6;
	v6 =	vld @p0 [tilespmem:$0x2150]  }
0x2c7: {  	[tilespmem:$0x24B0] =	vst @p0 v7;
	v7 =	vld @p0 [tilespmem:$0x2060]  }
0x2c8: {  	[tilespmem:$0x2340] =	vst @p0 v8;
	v8 =	vld @p0 [tilespmem:$0x2160]  }
0x2c9: {  	[tilespmem:$0x24C0] =	vst @p0 v9;
	v9 =	vld @p0 [tilespmem:$0x2070]  }
0x2ca: {  	[tilespmem:$0x2350] =	vst @p0 v5;
	v5 =	vld @p0 [tilespmem:$0x2170]  }
0x2cb: {  	[tilespmem:$0x24D0] =	vst @p0 v6  }
0x2cc: {  	[tilespmem:$0x2360] =	vst @p0 v7  }
0x2cd: {  	[tilespmem:$0x24E0] =	vst @p0 v8  }
0x2ce: {  	s30 =	simm.s32 @p0 $0x2300;
	p1 =	slt.s32 @!p0 s23, $0x1;
	[tilespmem:$0x2370] =	vst @p0 v9  }
0x2cf: {  	s31 =	simm.s32 @p0 $0x8500;
	s7 =	simm.s32 @p0 $0x80;
	p2 =	por p1, p0;
	[tilespmem:$0x24F0] =	vst @p0 v5  }
0x2d0: {  	[tilespmem:s31], [sflag:$0x3] =	stream.indirect.gather @p0 [hbm4b:s9+s7], $0x60, s30, s7, $0xb8;
	[tilespmem:$0x1F480] =	vst v63  }
0x2d1: {  	s7 =	simm.s32 @!p2 $0x1  }
0x2d2: {  	_ =	swait.ge @!p2 [sflag:s7], $0x3000  }
0x2d3: {  	s30 =	simm.s32 @!p2 $0x2380;
	[sflag:s7] =	ssyncset.done @!p2 $0x0  }
0x2d4: {  	s31 =	simm.s32 @!p2 $0x2500;
	[sflag:s7] =	ssyncadd.s32 @!p2 $0xFFFFD000;
	s7 =	simm.s32 @!p2 $0x80  }
0x2d5: {  	[spmem:s3] =	stream.indirect.scatter.add.f32 @!p2 [tilespmem:s31], [sflag:$0x4], $0x60, s30, s7, $0xb8;
	[tilespmem:$0x1F480] =	vst v63  }
0x2d6: {  	p2 =	slt.u32 @!p2 s23, $0x3  }
0x2d7: {  	p1 =	por @!p0 p2, p1  }
0x2d8: {  	p1 =	por p1, p0  }
0x2d9: {  	s7 =	simm.s32 @!p1 $0x5  }
0x2da: {  	_ =	swait.ge @!p1 [sflag:s7], $0x3000  }
0x2db: {  	[sflag:s7] =	ssyncset.done @!p1 $0x0  }
0x2dc: {  	[sflag:s7] =	ssyncadd.s32 @!p1 $0xFFFFD000  }
0x2dd: {  	v5 =	vld @!p0 [tilespmem:$0x2000]  }
0x2de: {  	v6 =	vld @!p0 [tilespmem:$0x2100]  }
0x2df: {  	v7 =	vld @!p0 [tilespmem:$0x2010]  }
0x2e0: {  	v8 =	vld @!p0 [tilespmem:$0x2110]  }
0x2e1: {  	v9 =	vld @!p0 [tilespmem:$0x2020]  }
0x2e2: {  	[tilespmem:$0x2280] =	vst @!p0 v5;
	v5 =	vld @!p0 [tilespmem:$0x2120]  }
0x2e3: {  	[tilespmem:$0x2400] =	vst @!p0 v6;
	v6 =	vld @!p0 [tilespmem:$0x2030]  }
0x2e4: {  	[tilespmem:$0x2290] =	vst @!p0 v7;
	v7 =	vld @!p0 [tilespmem:$0x2130]  }
0x2e5: {  	[tilespmem:$0x2410] =	vst @!p0 v8;
	v8 =	vld @!p0 [tilespmem:$0x2040]  }
0x2e6: {  	[tilespmem:$0x22A0] =	vst @!p0 v9;
	v9 =	vld @!p0 [tilespmem:$0x2140]  }
0x2e7: {  	[tilespmem:$0x2420] =	vst @!p0 v5;
	v5 =	vld @!p0 [tilespmem:$0x2050]  }
0x2e8: {  	[tilespmem:$0x22B0] =	vst @!p0 v6;
	v6 =	vld @!p0 [tilespmem:$0x2150]  }
0x2e9: {  	[tilespmem:$0x2430] =	vst @!p0 v7;
	v7 =	vld @!p0 [tilespmem:$0x2060]  }
0x2ea: {  	[tilespmem:$0x22C0] =	vst @!p0 v8;
	v8 =	vld @!p0 [tilespmem:$0x2160]  }
0x2eb: {  	[tilespmem:$0x2440] =	vst @!p0 v9;
	v9 =	vld @!p0 [tilespmem:$0x2070]  }
0x2ec: {  	[tilespmem:$0x22D0] =	vst @!p0 v5;
	v5 =	vld @!p0 [tilespmem:$0x2170]  }
0x2ed: {  	[tilespmem:$0x2450] =	vst @!p0 v6  }
.Ltmp19:
0x2ee: {  	[tilespmem:$0x22E0] =	vst @!p0 v7;
	(pc) =	sbr.rel .LBB2_19-.Ltmp19, $4  }
0x2ef: {  	[tilespmem:$0x2460] =	vst @!p0 v8  }
0x2f0: {  	[tilespmem:$0x22F0] =	vst @!p0 v9  }
0x2f1: {  	s30 =	simm.s32 @!p0 $0x2280;
	s31 =	simm.s32 @!p0 $0x5500;
	s7 =	simm.s32 @!p0 $0x80;
	[tilespmem:$0x2470] =	vst @!p0 v5  }
0x2f2: {  	[tilespmem:s31], [sflag:$0x2] =	stream.indirect.gather @!p0 [hbm4b:s9+s7], $0x60, s30, s7, $0xb8;
	[tilespmem:$0x1F480] =	vst v63  }
.LBB2_23:
0x2f3: {  	p0 =	slt.s32 s23, $0x1  }
0x2f4: {  	s7 =	simm.s32 @!p0 $0x3  }
0x2f5: {  	_ =	swait.ge @!p0 [sflag:s7], $0x3000  }
0x2f6: {  	s24 =	simm.s32 @!p0 $0x2480;
	s28 =	simm.s32 @!p0 $0x8500;
	[sflag:s7] =	ssyncset.done @!p0 $0x0  }
0x2f7: {  	p1 =	slt.u32 @!p0 s23, $0x3;
	[sflag:s7] =	ssyncadd.s32 @!p0 $0xFFFFD000;
	s7 =	simm.s32 @!p0 $0x80  }
0x2f8: {  	[spmem:s3] =	stream.indirect.scatter.add.f32 @!p0 [tilespmem:s28], [sflag:$0x6], $0x60, s24, s7, $0xb8;
	[tilespmem:$0x1F480] =	vst v63  }
0x2f9: {  	p0 =	por p1, p0  }
0x2fa: {  	s7 =	simm.s32 @!p0 $0x4  }
0x2fb: {  	_ =	swait.ge @!p0 [sflag:s7], $0x3000  }
0x2fc: {  	[sflag:s7] =	ssyncset.done @!p0 $0x0  }
0x2fd: {  	[sflag:s7] =	ssyncadd.s32 @!p0 $0xFFFFD000  }
0x2fe: {  	v3 =	vld [tilespmem:$0x2000]  }
0x2ff: {  	v4 =	vld [tilespmem:$0x2100]  }
0x300: {  	v5 =	vld [tilespmem:$0x2010]  }
0x301: {  	v6 =	vld [tilespmem:$0x2110]  }
0x302: {  	v7 =	vld [tilespmem:$0x2020]  }
0x303: {  	[tilespmem:$0x2200] =	vst v3;
	v3 =	vld [tilespmem:$0x2120]  }
0x304: {  	v56 =	vld [tilespmem:$0x2030];
	[tilespmem:$0x2380] =	vst v4  }
0x305: {  	v57 =	vld [tilespmem:$0x2130];
	[tilespmem:$0x2210] =	vst v5  }
0x306: {  	v58 =	vld [tilespmem:$0x2040];
	[tilespmem:$0x2390] =	vst v6  }
0x307: {  	v59 =	vld [tilespmem:$0x2140];
	[tilespmem:$0x2220] =	vst v7  }
0x308: {  	[tilespmem:$0x23A0] =	vst v3;
	v3 =	vld [tilespmem:$0x2050]  }
0x309: {  	v60 =	vld [tilespmem:$0x2150];
	[tilespmem:$0x2230] =	vst v56  }
0x30a: {  	v61 =	vld [tilespmem:$0x2060];
	[tilespmem:$0x23B0] =	vst v57  }
0x30b: {  	v62 =	vld [tilespmem:$0x2160];
	[tilespmem:$0x2240] =	vst v58  }
0x30c: {  	v63 =	vld [tilespmem:$0x2070];
	[tilespmem:$0x23C0] =	vst v59  }
0x30d: {  	[tilespmem:$0x2250] =	vst v3;
	v3 =	vld [tilespmem:$0x2170]  }
0x30e: {  	[tilespmem:$0x23D0] =	vst v60  }
.Ltmp20:
0x30f: {  	[tilespmem:$0x2260] =	vst v61;
	(pc) =	sbr.rel .LBB2_25-.Ltmp20, $4  }
0x310: {  	[tilespmem:$0x23E0] =	vst v62  }
0x311: {  	[tilespmem:$0x2270] =	vst v63  }
0x312: {  	[tilespmem:$0x23F0] =	vst v3  }
0x313: {  	[tilespmem:s15], [sflag:$0x1] =	stream.indirect.gather [hbm4b:s9+s12], $0x60, s14, s12, $0xb8;
	[tilespmem:$0x1F480] =	vst v63  }
.LBB2_28:
0x314: {  	_ =	sfence.sel $0x180000  }
0x315: {  	[bflag:$0x0] =	sbarrier.arrive $0xFFFF  }
0x316: {  	_ =	strace $0x9000004D  }
0x317: {  	s0 =	stileid.u32;
	[bflag:$0x2] =	sbarrier.arrive $0xFFFF  }
0x318: {  	p0 =	sne.s32 s0, $0x0;
	s0 =	rddreg [dreg:$0x3]  }
0x319: {  	s0 =	sadd.s32 @!p0 $0x100000, s0  }
0x31a: {  	[sflag:s0] =	ssyncadd.tile.s32 @!p0 $0x1;
	_ =	shalt  }
.Lfunc_end2:
_tile_overlayer_lowered:
.L_overlay_start_2:
0x31b: {  	(tag) =	ssettag $0x2  }
0x31c: {  	s0 =	rddreg [dreg:$0x0];
	s2 =	stileid.u32  }
0x31d: {  	s1 =	rddreg [dreg:$0x1];
	p0 =	sne.s32 s2, $0x0  }
0x31e: {  	s3 =	rddreg [dreg:$0x2];
	[bflag:$0x3] =	sbarrier.arrive $0xFFFF;
	s2 =	simm.s32 @!p0 $0x1C09  }
0x31f: {  	[timem:s3], [sflag:s2] =	dma.local @!p0 [hbm:s0], s1  }
0x320: {  	s0 =	simm.s32 @!p0 $0x9  }
0x321: {  	_ =	swait.ge @!p0 [sflag:s0], s1  }
0x322: {  	s1 =	ssub.s32 @!p0 $0x0, s1;
	[sflag:s0] =	ssyncset.done @!p0 $0x0  }
0x323: {  	[sflag:s0] =	ssyncadd.s32 @!p0 s1  }
0x324: {  	[bflag:$0x3] =	sbarrier.arrive $0xFFFF  }
0x325: {  	_ =	shalt  }

// kernel: sparse-core-data-format-call.cloned.1.call-start
scs
called_computation_lowered:
.L_overlay_start_0:
0x0: {  	s1 =	sld [smem:$0x3FD9]  }
0x1: {  	s2 =	sld [smem:$0x3FFE];
	_ =	sdelay $0x1  }
0x2: {  	s3 =	srdreg.scid  }
0x3: {  	s0 =	sand.u32 $0x1, s3  }
0x4: {  	s17 =	sshll.u32 s0, $0xA;
	s1 =	sadd.s32 s2, s1  }
0x5: {  	s1 =	sadd.s32 s1, s17  }
0x6: {  	[smem:$0x3FBE] =	sst s1  }
0x7: {  	_ = 	snop  }
0x8: {  	(tm) =	ssettm $0x1  }
0x9: {  	s18 =	sld [smem:$0x3FFB];
	_ =	sdelay $0x3  }
0xa: {  	_ =	strace s18  }
0xb: {  	s1 =	sld [smem:$0x3FFC];
	_ =	sdelay $0x3  }
0xc: {  	_ =	strace s1  }
0xd: {  	s1 =	sld [smem:$0x3FFD];
	_ =	sdelay $0x3  }
0xe: {  	_ =	strace s1  }
0xf: {  	_ =	strace $0x8FFFFFFF  }
0x10: {  	s19 =	sld [smem:$0x3FDB];
	_ =	sdelay $0x1  }
0x11: {  	s20 =	simm.s32 $_scs_section_size  }
0x12: {  	s4 =	simm.s32 $_size__tile_overlayer_lowered;
	s5 =	simm.s32 $_tile_overlayer_lowered  }
0x13: {  	s23 =	simm.s32 $0x1BFF;
	s22 =	sshll.u32 s5, $0x1;
	s1 =	sadd.s32 s20, s19  }
0x14: {  	s6 =	simm.s32 $0x0;
	s21 =	sshll.u32 s4, $0x1;
	s4 =	sadd.s32 s22, s1  }
0x15: {  	[timem:s6], [sflag:s23] =	dma.local [hbm:s4], s21  }
0x16: {  	_ =	swait.ge [sflag:s23], s21  }
0x17: {  	s2 =	ssub.s32 $0x0, s21;
	[sflag:s23] =	ssyncset.done $0x0  }
0x18: {  	[sflag:s23] =	ssyncadd.s32 s2;
	_ =	sdelay $0x1  }
0x19: {  	s24 =	simm.s32 $0x1B8B  }
0x1a: {  	_ =	swait.ge [sflag:s24], $0x1  }
0x1b: {  	[sflag:s24] =	ssyncset.done $0x0  }
0x1c: {  	s26 =	simm.s32 $0x1B8E;
	s25 =	sld [smem:$0x3FFE];
	[sflag:s24] =	ssyncadd.s32 $0xFFFFFFFF  }
0x1d: {  	s27 =	simm.s32 $execute0_lowered;
	[smem:$0x3FD2] =	sst s26  }
0x1e: {  	s4 =	sshll.u32 s27, $0x1;
	_ =	strace $0x80000046;
	[dreg:$0x1] =	wrdreg $0xFFFFFFFF  }
0x1f: {  	s28 =	simm.s32 $_size_execute0_lowered;
	s1 =	sadd.s32 s1, s4;
	[dreg:$0x0] =	wrdreg $0x0  }
0x20: {  	s4 =	sshll.u32 s28, $0x1;
	[dreg:$0x2] =	wrdreg s1  }
0x21: {  	[dreg:$0x3] =	wrdreg s4  }
0x22: {  	[dreg:$0x4] =	wrdreg $0xC0  }
0x23: {  	_ =	task [dreg:s6], $0x5FFFF  }
0x24: {  	[dreg:$0x1] =	wrdreg $0xFFFFFFFF  }
0x25: {  	[dreg:$0x0] =	wrdreg $0x60  }
0x26: {  	[dreg:$0x2] =	wrdreg s25  }
0x27: {  	[dreg:$0x3] =	wrdreg $0x9  }
0x28: {  	_ =	task.clear_ibuf [dreg:s6], $0x4FFFF;
	_ =	strace $0x90000046  }
0x29: {  	s29 =	simm.s32 $0x9;
	_ =	strace $0x80000048  }
0x2a: {  	_ =	swait.ge [sflag:s29], $0x1  }
0x2b: {  	[sflag:s29] =	ssyncadd.s32 $0xFFFFFFFF  }
0x2c: {  	_ =	strace $0x90000048  }
0x2d: {  	_ =	sfence  }
0x2e: {  	s30 =	sld [smem:$0x0];
	_ =	sdelay $0x2  }
0x2f: {  	s31 =	sshll.u32 s3, $0xD;
	s3 =	sshrl.u32 s3, $0x2  }
0x30: {  	s2 =	sand.u32 $0x4000, s31;
	s1 =	sadd.s32 s3, s30  }
0x31: {  	s0 =	sor.u32 s2, s0;
	s1 =	sshll.u32 s1, $0x11  }
0x32: {  	s0 =	sor.u32 s1, s0  }
0x33: {  	s0 =	sadd.s32 $0x8F2B, s0  }
0x34: {  	[sflag:s0] =	ssyncadd.remote.s32 $0x1  }
0x35: {  	_ =	sfence.sel $0xFFFF  }
0x36: {  	[dreg:$0x0] =	wrdreg $0xFFFFFFFF;
	(pc) =	sbr.abs _section_cstart, $3  }
0x37: {  	[dreg:$0x1] =	wrdreg $0xFFFFFFFF  }
0x38: {  	_ =	task.clear_ibuf [dreg:s6], $0x2FFFF;
	_ =	strace $0x9FFFFFFF  }
0x39: {  	(tm) =	ssettm $0x7FFFFFFF  }
tec
execute0_lowered:
.L_overlay_start_1:
0x0: {  	(tag) =	ssettag $0x1  }
0x1: {  	s2 =	stileid.u32;
	s0 =	srdreg.scid  }
0x2: {  	s27 =	rddreg [dreg:$0x0];
	_ =	strace $0x80000047;
	s30 =	simm.s32 $0x1  }
0x3: {  	s31 =	simm.s32 $0x2;
	s19 =	simm.s32 $0x0;
	s21 =	simm.s32 $0x0  }
0x4: {  	s20 =	simm.s32 $0x0;
	s12 =	simm.s32 $0x0;
	s13 =	simm.s32 $0x0  }
0x5: {  	s16 =	simm.s32 $0x0;
	s1 =	sshll.u32 s2, $0x6;
	s0 =	sshll.u32 s0, $0xA  }
0x6: {  	s7 =	sand.u32 $0x1, s2;
	s10 =	sadd.s32 $0x2A00, s27;
	s0 =	sor.u32 s1, s0  }
0x7: {  	s28 =	ssub.s32 $0x2, s7;
	[dreg:$0x2] =	wrdreg s7;
	s8 =	sand.u32 $0x780, s0  }
0x8: {  	[dreg:$0x5] =	wrdreg s10;
	s3 =	sshrl.u32 s28, $0x1;
	s29 =	ssub.s32 $0x18680, s8  }
0x9: {  	s1 =	sand.u32 $0x1, s28;
	s0 =	sadd.s32 $0x127E00, s27;
	s2 =	sshrl.u32 s29, $0xB  }
.Ltmp0:
0xa: {  	s1 =	sadd.s32 s1, s3;
	s2 =	sadd.s32 $0x1, s2;
	(pc) =	sbr.rel .LBB1_1-.Ltmp0, $4  }
0xb: {  	s17 =	simm.s32 $0x0;
	[dreg:$0x6] =	wrdreg s0;
	s9 =	smul.u32 s1, s2  }
0xc: {  	s18 =	simm.s32 $0x0;
	[sflag:s30] =	ssyncpa.u1 $0x0;
	[dreg:$0x3] =	wrdreg s8  }
0xd: {  	[sflag:s31] =	ssyncpa.u1 $0x0;
	s11 =	sadd.s32 $0x1, s9;
	[dreg:$0x4] =	wrdreg s9  }
0xe: {  	s14 =	smov.u32 s7;
	s15 =	smov.u32 s8;
	[dreg:$0x7] =	wrdreg s11  }
.LBB1_14:
0xf: {  	s12 =	rddreg [dreg:$0x8]  }
0x10: {  	s16 =	rddreg [dreg:$0xb]  }
0x11: {  	s3 =	rddreg [dreg:$0x11]  }
0x12: {  	s5 =	rddreg [dreg:$0x13]  }
0x13: {  	s23 =	rddreg [dreg:$0x12]  }
0x14: {  	s13 =	rddreg [dreg:$0x9]  }
0x15: {  	s26 =	rddreg [dreg:$0x6]  }
0x16: {  	s29 =	rddreg [dreg:$0x14]  }
0x17: {  	s7 =	rddreg [dreg:$0x2]  }
0x18: {  	s8 =	rddreg [dreg:$0x3]  }
0x19: {  	s9 =	rddreg [dreg:$0x4]  }
0x1a: {  	s10 =	rddreg [dreg:$0x5]  }
0x1b: {  	s11 =	rddreg [dreg:$0x7]  }
0x1c: {  	s15 =	rddreg [dreg:$0xa]  }
0x1d: {  	s17 =	rddreg [dreg:$0xc]  }
0x1e: {  	s18 =	rddreg [dreg:$0xd]  }
0x1f: {  	s19 =	rddreg [dreg:$0xe]  }
0x20: {  	s31 =	simm.s32 $0x80;
	s20 =	rddreg [dreg:$0xf];
	s0 =	sshll.u32 s12, $0x7  }
0x21: {  	s1 =	sshll.u32 s16, $0x3;
	p0 =	sgt.s32 s16, $0x40;
	s24 =	smul.u32 $0x186A00, s13  }
0x22: {  	s27 =	sand.u32 $0x7, s16;
	s2 =	sand.u32 $0xFFFFFC00, s0;
	s1 =	sand.u32 $0xFFFFFC00, s1  }
0x23: {  	s0 =	sand.u32 $0x380, s0;
	s1 =	sadd.s32 s1, s2;
	s2 =	smov.u32 s16  }
0x24: {  	s0 =	sor.u32 s0, s1;
	s2 =	simm.s32 @!p0 $0x40;
	p0 =	sgt.s32 s12, $0x18620  }
0x25: {  	s1 =	smov.u32 s12;
	s0 =	sshrl.u32 s0, $0x7;
	s2 =	sadd.s32 s3, s2  }
0x26: {  	s1 =	simm.s32 @!p0 $0x18620;
	s21 =	smulhi.u32 $0x14F8B59, s0;
	s4 =	sadd.s32 $0xFFFFFFC0, s2  }
0x27: {  	s1 =	sadd.s32 s5, s1;
	s2 =	ssub.s32 $0x80, s2;
	p0 =	sgt.s32 s4, $0x3F  }
0x28: {  	s22 =	sadd.s32 $0xFFFE79E0, s1;
	s1 =	ssub.s32 $0x186A0, s1;
	s2 =	simm.s32 @p0 $0x0  }
0x29: {  	s3 =	sshrl.u32 s21, $0x9;
	p0 =	sgt.s32 s22, $0x7F;
	s2 =	smul.u32 s23, s2  }
0x2a: {  	s28 =	sshll.u32 s27, $0x12;
	s3 =	smul.u32 $0x186A0, s3;
	s1 =	simm.s32 @p0 $0x0  }
0x2b: {  	s25 =	sshrl.u32 s16, $0x3;
	s30 =	sor.u32 $0x40, s28;
	s1 =	smul.u32 s1, s2  }
0x2c: {  	s0 =	ssub.s32 s0, s3;
	s3 =	sand.u32 $0xF, s25;
	s2 =	sadd.s32 s26, s24  }
0x2d: {  	s4 =	sor.u32 $0x4000, s29;
	s0 =	sshll.u32 s0, $0x4;
	s2 =	sadd.s32 s3, s2  }
0x2e: {  	s21 =	rddreg [dreg:$0x10];
	s1 =	sand.u32 $0x3FFFFFFF, s1;
	s0 =	sadd.s32 s0, s2  }
0x2f: {  	[hbm4b:s0+s30] =	stream.strided.scatter [tilespmem:s4], [sflag:$0x2], s1, s31, s30, $0x18;
	[tilespmem:$0x8100] =	vst v63  }
.LBB1_15:
0x30: {  	p0 =	slt.u32 s18, $0x2;
	s1 =	smov.u32 s21;
	s3 =	smov.u32 s19  }
0x31: {  	p1 =	sgt.s32 @!p0 s21, $0x1;
	s0 =	sshra.s32 @!p0 s21, $0x1F;
	p2 =	sgt.s32 @!p0 s20, $0x40  }
0x32: {  	s2 =	sshra.s32 @!p0 s20, $0x1F;
	p1 =	por !p1, p0;
	s0 =	sand.u32 @!p0 s0, s21  }
0x33: {  	p2 =	por !p2, p0;
	s1 =	simm.s32 @p1 $0x1;
	s0 =	sxor.u32 @!p0 $0xFFFFFFFF, s0  }
0x34: {  	s2 =	sand.u32 @!p0 s2, s20;
	s0 =	sadd.s32 @!p0 s0, s1;
	s1 =	smov.u32 s20  }
0x35: {  	p1 =	sgt.s32 @!p0 s0, $0x0;
	s1 =	simm.s32 @p2 $0x40;
	p2 =	sgt.s32 @!p0 s19, $0x18620  }
0x36: {  	s0 =	ssub.s32 @!p0 $0x1, s0;
	p1 =	por !p1, p0;
	p2 =	por !p2, p0  }
0x37: {  	s1 =	ssub.s32 @!p0 s1, s2;
	s2 =	sshra.s32 @!p0 s19, $0x1F;
	s3 =	simm.s32 @p2 $0x18620  }
0x38: {  	s2 =	sand.u32 @!p0 s2, s19;
	s4 =	sadd.s32 @!p0 $0xFFFFFFC0, s1;
	s0 =	simm.s32 @!p1 $0x0  }
0x39: {  	s1 =	ssub.s32 @!p0 $0x80, s1;
	s2 =	ssub.s32 @!p0 s3, s2;
	p1 =	sgt.s32 @!p0 s4, $0x3F  }
0x3a: {  	s4 =	smov.u32 s14;
	s3 =	sadd.s32 @!p0 $0xFFFE79E0, s2;
	p1 =	por !p1, p0  }
0x3b: {  	s2 =	ssub.s32 @!p0 $0x186A0, s2;
	p2 =	sgt.s32 @!p0 s3, $0x7F;
	s1 =	simm.s32 @!p1 $0x0  }
0x3c: {  	p1 =	por !p2, p0;
	s0 =	smul.u32 @!p0 s0, s1;
	s1 =	sadd.s32 $0x800, s15  }
0x3d: {  	s3 =	sadd.s32 $0x2, s14;
	s2 =	simm.s32 @!p1 $0x0;
	p1 =	sgt.s32 s1, $0x1869F  }
0x3e: {  	s0 =	smul.u32 @!p0 s2, s0;
	s4 =	smov.u32 @p1 s3  }
0x3f: {  	s2 =	sadd.s32 $0x40, s17;
	s3 =	smov.u32 s17;
	p2 =	sgt.s32 s4, $0x1  }
0x40: {  	s21 =	smov.u32 s13;
	s3 =	smov.u32 @p2 s2  }
0x41: {  	s13 =	smov.u32 s14;
	s1 =	smov.u32 @p1 s8;
	p1 =	sgt.s32 s3, $0x2F  }
0x42: {  	s20 =	smov.u32 s16;
	s3 =	simm.s32 @p1 $0x0;
	p1 =	sne.s32 s18, s11  }
.Ltmp1:
0x43: {  	s16 =	smov.u32 s17;
	s19 =	smov.u32 s12;
	(pc) =	sbr.rel @!p1 .LBB1_16-.Ltmp1, $4  }
0x44: {  	s12 =	smov.u32 s15;
	s0 =	sand.u32 @!p0 $0x3FFFFFFF, s0;
	s2 =	simm.s32 @!p0 $0x2  }
0x45: {  	s15 =	smov.u32 s1;
	s4 =	smov.u32 @p2 s7;
	_ =	swait.ge @!p0 [sflag:s2], s0  }
0x46: {  	s0 =	ssub.s32 @!p0 $0x0, s0;
	s14 =	smov.u32 s4;
	[sflag:s2] =	ssyncset.done @!p0 $0x0  }
0x47: {  	s18 =	sadd.s32 $0x1, s18;
	[sflag:s2] =	ssyncadd.s32 @!p0 s0;
	s17 =	smov.u32 s3  }
.LBB1_1:
0x48: {  	p0 =	sge.u32 s18, s9;
	s0 =	smov.u32 s17  }
0x49: {  	p1 =	sgt.s32 @!p0 s17, $0xFFFFFFF0;
	s1 =	sshra.s32 @!p0 s17, $0x1F;
	s2 =	sshrl.u32 @!p0 s14, $0x1  }
0x4a: {  	s3 =	sshll.u32 @!p0 s15, $0x1;
	s5 =	sshra.s32 @!p0 s15, $0x1F;
	p1 =	por !p1, p0  }
0x4b: {  	s1 =	sand.u32 @!p0 s1, s17;
	s2 =	smul.u32 @!p0 $0x30E00, s2;
	s0 =	simm.s32 @p1 $0xFFFFFFF0  }
0x4c: {  	s3 =	sand.u32 @!p0 $0xFFFFFF00, s3;
	s5 =	sand.u32 @!p0 s5, s15;
	s0 =	ssub.s32 @!p0 s0, s1  }
0x4d: {  	s2 =	sadd.s32 @!p0 s2, s3;
	s3 =	sshll.u32 @!p0 s14, $0x7;
	s4 =	sadd.s32 @!p0 $0x10, s0  }
0x4e: {  	s1 =	sand.u32 @!p0 $0x7F, s15;
	s3 =	sand.u32 @!p0 $0x80, s3;
	p1 =	sgt.s32 @!p0 s4, $0x3F  }
0x4f: {  	s0 =	ssub.s32 @!p0 $0x30, s0;
	s4 =	sshra.s32 @!p0 s14, $0x1F;
	p1 =	por !p1, p0  }
0x50: {  	s1 =	sor.u32 @!p0 s1, s3;
	s0 =	simm.s32 @!p1 $0x0;
	p1 =	sgt.s32 @!p0 s14, $0x1  }
0x51: {  	s3 =	smov.u32 s14;
	s4 =	sand.u32 @!p0 s4, s14;
	p1 =	por !p1, p0  }
0x52: {  	s4 =	sxor.u32 @!p0 $0xFFFFFFFF, s4;
	s3 =	simm.s32 @p1 $0x1;
	p1 =	sgt.s32 @!p0 s15, $0x18680  }
0x53: {  	s3 =	sadd.s32 @!p0 s4, s3;
	p1 =	por !p1, p0;
	s4 =	smov.u32 s15  }
0x54: {  	s1 =	sor.u32 @!p0 s2, s1;
	s4 =	simm.s32 @p1 $0x18680;
	p1 =	sgt.s32 @!p0 s3, $0x0  }
0x55: {  	s2 =	smulhi.u32 @!p0 $0xA79C7B17, s2;
	s3 =	ssub.s32 @!p0 $0x1, s3;
	p1 =	por !p1, p0  }
0x56: {  	s6 =	smulhi.u32 @!p0 $0xA79C7B17, s1;
	s4 =	ssub.s32 @!p0 s4, s5;
	s3 =	simm.s32 @!p1 $0x0  }
0x57: {  	s2 =	sshrl.u32 @!p0 s2, $0x10;
	s0 =	smul.u32 @!p0 s3, s0;
	s3 =	sadd.s32 @!p0 $0xFFFE7980, s4  }
0x58: {  	s5 =	sxor.u32 @!p0 $0xFFFFFFFF, s18;
	s4 =	ssub.s32 @!p0 $0x18700, s4;
	p1 =	sgt.s32 @!p0 s3, $0x7F  }
0x59: {  	s3 =	sshll.u32 @!p0 s5, $0xD;
	s5 =	sshrl.u32 @!p0 s6, $0x10;
	p1 =	por !p1, p0  }
0x5a: {  	s2 =	sand.u32 @!p0 $0x1, s2;
	s5 =	smul.u32 @!p0 $0x18700, s5;
	s4 =	simm.s32 @!p1 $0x0  }
0x5b: {  	s31 =	sadd.s32 $0xFFFFFFFF, s18;
	p1 =	seq.s32 @!p0 s2, $0x1;
	s0 =	smul.u32 @!p0 s4, s0  }
0x5c: {  	s2 =	simm.s32 @!p0 $0x30E0;
	s4 =	smul.u32 @!p0 $0x61C0, s17;
	p1 =	por !p1, p0  }
0x5d: {  	s3 =	sand.u32 @!p0 $0x2000, s3;
	s1 =	ssub.s32 @!p0 s1, s5;
	s2 =	simm.s32 @p1 $0x0  }
0x5e: {  	s5 =	sand.u32 @!p0 $0x7, s1;
	s1 =	sshrl.u32 @!p0 s1, $0x3;
	s4 =	sadd.s32 @!p0 s10, s4  }
0x5f: {  	s0 =	sand.u32 @!p0 $0x3FFFFFFF, s0;
	s2 =	sadd.s32 @!p0 s2, s4;
	s4 =	sshll.u32 @!p0 s5, $0x12  }
0x60: {  	s1 =	sadd.s32 @!p0 s1, s2;
	s2 =	sor.u32 @!p0 $0x80, s4;
	s4 =	simm.s32 @!p0 $0x30E00  }
0x61: {  	[tilespmem:s3], [sflag:$0x1] =	stream.strided.gather @!p0 [hbm4b:s1+s2], s0, s4, s2, $0x38;
	[tilespmem:$0x8100] =	vst v63  }
0x62: {  	p0 =	sge.u32 s31, s9  }
.Ltmp2:
0x63: {  	_ = 	snop;
	(pc) =	sbr.rel @p0 .LBB1_15-.Ltmp2, $1  }
0x64: {  	_ =	sdelay $0x3  }
0x65: {  	[dreg:$0x10] =	wrdreg s21  }
0x66: {  	[dreg:$0xf] =	wrdreg s20  }
0x67: {  	[dreg:$0xe] =	wrdreg s19  }
0x68: {  	[dreg:$0xc] =	wrdreg s17  }
0x69: {  	[dreg:$0xa] =	wrdreg s15  }
0x6a: {  	s0 =	ssub.s32 $0x0, s16;
	s1 =	sshra.s32 s16, $0x1F;
	p0 =	sgt.s32 s16, $0xFFFFFFF0  }
0x6b: {  	s2 =	smov.u32 s16;
	s27 =	sshra.s32 s13, $0x1F;
	s3 =	smov.u32 s13  }
0x6c: {  	s28 =	ssub.s32 $0x0, s12;
	[dreg:$0x8] =	wrdreg s12;
	s4 =	sshra.s32 s12, $0x1F  }
0x6d: {  	s0 =	sand.u32 s0, s1;
	s2 =	simm.s32 @!p0 $0xFFFFFFF0;
	p0 =	sgt.s32 s13, $0x1  }
0x6e: {  	s1 =	sand.u32 s27, s13;
	[dreg:$0x11] =	wrdreg s0;
	s0 =	sadd.s32 s0, s2  }
0x6f: {  	s3 =	simm.s32 @!p0 $0x1;
	s1 =	sxor.u32 $0xFFFFFFFF, s1;
	s2 =	sadd.s32 $0x10, s0  }
0x70: {  	p0 =	sgt.s32 s12, $0x18680;
	p1 =	sgt.s32 s2, $0x3F;
	s2 =	smov.u32 s12  }
0x71: {  	s29 =	sand.u32 s28, s4;
	s1 =	sadd.s32 s1, s3;
	s2 =	simm.s32 @!p0 $0x18680  }
0x72: {  	s5 =	ssub.s32 $0x1, s1;
	p0 =	sgt.s32 s1, $0x0;
	s1 =	sadd.s32 s29, s2  }
0x73: {  	[dreg:$0xb] =	wrdreg s16;
	s5 =	simm.s32 @p0 $0x0;
	s2 =	sadd.s32 $0xFFFE7980, s1  }
0x74: {  	s1 =	ssub.s32 $0x18700, s1;
	p0 =	sgt.s32 s2, $0x7F;
	s2 =	sadd.s32 $0x40, s16  }
0x75: {  	s3 =	sadd.s32 $0x1, s13;
	s1 =	simm.s32 @p0 $0x0;
	p0 =	slt.s32 s2, $0x30  }
0x76: {  	s0 =	ssub.s32 $0x30, s0;
	s2 =	simm.s32 @!p0 $0x30;
	p0 =	slt.s32 s3, $0x2  }
0x77: {  	s0 =	simm.s32 @p1 $0x0;
	s24 =	ssub.s32 s2, s16;
	s3 =	simm.s32 @!p0 $0x2  }
0x78: {  	s0 =	smul.u32 s5, s0;
	s25 =	ssub.s32 s3, s13;
	p0 =	slt.s32 s24, $0x1  }
0x79: {  	[dreg:$0x9] =	wrdreg s13;
	p1 =	slt.s32 @!p0 s25, $0x1  }
0x7a: {  	[dreg:$0xd] =	wrdreg s18;
	s0 =	smul.u32 s1, s0;
	p1 =	por p0, p1  }
.Ltmp3:
0x7b: {  	s30 =	simm.s32 $0x1;
	[dreg:$0x13] =	wrdreg s29;
	(pc) =	sbr.rel @p1 .LBB1_14-.Ltmp3, $4  }
0x7c: {  	[dreg:$0x12] =	wrdreg s5;
	s1 =	sand.u32 $0x3FFFFFFF, s0;
	s0 =	sand.u32 $0x1, s18  }
0x7d: {  	_ =	swait.ge [sflag:s30], s1;
	s31 =	smul.u32 $0x2080, s0  }
0x7e: {  	s1 =	ssub.s32 $0x0, s1;
	[sflag:s30] =	ssyncset.done $0x0  }
0x7f: {  	[sflag:s30] =	ssyncadd.s32 s1;
	[dreg:$0x14] =	wrdreg s31  }
0x80: {  	s2 =	rddreg [dreg:$0x8]  }
0x81: {  	s1 =	sadd.s32 $0x80, s2  }
0x82: {  	p1 =	slt.s32 s1, $0x186A0  }
.Ltmp4:
0x83: {  	s1 =	simm.s32 @!p1 $0x186A0;
	(pc) =	sbr.rel .LBB1_4-.Ltmp4, $4  }
0x84: {  	s1 =	ssub.s32 s1, s2  }
0x85: {  	s28 =	sshll.u32 @!p0 s0, $0xD;
	s0 =	rddreg [dreg:$0x14];
	s1 =	sadd.s32 $0xF, s1  }
0x86: {  	s30 =	simm.s32 $0x0;
	s26 =	sand.u32 $0xFFFFFFF0, s1;
	s27 =	sand.u32 @!p0 $0xFFFFFF00, s1  }
0x87: {  	s29 =	sor.u32 @!p0 $0x4000, s0;
	p0 =	slt.s32 s1, $0x100;
	p1 =	sge.s32 s27, s26  }
.LBB1_13:
0x88: {  	s30 =	sadd.s32 $0x1, s30  }
0x89: {  	p2 =	sne.s32 s30, s24  }
.Ltmp5:
0x8a: {  	_ = 	snop;
	(pc) =	sbr.rel @!p2 .LBB1_14-.Ltmp5, $1  }
0x8b: {  	_ =	sdelay $0x3  }
.LBB1_4:
0x8c: {  	s31 =	sshrl.u32 s30, $0x4  }
0x8d: {  	s0 =	sshll.u32 s30, $0x3;
	s1 =	sshll.u32 s30, $0x9;
	s2 =	sand.u32 $0x78, s31  }
0x8e: {  	s3 =	sadd.s32 $0x800, s0;
	s5 =	sadd.s32 $0x1000, s0;
	s6 =	sadd.s32 $0x1800, s0  }
0x8f: {  	s7 =	sshra.s32 s1, $0x2;
	s20 =	sadd.s32 $0x2800, s0;
	s22 =	sadd.s32 $0x3000, s0  }
0x90: {  	s4 =	smul.u32 $0x104, s2;
	s3 =	sshrl.u32 s3, $0x7;
	s19 =	sxor.u32 $0x40, s2  }
0x91: {  	s5 =	sshrl.u32 s5, $0x7;
	s3 =	sand.u32 $0x78, s3;
	s10 =	smul.u32 $0x104, s19  }
0x92: {  	s6 =	sshrl.u32 s6, $0x7;
	s5 =	sand.u32 $0x78, s5;
	s3 =	smul.u32 $0x104, s3  }
0x93: {  	s21 =	sshrl.u32 s20, $0x7;
	s18 =	sand.u32 $0x78, s6;
	s5 =	smul.u32 $0x104, s5  }
0x94: {  	s2 =	sshrl.u32 s22, $0x7;
	s1 =	sand.u32 $0x78, s21;
	s8 =	smul.u32 $0x104, s18  }
0x95: {  	s0 =	sadd.s32 $0x3800, s0;
	s2 =	sand.u32 $0x78, s2;
	s11 =	smul.u32 $0x104, s1  }
0x96: {  	s0 =	sshrl.u32 s0, $0x7;
	s12 =	smul.u32 $0x104, s2  }
.Ltmp6:
0x97: {  	s20 =	simm.s32 $0x0;
	s23 =	sand.u32 $0x78, s0;
	(pc) =	sbr.rel .LBB1_5-.Ltmp6, $4  }
0x98: {  	s0 =	sadd.s32 s7, s28;
	s1 =	sand.u32 $0x7F, s30;
	s13 =	smul.u32 $0x104, s23  }
0x99: {  	s7 =	sshrl.u32 s4, $0x2;
	s9 =	sadd.s32 s1, s29;
	s2 =	sshrl.u32 s10, $0x2  }
0x9a: {  	s4 =	sshrl.u32 s3, $0x2;
	s6 =	sshrl.u32 s5, $0x2;
	s8 =	sshrl.u32 s8, $0x2  }
0x9b: {  	s3 =	sshrl.u32 s11, $0x2;
	s5 =	sshrl.u32 s12, $0x2;
	s23 =	sshrl.u32 s13, $0x2  }
.LBB1_12:
0x9c: {  	s20 =	sadd.s32 $0x1, s20  }
0x9d: {  	p2 =	sne.s32 s20, s25  }
.Ltmp7:
0x9e: {  	_ = 	snop;
	(pc) =	sbr.rel @!p2 .LBB1_13-.Ltmp7, $1  }
0x9f: {  	_ =	sdelay $0x3  }
.LBB1_5:
.Ltmp8:
0xa0: {  	(pc) =	sbr.rel @p0 .LBB1_9-.Ltmp8, $2  }
0xa1: {  	_ =	sdelay $0x2  }
0xa2: {  	s22 =	smul.u32 $0x8200, s20  }
0xa3: {  	s11 =	sshll.u32 s20, $0x7  }
0xa4: {  	s10 =	sshra.s32 s22, $0x2;
	s16 =	sand.u32 $0x80, s11  }
0xa5: {  	s12 =	sadd.s32 s10, s29;
	s21 =	sadd.s32 s16, s0  }
0xa6: {  	s17 =	sadd.s32 s7, s12;
	s13 =	sadd.s32 s4, s12;
	v0 =	vld [tilespmem:s21+$0x70]  }
0xa7: {  	s18 =	sadd.s32 s6, s12;
	s19 =	sadd.s32 s8, s12;
	s15 =	sadd.s32 s2, s12;
	v3 =	vld [tilespmem:s21+$0x60]  }
0xa8: {  	s16 =	sadd.s32 s5, s12;
	v1 =	vld [tilespmem:s21+$0x50];
	s10 =	sadd.s32 s1, s18;
	s18 =	sadd.s32 s1, s19  }
0xa9: {  	v2 =	vld [tilespmem:s21+$0x40];
	s19 =	sadd.s32 s1, s15;
	s15 =	sadd.s32 s3, s12;
	s12 =	sadd.s32 s23, s12  }
0xaa: {  	v4 =	vld [tilespmem:s21+$0x30];
	s12 =	sadd.s32 s1, s12  }
0xab: {  	v5 =	vld [tilespmem:s21+$0x20];
	s16 =	sadd.s32 s1, s16;
	[tilespmem:s12+$0x0 ss:$0x41] =	vst.msk $0xffff, v0  }
0xac: {  	v6 =	vld [tilespmem:s21+$0x10];
	s11 =	sadd.s32 s1, s13;
	s13 =	sadd.s32 s1, s15;
	[tilespmem:s16+$0x0 ss:$0x41] =	vst.msk $0xffff, v3  }
0xad: {  	v7 =	vld [tilespmem:s21+$0x0];
	[tilespmem:s13+$0x0 ss:$0x41] =	vst.msk $0xffff, v1  }
0xae: {  	[tilespmem:s19+$0x0 ss:$0x41] =	vst.msk $0xffff, v2  }
0xaf: {  	[tilespmem:s18+$0x0 ss:$0x41] =	vst.msk $0xffff, v4  }
0xb0: {  	p2 =	sgt.s32 s27, $0x100;
	[tilespmem:s10+$0x0 ss:$0x41] =	vst.msk $0xffff, v5  }
.Ltmp9:
0xb1: {  	s17 =	sadd.s32 s1, s17;
	[tilespmem:s11+$0x0 ss:$0x41] =	vst.msk $0xffff, v6;
	(pc) =	sbr.rel @!p2 .LBB1_8-.Ltmp9, $4  }
0xb2: {  	[tilespmem:s17+$0x0 ss:$0x41] =	vst.msk $0xffff, v7  }
0xb3: {  	[tilespmem:s17+$0x0 ss:$0x41] =	vst.msk $0xffff, v7  }
0xb4: {  	[tilespmem:s11+$0x0 ss:$0x41] =	vst.msk $0xffff, v6  }
0xb5: {  	s15 =	simm.s32 $0x100;
	[tilespmem:s10+$0x0 ss:$0x41] =	vst.msk $0xffff, v5  }
.LBB1_7:
0xb6: {  	v5 =	vld [tilespmem:s21+$0x70];
	[tilespmem:s18+$0x0 ss:$0x41] =	vst.msk $0xffff, v4  }
0xb7: {  	v6 =	vld [tilespmem:s21+$0x60];
	[tilespmem:s19+$0x0 ss:$0x41] =	vst.msk $0xffff, v2  }
0xb8: {  	[tilespmem:s13+$0x0 ss:$0x41] =	vst.msk $0xffff, v1;
	v1 =	vld [tilespmem:s21+$0x50]  }
0xb9: {  	v2 =	vld [tilespmem:s21+$0x40];
	[tilespmem:s16+$0x0 ss:$0x41] =	vst.msk $0xffff, v3  }
0xba: {  	v4 =	vld [tilespmem:s21+$0x30];
	[tilespmem:s12+$0x0 ss:$0x41] =	vst.msk $0xffff, v0  }
0xbb: {  	v7 =	vld [tilespmem:s21+$0x20];
	[tilespmem:s12+$0x0 ss:$0x41] =	vst.msk $0xffff, v5;
	v0 =	vmov v5  }
0xbc: {  	v5 =	vld [tilespmem:s21+$0x10];
	[tilespmem:s16+$0x0 ss:$0x41] =	vst.msk $0xffff, v6;
	v3 =	vmov v6  }
0xbd: {  	s15 =	sadd.s32 $0x100, s15;
	v6 =	vld [tilespmem:s21+$0x0];
	[tilespmem:s13+$0x0 ss:$0x41] =	vst.msk $0xffff, v1  }
0xbe: {  	p2 =	slt.s32 s15, s27;
	[tilespmem:s19+$0x0 ss:$0x41] =	vst.msk $0xffff, v2  }
0xbf: {  	[tilespmem:s18+$0x0 ss:$0x41] =	vst.msk $0xffff, v4  }
0xc0: {  	[tilespmem:s10+$0x0 ss:$0x41] =	vst.msk $0xffff, v7  }
.Ltmp10:
0xc1: {  	[tilespmem:s11+$0x0 ss:$0x41] =	vst.msk $0xffff, v5;
	(pc) =	sbr.rel @p2 .LBB1_7-.Ltmp10, $4  }
0xc2: {  	[tilespmem:s17+$0x0 ss:$0x41] =	vst.msk $0xffff, v6  }
0xc3: {  	[tilespmem:s17+$0x0 ss:$0x41] =	vst.msk $0xffff, v6  }
0xc4: {  	[tilespmem:s11+$0x0 ss:$0x41] =	vst.msk $0xffff, v5  }
0xc5: {  	[tilespmem:s10+$0x0 ss:$0x41] =	vst.msk $0xffff, v7  }
.LBB1_8:
0xc6: {  	[tilespmem:s18+$0x0 ss:$0x41] =	vst.msk $0xffff, v4  }
0xc7: {  	[tilespmem:s19+$0x0 ss:$0x41] =	vst.msk $0xffff, v2  }
0xc8: {  	[tilespmem:s13+$0x0 ss:$0x41] =	vst.msk $0xffff, v1  }
0xc9: {  	[tilespmem:s16+$0x0 ss:$0x41] =	vst.msk $0xffff, v3  }
0xca: {  	[tilespmem:s12+$0x0 ss:$0x41] =	vst.msk $0xffff, v0  }
.LBB1_9:
.Ltmp11:
0xcb: {  	(pc) =	sbr.rel @p1 .LBB1_12-.Ltmp11, $1  }
0xcc: {  	_ =	sdelay $0x3  }
0xcd: {  	s10 =	sand.u32 $0x1, s20  }
0xce: {  	s10 =	sadd.s32 s30, s10  }
0xcf: {  	s10 =	sshll.u32 s10, $0x9  }
0xd0: {  	s10 =	sshra.s32 s10, $0x2  }
0xd1: {  	s11 =	sadd.s32 s10, s28  }
0xd2: {  	v0 =	vmov s11  }
0xd3: {  	s22 =	sshra.s32 s22, $0x2  }
0xd4: {  	s10 =	sadd.s32 s22, s9;
	s11 =	smov.u32 s27  }
.LBB1_11:
0xd5: {  	s13 =	sadd.s32 s11, s31  }
0xd6: {  	s12 =	sand.u32 $0x70, s11;
	s11 =	sadd.s32 $0x10, s11;
	s22 =	sand.u32 $0x78, s13  }
0xd7: {  	v1 =	vld.idx.msk [tilespmem:v0+s12+$0x0 ss:$0x1], $0xffff;
	p2 =	slt.s32 s11, s26;
	s12 =	smul.u32 $0x104, s22  }
.Ltmp12:
0xd8: {  	_ = 	snop;
	(pc) =	sbr.rel @p2 .LBB1_11-.Ltmp12, $4  }
0xd9: {  	_ = 	snop  }
0xda: {  	s12 =	sshrl.u32 s12, $0x2  }
0xdb: {  	s12 =	sadd.s32 s12, s10  }
0xdc: {  	[tilespmem:s12+$0x0 ss:$0x41] =	vst.msk $0xffff, v1  }
.Ltmp13:
0xdd: {  	_ = 	snop;
	(pc) =	sbr.rel .LBB1_12-.Ltmp13, $1  }
0xde: {  	_ =	sdelay $0x3  }
.LBB1_16:
0xdf: {  	_ =	sfence.sel $0x180000  }
0xe0: {  	s0 =	simm.s32 $0x1;
	[bflag:$0x0] =	sbarrier.arrive $0xFFFF  }
0xe1: {  	s30 =	simm.s32 $0x2;
	[sflag:s0] =	ssyncpa.u1 $0x1  }
0xe2: {  	[sflag:s30] =	ssyncpa.u1 $0x1  }
0xe3: {  	_ =	strace $0x90000047  }
0xe4: {  	s31 =	stileid.u32;
	[bflag:$0x2] =	sbarrier.arrive $0xFFFF  }
0xe5: {  	p0 =	sne.s32 s31, $0x0;
	s0 =	rddreg [dreg:$0x1]  }
0xe6: {  	s0 =	sadd.s32 @!p0 $0x100000, s0  }
0xe7: {  	[sflag:s0] =	ssyncadd.tile.s32 @!p0 $0x1;
	_ =	shalt  }
.Lfunc_end1:
_tile_overlayer_lowered:
.L_overlay_start_2:
0xe8: {  	(tag) =	ssettag $0x2  }
0xe9: {  	s0 =	rddreg [dreg:$0x0];
	s2 =	stileid.u32  }
0xea: {  	s1 =	rddreg [dreg:$0x1];
	p0 =	sne.s32 s2, $0x0  }
0xeb: {  	s3 =	rddreg [dreg:$0x2];
	[bflag:$0x3] =	sbarrier.arrive $0xFFFF;
	s2 =	simm.s32 @!p0 $0x1C01  }
0xec: {  	[timem:s3], [sflag:s2] =	dma.local @!p0 [hbm:s0], s1  }
0xed: {  	s0 =	simm.s32 @!p0 $0x1  }
0xee: {  	_ =	swait.ge @!p0 [sflag:s0], s1  }
0xef: {  	s1 =	ssub.s32 @!p0 $0x0, s1;
	[sflag:s0] =	ssyncset.done @!p0 $0x0  }
0xf0: {  	[sflag:s0] =	ssyncadd.s32 @!p0 s1  }
0xf1: {  	[bflag:$0x3] =	sbarrier.arrive $0xFFFF  }
0xf2: {  	_ =	shalt  }

</sc_bundles>
